<compile_context>
chip_gen: v7x
topology: tpu7x:2x2x1
jax: 0.10.2.dev20260603
libtpu: 0.0.44.dev20260713+nightly
codegen_flags: <defaults>
</compile_context>

<pallas_src>
import functools

import jax
import jax.numpy as jnp
from jax import lax
from jax.experimental import pallas as pl
from jax.experimental.pallas import tpu as pltpu
from jax.experimental.pallas import tpu_sc as plsc



@functools.lru_cache(maxsize=None)
def _make_gather(b: int, l: int, d: int, bc: int):
    info = plsc.get_sparse_core_info()
    nc, ns = info.num_cores, info.num_subcores
    nw = nc * ns
    nbc = b // bc
    units = l * nbc
    iters = (units + nw - 1) // nw
    mesh = plsc.VectorSubcoreMesh(core_axis_name="c", subcore_axis_name="s")

    @functools.partial(
        pl.kernel,
        mesh=mesh,
        out_type=jax.ShapeDtypeStruct((l, b, d), jnp.float32),
        scratch_types=[
            pltpu.VMEM((iters // nbc + 2, nbc, bc), jnp.int32),
            pltpu.VMEM((3, bc, d), jnp.float32),
            pltpu.SemaphoreType.DMA,
            pltpu.SemaphoreType.DMA,
            pltpu.SemaphoreType.DMA,
            pltpu.SemaphoreType.DMA,
            pltpu.SemaphoreType.DMA,
            pltpu.SemaphoreType.DMA,
        ],
        compiler_params=pltpu.CompilerParams(use_tc_tiling_on_sc=True),
    )
    def gather(table_hbm, idx_hbm, out_hbm, idx_v, rows_v, g0, g1, g2, w0, w1, w2):
        wid = lax.axis_index("s") * nc + lax.axis_index("c")
        full, tail = divmod(units, nw)
        start = full * wid + jnp.minimum(wid, tail)
        n_l = (full + 1 + nbc - 1) // nbc + 1
        l_base = jnp.minimum(start // nbc, l - n_l)
        pltpu.sync_copy(idx_hbm.at[pl.ds(l_base, n_l)], idx_v)
        gsems = (g0, g1, g2)
        wsems = (w0, w1, w2)

        def unit(k):
            u = start + k
            return u // nbc - l_base, u % nbc, u // nbc, u % nbc

        def guarded(k, fn):
            if k < full:
                fn()
            else:
                @pl.when(wid < tail)
                def _():
                    fn()

        def issue(k):
            lv, cv, _, _ = unit(k)
            pltpu.async_copy(
                table_hbm.at[idx_v.at[lv].at[cv]], rows_v.at[k % 3], gsems[k % 3]
            )

        def finish(k):
            lv, cv, lo, co = unit(k)
            pltpu.make_async_copy(
                table_hbm.at[idx_v.at[lv].at[cv]], rows_v.at[k % 3], gsems[k % 3]
            ).wait()
            pltpu.async_copy(
                rows_v.at[k % 3], out_hbm.at[lo].at[pl.ds(co * bc, bc)], wsems[k % 3]
            )

        def drain_write(k):
            lv, cv, lo, co = unit(k)
            pltpu.make_async_copy(
                rows_v.at[k % 3], out_hbm.at[lo].at[pl.ds(co * bc, bc)], wsems[k % 3]
            ).wait()

        guarded(0, lambda: issue(0))
        if iters > 1:
            guarded(1, lambda: issue(1))
        for k in range(iters):
            if k + 2 < iters:
                if k - 1 >= 0:
                    guarded(k - 1, lambda k=k: drain_write(k - 1))
                guarded(k + 2, lambda k=k: issue(k + 2))
            guarded(k, lambda k=k: finish(k))
        for k in range(max(iters - 3, 0), iters):
            if k >= 0:
                guarded(k, lambda k=k: drain_write(k))

    return gather



def _mlp_body(emb_ref, w1t_ref, b1_ref, w2t_ref, b2_ref, out_ref):
    embt = emb_ref[0].T.astype(jnp.bfloat16)
    h = jnp.dot(
        w1t_ref[...].astype(jnp.bfloat16), embt,
        preferred_element_type=jnp.float32,
    )
    h = jnp.maximum(h + b1_ref[...], 0.0)
    out_ref[0] = (
        jnp.dot(
            w2t_ref[...].astype(jnp.bfloat16), h.astype(jnp.bfloat16),
            preferred_element_type=jnp.float32,
        )
        + b2_ref[...]
    )


@functools.lru_cache(maxsize=None)
def _make_mlp(b: int, l: int, d: int, hidden: int, vocab: int,
              lc: int, l0: int, aliased: bool):
    def body(*refs):
        _mlp_body(*refs[-6:])

    in_specs = [
        pl.BlockSpec((1, b, d), lambda i: (i, 0, 0)),
        pl.BlockSpec((hidden, d), lambda i: (0, 0)),
        pl.BlockSpec((hidden, 1), lambda i: (0, 0)),
        pl.BlockSpec((vocab, hidden), lambda i: (0, 0)),
        pl.BlockSpec((vocab, 1), lambda i: (0, 0)),
    ]
    kwargs = {}
    if aliased:
        in_specs = [pl.BlockSpec(memory_space=pl.ANY)] + in_specs
        kwargs["input_output_aliases"] = {0: 0}
    return pl.pallas_call(
        body if aliased else _mlp_body,
        grid=(lc,),
        in_specs=in_specs,
        out_specs=pl.BlockSpec((1, vocab, b), lambda i: (i + l0, 0, 0)),
        out_shape=jax.ShapeDtypeStruct((l, vocab, b), jnp.float32),
        compiler_params=pltpu.CompilerParams(
            dimension_semantics=("parallel",),
        ),
        **kwargs,
    )



def kernel(input_ids, table, W1, b1, W2, b2):
    b, l = input_ids.shape
    vocab, d = table.shape
    hidden = W1.shape[1]
    bc = 128

    idsT3 = jnp.clip(
        input_ids.astype(jnp.int32).T.reshape(l, b // bc, bc), 0, vocab - 1
    )
    w1t = W1.T
    b1c = b1.reshape(hidden, 1)
    w2t = W2.T
    b2c = b2.reshape(vocab, 1)

    lc = l // 2 if l < 24 else 12
    emb_lo = _make_gather(b, lc, d, bc)(table, idsT3[:lc])
    emb_hi = _make_gather(b, l - lc, d, bc)(table, idsT3[lc:])

    logits_lo = _make_mlp(b, l, d, hidden, vocab, lc, 0, False)(
        emb_lo, w1t, b1c, w2t, b2c
    )
    logitsT = _make_mlp(b, l, d, hidden, vocab, l - lc, lc, True)(
        logits_lo, emb_hi, w1t, b1c, w2t, b2c
    )
    return jnp.transpose(logitsT, (2, 0, 1))

# --- scband reference (transcript-rebuilt; emitter-appended) ---
"""Pipeline reference for scband-simple-seq-model-48533130445078 (READ-ONLY COPY).

The authoritative reference and input builder live on the scoring server;
editing this copy changes nothing except your own understanding.
"""

import jax, jax.numpy as jnp
import numpy as np

VOCAB = 1000
EMBED = 128
HIDDEN = 256
B = 1024
L = 50
PAD_IDX = 0


def setup_inputs(seed: int = 0) -> dict:
    key = jax.random.key(seed)
    k1, k2, k3, k4 = jax.random.split(key, 4)
    input_ids = jax.random.randint(k1, (B, L), 0, VOCAB)
    table = jax.random.normal(k2, (VOCAB, EMBED), dtype=jnp.float32)
    table = table.at[PAD_IDX].set(0.0)  # padding_idx row is zeros
    W1 = jax.random.normal(k3, (EMBED, HIDDEN), dtype=jnp.float32) * (1.0 / np.sqrt(EMBED))
    b1 = jnp.zeros((HIDDEN,), dtype=jnp.float32)
    W2 = jax.random.normal(k4, (HIDDEN, VOCAB), dtype=jnp.float32) * (1.0 / np.sqrt(HIDDEN))
    b2 = jnp.zeros((VOCAB,), dtype=jnp.float32)
    return {"input_ids": input_ids, "table": table, "W1": W1, "b1": b1, "W2": W2, "b2": b2}


def reference(input_ids, table, W1, b1, W2, b2):
    # nn.Embedding(padding_idx=0) lookup
    emb = jnp.take(table, input_ids, axis=0)          # [B, L, EMBED]
    h = jax.nn.relu(emb @ W1 + b1)                    # [B, L, HIDDEN]
    logits = h @ W2 + b2                              # [B, L, VOCAB]
    return logits

if __name__ == "__main__":
    import jax
    _d = setup_inputs()
    print(jax.jit(kernel)(*tuple(_d.values())))

</pallas_src>

<mosaic_0001>
#map = affine_map<(d0, d1) -> (0, 0)>
#map1 = affine_map<(d0, d1) -> (0, 0, 0)>
module attributes {stable_mosaic.version = 14 : i64} {
  func.func @gather(%arg0: i32, %arg1: i32, %arg2: memref<1000x128xf32, #tpu.memory_space<hbm>>, %arg3: memref<38x8x128xi32, #tpu.memory_space<hbm>>, %arg4: memref<38x1024x128xf32, #tpu.memory_space<hbm>>, %arg5: memref<3x8x128xi32, #tpu.memory_space<vmem>>, %arg6: memref<3x128x128xf32, #tpu.memory_space<vmem>>, %arg7: memref<!tpu.dma_semaphore, #tpu.memory_space<semaphore_mem>>, %arg8: memref<!tpu.dma_semaphore, #tpu.memory_space<semaphore_mem>>, %arg9: memref<!tpu.dma_semaphore, #tpu.memory_space<semaphore_mem>>, %arg10: memref<!tpu.dma_semaphore, #tpu.memory_space<semaphore_mem>>, %arg11: memref<!tpu.dma_semaphore, #tpu.memory_space<semaphore_mem>>, %arg12: memref<!tpu.dma_semaphore, #tpu.memory_space<semaphore_mem>>) attributes {dimension_semantics = [#tpu.dimension_semantics<core_parallel>, #tpu.dimension_semantics<subcore_parallel>], iteration_bounds = array<i64: 2, 16>, scalar_prefetch = 0 : i64, scratch_operands = 8 : i64, tpu.core_type = #tpu.core_type<sc_vector_subcore>, window_params = [{transform_indices = #map}, {transform_indices = #map1}, {transform_indices = #map1}]} {
    %mul3A = arith.constant 2 : i32
    %mul3A_0 = arith.muli %arg1, %mul3A : i32
    %add3A = arith.addi %mul3A_0, %arg0 : i32
    %mul3A_1 = arith.constant 9 : i32
    %mul3A_2 = arith.muli %mul3A_1, %add3A : i32
    %min3A = arith.constant 16 : i32
    %min3A_3 = arith.minsi %add3A, %min3A : i32
    %add3A_4 = arith.addi %mul3A_2, %min3A_3 : i32
    %jit3A = arith.constant 8 : i32
    %div3A = arith.divsi %add3A_4, %jit3A : i32
    %sign3A = arith.constant 0 : i32
    %sign3A_5 = arith.cmpi sgt, %add3A_4, %sign3A : i32
    %sign3A_6 = arith.extui %sign3A_5 : i1 to i32
    %sign3A_7 = arith.constant 0 : i32
    %sign3A_8 = arith.cmpi slt, %add3A_4, %sign3A_7 : i32
    %sign3A_9 = arith.extui %sign3A_8 : i1 to i32
    %sign3A_10 = arith.subi %sign3A_6, %sign3A_9 : i32
    %sign3A_11 = arith.constant 0 : i32
    %sign3A_12 = arith.cmpi sgt, %jit3A, %sign3A_11 : i32
    %sign3A_13 = arith.extui %sign3A_12 : i1 to i32
    %sign3A_14 = arith.constant 0 : i32
    %sign3A_15 = arith.cmpi slt, %jit3A, %sign3A_14 : i32
    %sign3A_16 = arith.extui %sign3A_15 : i1 to i32
    %sign3A_17 = arith.subi %sign3A_13, %sign3A_16 : i32
    %ne3A = arith.cmpi ne, %sign3A_10, %sign3A_17 : i32
    %rem3A = arith.remsi %add3A_4, %jit3A : i32
    %ne3A_18 = arith.constant 0 : i32
    %ne3A_19 = arith.cmpi ne, %rem3A, %ne3A_18 : i32
    %and3A = arith.andi %ne3A, %ne3A_19 : i1
    %sub3A = arith.constant 1 : i32
    %sub3A_20 = arith.subi %div3A, %sub3A : i32
    %select_n3A = arith.select %and3A, %sub3A_20, %div3A : i32
    %min3A_21 = arith.constant 35 : i32
    %min3A_22 = arith.minsi %select_n3A, %min3A_21 : i32
    "tpu.region"() ({
      %run_scoped3A = tpu.sem_alloc : memref<!tpu.dma_semaphore, #tpu.memory_space<semaphore_mem>>
      %dma_start3A_2957 = arith.constant 0 : i32
      %dma_start3A_2958 = arith.constant 0 : i32
      %dma_start3A_2959 = tpu.memref_slice %arg3[%min3A_22, %dma_start3A_2957, %dma_start3A_2958] : memref<38x8x128xi32, #tpu.memory_space<hbm>> -> memref<3x8x128xi32, #tpu.memory_space<hbm>>
      %dma_start3A_2960 = arith.constant 0 : i32
      %dma_start3A_2961 = arith.constant 0 : i32
      %dma_start3A_2962 = tpu.memref_slice %arg3[%min3A_22, %dma_start3A_2960, %dma_start3A_2961] : memref<38x8x128xi32, #tpu.memory_space<hbm>> -> memref<3x8x128xi32, #tpu.memory_space<hbm>>
      tpu.enqueue_dma source(%dma_start3A_2962 : memref<3x8x128xi32, #tpu.memory_space<hbm>>) target(%arg5 : memref<3x8x128xi32, #tpu.memory_space<vmem>>) target_semaphore(%run_scoped3A : memref<!tpu.dma_semaphore, #tpu.memory_space<semaphore_mem>>)
      %dma_wait3A_2963 = arith.constant 0 : i32
      %dma_wait3A_2964 = arith.constant 0 : i32
      %dma_wait3A_2965 = tpu.memref_slice %arg3[%min3A_22, %dma_wait3A_2963, %dma_wait3A_2964] : memref<38x8x128xi32, #tpu.memory_space<hbm>> -> memref<3x8x128xi32, #tpu.memory_space<hbm>>
      %dma_wait3A_2966 = arith.constant 0 : i32
      %dma_wait3A_2967 = arith.constant 0 : i32
      %dma_wait3A_2968 = tpu.memref_slice %arg3[%min3A_22, %dma_wait3A_2966, %dma_wait3A_2967] : memref<38x8x128xi32, #tpu.memory_space<hbm>> -> memref<3x8x128xi32, #tpu.memory_space<hbm>>
      tpu.wait_dma2 semaphore(%run_scoped3A : memref<!tpu.dma_semaphore, #tpu.memory_space<semaphore_mem>>) src(%dma_wait3A_2968 : memref<3x8x128xi32, #tpu.memory_space<hbm>>) dst(%arg5 : memref<3x8x128xi32, #tpu.memory_space<vmem>>)
      tpu.yield
    }) : () -> ()
    %add3A_23 = arith.constant 0 : i32
    %add3A_24 = arith.addi %add3A_4, %add3A_23 : i32
    %jit3A_25 = arith.constant 8 : i32
    %div3A_26 = arith.divsi %add3A_24, %jit3A_25 : i32
    %sign3A_27 = arith.constant 0 : i32
    %sign3A_28 = arith.cmpi sgt, %add3A_24, %sign3A_27 : i32
    %sign3A_29 = arith.extui %sign3A_28 : i1 to i32
    %sign3A_30 = arith.constant 0 : i32
    %sign3A_31 = arith.cmpi slt, %add3A_24, %sign3A_30 : i32
    %sign3A_32 = arith.extui %sign3A_31 : i1 to i32
    %sign3A_33 = arith.subi %sign3A_29, %sign3A_32 : i32
    %sign3A_34 = arith.constant 0 : i32
    %sign3A_35 = arith.cmpi sgt, %jit3A_25, %sign3A_34 : i32
    %sign3A_36 = arith.extui %sign3A_35 : i1 to i32
    %sign3A_37 = arith.constant 0 : i32
    %sign3A_38 = arith.cmpi slt, %jit3A_25, %sign3A_37 : i32
    %sign3A_39 = arith.extui %sign3A_38 : i1 to i32
    %sign3A_40 = arith.subi %sign3A_36, %sign3A_39 : i32
    %ne3A_41 = arith.cmpi ne, %sign3A_33, %sign3A_40 : i32
    %rem3A_42 = arith.remsi %add3A_24, %jit3A_25 : i32
    %ne3A_43 = arith.constant 0 : i32
    %ne3A_44 = arith.cmpi ne, %rem3A_42, %ne3A_43 : i32
    %and3A_45 = arith.andi %ne3A_41, %ne3A_44 : i1
    %sub3A_46 = arith.constant 1 : i32
    %sub3A_47 = arith.subi %div3A_26, %sub3A_46 : i32
    %select_n3A_48 = arith.select %and3A_45, %sub3A_47, %div3A_26 : i32
    %sub3A_49 = arith.subi %select_n3A_48, %min3A_22 : i32
    %jit3A_50 = arith.constant 8 : i32
    %eq3A = arith.constant 0 : i32
    %eq3A_51 = arith.cmpi eq, %jit3A_50, %eq3A : i32
    %jit3A_52 = arith.constant 1 : i32
    %select_n3A_53 = arith.select %eq3A_51, %jit3A_52, %jit3A_50 : i32
    %rem3A_54 = arith.remsi %add3A_24, %select_n3A_53 : i32
    %ne3A_55 = arith.constant 0 : i32
    %ne3A_56 = arith.cmpi ne, %rem3A_54, %ne3A_55 : i32
    %lt3A = arith.constant 0 : i32
    %lt3A_57 = arith.cmpi slt, %rem3A_54, %lt3A : i32
    %lt3A_58 = arith.constant 0 : i32
    %lt3A_59 = arith.cmpi slt, %select_n3A_53, %lt3A_58 : i32
    %ne3A_60 = arith.xori %lt3A_57, %lt3A_59 : i1
    %and3A_61 = arith.andi %ne3A_60, %ne3A_56 : i1
    %add3A_62 = arith.addi %rem3A_54, %select_n3A_53 : i32
    %select_n3A_63 = arith.select %and3A_61, %add3A_62, %rem3A_54 : i32
    %jit3A_64 = arith.constant 8 : i32
    %div3A_65 = arith.divsi %add3A_24, %jit3A_64 : i32
    %sign3A_66 = arith.constant 0 : i32
    %sign3A_67 = arith.cmpi sgt, %add3A_24, %sign3A_66 : i32
    %sign3A_68 = arith.extui %sign3A_67 : i1 to i32
    %sign3A_69 = arith.constant 0 : i32
    %sign3A_70 = arith.cmpi slt, %add3A_24, %sign3A_69 : i32
    %sign3A_71 = arith.extui %sign3A_70 : i1 to i32
    %sign3A_72 = arith.subi %sign3A_68, %sign3A_71 : i32
    %sign3A_73 = arith.constant 0 : i32
    %sign3A_74 = arith.cmpi sgt, %jit3A_64, %sign3A_73 : i32
    %sign3A_75 = arith.extui %sign3A_74 : i1 to i32
    %sign3A_76 = arith.constant 0 : i32
    %sign3A_77 = arith.cmpi slt, %jit3A_64, %sign3A_76 : i32
    %sign3A_78 = arith.extui %sign3A_77 : i1 to i32
    %sign3A_79 = arith.subi %sign3A_75, %sign3A_78 : i32
    %ne3A_80 = arith.cmpi ne, %sign3A_72, %sign3A_79 : i32
    %rem3A_81 = arith.remsi %add3A_24, %jit3A_64 : i32
    %ne3A_82 = arith.constant 0 : i32
    %ne3A_83 = arith.cmpi ne, %rem3A_81, %ne3A_82 : i32
    %and3A_84 = arith.andi %ne3A_80, %ne3A_83 : i1
    %sub3A_85 = arith.constant 1 : i32
    %sub3A_86 = arith.subi %div3A_65, %sub3A_85 : i32
    %select_n3A_87 = arith.select %and3A_84, %sub3A_86, %div3A_65 : i32
    %jit3A_88 = arith.constant 8 : i32
    %eq3A_89 = arith.constant 0 : i32
    %eq3A_90 = arith.cmpi eq, %jit3A_88, %eq3A_89 : i32
    %jit3A_91 = arith.constant 1 : i32
    %select_n3A_92 = arith.select %eq3A_90, %jit3A_91, %jit3A_88 : i32
    %rem3A_93 = arith.remsi %add3A_24, %select_n3A_92 : i32
    %ne3A_94 = arith.constant 0 : i32
    %ne3A_95 = arith.cmpi ne, %rem3A_93, %ne3A_94 : i32
    %lt3A_96 = arith.constant 0 : i32
    %lt3A_97 = arith.cmpi slt, %rem3A_93, %lt3A_96 : i32
    %lt3A_98 = arith.constant 0 : i32
    %lt3A_99 = arith.cmpi slt, %select_n3A_92, %lt3A_98 : i32
    %ne3A_100 = arith.xori %lt3A_97, %lt3A_99 : i1
    %and3A_101 = arith.andi %ne3A_100, %ne3A_95 : i1
    %add3A_102 = arith.addi %rem3A_93, %select_n3A_92 : i32
    %select_n3A_103 = arith.select %and3A_101, %add3A_102, %rem3A_93 : i32
    %dma_start3A = arith.constant 0 : i32
    %dma_start3A_104 = arith.constant 0 : i32
    %dma_start3A_105 = arith.constant 0 : i32
    %dma_start3A_106 = tpu.memref_slice %arg6[%dma_start3A, %dma_start3A_104, %dma_start3A_105] : memref<3x128x128xf32, #tpu.memory_space<vmem>> -> memref<1x128x128xf32, #tpu.memory_space<vmem>>
    %dma_start3A_107 = tpu.memref_squeeze %dma_start3A_106 : memref<1x128x128xf32, #tpu.memory_space<vmem>> -> memref<128x128xf32, #tpu.memory_space<vmem>>
    %dma_start3A_108 = arith.constant 0 : i32
    %dma_start3A_109 = arith.constant 0 : i32
    %dma_start3A_110 = tpu.memref_slice %arg5[%sub3A_49, %dma_start3A_108, %dma_start3A_109] : memref<3x8x128xi32, #tpu.memory_space<vmem>> -> memref<1x8x128xi32, #tpu.memory_space<vmem>>
    %dma_start3A_111 = tpu.memref_squeeze %dma_start3A_110 : memref<1x8x128xi32, #tpu.memory_space<vmem>> -> memref<8x128xi32, #tpu.memory_space<vmem>>
    %dma_start3A_112 = arith.constant 0 : i32
    %dma_start3A_113 = tpu.memref_slice %dma_start3A_111[%select_n3A_63, %dma_start3A_112] : memref<8x128xi32, #tpu.memory_space<vmem>> -> memref<1x128xi32, #tpu.memory_space<vmem>>
    %dma_start3A_114 = tpu.memref_squeeze %dma_start3A_113 : memref<1x128xi32, #tpu.memory_space<vmem>> -> memref<128xi32, #tpu.memory_space<vmem>>
    %dma_start3A_115 = arith.constant 0 : i32
    %dma_start3A_116 = arith.constant 0 : i32
    %dma_start3A_117 = tpu.memref_slice %arg2[%dma_start3A_115, %dma_start3A_116] : memref<1000x128xf32, #tpu.memory_space<hbm>> -> memref<1000x128xf32, #tpu.memory_space<hbm>>
    tpu.enqueue_indirect_dma source(%dma_start3A_117 : memref<1000x128xf32, #tpu.memory_space<hbm>>) target(%dma_start3A_107 : memref<128x128xf32, #tpu.memory_space<vmem>>) offsets(%dma_start3A_114 : memref<128xi32, #tpu.memory_space<vmem>>) semaphore(%arg7 : memref<!tpu.dma_semaphore, #tpu.memory_space<semaphore_mem>>)
    %add3A_118 = arith.constant 1 : i32
    %add3A_119 = arith.addi %add3A_4, %add3A_118 : i32
    %jit3A_120 = arith.constant 8 : i32
    %div3A_121 = arith.divsi %add3A_119, %jit3A_120 : i32
    %sign3A_122 = arith.constant 0 : i32
    %sign3A_123 = arith.cmpi sgt, %add3A_119, %sign3A_122 : i32
    %sign3A_124 = arith.extui %sign3A_123 : i1 to i32
    %sign3A_125 = arith.constant 0 : i32
    %sign3A_126 = arith.cmpi slt, %add3A_119, %sign3A_125 : i32
    %sign3A_127 = arith.extui %sign3A_126 : i1 to i32
    %sign3A_128 = arith.subi %sign3A_124, %sign3A_127 : i32
    %sign3A_129 = arith.constant 0 : i32
    %sign3A_130 = arith.cmpi sgt, %jit3A_120, %sign3A_129 : i32
    %sign3A_131 = arith.extui %sign3A_130 : i1 to i32
    %sign3A_132 = arith.constant 0 : i32
    %sign3A_133 = arith.cmpi slt, %jit3A_120, %sign3A_132 : i32
    %sign3A_134 = arith.extui %sign3A_133 : i1 to i32
    %sign3A_135 = arith.subi %sign3A_131, %sign3A_134 : i32
    %ne3A_136 = arith.cmpi ne, %sign3A_128, %sign3A_135 : i32
    %rem3A_137 = arith.remsi %add3A_119, %jit3A_120 : i32
    %ne3A_138 = arith.constant 0 : i32
    %ne3A_139 = arith.cmpi ne, %rem3A_137, %ne3A_138 : i32
    %and3A_140 = arith.andi %ne3A_136, %ne3A_139 : i1
    %sub3A_141 = arith.constant 1 : i32
    %sub3A_142 = arith.subi %div3A_121, %sub3A_141 : i32
    %select_n3A_143 = arith.select %and3A_140, %sub3A_142, %div3A_121 : i32
    %sub3A_144 = arith.subi %select_n3A_143, %min3A_22 : i32
    %jit3A_145 = arith.constant 8 : i32
    %eq3A_146 = arith.constant 0 : i32
    %eq3A_147 = arith.cmpi eq, %jit3A_145, %eq3A_146 : i32
    %jit3A_148 = arith.constant 1 : i32
    %select_n3A_149 = arith.select %eq3A_147, %jit3A_148, %jit3A_145 : i32
    %rem3A_150 = arith.remsi %add3A_119, %select_n3A_149 : i32
    %ne3A_151 = arith.constant 0 : i32
    %ne3A_152 = arith.cmpi ne, %rem3A_150, %ne3A_151 : i32
    %lt3A_153 = arith.constant 0 : i32
    %lt3A_154 = arith.cmpi slt, %rem3A_150, %lt3A_153 : i32
    %lt3A_155 = arith.constant 0 : i32
    %lt3A_156 = arith.cmpi slt, %select_n3A_149, %lt3A_155 : i32
    %ne3A_157 = arith.xori %lt3A_154, %lt3A_156 : i1
    %and3A_158 = arith.andi %ne3A_157, %ne3A_152 : i1
    %add3A_159 = arith.addi %rem3A_150, %select_n3A_149 : i32
    %select_n3A_160 = arith.select %and3A_158, %add3A_159, %rem3A_150 : i32
    %jit3A_161 = arith.constant 8 : i32
    %div3A_162 = arith.divsi %add3A_119, %jit3A_161 : i32
    %sign3A_163 = arith.constant 0 : i32
    %sign3A_164 = arith.cmpi sgt, %add3A_119, %sign3A_163 : i32
    %sign3A_165 = arith.extui %sign3A_164 : i1 to i32
    %sign3A_166 = arith.constant 0 : i32
    %sign3A_167 = arith.cmpi slt, %add3A_119, %sign3A_166 : i32
    %sign3A_168 = arith.extui %sign3A_167 : i1 to i32
    %sign3A_169 = arith.subi %sign3A_165, %sign3A_168 : i32
    %sign3A_170 = arith.constant 0 : i32
    %sign3A_171 = arith.cmpi sgt, %jit3A_161, %sign3A_170 : i32
    %sign3A_172 = arith.extui %sign3A_171 : i1 to i32
    %sign3A_173 = arith.constant 0 : i32
    %sign3A_174 = arith.cmpi slt, %jit3A_161, %sign3A_173 : i32
    %sign3A_175 = arith.extui %sign3A_174 : i1 to i32
    %sign3A_176 = arith.subi %sign3A_172, %sign3A_175 : i32
    %ne3A_177 = arith.cmpi ne, %sign3A_169, %sign3A_176 : i32
    %rem3A_178 = arith.remsi %add3A_119, %jit3A_161 : i32
    %ne3A_179 = arith.constant 0 : i32
    %ne3A_180 = arith.cmpi ne, %rem3A_178, %ne3A_179 : i32
    %and3A_181 = arith.andi %ne3A_177, %ne3A_180 : i1
    %sub3A_182 = arith.constant 1 : i32
    %sub3A_183 = arith.subi %div3A_162, %sub3A_182 : i32
    %select_n3A_184 = arith.select %and3A_181, %sub3A_183, %div3A_162 : i32
    %jit3A_185 = arith.constant 8 : i32
    %eq3A_186 = arith.constant 0 : i32
    %eq3A_187 = arith.cmpi eq, %jit3A_185, %eq3A_186 : i32
    %jit3A_188 = arith.constant 1 : i32
    %select_n3A_189 = arith.select %eq3A_187, %jit3A_188, %jit3A_185 : i32
    %rem3A_190 = arith.remsi %add3A_119, %select_n3A_189 : i32
    %ne3A_191 = arith.constant 0 : i32
    %ne3A_192 = arith.cmpi ne, %rem3A_190, %ne3A_191 : i32
    %lt3A_193 = arith.constant 0 : i32
    %lt3A_194 = arith.cmpi slt, %rem3A_190, %lt3A_193 : i32
    %lt3A_195 = arith.constant 0 : i32
    %lt3A_196 = arith.cmpi slt, %select_n3A_189, %lt3A_195 : i32
    %ne3A_197 = arith.xori %lt3A_194, %lt3A_196 : i1
    %and3A_198 = arith.andi %ne3A_197, %ne3A_192 : i1
    %add3A_199 = arith.addi %rem3A_190, %select_n3A_189 : i32
    %select_n3A_200 = arith.select %and3A_198, %add3A_199, %rem3A_190 : i32
    %dma_start3A_201 = arith.constant 1 : i32
    %dma_start3A_202 = arith.constant 0 : i32
    %dma_start3A_203 = arith.constant 0 : i32
    %dma_start3A_204 = tpu.memref_slice %arg6[%dma_start3A_201, %dma_start3A_202, %dma_start3A_203] : memref<3x128x128xf32, #tpu.memory_space<vmem>> -> memref<1x128x128xf32, #tpu.memory_space<vmem>>
    %dma_start3A_205 = tpu.memref_squeeze %dma_start3A_204 : memref<1x128x128xf32, #tpu.memory_space<vmem>> -> memref<128x128xf32, #tpu.memory_space<vmem>>
    %dma_start3A_206 = arith.constant 0 : i32
    %dma_start3A_207 = arith.constant 0 : i32
    %dma_start3A_208 = tpu.memref_slice %arg5[%sub3A_144, %dma_start3A_206, %dma_start3A_207] : memref<3x8x128xi32, #tpu.memory_space<vmem>> -> memref<1x8x128xi32, #tpu.memory_space<vmem>>
    %dma_start3A_209 = tpu.memref_squeeze %dma_start3A_208 : memref<1x8x128xi32, #tpu.memory_space<vmem>> -> memref<8x128xi32, #tpu.memory_space<vmem>>
    %dma_start3A_210 = arith.constant 0 : i32
    %dma_start3A_211 = tpu.memref_slice %dma_start3A_209[%select_n3A_160, %dma_start3A_210] : memref<8x128xi32, #tpu.memory_space<vmem>> -> memref<1x128xi32, #tpu.memory_space<vmem>>
    %dma_start3A_212 = tpu.memref_squeeze %dma_start3A_211 : memref<1x128xi32, #tpu.memory_space<vmem>> -> memref<128xi32, #tpu.memory_space<vmem>>
    %dma_start3A_213 = arith.constant 0 : i32
    %dma_start3A_214 = arith.constant 0 : i32
    %dma_start3A_215 = tpu.memref_slice %arg2[%dma_start3A_213, %dma_start3A_214] : memref<1000x128xf32, #tpu.memory_space<hbm>> -> memref<1000x128xf32, #tpu.memory_space<hbm>>
    tpu.enqueue_indirect_dma source(%dma_start3A_215 : memref<1000x128xf32, #tpu.memory_space<hbm>>) target(%dma_start3A_205 : memref<128x128xf32, #tpu.memory_space<vmem>>) offsets(%dma_start3A_212 : memref<128xi32, #tpu.memory_space<vmem>>) semaphore(%arg8 : memref<!tpu.dma_semaphore, #tpu.memory_space<semaphore_mem>>)
    %add3A_216 = arith.constant 2 : i32
    %add3A_217 = arith.addi %add3A_4, %add3A_216 : i32
    %jit3A_218 = arith.constant 8 : i32
    %div3A_219 = arith.divsi %add3A_217, %jit3A_218 : i32
    %sign3A_220 = arith.constant 0 : i32
    %sign3A_221 = arith.cmpi sgt, %add3A_217, %sign3A_220 : i32
    %sign3A_222 = arith.extui %sign3A_221 : i1 to i32
    %sign3A_223 = arith.constant 0 : i32
    %sign3A_224 = arith.cmpi slt, %add3A_217, %sign3A_223 : i32
    %sign3A_225 = arith.extui %sign3A_224 : i1 to i32
    %sign3A_226 = arith.subi %sign3A_222, %sign3A_225 : i32
    %sign3A_227 = arith.constant 0 : i32
    %sign3A_228 = arith.cmpi sgt, %jit3A_218, %sign3A_227 : i32
    %sign3A_229 = arith.extui %sign3A_228 : i1 to i32
    %sign3A_230 = arith.constant 0 : i32
    %sign3A_231 = arith.cmpi slt, %jit3A_218, %sign3A_230 : i32
    %sign3A_232 = arith.extui %sign3A_231 : i1 to i32
    %sign3A_233 = arith.subi %sign3A_229, %sign3A_232 : i32
    %ne3A_234 = arith.cmpi ne, %sign3A_226, %sign3A_233 : i32
    %rem3A_235 = arith.remsi %add3A_217, %jit3A_218 : i32
    %ne3A_236 = arith.constant 0 : i32
    %ne3A_237 = arith.cmpi ne, %rem3A_235, %ne3A_236 : i32
    %and3A_238 = arith.andi %ne3A_234, %ne3A_237 : i1
    %sub3A_239 = arith.constant 1 : i32
    %sub3A_240 = arith.subi %div3A_219, %sub3A_239 : i32
    %select_n3A_241 = arith.select %and3A_238, %sub3A_240, %div3A_219 : i32
    %sub3A_242 = arith.subi %select_n3A_241, %min3A_22 : i32
    %jit3A_243 = arith.constant 8 : i32
    %eq3A_244 = arith.constant 0 : i32
    %eq3A_245 = arith.cmpi eq, %jit3A_243, %eq3A_244 : i32
    %jit3A_246 = arith.constant 1 : i32
    %select_n3A_247 = arith.select %eq3A_245, %jit3A_246, %jit3A_243 : i32
    %rem3A_248 = arith.remsi %add3A_217, %select_n3A_247 : i32
    %ne3A_249 = arith.constant 0 : i32
    %ne3A_250 = arith.cmpi ne, %rem3A_248, %ne3A_249 : i32
    %lt3A_251 = arith.constant 0 : i32
    %lt3A_252 = arith.cmpi slt, %rem3A_248, %lt3A_251 : i32
    %lt3A_253 = arith.constant 0 : i32
    %lt3A_254 = arith.cmpi slt, %select_n3A_247, %lt3A_253 : i32
    %ne3A_255 = arith.xori %lt3A_252, %lt3A_254 : i1
    %and3A_256 = arith.andi %ne3A_255, %ne3A_250 : i1
    %add3A_257 = arith.addi %rem3A_248, %select_n3A_247 : i32
    %select_n3A_258 = arith.select %and3A_256, %add3A_257, %rem3A_248 : i32
    %jit3A_259 = arith.constant 8 : i32
    %div3A_260 = arith.divsi %add3A_217, %jit3A_259 : i32
    %sign3A_261 = arith.constant 0 : i32
    %sign3A_262 = arith.cmpi sgt, %add3A_217, %sign3A_261 : i32
    %sign3A_263 = arith.extui %sign3A_262 : i1 to i32
    %sign3A_264 = arith.constant 0 : i32
    %sign3A_265 = arith.cmpi slt, %add3A_217, %sign3A_264 : i32
    %sign3A_266 = arith.extui %sign3A_265 : i1 to i32
    %sign3A_267 = arith.subi %sign3A_263, %sign3A_266 : i32
    %sign3A_268 = arith.constant 0 : i32
    %sign3A_269 = arith.cmpi sgt, %jit3A_259, %sign3A_268 : i32
    %sign3A_270 = arith.extui %sign3A_269 : i1 to i32
    %sign3A_271 = arith.constant 0 : i32
    %sign3A_272 = arith.cmpi slt, %jit3A_259, %sign3A_271 : i32
    %sign3A_273 = arith.extui %sign3A_272 : i1 to i32
    %sign3A_274 = arith.subi %sign3A_270, %sign3A_273 : i32
    %ne3A_275 = arith.cmpi ne, %sign3A_267, %sign3A_274 : i32
    %rem3A_276 = arith.remsi %add3A_217, %jit3A_259 : i32
    %ne3A_277 = arith.constant 0 : i32
    %ne3A_278 = arith.cmpi ne, %rem3A_276, %ne3A_277 : i32
    %and3A_279 = arith.andi %ne3A_275, %ne3A_278 : i1
    %sub3A_280 = arith.constant 1 : i32
    %sub3A_281 = arith.subi %div3A_260, %sub3A_280 : i32
    %select_n3A_282 = arith.select %and3A_279, %sub3A_281, %div3A_260 : i32
    %jit3A_283 = arith.constant 8 : i32
    %eq3A_284 = arith.constant 0 : i32
    %eq3A_285 = arith.cmpi eq, %jit3A_283, %eq3A_284 : i32
    %jit3A_286 = arith.constant 1 : i32
    %select_n3A_287 = arith.select %eq3A_285, %jit3A_286, %jit3A_283 : i32
    %rem3A_288 = arith.remsi %add3A_217, %select_n3A_287 : i32
    %ne3A_289 = arith.constant 0 : i32
    %ne3A_290 = arith.cmpi ne, %rem3A_288, %ne3A_289 : i32
    %lt3A_291 = arith.constant 0 : i32
    %lt3A_292 = arith.cmpi slt, %rem3A_288, %lt3A_291 : i32
    %lt3A_293 = arith.constant 0 : i32
    %lt3A_294 = arith.cmpi slt, %select_n3A_287, %lt3A_293 : i32
    %ne3A_295 = arith.xori %lt3A_292, %lt3A_294 : i1
    %and3A_296 = arith.andi %ne3A_295, %ne3A_290 : i1
    %add3A_297 = arith.addi %rem3A_288, %select_n3A_287 : i32
    %select_n3A_298 = arith.select %and3A_296, %add3A_297, %rem3A_288 : i32
    %dma_start3A_299 = arith.constant 2 : i32
    %dma_start3A_300 = arith.constant 0 : i32
    %dma_start3A_301 = arith.constant 0 : i32
    %dma_start3A_302 = tpu.memref_slice %arg6[%dma_start3A_299, %dma_start3A_300, %dma_start3A_301] : memref<3x128x128xf32, #tpu.memory_space<vmem>> -> memref<1x128x128xf32, #tpu.memory_space<vmem>>
    %dma_start3A_303 = tpu.memref_squeeze %dma_start3A_302 : memref<1x128x128xf32, #tpu.memory_space<vmem>> -> memref<128x128xf32, #tpu.memory_space<vmem>>
    %dma_start3A_304 = arith.constant 0 : i32
    %dma_start3A_305 = arith.constant 0 : i32
    %dma_start3A_306 = tpu.memref_slice %arg5[%sub3A_242, %dma_start3A_304, %dma_start3A_305] : memref<3x8x128xi32, #tpu.memory_space<vmem>> -> memref<1x8x128xi32, #tpu.memory_space<vmem>>
    %dma_start3A_307 = tpu.memref_squeeze %dma_start3A_306 : memref<1x8x128xi32, #tpu.memory_space<vmem>> -> memref<8x128xi32, #tpu.memory_space<vmem>>
    %dma_start3A_308 = arith.constant 0 : i32
    %dma_start3A_309 = tpu.memref_slice %dma_start3A_307[%select_n3A_258, %dma_start3A_308] : memref<8x128xi32, #tpu.memory_space<vmem>> -> memref<1x128xi32, #tpu.memory_space<vmem>>
    %dma_start3A_310 = tpu.memref_squeeze %dma_start3A_309 : memref<1x128xi32, #tpu.memory_space<vmem>> -> memref<128xi32, #tpu.memory_space<vmem>>
    %dma_start3A_311 = arith.constant 0 : i32
    %dma_start3A_312 = arith.constant 0 : i32
    %dma_start3A_313 = tpu.memref_slice %arg2[%dma_start3A_311, %dma_start3A_312] : memref<1000x128xf32, #tpu.memory_space<hbm>> -> memref<1000x128xf32, #tpu.memory_space<hbm>>
    tpu.enqueue_indirect_dma source(%dma_start3A_313 : memref<1000x128xf32, #tpu.memory_space<hbm>>) target(%dma_start3A_303 : memref<128x128xf32, #tpu.memory_space<vmem>>) offsets(%dma_start3A_310 : memref<128xi32, #tpu.memory_space<vmem>>) semaphore(%arg9 : memref<!tpu.dma_semaphore, #tpu.memory_space<semaphore_mem>>)
    %add3A_314 = arith.constant 0 : i32
    %add3A_315 = arith.addi %add3A_4, %add3A_314 : i32
    %jit3A_316 = arith.constant 8 : i32
    %div3A_317 = arith.divsi %add3A_315, %jit3A_316 : i32
    %sign3A_318 = arith.constant 0 : i32
    %sign3A_319 = arith.cmpi sgt, %add3A_315, %sign3A_318 : i32
    %sign3A_320 = arith.extui %sign3A_319 : i1 to i32
    %sign3A_321 = arith.constant 0 : i32
    %sign3A_322 = arith.cmpi slt, %add3A_315, %sign3A_321 : i32
    %sign3A_323 = arith.extui %sign3A_322 : i1 to i32
    %sign3A_324 = arith.subi %sign3A_320, %sign3A_323 : i32
    %sign3A_325 = arith.constant 0 : i32
    %sign3A_326 = arith.cmpi sgt, %jit3A_316, %sign3A_325 : i32
    %sign3A_327 = arith.extui %sign3A_326 : i1 to i32
    %sign3A_328 = arith.constant 0 : i32
    %sign3A_329 = arith.cmpi slt, %jit3A_316, %sign3A_328 : i32
    %sign3A_330 = arith.extui %sign3A_329 : i1 to i32
    %sign3A_331 = arith.subi %sign3A_327, %sign3A_330 : i32
    %ne3A_332 = arith.cmpi ne, %sign3A_324, %sign3A_331 : i32
    %rem3A_333 = arith.remsi %add3A_315, %jit3A_316 : i32
    %ne3A_334 = arith.constant 0 : i32
    %ne3A_335 = arith.cmpi ne, %rem3A_333, %ne3A_334 : i32
    %and3A_336 = arith.andi %ne3A_332, %ne3A_335 : i1
    %sub3A_337 = arith.constant 1 : i32
    %sub3A_338 = arith.subi %div3A_317, %sub3A_337 : i32
    %select_n3A_339 = arith.select %and3A_336, %sub3A_338, %div3A_317 : i32
    %sub3A_340 = arith.subi %select_n3A_339, %min3A_22 : i32
    %jit3A_341 = arith.constant 8 : i32
    %eq3A_342 = arith.constant 0 : i32
    %eq3A_343 = arith.cmpi eq, %jit3A_341, %eq3A_342 : i32
    %jit3A_344 = arith.constant 1 : i32
    %select_n3A_345 = arith.select %eq3A_343, %jit3A_344, %jit3A_341 : i32
    %rem3A_346 = arith.remsi %add3A_315, %select_n3A_345 : i32
    %ne3A_347 = arith.constant 0 : i32
    %ne3A_348 = arith.cmpi ne, %rem3A_346, %ne3A_347 : i32
    %lt3A_349 = arith.constant 0 : i32
    %lt3A_350 = arith.cmpi slt, %rem3A_346, %lt3A_349 : i32
    %lt3A_351 = arith.constant 0 : i32
    %lt3A_352 = arith.cmpi slt, %select_n3A_345, %lt3A_351 : i32
    %ne3A_353 = arith.xori %lt3A_350, %lt3A_352 : i1
    %and3A_354 = arith.andi %ne3A_353, %ne3A_348 : i1
    %add3A_355 = arith.addi %rem3A_346, %select_n3A_345 : i32
    %select_n3A_356 = arith.select %and3A_354, %add3A_355, %rem3A_346 : i32
    %jit3A_357 = arith.constant 8 : i32
    %div3A_358 = arith.divsi %add3A_315, %jit3A_357 : i32
    %sign3A_359 = arith.constant 0 : i32
    %sign3A_360 = arith.cmpi sgt, %add3A_315, %sign3A_359 : i32
    %sign3A_361 = arith.extui %sign3A_360 : i1 to i32
    %sign3A_362 = arith.constant 0 : i32
    %sign3A_363 = arith.cmpi slt, %add3A_315, %sign3A_362 : i32
    %sign3A_364 = arith.extui %sign3A_363 : i1 to i32
    %sign3A_365 = arith.subi %sign3A_361, %sign3A_364 : i32
    %sign3A_366 = arith.constant 0 : i32
    %sign3A_367 = arith.cmpi sgt, %jit3A_357, %sign3A_366 : i32
    %sign3A_368 = arith.extui %sign3A_367 : i1 to i32
    %sign3A_369 = arith.constant 0 : i32
    %sign3A_370 = arith.cmpi slt, %jit3A_357, %sign3A_369 : i32
    %sign3A_371 = arith.extui %sign3A_370 : i1 to i32
    %sign3A_372 = arith.subi %sign3A_368, %sign3A_371 : i32
    %ne3A_373 = arith.cmpi ne, %sign3A_365, %sign3A_372 : i32
    %rem3A_374 = arith.remsi %add3A_315, %jit3A_357 : i32
    %ne3A_375 = arith.constant 0 : i32
    %ne3A_376 = arith.cmpi ne, %rem3A_374, %ne3A_375 : i32
    %and3A_377 = arith.andi %ne3A_373, %ne3A_376 : i1
    %sub3A_378 = arith.constant 1 : i32
    %sub3A_379 = arith.subi %div3A_358, %sub3A_378 : i32
    %select_n3A_380 = arith.select %and3A_377, %sub3A_379, %div3A_358 : i32
    %jit3A_381 = arith.constant 8 : i32
    %eq3A_382 = arith.constant 0 : i32
    %eq3A_383 = arith.cmpi eq, %jit3A_381, %eq3A_382 : i32
    %jit3A_384 = arith.constant 1 : i32
    %select_n3A_385 = arith.select %eq3A_383, %jit3A_384, %jit3A_381 : i32
    %rem3A_386 = arith.remsi %add3A_315, %select_n3A_385 : i32
    %ne3A_387 = arith.constant 0 : i32
    %ne3A_388 = arith.cmpi ne, %rem3A_386, %ne3A_387 : i32
    %lt3A_389 = arith.constant 0 : i32
    %lt3A_390 = arith.cmpi slt, %rem3A_386, %lt3A_389 : i32
    %lt3A_391 = arith.constant 0 : i32
    %lt3A_392 = arith.cmpi slt, %select_n3A_385, %lt3A_391 : i32
    %ne3A_393 = arith.xori %lt3A_390, %lt3A_392 : i1
    %and3A_394 = arith.andi %ne3A_393, %ne3A_388 : i1
    %add3A_395 = arith.addi %rem3A_386, %select_n3A_385 : i32
    %select_n3A_396 = arith.select %and3A_394, %add3A_395, %rem3A_386 : i32
    %dma_wait3A = arith.constant 0 : i32
    %dma_wait3A_397 = arith.constant 0 : i32
    %dma_wait3A_398 = arith.constant 0 : i32
    %dma_wait3A_399 = tpu.memref_slice %arg6[%dma_wait3A, %dma_wait3A_397, %dma_wait3A_398] : memref<3x128x128xf32, #tpu.memory_space<vmem>> -> memref<1x128x128xf32, #tpu.memory_space<vmem>>
    %dma_wait3A_400 = tpu.memref_squeeze %dma_wait3A_399 : memref<1x128x128xf32, #tpu.memory_space<vmem>> -> memref<128x128xf32, #tpu.memory_space<vmem>>
    %dma_wait3A_401 = arith.constant 0 : i32
    %dma_wait3A_402 = arith.constant 0 : i32
    %dma_wait3A_403 = tpu.memref_slice %arg5[%sub3A_340, %dma_wait3A_401, %dma_wait3A_402] : memref<3x8x128xi32, #tpu.memory_space<vmem>> -> memref<1x8x128xi32, #tpu.memory_space<vmem>>
    %dma_wait3A_404 = tpu.memref_squeeze %dma_wait3A_403 : memref<1x8x128xi32, #tpu.memory_space<vmem>> -> memref<8x128xi32, #tpu.memory_space<vmem>>
    %dma_wait3A_405 = arith.constant 0 : i32
    %dma_wait3A_406 = tpu.memref_slice %dma_wait3A_404[%select_n3A_356, %dma_wait3A_405] : memref<8x128xi32, #tpu.memory_space<vmem>> -> memref<1x128xi32, #tpu.memory_space<vmem>>
    %dma_wait3A_407 = tpu.memref_squeeze %dma_wait3A_406 : memref<1x128xi32, #tpu.memory_space<vmem>> -> memref<128xi32, #tpu.memory_space<vmem>>
    %dma_wait3A_408 = arith.constant 0 : i32
    %dma_wait3A_409 = arith.constant 0 : i32
    %dma_wait3A_410 = tpu.memref_slice %arg2[%dma_wait3A_408, %dma_wait3A_409] : memref<1000x128xf32, #tpu.memory_space<hbm>> -> memref<1000x128xf32, #tpu.memory_space<hbm>>
    tpu.wait_indirect_dma semaphore(%arg7 : memref<!tpu.dma_semaphore, #tpu.memory_space<semaphore_mem>>) src(%dma_wait3A_410 : memref<1000x128xf32, #tpu.memory_space<hbm>>) dst(%dma_wait3A_400 : memref<128x128xf32, #tpu.memory_space<vmem>>)
    %mul3A_411 = arith.constant 128 : i32
    %mul3A_412 = arith.muli %select_n3A_396, %mul3A_411 : i32
    %dma_start3A_413 = arith.constant 0 : i32
    %dma_start3A_414 = arith.constant 0 : i32
    %dma_start3A_415 = arith.constant 0 : i32
    %dma_start3A_416 = tpu.memref_slice %arg6[%dma_start3A_413, %dma_start3A_414, %dma_start3A_415] : memref<3x128x128xf32, #tpu.memory_space<vmem>> -> memref<1x128x128xf32, #tpu.memory_space<vmem>>
    %dma_start3A_417 = tpu.memref_squeeze %dma_start3A_416 : memref<1x128x128xf32, #tpu.memory_space<vmem>> -> memref<128x128xf32, #tpu.memory_space<vmem>>
    %dma_start3A_418 = arith.constant 0 : i32
    %dma_start3A_419 = arith.constant 0 : i32
    %dma_start3A_420 = tpu.memref_slice %arg4[%select_n3A_380, %dma_start3A_418, %dma_start3A_419] : memref<38x1024x128xf32, #tpu.memory_space<hbm>> -> memref<1x1024x128xf32, #tpu.memory_space<hbm>>
    %dma_start3A_421 = tpu.memref_squeeze %dma_start3A_420 : memref<1x1024x128xf32, #tpu.memory_space<hbm>> -> memref<1024x128xf32, #tpu.memory_space<hbm>>
    %dma_start3A_422 = arith.constant 0 : i32
    %dma_start3A_423 = tpu.memref_slice %dma_start3A_421[%mul3A_412, %dma_start3A_422] : memref<1024x128xf32, #tpu.memory_space<hbm>> -> memref<128x128xf32, #tpu.memory_space<hbm>>
    %dma_start3A_424 = arith.constant 0 : i32
    %dma_start3A_425 = arith.constant 0 : i32
    %dma_start3A_426 = tpu.memref_slice %arg4[%select_n3A_380, %dma_start3A_424, %dma_start3A_425] : memref<38x1024x128xf32, #tpu.memory_space<hbm>> -> memref<1x1024x128xf32, #tpu.memory_space<hbm>>
    %dma_start3A_427 = tpu.memref_squeeze %dma_start3A_426 : memref<1x1024x128xf32, #tpu.memory_space<hbm>> -> memref<1024x128xf32, #tpu.memory_space<hbm>>
    %dma_start3A_428 = arith.constant 0 : i32
    %dma_start3A_429 = tpu.memref_slice %dma_start3A_427[%mul3A_412, %dma_start3A_428] : memref<1024x128xf32, #tpu.memory_space<hbm>> -> memref<128x128xf32, #tpu.memory_space<hbm>>
    %dma_start3A_430 = arith.constant 0 : i32
    %dma_start3A_431 = arith.constant 0 : i32
    %dma_start3A_432 = tpu.memref_slice %arg6[%dma_start3A_413, %dma_start3A_430, %dma_start3A_431] : memref<3x128x128xf32, #tpu.memory_space<vmem>> -> memref<1x128x128xf32, #tpu.memory_space<vmem>>
    %dma_start3A_433 = tpu.memref_squeeze %dma_start3A_432 : memref<1x128x128xf32, #tpu.memory_space<vmem>> -> memref<128x128xf32, #tpu.memory_space<vmem>>
    tpu.enqueue_dma source(%dma_start3A_433 : memref<128x128xf32, #tpu.memory_space<vmem>>) target(%dma_start3A_429 : memref<128x128xf32, #tpu.memory_space<hbm>>) target_semaphore(%arg10 : memref<!tpu.dma_semaphore, #tpu.memory_space<semaphore_mem>>)
    %add3A_434 = arith.constant 0 : i32
    %add3A_435 = arith.addi %add3A_4, %add3A_434 : i32
    %jit3A_436 = arith.constant 8 : i32
    %div3A_437 = arith.divsi %add3A_435, %jit3A_436 : i32
    %sign3A_438 = arith.constant 0 : i32
    %sign3A_439 = arith.cmpi sgt, %add3A_435, %sign3A_438 : i32
    %sign3A_440 = arith.extui %sign3A_439 : i1 to i32
    %sign3A_441 = arith.constant 0 : i32
    %sign3A_442 = arith.cmpi slt, %add3A_435, %sign3A_441 : i32
    %sign3A_443 = arith.extui %sign3A_442 : i1 to i32
    %sign3A_444 = arith.subi %sign3A_440, %sign3A_443 : i32
    %sign3A_445 = arith.constant 0 : i32
    %sign3A_446 = arith.cmpi sgt, %jit3A_436, %sign3A_445 : i32
    %sign3A_447 = arith.extui %sign3A_446 : i1 to i32
    %sign3A_448 = arith.constant 0 : i32
    %sign3A_449 = arith.cmpi slt, %jit3A_436, %sign3A_448 : i32
    %sign3A_450 = arith.extui %sign3A_449 : i1 to i32
    %sign3A_451 = arith.subi %sign3A_447, %sign3A_450 : i32
    %ne3A_452 = arith.cmpi ne, %sign3A_444, %sign3A_451 : i32
    %rem3A_453 = arith.remsi %add3A_435, %jit3A_436 : i32
    %ne3A_454 = arith.constant 0 : i32
    %ne3A_455 = arith.cmpi ne, %rem3A_453, %ne3A_454 : i32
    %and3A_456 = arith.andi %ne3A_452, %ne3A_455 : i1
    %sub3A_457 = arith.constant 1 : i32
    %sub3A_458 = arith.subi %div3A_437, %sub3A_457 : i32
    %select_n3A_459 = arith.select %and3A_456, %sub3A_458, %div3A_437 : i32
    %sub3A_460 = arith.subi %select_n3A_459, %min3A_22 : i32
    %jit3A_461 = arith.constant 8 : i32
    %eq3A_462 = arith.constant 0 : i32
    %eq3A_463 = arith.cmpi eq, %jit3A_461, %eq3A_462 : i32
    %jit3A_464 = arith.constant 1 : i32
    %select_n3A_465 = arith.select %eq3A_463, %jit3A_464, %jit3A_461 : i32
    %rem3A_466 = arith.remsi %add3A_435, %select_n3A_465 : i32
    %ne3A_467 = arith.constant 0 : i32
    %ne3A_468 = arith.cmpi ne, %rem3A_466, %ne3A_467 : i32
    %lt3A_469 = arith.constant 0 : i32
    %lt3A_470 = arith.cmpi slt, %rem3A_466, %lt3A_469 : i32
    %lt3A_471 = arith.constant 0 : i32
    %lt3A_472 = arith.cmpi slt, %select_n3A_465, %lt3A_471 : i32
    %ne3A_473 = arith.xori %lt3A_470, %lt3A_472 : i1
    %and3A_474 = arith.andi %ne3A_473, %ne3A_468 : i1
    %add3A_475 = arith.addi %rem3A_466, %select_n3A_465 : i32
    %select_n3A_476 = arith.select %and3A_474, %add3A_475, %rem3A_466 : i32
    %jit3A_477 = arith.constant 8 : i32
    %div3A_478 = arith.divsi %add3A_435, %jit3A_477 : i32
    %sign3A_479 = arith.constant 0 : i32
    %sign3A_480 = arith.cmpi sgt, %add3A_435, %sign3A_479 : i32
    %sign3A_481 = arith.extui %sign3A_480 : i1 to i32
    %sign3A_482 = arith.constant 0 : i32
    %sign3A_483 = arith.cmpi slt, %add3A_435, %sign3A_482 : i32
    %sign3A_484 = arith.extui %sign3A_483 : i1 to i32
    %sign3A_485 = arith.subi %sign3A_481, %sign3A_484 : i32
    %sign3A_486 = arith.constant 0 : i32
    %sign3A_487 = arith.cmpi sgt, %jit3A_477, %sign3A_486 : i32
    %sign3A_488 = arith.extui %sign3A_487 : i1 to i32
    %sign3A_489 = arith.constant 0 : i32
    %sign3A_490 = arith.cmpi slt, %jit3A_477, %sign3A_489 : i32
    %sign3A_491 = arith.extui %sign3A_490 : i1 to i32
    %sign3A_492 = arith.subi %sign3A_488, %sign3A_491 : i32
    %ne3A_493 = arith.cmpi ne, %sign3A_485, %sign3A_492 : i32
    %rem3A_494 = arith.remsi %add3A_435, %jit3A_477 : i32
    %ne3A_495 = arith.constant 0 : i32
    %ne3A_496 = arith.cmpi ne, %rem3A_494, %ne3A_495 : i32
    %and3A_497 = arith.andi %ne3A_493, %ne3A_496 : i1
    %sub3A_498 = arith.constant 1 : i32
    %sub3A_499 = arith.subi %div3A_478, %sub3A_498 : i32
    %select_n3A_500 = arith.select %and3A_497, %sub3A_499, %div3A_478 : i32
    %jit3A_501 = arith.constant 8 : i32
    %eq3A_502 = arith.constant 0 : i32
    %eq3A_503 = arith.cmpi eq, %jit3A_501, %eq3A_502 : i32
    %jit3A_504 = arith.constant 1 : i32
    %select_n3A_505 = arith.select %eq3A_503, %jit3A_504, %jit3A_501 : i32
    %rem3A_506 = arith.remsi %add3A_435, %select_n3A_505 : i32
    %ne3A_507 = arith.constant 0 : i32
    %ne3A_508 = arith.cmpi ne, %rem3A_506, %ne3A_507 : i32
    %lt3A_509 = arith.constant 0 : i32
    %lt3A_510 = arith.cmpi slt, %rem3A_506, %lt3A_509 : i32
    %lt3A_511 = arith.constant 0 : i32
    %lt3A_512 = arith.cmpi slt, %select_n3A_505, %lt3A_511 : i32
    %ne3A_513 = arith.xori %lt3A_510, %lt3A_512 : i1
    %and3A_514 = arith.andi %ne3A_513, %ne3A_508 : i1
    %add3A_515 = arith.addi %rem3A_506, %select_n3A_505 : i32
    %select_n3A_516 = arith.select %and3A_514, %add3A_515, %rem3A_506 : i32
    %mul3A_517 = arith.constant 128 : i32
    %mul3A_518 = arith.muli %select_n3A_516, %mul3A_517 : i32
    %dma_wait3A_519 = arith.constant 0 : i32
    %dma_wait3A_520 = arith.constant 0 : i32
    %dma_wait3A_521 = arith.constant 0 : i32
    %dma_wait3A_522 = tpu.memref_slice %arg6[%dma_wait3A_519, %dma_wait3A_520, %dma_wait3A_521] : memref<3x128x128xf32, #tpu.memory_space<vmem>> -> memref<1x128x128xf32, #tpu.memory_space<vmem>>
    %dma_wait3A_523 = tpu.memref_squeeze %dma_wait3A_522 : memref<1x128x128xf32, #tpu.memory_space<vmem>> -> memref<128x128xf32, #tpu.memory_space<vmem>>
    %dma_wait3A_524 = arith.constant 0 : i32
    %dma_wait3A_525 = arith.constant 0 : i32
    %dma_wait3A_526 = tpu.memref_slice %arg4[%select_n3A_500, %dma_wait3A_524, %dma_wait3A_525] : memref<38x1024x128xf32, #tpu.memory_space<hbm>> -> memref<1x1024x128xf32, #tpu.memory_space<hbm>>
    %dma_wait3A_527 = tpu.memref_squeeze %dma_wait3A_526 : memref<1x1024x128xf32, #tpu.memory_space<hbm>> -> memref<1024x128xf32, #tpu.memory_space<hbm>>
    %dma_wait3A_528 = arith.constant 0 : i32
    %dma_wait3A_529 = tpu.memref_slice %dma_wait3A_527[%mul3A_518, %dma_wait3A_528] : memref<1024x128xf32, #tpu.memory_space<hbm>> -> memref<128x128xf32, #tpu.memory_space<hbm>>
    %dma_wait3A_530 = arith.constant 0 : i32
    %dma_wait3A_531 = arith.constant 0 : i32
    %dma_wait3A_532 = tpu.memref_slice %arg4[%select_n3A_500, %dma_wait3A_530, %dma_wait3A_531] : memref<38x1024x128xf32, #tpu.memory_space<hbm>> -> memref<1x1024x128xf32, #tpu.memory_space<hbm>>
    %dma_wait3A_533 = tpu.memref_squeeze %dma_wait3A_532 : memref<1x1024x128xf32, #tpu.memory_space<hbm>> -> memref<1024x128xf32, #tpu.memory_space<hbm>>
    %dma_wait3A_534 = arith.constant 0 : i32
    %dma_wait3A_535 = tpu.memref_slice %dma_wait3A_533[%mul3A_518, %dma_wait3A_534] : memref<1024x128xf32, #tpu.memory_space<hbm>> -> memref<128x128xf32, #tpu.memory_space<hbm>>
    %dma_wait3A_536 = arith.constant 0 : i32
    %dma_wait3A_537 = arith.constant 0 : i32
    %dma_wait3A_538 = tpu.memref_slice %arg6[%dma_wait3A_519, %dma_wait3A_536, %dma_wait3A_537] : memref<3x128x128xf32, #tpu.memory_space<vmem>> -> memref<1x128x128xf32, #tpu.memory_space<vmem>>
    %dma_wait3A_539 = tpu.memref_squeeze %dma_wait3A_538 : memref<1x128x128xf32, #tpu.memory_space<vmem>> -> memref<128x128xf32, #tpu.memory_space<vmem>>
    tpu.wait_dma2 semaphore(%arg10 : memref<!tpu.dma_semaphore, #tpu.memory_space<semaphore_mem>>) src(%dma_wait3A_539 : memref<128x128xf32, #tpu.memory_space<vmem>>) dst(%dma_wait3A_535 : memref<128x128xf32, #tpu.memory_space<hbm>>)
    %add3A_540 = arith.constant 3 : i32
    %add3A_541 = arith.addi %add3A_4, %add3A_540 : i32
    %jit3A_542 = arith.constant 8 : i32
    %div3A_543 = arith.divsi %add3A_541, %jit3A_542 : i32
    %sign3A_544 = arith.constant 0 : i32
    %sign3A_545 = arith.cmpi sgt, %add3A_541, %sign3A_544 : i32
    %sign3A_546 = arith.extui %sign3A_545 : i1 to i32
    %sign3A_547 = arith.constant 0 : i32
    %sign3A_548 = arith.cmpi slt, %add3A_541, %sign3A_547 : i32
    %sign3A_549 = arith.extui %sign3A_548 : i1 to i32
    %sign3A_550 = arith.subi %sign3A_546, %sign3A_549 : i32
    %sign3A_551 = arith.constant 0 : i32
    %sign3A_552 = arith.cmpi sgt, %jit3A_542, %sign3A_551 : i32
    %sign3A_553 = arith.extui %sign3A_552 : i1 to i32
    %sign3A_554 = arith.constant 0 : i32
    %sign3A_555 = arith.cmpi slt, %jit3A_542, %sign3A_554 : i32
    %sign3A_556 = arith.extui %sign3A_555 : i1 to i32
    %sign3A_557 = arith.subi %sign3A_553, %sign3A_556 : i32
    %ne3A_558 = arith.cmpi ne, %sign3A_550, %sign3A_557 : i32
    %rem3A_559 = arith.remsi %add3A_541, %jit3A_542 : i32
    %ne3A_560 = arith.constant 0 : i32
    %ne3A_561 = arith.cmpi ne, %rem3A_559, %ne3A_560 : i32
    %and3A_562 = arith.andi %ne3A_558, %ne3A_561 : i1
    %sub3A_563 = arith.constant 1 : i32
    %sub3A_564 = arith.subi %div3A_543, %sub3A_563 : i32
    %select_n3A_565 = arith.select %and3A_562, %sub3A_564, %div3A_543 : i32
    %sub3A_566 = arith.subi %select_n3A_565, %min3A_22 : i32
    %jit3A_567 = arith.constant 8 : i32
    %eq3A_568 = arith.constant 0 : i32
    %eq3A_569 = arith.cmpi eq, %jit3A_567, %eq3A_568 : i32
    %jit3A_570 = arith.constant 1 : i32
    %select_n3A_571 = arith.select %eq3A_569, %jit3A_570, %jit3A_567 : i32
    %rem3A_572 = arith.remsi %add3A_541, %select_n3A_571 : i32
    %ne3A_573 = arith.constant 0 : i32
    %ne3A_574 = arith.cmpi ne, %rem3A_572, %ne3A_573 : i32
    %lt3A_575 = arith.constant 0 : i32
    %lt3A_576 = arith.cmpi slt, %rem3A_572, %lt3A_575 : i32
    %lt3A_577 = arith.constant 0 : i32
    %lt3A_578 = arith.cmpi slt, %select_n3A_571, %lt3A_577 : i32
    %ne3A_579 = arith.xori %lt3A_576, %lt3A_578 : i1
    %and3A_580 = arith.andi %ne3A_579, %ne3A_574 : i1
    %add3A_581 = arith.addi %rem3A_572, %select_n3A_571 : i32
    %select_n3A_582 = arith.select %and3A_580, %add3A_581, %rem3A_572 : i32
    %jit3A_583 = arith.constant 8 : i32
    %div3A_584 = arith.divsi %add3A_541, %jit3A_583 : i32
    %sign3A_585 = arith.constant 0 : i32
    %sign3A_586 = arith.cmpi sgt, %add3A_541, %sign3A_585 : i32
    %sign3A_587 = arith.extui %sign3A_586 : i1 to i32
    %sign3A_588 = arith.constant 0 : i32
    %sign3A_589 = arith.cmpi slt, %add3A_541, %sign3A_588 : i32
    %sign3A_590 = arith.extui %sign3A_589 : i1 to i32
    %sign3A_591 = arith.subi %sign3A_587, %sign3A_590 : i32
    %sign3A_592 = arith.constant 0 : i32
    %sign3A_593 = arith.cmpi sgt, %jit3A_583, %sign3A_592 : i32
    %sign3A_594 = arith.extui %sign3A_593 : i1 to i32
    %sign3A_595 = arith.constant 0 : i32
    %sign3A_596 = arith.cmpi slt, %jit3A_583, %sign3A_595 : i32
    %sign3A_597 = arith.extui %sign3A_596 : i1 to i32
    %sign3A_598 = arith.subi %sign3A_594, %sign3A_597 : i32
    %ne3A_599 = arith.cmpi ne, %sign3A_591, %sign3A_598 : i32
    %rem3A_600 = arith.remsi %add3A_541, %jit3A_583 : i32
    %ne3A_601 = arith.constant 0 : i32
    %ne3A_602 = arith.cmpi ne, %rem3A_600, %ne3A_601 : i32
    %and3A_603 = arith.andi %ne3A_599, %ne3A_602 : i1
    %sub3A_604 = arith.constant 1 : i32
    %sub3A_605 = arith.subi %div3A_584, %sub3A_604 : i32
    %select_n3A_606 = arith.select %and3A_603, %sub3A_605, %div3A_584 : i32
    %jit3A_607 = arith.constant 8 : i32
    %eq3A_608 = arith.constant 0 : i32
    %eq3A_609 = arith.cmpi eq, %jit3A_607, %eq3A_608 : i32
    %jit3A_610 = arith.constant 1 : i32
    %select_n3A_611 = arith.select %eq3A_609, %jit3A_610, %jit3A_607 : i32
    %rem3A_612 = arith.remsi %add3A_541, %select_n3A_611 : i32
    %ne3A_613 = arith.constant 0 : i32
    %ne3A_614 = arith.cmpi ne, %rem3A_612, %ne3A_613 : i32
    %lt3A_615 = arith.constant 0 : i32
    %lt3A_616 = arith.cmpi slt, %rem3A_612, %lt3A_615 : i32
    %lt3A_617 = arith.constant 0 : i32
    %lt3A_618 = arith.cmpi slt, %select_n3A_611, %lt3A_617 : i32
    %ne3A_619 = arith.xori %lt3A_616, %lt3A_618 : i1
    %and3A_620 = arith.andi %ne3A_619, %ne3A_614 : i1
    %add3A_621 = arith.addi %rem3A_612, %select_n3A_611 : i32
    %select_n3A_622 = arith.select %and3A_620, %add3A_621, %rem3A_612 : i32
    %dma_start3A_623 = arith.constant 0 : i32
    %dma_start3A_624 = arith.constant 0 : i32
    %dma_start3A_625 = arith.constant 0 : i32
    %dma_start3A_626 = tpu.memref_slice %arg6[%dma_start3A_623, %dma_start3A_624, %dma_start3A_625] : memref<3x128x128xf32, #tpu.memory_space<vmem>> -> memref<1x128x128xf32, #tpu.memory_space<vmem>>
    %dma_start3A_627 = tpu.memref_squeeze %dma_start3A_626 : memref<1x128x128xf32, #tpu.memory_space<vmem>> -> memref<128x128xf32, #tpu.memory_space<vmem>>
    %dma_start3A_628 = arith.constant 0 : i32
    %dma_start3A_629 = arith.constant 0 : i32
    %dma_start3A_630 = tpu.memref_slice %arg5[%sub3A_566, %dma_start3A_628, %dma_start3A_629] : memref<3x8x128xi32, #tpu.memory_space<vmem>> -> memref<1x8x128xi32, #tpu.memory_space<vmem>>
    %dma_start3A_631 = tpu.memref_squeeze %dma_start3A_630 : memref<1x8x128xi32, #tpu.memory_space<vmem>> -> memref<8x128xi32, #tpu.memory_space<vmem>>
    %dma_start3A_632 = arith.constant 0 : i32
    %dma_start3A_633 = tpu.memref_slice %dma_start3A_631[%select_n3A_582, %dma_start3A_632] : memref<8x128xi32, #tpu.memory_space<vmem>> -> memref<1x128xi32, #tpu.memory_space<vmem>>
    %dma_start3A_634 = tpu.memref_squeeze %dma_start3A_633 : memref<1x128xi32, #tpu.memory_space<vmem>> -> memref<128xi32, #tpu.memory_space<vmem>>
    %dma_start3A_635 = arith.constant 0 : i32
    %dma_start3A_636 = arith.constant 0 : i32
    %dma_start3A_637 = tpu.memref_slice %arg2[%dma_start3A_635, %dma_start3A_636] : memref<1000x128xf32, #tpu.memory_space<hbm>> -> memref<1000x128xf32, #tpu.memory_space<hbm>>
    tpu.enqueue_indirect_dma source(%dma_start3A_637 : memref<1000x128xf32, #tpu.memory_space<hbm>>) target(%dma_start3A_627 : memref<128x128xf32, #tpu.memory_space<vmem>>) offsets(%dma_start3A_634 : memref<128xi32, #tpu.memory_space<vmem>>) semaphore(%arg7 : memref<!tpu.dma_semaphore, #tpu.memory_space<semaphore_mem>>)
    %add3A_638 = arith.constant 1 : i32
    %add3A_639 = arith.addi %add3A_4, %add3A_638 : i32
    %jit3A_640 = arith.constant 8 : i32
    %div3A_641 = arith.divsi %add3A_639, %jit3A_640 : i32
    %sign3A_642 = arith.constant 0 : i32
    %sign3A_643 = arith.cmpi sgt, %add3A_639, %sign3A_642 : i32
    %sign3A_644 = arith.extui %sign3A_643 : i1 to i32
    %sign3A_645 = arith.constant 0 : i32
    %sign3A_646 = arith.cmpi slt, %add3A_639, %sign3A_645 : i32
    %sign3A_647 = arith.extui %sign3A_646 : i1 to i32
    %sign3A_648 = arith.subi %sign3A_644, %sign3A_647 : i32
    %sign3A_649 = arith.constant 0 : i32
    %sign3A_650 = arith.cmpi sgt, %jit3A_640, %sign3A_649 : i32
    %sign3A_651 = arith.extui %sign3A_650 : i1 to i32
    %sign3A_652 = arith.constant 0 : i32
    %sign3A_653 = arith.cmpi slt, %jit3A_640, %sign3A_652 : i32
    %sign3A_654 = arith.extui %sign3A_653 : i1 to i32
    %sign3A_655 = arith.subi %sign3A_651, %sign3A_654 : i32
    %ne3A_656 = arith.cmpi ne, %sign3A_648, %sign3A_655 : i32
    %rem3A_657 = arith.remsi %add3A_639, %jit3A_640 : i32
    %ne3A_658 = arith.constant 0 : i32
    %ne3A_659 = arith.cmpi ne, %rem3A_657, %ne3A_658 : i32
    %and3A_660 = arith.andi %ne3A_656, %ne3A_659 : i1
    %sub3A_661 = arith.constant 1 : i32
    %sub3A_662 = arith.subi %div3A_641, %sub3A_661 : i32
    %select_n3A_663 = arith.select %and3A_660, %sub3A_662, %div3A_641 : i32
    %sub3A_664 = arith.subi %select_n3A_663, %min3A_22 : i32
    %jit3A_665 = arith.constant 8 : i32
    %eq3A_666 = arith.constant 0 : i32
    %eq3A_667 = arith.cmpi eq, %jit3A_665, %eq3A_666 : i32
    %jit3A_668 = arith.constant 1 : i32
    %select_n3A_669 = arith.select %eq3A_667, %jit3A_668, %jit3A_665 : i32
    %rem3A_670 = arith.remsi %add3A_639, %select_n3A_669 : i32
    %ne3A_671 = arith.constant 0 : i32
    %ne3A_672 = arith.cmpi ne, %rem3A_670, %ne3A_671 : i32
    %lt3A_673 = arith.constant 0 : i32
    %lt3A_674 = arith.cmpi slt, %rem3A_670, %lt3A_673 : i32
    %lt3A_675 = arith.constant 0 : i32
    %lt3A_676 = arith.cmpi slt, %select_n3A_669, %lt3A_675 : i32
    %ne3A_677 = arith.xori %lt3A_674, %lt3A_676 : i1
    %and3A_678 = arith.andi %ne3A_677, %ne3A_672 : i1
    %add3A_679 = arith.addi %rem3A_670, %select_n3A_669 : i32
    %select_n3A_680 = arith.select %and3A_678, %add3A_679, %rem3A_670 : i32
    %jit3A_681 = arith.constant 8 : i32
    %div3A_682 = arith.divsi %add3A_639, %jit3A_681 : i32
    %sign3A_683 = arith.constant 0 : i32
    %sign3A_684 = arith.cmpi sgt, %add3A_639, %sign3A_683 : i32
    %sign3A_685 = arith.extui %sign3A_684 : i1 to i32
    %sign3A_686 = arith.constant 0 : i32
    %sign3A_687 = arith.cmpi slt, %add3A_639, %sign3A_686 : i32
    %sign3A_688 = arith.extui %sign3A_687 : i1 to i32
    %sign3A_689 = arith.subi %sign3A_685, %sign3A_688 : i32
    %sign3A_690 = arith.constant 0 : i32
    %sign3A_691 = arith.cmpi sgt, %jit3A_681, %sign3A_690 : i32
    %sign3A_692 = arith.extui %sign3A_691 : i1 to i32
    %sign3A_693 = arith.constant 0 : i32
    %sign3A_694 = arith.cmpi slt, %jit3A_681, %sign3A_693 : i32
    %sign3A_695 = arith.extui %sign3A_694 : i1 to i32
    %sign3A_696 = arith.subi %sign3A_692, %sign3A_695 : i32
    %ne3A_697 = arith.cmpi ne, %sign3A_689, %sign3A_696 : i32
    %rem3A_698 = arith.remsi %add3A_639, %jit3A_681 : i32
    %ne3A_699 = arith.constant 0 : i32
    %ne3A_700 = arith.cmpi ne, %rem3A_698, %ne3A_699 : i32
    %and3A_701 = arith.andi %ne3A_697, %ne3A_700 : i1
    %sub3A_702 = arith.constant 1 : i32
    %sub3A_703 = arith.subi %div3A_682, %sub3A_702 : i32
    %select_n3A_704 = arith.select %and3A_701, %sub3A_703, %div3A_682 : i32
    %jit3A_705 = arith.constant 8 : i32
    %eq3A_706 = arith.constant 0 : i32
    %eq3A_707 = arith.cmpi eq, %jit3A_705, %eq3A_706 : i32
    %jit3A_708 = arith.constant 1 : i32
    %select_n3A_709 = arith.select %eq3A_707, %jit3A_708, %jit3A_705 : i32
    %rem3A_710 = arith.remsi %add3A_639, %select_n3A_709 : i32
    %ne3A_711 = arith.constant 0 : i32
    %ne3A_712 = arith.cmpi ne, %rem3A_710, %ne3A_711 : i32
    %lt3A_713 = arith.constant 0 : i32
    %lt3A_714 = arith.cmpi slt, %rem3A_710, %lt3A_713 : i32
    %lt3A_715 = arith.constant 0 : i32
    %lt3A_716 = arith.cmpi slt, %select_n3A_709, %lt3A_715 : i32
    %ne3A_717 = arith.xori %lt3A_714, %lt3A_716 : i1
    %and3A_718 = arith.andi %ne3A_717, %ne3A_712 : i1
    %add3A_719 = arith.addi %rem3A_710, %select_n3A_709 : i32
    %select_n3A_720 = arith.select %and3A_718, %add3A_719, %rem3A_710 : i32
    %dma_wait3A_721 = arith.constant 1 : i32
    %dma_wait3A_722 = arith.constant 0 : i32
    %dma_wait3A_723 = arith.constant 0 : i32
    %dma_wait3A_724 = tpu.memref_slice %arg6[%dma_wait3A_721, %dma_wait3A_722, %dma_wait3A_723] : memref<3x128x128xf32, #tpu.memory_space<vmem>> -> memref<1x128x128xf32, #tpu.memory_space<vmem>>
    %dma_wait3A_725 = tpu.memref_squeeze %dma_wait3A_724 : memref<1x128x128xf32, #tpu.memory_space<vmem>> -> memref<128x128xf32, #tpu.memory_space<vmem>>
    %dma_wait3A_726 = arith.constant 0 : i32
    %dma_wait3A_727 = arith.constant 0 : i32
    %dma_wait3A_728 = tpu.memref_slice %arg5[%sub3A_664, %dma_wait3A_726, %dma_wait3A_727] : memref<3x8x128xi32, #tpu.memory_space<vmem>> -> memref<1x8x128xi32, #tpu.memory_space<vmem>>
    %dma_wait3A_729 = tpu.memref_squeeze %dma_wait3A_728 : memref<1x8x128xi32, #tpu.memory_space<vmem>> -> memref<8x128xi32, #tpu.memory_space<vmem>>
    %dma_wait3A_730 = arith.constant 0 : i32
    %dma_wait3A_731 = tpu.memref_slice %dma_wait3A_729[%select_n3A_680, %dma_wait3A_730] : memref<8x128xi32, #tpu.memory_space<vmem>> -> memref<1x128xi32, #tpu.memory_space<vmem>>
    %dma_wait3A_732 = tpu.memref_squeeze %dma_wait3A_731 : memref<1x128xi32, #tpu.memory_space<vmem>> -> memref<128xi32, #tpu.memory_space<vmem>>
    %dma_wait3A_733 = arith.constant 0 : i32
    %dma_wait3A_734 = arith.constant 0 : i32
    %dma_wait3A_735 = tpu.memref_slice %arg2[%dma_wait3A_733, %dma_wait3A_734] : memref<1000x128xf32, #tpu.memory_space<hbm>> -> memref<1000x128xf32, #tpu.memory_space<hbm>>
    tpu.wait_indirect_dma semaphore(%arg8 : memref<!tpu.dma_semaphore, #tpu.memory_space<semaphore_mem>>) src(%dma_wait3A_735 : memref<1000x128xf32, #tpu.memory_space<hbm>>) dst(%dma_wait3A_725 : memref<128x128xf32, #tpu.memory_space<vmem>>)
    %mul3A_736 = arith.constant 128 : i32
    %mul3A_737 = arith.muli %select_n3A_720, %mul3A_736 : i32
    %dma_start3A_738 = arith.constant 1 : i32
    %dma_start3A_739 = arith.constant 0 : i32
    %dma_start3A_740 = arith.constant 0 : i32
    %dma_start3A_741 = tpu.memref_slice %arg6[%dma_start3A_738, %dma_start3A_739, %dma_start3A_740] : memref<3x128x128xf32, #tpu.memory_space<vmem>> -> memref<1x128x128xf32, #tpu.memory_space<vmem>>
    %dma_start3A_742 = tpu.memref_squeeze %dma_start3A_741 : memref<1x128x128xf32, #tpu.memory_space<vmem>> -> memref<128x128xf32, #tpu.memory_space<vmem>>
    %dma_start3A_743 = arith.constant 0 : i32
    %dma_start3A_744 = arith.constant 0 : i32
    %dma_start3A_745 = tpu.memref_slice %arg4[%select_n3A_704, %dma_start3A_743, %dma_start3A_744] : memref<38x1024x128xf32, #tpu.memory_space<hbm>> -> memref<1x1024x128xf32, #tpu.memory_space<hbm>>
    %dma_start3A_746 = tpu.memref_squeeze %dma_start3A_745 : memref<1x1024x128xf32, #tpu.memory_space<hbm>> -> memref<1024x128xf32, #tpu.memory_space<hbm>>
    %dma_start3A_747 = arith.constant 0 : i32
    %dma_start3A_748 = tpu.memref_slice %dma_start3A_746[%mul3A_737, %dma_start3A_747] : memref<1024x128xf32, #tpu.memory_space<hbm>> -> memref<128x128xf32, #tpu.memory_space<hbm>>
    %dma_start3A_749 = arith.constant 0 : i32
    %dma_start3A_750 = arith.constant 0 : i32
    %dma_start3A_751 = tpu.memref_slice %arg4[%select_n3A_704, %dma_start3A_749, %dma_start3A_750] : memref<38x1024x128xf32, #tpu.memory_space<hbm>> -> memref<1x1024x128xf32, #tpu.memory_space<hbm>>
    %dma_start3A_752 = tpu.memref_squeeze %dma_start3A_751 : memref<1x1024x128xf32, #tpu.memory_space<hbm>> -> memref<1024x128xf32, #tpu.memory_space<hbm>>
    %dma_start3A_753 = arith.constant 0 : i32
    %dma_start3A_754 = tpu.memref_slice %dma_start3A_752[%mul3A_737, %dma_start3A_753] : memref<1024x128xf32, #tpu.memory_space<hbm>> -> memref<128x128xf32, #tpu.memory_space<hbm>>
    %dma_start3A_755 = arith.constant 0 : i32
    %dma_start3A_756 = arith.constant 0 : i32
    %dma_start3A_757 = tpu.memref_slice %arg6[%dma_start3A_738, %dma_start3A_755, %dma_start3A_756] : memref<3x128x128xf32, #tpu.memory_space<vmem>> -> memref<1x128x128xf32, #tpu.memory_space<vmem>>
    %dma_start3A_758 = tpu.memref_squeeze %dma_start3A_757 : memref<1x128x128xf32, #tpu.memory_space<vmem>> -> memref<128x128xf32, #tpu.memory_space<vmem>>
    tpu.enqueue_dma source(%dma_start3A_758 : memref<128x128xf32, #tpu.memory_space<vmem>>) target(%dma_start3A_754 : memref<128x128xf32, #tpu.memory_space<hbm>>) target_semaphore(%arg11 : memref<!tpu.dma_semaphore, #tpu.memory_space<semaphore_mem>>)
    %add3A_759 = arith.constant 1 : i32
    %add3A_760 = arith.addi %add3A_4, %add3A_759 : i32
    %jit3A_761 = arith.constant 8 : i32
    %div3A_762 = arith.divsi %add3A_760, %jit3A_761 : i32
    %sign3A_763 = arith.constant 0 : i32
    %sign3A_764 = arith.cmpi sgt, %add3A_760, %sign3A_763 : i32
    %sign3A_765 = arith.extui %sign3A_764 : i1 to i32
    %sign3A_766 = arith.constant 0 : i32
    %sign3A_767 = arith.cmpi slt, %add3A_760, %sign3A_766 : i32
    %sign3A_768 = arith.extui %sign3A_767 : i1 to i32
    %sign3A_769 = arith.subi %sign3A_765, %sign3A_768 : i32
    %sign3A_770 = arith.constant 0 : i32
    %sign3A_771 = arith.cmpi sgt, %jit3A_761, %sign3A_770 : i32
    %sign3A_772 = arith.extui %sign3A_771 : i1 to i32
    %sign3A_773 = arith.constant 0 : i32
    %sign3A_774 = arith.cmpi slt, %jit3A_761, %sign3A_773 : i32
    %sign3A_775 = arith.extui %sign3A_774 : i1 to i32
    %sign3A_776 = arith.subi %sign3A_772, %sign3A_775 : i32
    %ne3A_777 = arith.cmpi ne, %sign3A_769, %sign3A_776 : i32
    %rem3A_778 = arith.remsi %add3A_760, %jit3A_761 : i32
    %ne3A_779 = arith.constant 0 : i32
    %ne3A_780 = arith.cmpi ne, %rem3A_778, %ne3A_779 : i32
    %and3A_781 = arith.andi %ne3A_777, %ne3A_780 : i1
    %sub3A_782 = arith.constant 1 : i32
    %sub3A_783 = arith.subi %div3A_762, %sub3A_782 : i32
    %select_n3A_784 = arith.select %and3A_781, %sub3A_783, %div3A_762 : i32
    %sub3A_785 = arith.subi %select_n3A_784, %min3A_22 : i32
    %jit3A_786 = arith.constant 8 : i32
    %eq3A_787 = arith.constant 0 : i32
    %eq3A_788 = arith.cmpi eq, %jit3A_786, %eq3A_787 : i32
    %jit3A_789 = arith.constant 1 : i32
    %select_n3A_790 = arith.select %eq3A_788, %jit3A_789, %jit3A_786 : i32
    %rem3A_791 = arith.remsi %add3A_760, %select_n3A_790 : i32
    %ne3A_792 = arith.constant 0 : i32
    %ne3A_793 = arith.cmpi ne, %rem3A_791, %ne3A_792 : i32
    %lt3A_794 = arith.constant 0 : i32
    %lt3A_795 = arith.cmpi slt, %rem3A_791, %lt3A_794 : i32
    %lt3A_796 = arith.constant 0 : i32
    %lt3A_797 = arith.cmpi slt, %select_n3A_790, %lt3A_796 : i32
    %ne3A_798 = arith.xori %lt3A_795, %lt3A_797 : i1
    %and3A_799 = arith.andi %ne3A_798, %ne3A_793 : i1
    %add3A_800 = arith.addi %rem3A_791, %select_n3A_790 : i32
    %select_n3A_801 = arith.select %and3A_799, %add3A_800, %rem3A_791 : i32
    %jit3A_802 = arith.constant 8 : i32
    %div3A_803 = arith.divsi %add3A_760, %jit3A_802 : i32
    %sign3A_804 = arith.constant 0 : i32
    %sign3A_805 = arith.cmpi sgt, %add3A_760, %sign3A_804 : i32
    %sign3A_806 = arith.extui %sign3A_805 : i1 to i32
    %sign3A_807 = arith.constant 0 : i32
    %sign3A_808 = arith.cmpi slt, %add3A_760, %sign3A_807 : i32
    %sign3A_809 = arith.extui %sign3A_808 : i1 to i32
    %sign3A_810 = arith.subi %sign3A_806, %sign3A_809 : i32
    %sign3A_811 = arith.constant 0 : i32
    %sign3A_812 = arith.cmpi sgt, %jit3A_802, %sign3A_811 : i32
    %sign3A_813 = arith.extui %sign3A_812 : i1 to i32
    %sign3A_814 = arith.constant 0 : i32
    %sign3A_815 = arith.cmpi slt, %jit3A_802, %sign3A_814 : i32
    %sign3A_816 = arith.extui %sign3A_815 : i1 to i32
    %sign3A_817 = arith.subi %sign3A_813, %sign3A_816 : i32
    %ne3A_818 = arith.cmpi ne, %sign3A_810, %sign3A_817 : i32
    %rem3A_819 = arith.remsi %add3A_760, %jit3A_802 : i32
    %ne3A_820 = arith.constant 0 : i32
    %ne3A_821 = arith.cmpi ne, %rem3A_819, %ne3A_820 : i32
    %and3A_822 = arith.andi %ne3A_818, %ne3A_821 : i1
    %sub3A_823 = arith.constant 1 : i32
    %sub3A_824 = arith.subi %div3A_803, %sub3A_823 : i32
    %select_n3A_825 = arith.select %and3A_822, %sub3A_824, %div3A_803 : i32
    %jit3A_826 = arith.constant 8 : i32
    %eq3A_827 = arith.constant 0 : i32
    %eq3A_828 = arith.cmpi eq, %jit3A_826, %eq3A_827 : i32
    %jit3A_829 = arith.constant 1 : i32
    %select_n3A_830 = arith.select %eq3A_828, %jit3A_829, %jit3A_826 : i32
    %rem3A_831 = arith.remsi %add3A_760, %select_n3A_830 : i32
    %ne3A_832 = arith.constant 0 : i32
    %ne3A_833 = arith.cmpi ne, %rem3A_831, %ne3A_832 : i32
    %lt3A_834 = arith.constant 0 : i32
    %lt3A_835 = arith.cmpi slt, %rem3A_831, %lt3A_834 : i32
    %lt3A_836 = arith.constant 0 : i32
    %lt3A_837 = arith.cmpi slt, %select_n3A_830, %lt3A_836 : i32
    %ne3A_838 = arith.xori %lt3A_835, %lt3A_837 : i1
    %and3A_839 = arith.andi %ne3A_838, %ne3A_833 : i1
    %add3A_840 = arith.addi %rem3A_831, %select_n3A_830 : i32
    %select_n3A_841 = arith.select %and3A_839, %add3A_840, %rem3A_831 : i32
    %mul3A_842 = arith.constant 128 : i32
    %mul3A_843 = arith.muli %select_n3A_841, %mul3A_842 : i32
    %dma_wait3A_844 = arith.constant 1 : i32
    %dma_wait3A_845 = arith.constant 0 : i32
    %dma_wait3A_846 = arith.constant 0 : i32
    %dma_wait3A_847 = tpu.memref_slice %arg6[%dma_wait3A_844, %dma_wait3A_845, %dma_wait3A_846] : memref<3x128x128xf32, #tpu.memory_space<vmem>> -> memref<1x128x128xf32, #tpu.memory_space<vmem>>
    %dma_wait3A_848 = tpu.memref_squeeze %dma_wait3A_847 : memref<1x128x128xf32, #tpu.memory_space<vmem>> -> memref<128x128xf32, #tpu.memory_space<vmem>>
    %dma_wait3A_849 = arith.constant 0 : i32
    %dma_wait3A_850 = arith.constant 0 : i32
    %dma_wait3A_851 = tpu.memref_slice %arg4[%select_n3A_825, %dma_wait3A_849, %dma_wait3A_850] : memref<38x1024x128xf32, #tpu.memory_space<hbm>> -> memref<1x1024x128xf32, #tpu.memory_space<hbm>>
    %dma_wait3A_852 = tpu.memref_squeeze %dma_wait3A_851 : memref<1x1024x128xf32, #tpu.memory_space<hbm>> -> memref<1024x128xf32, #tpu.memory_space<hbm>>
    %dma_wait3A_853 = arith.constant 0 : i32
    %dma_wait3A_854 = tpu.memref_slice %dma_wait3A_852[%mul3A_843, %dma_wait3A_853] : memref<1024x128xf32, #tpu.memory_space<hbm>> -> memref<128x128xf32, #tpu.memory_space<hbm>>
    %dma_wait3A_855 = arith.constant 0 : i32
    %dma_wait3A_856 = arith.constant 0 : i32
    %dma_wait3A_857 = tpu.memref_slice %arg4[%select_n3A_825, %dma_wait3A_855, %dma_wait3A_856] : memref<38x1024x128xf32, #tpu.memory_space<hbm>> -> memref<1x1024x128xf32, #tpu.memory_space<hbm>>
    %dma_wait3A_858 = tpu.memref_squeeze %dma_wait3A_857 : memref<1x1024x128xf32, #tpu.memory_space<hbm>> -> memref<1024x128xf32, #tpu.memory_space<hbm>>
    %dma_wait3A_859 = arith.constant 0 : i32
    %dma_wait3A_860 = tpu.memref_slice %dma_wait3A_858[%mul3A_843, %dma_wait3A_859] : memref<1024x128xf32, #tpu.memory_space<hbm>> -> memref<128x128xf32, #tpu.memory_space<hbm>>
    %dma_wait3A_861 = arith.constant 0 : i32
    %dma_wait3A_862 = arith.constant 0 : i32
    %dma_wait3A_863 = tpu.memref_slice %arg6[%dma_wait3A_844, %dma_wait3A_861, %dma_wait3A_862] : memref<3x128x128xf32, #tpu.memory_space<vmem>> -> memref<1x128x128xf32, #tpu.memory_space<vmem>>
    %dma_wait3A_864 = tpu.memref_squeeze %dma_wait3A_863 : memref<1x128x128xf32, #tpu.memory_space<vmem>> -> memref<128x128xf32, #tpu.memory_space<vmem>>
    tpu.wait_dma2 semaphore(%arg11 : memref<!tpu.dma_semaphore, #tpu.memory_space<semaphore_mem>>) src(%dma_wait3A_864 : memref<128x128xf32, #tpu.memory_space<vmem>>) dst(%dma_wait3A_860 : memref<128x128xf32, #tpu.memory_space<hbm>>)
    %add3A_865 = arith.constant 4 : i32
    %add3A_866 = arith.addi %add3A_4, %add3A_865 : i32
    %jit3A_867 = arith.constant 8 : i32
    %div3A_868 = arith.divsi %add3A_866, %jit3A_867 : i32
    %sign3A_869 = arith.constant 0 : i32
    %sign3A_870 = arith.cmpi sgt, %add3A_866, %sign3A_869 : i32
    %sign3A_871 = arith.extui %sign3A_870 : i1 to i32
    %sign3A_872 = arith.constant 0 : i32
    %sign3A_873 = arith.cmpi slt, %add3A_866, %sign3A_872 : i32
    %sign3A_874 = arith.extui %sign3A_873 : i1 to i32
    %sign3A_875 = arith.subi %sign3A_871, %sign3A_874 : i32
    %sign3A_876 = arith.constant 0 : i32
    %sign3A_877 = arith.cmpi sgt, %jit3A_867, %sign3A_876 : i32
    %sign3A_878 = arith.extui %sign3A_877 : i1 to i32
    %sign3A_879 = arith.constant 0 : i32
    %sign3A_880 = arith.cmpi slt, %jit3A_867, %sign3A_879 : i32
    %sign3A_881 = arith.extui %sign3A_880 : i1 to i32
    %sign3A_882 = arith.subi %sign3A_878, %sign3A_881 : i32
    %ne3A_883 = arith.cmpi ne, %sign3A_875, %sign3A_882 : i32
    %rem3A_884 = arith.remsi %add3A_866, %jit3A_867 : i32
    %ne3A_885 = arith.constant 0 : i32
    %ne3A_886 = arith.cmpi ne, %rem3A_884, %ne3A_885 : i32
    %and3A_887 = arith.andi %ne3A_883, %ne3A_886 : i1
    %sub3A_888 = arith.constant 1 : i32
    %sub3A_889 = arith.subi %div3A_868, %sub3A_888 : i32
    %select_n3A_890 = arith.select %and3A_887, %sub3A_889, %div3A_868 : i32
    %sub3A_891 = arith.subi %select_n3A_890, %min3A_22 : i32
    %jit3A_892 = arith.constant 8 : i32
    %eq3A_893 = arith.constant 0 : i32
    %eq3A_894 = arith.cmpi eq, %jit3A_892, %eq3A_893 : i32
    %jit3A_895 = arith.constant 1 : i32
    %select_n3A_896 = arith.select %eq3A_894, %jit3A_895, %jit3A_892 : i32
    %rem3A_897 = arith.remsi %add3A_866, %select_n3A_896 : i32
    %ne3A_898 = arith.constant 0 : i32
    %ne3A_899 = arith.cmpi ne, %rem3A_897, %ne3A_898 : i32
    %lt3A_900 = arith.constant 0 : i32
    %lt3A_901 = arith.cmpi slt, %rem3A_897, %lt3A_900 : i32
    %lt3A_902 = arith.constant 0 : i32
    %lt3A_903 = arith.cmpi slt, %select_n3A_896, %lt3A_902 : i32
    %ne3A_904 = arith.xori %lt3A_901, %lt3A_903 : i1
    %and3A_905 = arith.andi %ne3A_904, %ne3A_899 : i1
    %add3A_906 = arith.addi %rem3A_897, %select_n3A_896 : i32
    %select_n3A_907 = arith.select %and3A_905, %add3A_906, %rem3A_897 : i32
    %jit3A_908 = arith.constant 8 : i32
    %div3A_909 = arith.divsi %add3A_866, %jit3A_908 : i32
    %sign3A_910 = arith.constant 0 : i32
    %sign3A_911 = arith.cmpi sgt, %add3A_866, %sign3A_910 : i32
    %sign3A_912 = arith.extui %sign3A_911 : i1 to i32
    %sign3A_913 = arith.constant 0 : i32
    %sign3A_914 = arith.cmpi slt, %add3A_866, %sign3A_913 : i32
    %sign3A_915 = arith.extui %sign3A_914 : i1 to i32
    %sign3A_916 = arith.subi %sign3A_912, %sign3A_915 : i32
    %sign3A_917 = arith.constant 0 : i32
    %sign3A_918 = arith.cmpi sgt, %jit3A_908, %sign3A_917 : i32
    %sign3A_919 = arith.extui %sign3A_918 : i1 to i32
    %sign3A_920 = arith.constant 0 : i32
    %sign3A_921 = arith.cmpi slt, %jit3A_908, %sign3A_920 : i32
    %sign3A_922 = arith.extui %sign3A_921 : i1 to i32
    %sign3A_923 = arith.subi %sign3A_919, %sign3A_922 : i32
    %ne3A_924 = arith.cmpi ne, %sign3A_916, %sign3A_923 : i32
    %rem3A_925 = arith.remsi %add3A_866, %jit3A_908 : i32
    %ne3A_926 = arith.constant 0 : i32
    %ne3A_927 = arith.cmpi ne, %rem3A_925, %ne3A_926 : i32
    %and3A_928 = arith.andi %ne3A_924, %ne3A_927 : i1
    %sub3A_929 = arith.constant 1 : i32
    %sub3A_930 = arith.subi %div3A_909, %sub3A_929 : i32
    %select_n3A_931 = arith.select %and3A_928, %sub3A_930, %div3A_909 : i32
    %jit3A_932 = arith.constant 8 : i32
    %eq3A_933 = arith.constant 0 : i32
    %eq3A_934 = arith.cmpi eq, %jit3A_932, %eq3A_933 : i32
    %jit3A_935 = arith.constant 1 : i32
    %select_n3A_936 = arith.select %eq3A_934, %jit3A_935, %jit3A_932 : i32
    %rem3A_937 = arith.remsi %add3A_866, %select_n3A_936 : i32
    %ne3A_938 = arith.constant 0 : i32
    %ne3A_939 = arith.cmpi ne, %rem3A_937, %ne3A_938 : i32
    %lt3A_940 = arith.constant 0 : i32
    %lt3A_941 = arith.cmpi slt, %rem3A_937, %lt3A_940 : i32
    %lt3A_942 = arith.constant 0 : i32
    %lt3A_943 = arith.cmpi slt, %select_n3A_936, %lt3A_942 : i32
    %ne3A_944 = arith.xori %lt3A_941, %lt3A_943 : i1
    %and3A_945 = arith.andi %ne3A_944, %ne3A_939 : i1
    %add3A_946 = arith.addi %rem3A_937, %select_n3A_936 : i32
    %select_n3A_947 = arith.select %and3A_945, %add3A_946, %rem3A_937 : i32
    %dma_start3A_948 = arith.constant 1 : i32
    %dma_start3A_949 = arith.constant 0 : i32
    %dma_start3A_950 = arith.constant 0 : i32
    %dma_start3A_951 = tpu.memref_slice %arg6[%dma_start3A_948, %dma_start3A_949, %dma_start3A_950] : memref<3x128x128xf32, #tpu.memory_space<vmem>> -> memref<1x128x128xf32, #tpu.memory_space<vmem>>
    %dma_start3A_952 = tpu.memref_squeeze %dma_start3A_951 : memref<1x128x128xf32, #tpu.memory_space<vmem>> -> memref<128x128xf32, #tpu.memory_space<vmem>>
    %dma_start3A_953 = arith.constant 0 : i32
    %dma_start3A_954 = arith.constant 0 : i32
    %dma_start3A_955 = tpu.memref_slice %arg5[%sub3A_891, %dma_start3A_953, %dma_start3A_954] : memref<3x8x128xi32, #tpu.memory_space<vmem>> -> memref<1x8x128xi32, #tpu.memory_space<vmem>>
    %dma_start3A_956 = tpu.memref_squeeze %dma_start3A_955 : memref<1x8x128xi32, #tpu.memory_space<vmem>> -> memref<8x128xi32, #tpu.memory_space<vmem>>
    %dma_start3A_957 = arith.constant 0 : i32
    %dma_start3A_958 = tpu.memref_slice %dma_start3A_956[%select_n3A_907, %dma_start3A_957] : memref<8x128xi32, #tpu.memory_space<vmem>> -> memref<1x128xi32, #tpu.memory_space<vmem>>
    %dma_start3A_959 = tpu.memref_squeeze %dma_start3A_958 : memref<1x128xi32, #tpu.memory_space<vmem>> -> memref<128xi32, #tpu.memory_space<vmem>>
    %dma_start3A_960 = arith.constant 0 : i32
    %dma_start3A_961 = arith.constant 0 : i32
    %dma_start3A_962 = tpu.memref_slice %arg2[%dma_start3A_960, %dma_start3A_961] : memref<1000x128xf32, #tpu.memory_space<hbm>> -> memref<1000x128xf32, #tpu.memory_space<hbm>>
    tpu.enqueue_indirect_dma source(%dma_start3A_962 : memref<1000x128xf32, #tpu.memory_space<hbm>>) target(%dma_start3A_952 : memref<128x128xf32, #tpu.memory_space<vmem>>) offsets(%dma_start3A_959 : memref<128xi32, #tpu.memory_space<vmem>>) semaphore(%arg8 : memref<!tpu.dma_semaphore, #tpu.memory_space<semaphore_mem>>)
    %add3A_963 = arith.constant 2 : i32
    %add3A_964 = arith.addi %add3A_4, %add3A_963 : i32
    %jit3A_965 = arith.constant 8 : i32
    %div3A_966 = arith.divsi %add3A_964, %jit3A_965 : i32
    %sign3A_967 = arith.constant 0 : i32
    %sign3A_968 = arith.cmpi sgt, %add3A_964, %sign3A_967 : i32
    %sign3A_969 = arith.extui %sign3A_968 : i1 to i32
    %sign3A_970 = arith.constant 0 : i32
    %sign3A_971 = arith.cmpi slt, %add3A_964, %sign3A_970 : i32
    %sign3A_972 = arith.extui %sign3A_971 : i1 to i32
    %sign3A_973 = arith.subi %sign3A_969, %sign3A_972 : i32
    %sign3A_974 = arith.constant 0 : i32
    %sign3A_975 = arith.cmpi sgt, %jit3A_965, %sign3A_974 : i32
    %sign3A_976 = arith.extui %sign3A_975 : i1 to i32
    %sign3A_977 = arith.constant 0 : i32
    %sign3A_978 = arith.cmpi slt, %jit3A_965, %sign3A_977 : i32
    %sign3A_979 = arith.extui %sign3A_978 : i1 to i32
    %sign3A_980 = arith.subi %sign3A_976, %sign3A_979 : i32
    %ne3A_981 = arith.cmpi ne, %sign3A_973, %sign3A_980 : i32
    %rem3A_982 = arith.remsi %add3A_964, %jit3A_965 : i32
    %ne3A_983 = arith.constant 0 : i32
    %ne3A_984 = arith.cmpi ne, %rem3A_982, %ne3A_983 : i32
    %and3A_985 = arith.andi %ne3A_981, %ne3A_984 : i1
    %sub3A_986 = arith.constant 1 : i32
    %sub3A_987 = arith.subi %div3A_966, %sub3A_986 : i32
    %select_n3A_988 = arith.select %and3A_985, %sub3A_987, %div3A_966 : i32
    %sub3A_989 = arith.subi %select_n3A_988, %min3A_22 : i32
    %jit3A_990 = arith.constant 8 : i32
    %eq3A_991 = arith.constant 0 : i32
    %eq3A_992 = arith.cmpi eq, %jit3A_990, %eq3A_991 : i32
    %jit3A_993 = arith.constant 1 : i32
    %select_n3A_994 = arith.select %eq3A_992, %jit3A_993, %jit3A_990 : i32
    %rem3A_995 = arith.remsi %add3A_964, %select_n3A_994 : i32
    %ne3A_996 = arith.constant 0 : i32
    %ne3A_997 = arith.cmpi ne, %rem3A_995, %ne3A_996 : i32
    %lt3A_998 = arith.constant 0 : i32
    %lt3A_999 = arith.cmpi slt, %rem3A_995, %lt3A_998 : i32
    %lt3A_1000 = arith.constant 0 : i32
    %lt3A_1001 = arith.cmpi slt, %select_n3A_994, %lt3A_1000 : i32
    %ne3A_1002 = arith.xori %lt3A_999, %lt3A_1001 : i1
    %and3A_1003 = arith.andi %ne3A_1002, %ne3A_997 : i1
    %add3A_1004 = arith.addi %rem3A_995, %select_n3A_994 : i32
    %select_n3A_1005 = arith.select %and3A_1003, %add3A_1004, %rem3A_995 : i32
    %jit3A_1006 = arith.constant 8 : i32
    %div3A_1007 = arith.divsi %add3A_964, %jit3A_1006 : i32
    %sign3A_1008 = arith.constant 0 : i32
    %sign3A_1009 = arith.cmpi sgt, %add3A_964, %sign3A_1008 : i32
    %sign3A_1010 = arith.extui %sign3A_1009 : i1 to i32
    %sign3A_1011 = arith.constant 0 : i32
    %sign3A_1012 = arith.cmpi slt, %add3A_964, %sign3A_1011 : i32
    %sign3A_1013 = arith.extui %sign3A_1012 : i1 to i32
    %sign3A_1014 = arith.subi %sign3A_1010, %sign3A_1013 : i32
    %sign3A_1015 = arith.constant 0 : i32
    %sign3A_1016 = arith.cmpi sgt, %jit3A_1006, %sign3A_1015 : i32
    %sign3A_1017 = arith.extui %sign3A_1016 : i1 to i32
    %sign3A_1018 = arith.constant 0 : i32
    %sign3A_1019 = arith.cmpi slt, %jit3A_1006, %sign3A_1018 : i32
    %sign3A_1020 = arith.extui %sign3A_1019 : i1 to i32
    %sign3A_1021 = arith.subi %sign3A_1017, %sign3A_1020 : i32
    %ne3A_1022 = arith.cmpi ne, %sign3A_1014, %sign3A_1021 : i32
    %rem3A_1023 = arith.remsi %add3A_964, %jit3A_1006 : i32
    %ne3A_1024 = arith.constant 0 : i32
    %ne3A_1025 = arith.cmpi ne, %rem3A_1023, %ne3A_1024 : i32
    %and3A_1026 = arith.andi %ne3A_1022, %ne3A_1025 : i1
    %sub3A_1027 = arith.constant 1 : i32
    %sub3A_1028 = arith.subi %div3A_1007, %sub3A_1027 : i32
    %select_n3A_1029 = arith.select %and3A_1026, %sub3A_1028, %div3A_1007 : i32
    %jit3A_1030 = arith.constant 8 : i32
    %eq3A_1031 = arith.constant 0 : i32
    %eq3A_1032 = arith.cmpi eq, %jit3A_1030, %eq3A_1031 : i32
    %jit3A_1033 = arith.constant 1 : i32
    %select_n3A_1034 = arith.select %eq3A_1032, %jit3A_1033, %jit3A_1030 : i32
    %rem3A_1035 = arith.remsi %add3A_964, %select_n3A_1034 : i32
    %ne3A_1036 = arith.constant 0 : i32
    %ne3A_1037 = arith.cmpi ne, %rem3A_1035, %ne3A_1036 : i32
    %lt3A_1038 = arith.constant 0 : i32
    %lt3A_1039 = arith.cmpi slt, %rem3A_1035, %lt3A_1038 : i32
    %lt3A_1040 = arith.constant 0 : i32
    %lt3A_1041 = arith.cmpi slt, %select_n3A_1034, %lt3A_1040 : i32
    %ne3A_1042 = arith.xori %lt3A_1039, %lt3A_1041 : i1
    %and3A_1043 = arith.andi %ne3A_1042, %ne3A_1037 : i1
    %add3A_1044 = arith.addi %rem3A_1035, %select_n3A_1034 : i32
    %select_n3A_1045 = arith.select %and3A_1043, %add3A_1044, %rem3A_1035 : i32
    %dma_wait3A_1046 = arith.constant 2 : i32
    %dma_wait3A_1047 = arith.constant 0 : i32
    %dma_wait3A_1048 = arith.constant 0 : i32
    %dma_wait3A_1049 = tpu.memref_slice %arg6[%dma_wait3A_1046, %dma_wait3A_1047, %dma_wait3A_1048] : memref<3x128x128xf32, #tpu.memory_space<vmem>> -> memref<1x128x128xf32, #tpu.memory_space<vmem>>
    %dma_wait3A_1050 = tpu.memref_squeeze %dma_wait3A_1049 : memref<1x128x128xf32, #tpu.memory_space<vmem>> -> memref<128x128xf32, #tpu.memory_space<vmem>>
    %dma_wait3A_1051 = arith.constant 0 : i32
    %dma_wait3A_1052 = arith.constant 0 : i32
    %dma_wait3A_1053 = tpu.memref_slice %arg5[%sub3A_989, %dma_wait3A_1051, %dma_wait3A_1052] : memref<3x8x128xi32, #tpu.memory_space<vmem>> -> memref<1x8x128xi32, #tpu.memory_space<vmem>>
    %dma_wait3A_1054 = tpu.memref_squeeze %dma_wait3A_1053 : memref<1x8x128xi32, #tpu.memory_space<vmem>> -> memref<8x128xi32, #tpu.memory_space<vmem>>
    %dma_wait3A_1055 = arith.constant 0 : i32
    %dma_wait3A_1056 = tpu.memref_slice %dma_wait3A_1054[%select_n3A_1005, %dma_wait3A_1055] : memref<8x128xi32, #tpu.memory_space<vmem>> -> memref<1x128xi32, #tpu.memory_space<vmem>>
    %dma_wait3A_1057 = tpu.memref_squeeze %dma_wait3A_1056 : memref<1x128xi32, #tpu.memory_space<vmem>> -> memref<128xi32, #tpu.memory_space<vmem>>
    %dma_wait3A_1058 = arith.constant 0 : i32
    %dma_wait3A_1059 = arith.constant 0 : i32
    %dma_wait3A_1060 = tpu.memref_slice %arg2[%dma_wait3A_1058, %dma_wait3A_1059] : memref<1000x128xf32, #tpu.memory_space<hbm>> -> memref<1000x128xf32, #tpu.memory_space<hbm>>
    tpu.wait_indirect_dma semaphore(%arg9 : memref<!tpu.dma_semaphore, #tpu.memory_space<semaphore_mem>>) src(%dma_wait3A_1060 : memref<1000x128xf32, #tpu.memory_space<hbm>>) dst(%dma_wait3A_1050 : memref<128x128xf32, #tpu.memory_space<vmem>>)
    %mul3A_1061 = arith.constant 128 : i32
    %mul3A_1062 = arith.muli %select_n3A_1045, %mul3A_1061 : i32
    %dma_start3A_1063 = arith.constant 2 : i32
    %dma_start3A_1064 = arith.constant 0 : i32
    %dma_start3A_1065 = arith.constant 0 : i32
    %dma_start3A_1066 = tpu.memref_slice %arg6[%dma_start3A_1063, %dma_start3A_1064, %dma_start3A_1065] : memref<3x128x128xf32, #tpu.memory_space<vmem>> -> memref<1x128x128xf32, #tpu.memory_space<vmem>>
    %dma_start3A_1067 = tpu.memref_squeeze %dma_start3A_1066 : memref<1x128x128xf32, #tpu.memory_space<vmem>> -> memref<128x128xf32, #tpu.memory_space<vmem>>
    %dma_start3A_1068 = arith.constant 0 : i32
    %dma_start3A_1069 = arith.constant 0 : i32
    %dma_start3A_1070 = tpu.memref_slice %arg4[%select_n3A_1029, %dma_start3A_1068, %dma_start3A_1069] : memref<38x1024x128xf32, #tpu.memory_space<hbm>> -> memref<1x1024x128xf32, #tpu.memory_space<hbm>>
    %dma_start3A_1071 = tpu.memref_squeeze %dma_start3A_1070 : memref<1x1024x128xf32, #tpu.memory_space<hbm>> -> memref<1024x128xf32, #tpu.memory_space<hbm>>
    %dma_start3A_1072 = arith.constant 0 : i32
    %dma_start3A_1073 = tpu.memref_slice %dma_start3A_1071[%mul3A_1062, %dma_start3A_1072] : memref<1024x128xf32, #tpu.memory_space<hbm>> -> memref<128x128xf32, #tpu.memory_space<hbm>>
    %dma_start3A_1074 = arith.constant 0 : i32
    %dma_start3A_1075 = arith.constant 0 : i32
    %dma_start3A_1076 = tpu.memref_slice %arg4[%select_n3A_1029, %dma_start3A_1074, %dma_start3A_1075] : memref<38x1024x128xf32, #tpu.memory_space<hbm>> -> memref<1x1024x128xf32, #tpu.memory_space<hbm>>
    %dma_start3A_1077 = tpu.memref_squeeze %dma_start3A_1076 : memref<1x1024x128xf32, #tpu.memory_space<hbm>> -> memref<1024x128xf32, #tpu.memory_space<hbm>>
    %dma_start3A_1078 = arith.constant 0 : i32
    %dma_start3A_1079 = tpu.memref_slice %dma_start3A_1077[%mul3A_1062, %dma_start3A_1078] : memref<1024x128xf32, #tpu.memory_space<hbm>> -> memref<128x128xf32, #tpu.memory_space<hbm>>
    %dma_start3A_1080 = arith.constant 0 : i32
    %dma_start3A_1081 = arith.constant 0 : i32
    %dma_start3A_1082 = tpu.memref_slice %arg6[%dma_start3A_1063, %dma_start3A_1080, %dma_start3A_1081] : memref<3x128x128xf32, #tpu.memory_space<vmem>> -> memref<1x128x128xf32, #tpu.memory_space<vmem>>
    %dma_start3A_1083 = tpu.memref_squeeze %dma_start3A_1082 : memref<1x128x128xf32, #tpu.memory_space<vmem>> -> memref<128x128xf32, #tpu.memory_space<vmem>>
    tpu.enqueue_dma source(%dma_start3A_1083 : memref<128x128xf32, #tpu.memory_space<vmem>>) target(%dma_start3A_1079 : memref<128x128xf32, #tpu.memory_space<hbm>>) target_semaphore(%arg12 : memref<!tpu.dma_semaphore, #tpu.memory_space<semaphore_mem>>)
    %add3A_1084 = arith.constant 2 : i32
    %add3A_1085 = arith.addi %add3A_4, %add3A_1084 : i32
    %jit3A_1086 = arith.constant 8 : i32
    %div3A_1087 = arith.divsi %add3A_1085, %jit3A_1086 : i32
    %sign3A_1088 = arith.constant 0 : i32
    %sign3A_1089 = arith.cmpi sgt, %add3A_1085, %sign3A_1088 : i32
    %sign3A_1090 = arith.extui %sign3A_1089 : i1 to i32
    %sign3A_1091 = arith.constant 0 : i32
    %sign3A_1092 = arith.cmpi slt, %add3A_1085, %sign3A_1091 : i32
    %sign3A_1093 = arith.extui %sign3A_1092 : i1 to i32
    %sign3A_1094 = arith.subi %sign3A_1090, %sign3A_1093 : i32
    %sign3A_1095 = arith.constant 0 : i32
    %sign3A_1096 = arith.cmpi sgt, %jit3A_1086, %sign3A_1095 : i32
    %sign3A_1097 = arith.extui %sign3A_1096 : i1 to i32
    %sign3A_1098 = arith.constant 0 : i32
    %sign3A_1099 = arith.cmpi slt, %jit3A_1086, %sign3A_1098 : i32
    %sign3A_1100 = arith.extui %sign3A_1099 : i1 to i32
    %sign3A_1101 = arith.subi %sign3A_1097, %sign3A_1100 : i32
    %ne3A_1102 = arith.cmpi ne, %sign3A_1094, %sign3A_1101 : i32
    %rem3A_1103 = arith.remsi %add3A_1085, %jit3A_1086 : i32
    %ne3A_1104 = arith.constant 0 : i32
    %ne3A_1105 = arith.cmpi ne, %rem3A_1103, %ne3A_1104 : i32
    %and3A_1106 = arith.andi %ne3A_1102, %ne3A_1105 : i1
    %sub3A_1107 = arith.constant 1 : i32
    %sub3A_1108 = arith.subi %div3A_1087, %sub3A_1107 : i32
    %select_n3A_1109 = arith.select %and3A_1106, %sub3A_1108, %div3A_1087 : i32
    %sub3A_1110 = arith.subi %select_n3A_1109, %min3A_22 : i32
    %jit3A_1111 = arith.constant 8 : i32
    %eq3A_1112 = arith.constant 0 : i32
    %eq3A_1113 = arith.cmpi eq, %jit3A_1111, %eq3A_1112 : i32
    %jit3A_1114 = arith.constant 1 : i32
    %select_n3A_1115 = arith.select %eq3A_1113, %jit3A_1114, %jit3A_1111 : i32
    %rem3A_1116 = arith.remsi %add3A_1085, %select_n3A_1115 : i32
    %ne3A_1117 = arith.constant 0 : i32
    %ne3A_1118 = arith.cmpi ne, %rem3A_1116, %ne3A_1117 : i32
    %lt3A_1119 = arith.constant 0 : i32
    %lt3A_1120 = arith.cmpi slt, %rem3A_1116, %lt3A_1119 : i32
    %lt3A_1121 = arith.constant 0 : i32
    %lt3A_1122 = arith.cmpi slt, %select_n3A_1115, %lt3A_1121 : i32
    %ne3A_1123 = arith.xori %lt3A_1120, %lt3A_1122 : i1
    %and3A_1124 = arith.andi %ne3A_1123, %ne3A_1118 : i1
    %add3A_1125 = arith.addi %rem3A_1116, %select_n3A_1115 : i32
    %select_n3A_1126 = arith.select %and3A_1124, %add3A_1125, %rem3A_1116 : i32
    %jit3A_1127 = arith.constant 8 : i32
    %div3A_1128 = arith.divsi %add3A_1085, %jit3A_1127 : i32
    %sign3A_1129 = arith.constant 0 : i32
    %sign3A_1130 = arith.cmpi sgt, %add3A_1085, %sign3A_1129 : i32
    %sign3A_1131 = arith.extui %sign3A_1130 : i1 to i32
    %sign3A_1132 = arith.constant 0 : i32
    %sign3A_1133 = arith.cmpi slt, %add3A_1085, %sign3A_1132 : i32
    %sign3A_1134 = arith.extui %sign3A_1133 : i1 to i32
    %sign3A_1135 = arith.subi %sign3A_1131, %sign3A_1134 : i32
    %sign3A_1136 = arith.constant 0 : i32
    %sign3A_1137 = arith.cmpi sgt, %jit3A_1127, %sign3A_1136 : i32
    %sign3A_1138 = arith.extui %sign3A_1137 : i1 to i32
    %sign3A_1139 = arith.constant 0 : i32
    %sign3A_1140 = arith.cmpi slt, %jit3A_1127, %sign3A_1139 : i32
    %sign3A_1141 = arith.extui %sign3A_1140 : i1 to i32
    %sign3A_1142 = arith.subi %sign3A_1138, %sign3A_1141 : i32
    %ne3A_1143 = arith.cmpi ne, %sign3A_1135, %sign3A_1142 : i32
    %rem3A_1144 = arith.remsi %add3A_1085, %jit3A_1127 : i32
    %ne3A_1145 = arith.constant 0 : i32
    %ne3A_1146 = arith.cmpi ne, %rem3A_1144, %ne3A_1145 : i32
    %and3A_1147 = arith.andi %ne3A_1143, %ne3A_1146 : i1
    %sub3A_1148 = arith.constant 1 : i32
    %sub3A_1149 = arith.subi %div3A_1128, %sub3A_1148 : i32
    %select_n3A_1150 = arith.select %and3A_1147, %sub3A_1149, %div3A_1128 : i32
    %jit3A_1151 = arith.constant 8 : i32
    %eq3A_1152 = arith.constant 0 : i32
    %eq3A_1153 = arith.cmpi eq, %jit3A_1151, %eq3A_1152 : i32
    %jit3A_1154 = arith.constant 1 : i32
    %select_n3A_1155 = arith.select %eq3A_1153, %jit3A_1154, %jit3A_1151 : i32
    %rem3A_1156 = arith.remsi %add3A_1085, %select_n3A_1155 : i32
    %ne3A_1157 = arith.constant 0 : i32
    %ne3A_1158 = arith.cmpi ne, %rem3A_1156, %ne3A_1157 : i32
    %lt3A_1159 = arith.constant 0 : i32
    %lt3A_1160 = arith.cmpi slt, %rem3A_1156, %lt3A_1159 : i32
    %lt3A_1161 = arith.constant 0 : i32
    %lt3A_1162 = arith.cmpi slt, %select_n3A_1155, %lt3A_1161 : i32
    %ne3A_1163 = arith.xori %lt3A_1160, %lt3A_1162 : i1
    %and3A_1164 = arith.andi %ne3A_1163, %ne3A_1158 : i1
    %add3A_1165 = arith.addi %rem3A_1156, %select_n3A_1155 : i32
    %select_n3A_1166 = arith.select %and3A_1164, %add3A_1165, %rem3A_1156 : i32
    %mul3A_1167 = arith.constant 128 : i32
    %mul3A_1168 = arith.muli %select_n3A_1166, %mul3A_1167 : i32
    %dma_wait3A_1169 = arith.constant 2 : i32
    %dma_wait3A_1170 = arith.constant 0 : i32
    %dma_wait3A_1171 = arith.constant 0 : i32
    %dma_wait3A_1172 = tpu.memref_slice %arg6[%dma_wait3A_1169, %dma_wait3A_1170, %dma_wait3A_1171] : memref<3x128x128xf32, #tpu.memory_space<vmem>> -> memref<1x128x128xf32, #tpu.memory_space<vmem>>
    %dma_wait3A_1173 = tpu.memref_squeeze %dma_wait3A_1172 : memref<1x128x128xf32, #tpu.memory_space<vmem>> -> memref<128x128xf32, #tpu.memory_space<vmem>>
    %dma_wait3A_1174 = arith.constant 0 : i32
    %dma_wait3A_1175 = arith.constant 0 : i32
    %dma_wait3A_1176 = tpu.memref_slice %arg4[%select_n3A_1150, %dma_wait3A_1174, %dma_wait3A_1175] : memref<38x1024x128xf32, #tpu.memory_space<hbm>> -> memref<1x1024x128xf32, #tpu.memory_space<hbm>>
    %dma_wait3A_1177 = tpu.memref_squeeze %dma_wait3A_1176 : memref<1x1024x128xf32, #tpu.memory_space<hbm>> -> memref<1024x128xf32, #tpu.memory_space<hbm>>
    %dma_wait3A_1178 = arith.constant 0 : i32
    %dma_wait3A_1179 = tpu.memref_slice %dma_wait3A_1177[%mul3A_1168, %dma_wait3A_1178] : memref<1024x128xf32, #tpu.memory_space<hbm>> -> memref<128x128xf32, #tpu.memory_space<hbm>>
    %dma_wait3A_1180 = arith.constant 0 : i32
    %dma_wait3A_1181 = arith.constant 0 : i32
    %dma_wait3A_1182 = tpu.memref_slice %arg4[%select_n3A_1150, %dma_wait3A_1180, %dma_wait3A_1181] : memref<38x1024x128xf32, #tpu.memory_space<hbm>> -> memref<1x1024x128xf32, #tpu.memory_space<hbm>>
    %dma_wait3A_1183 = tpu.memref_squeeze %dma_wait3A_1182 : memref<1x1024x128xf32, #tpu.memory_space<hbm>> -> memref<1024x128xf32, #tpu.memory_space<hbm>>
    %dma_wait3A_1184 = arith.constant 0 : i32
    %dma_wait3A_1185 = tpu.memref_slice %dma_wait3A_1183[%mul3A_1168, %dma_wait3A_1184] : memref<1024x128xf32, #tpu.memory_space<hbm>> -> memref<128x128xf32, #tpu.memory_space<hbm>>
    %dma_wait3A_1186 = arith.constant 0 : i32
    %dma_wait3A_1187 = arith.constant 0 : i32
    %dma_wait3A_1188 = tpu.memref_slice %arg6[%dma_wait3A_1169, %dma_wait3A_1186, %dma_wait3A_1187] : memref<3x128x128xf32, #tpu.memory_space<vmem>> -> memref<1x128x128xf32, #tpu.memory_space<vmem>>
    %dma_wait3A_1189 = tpu.memref_squeeze %dma_wait3A_1188 : memref<1x128x128xf32, #tpu.memory_space<vmem>> -> memref<128x128xf32, #tpu.memory_space<vmem>>
    tpu.wait_dma2 semaphore(%arg12 : memref<!tpu.dma_semaphore, #tpu.memory_space<semaphore_mem>>) src(%dma_wait3A_1189 : memref<128x128xf32, #tpu.memory_space<vmem>>) dst(%dma_wait3A_1185 : memref<128x128xf32, #tpu.memory_space<hbm>>)
    %add3A_1190 = arith.constant 5 : i32
    %add3A_1191 = arith.addi %add3A_4, %add3A_1190 : i32
    %jit3A_1192 = arith.constant 8 : i32
    %div3A_1193 = arith.divsi %add3A_1191, %jit3A_1192 : i32
    %sign3A_1194 = arith.constant 0 : i32
    %sign3A_1195 = arith.cmpi sgt, %add3A_1191, %sign3A_1194 : i32
    %sign3A_1196 = arith.extui %sign3A_1195 : i1 to i32
    %sign3A_1197 = arith.constant 0 : i32
    %sign3A_1198 = arith.cmpi slt, %add3A_1191, %sign3A_1197 : i32
    %sign3A_1199 = arith.extui %sign3A_1198 : i1 to i32
    %sign3A_1200 = arith.subi %sign3A_1196, %sign3A_1199 : i32
    %sign3A_1201 = arith.constant 0 : i32
    %sign3A_1202 = arith.cmpi sgt, %jit3A_1192, %sign3A_1201 : i32
    %sign3A_1203 = arith.extui %sign3A_1202 : i1 to i32
    %sign3A_1204 = arith.constant 0 : i32
    %sign3A_1205 = arith.cmpi slt, %jit3A_1192, %sign3A_1204 : i32
    %sign3A_1206 = arith.extui %sign3A_1205 : i1 to i32
    %sign3A_1207 = arith.subi %sign3A_1203, %sign3A_1206 : i32
    %ne3A_1208 = arith.cmpi ne, %sign3A_1200, %sign3A_1207 : i32
    %rem3A_1209 = arith.remsi %add3A_1191, %jit3A_1192 : i32
    %ne3A_1210 = arith.constant 0 : i32
    %ne3A_1211 = arith.cmpi ne, %rem3A_1209, %ne3A_1210 : i32
    %and3A_1212 = arith.andi %ne3A_1208, %ne3A_1211 : i1
    %sub3A_1213 = arith.constant 1 : i32
    %sub3A_1214 = arith.subi %div3A_1193, %sub3A_1213 : i32
    %select_n3A_1215 = arith.select %and3A_1212, %sub3A_1214, %div3A_1193 : i32
    %sub3A_1216 = arith.subi %select_n3A_1215, %min3A_22 : i32
    %jit3A_1217 = arith.constant 8 : i32
    %eq3A_1218 = arith.constant 0 : i32
    %eq3A_1219 = arith.cmpi eq, %jit3A_1217, %eq3A_1218 : i32
    %jit3A_1220 = arith.constant 1 : i32
    %select_n3A_1221 = arith.select %eq3A_1219, %jit3A_1220, %jit3A_1217 : i32
    %rem3A_1222 = arith.remsi %add3A_1191, %select_n3A_1221 : i32
    %ne3A_1223 = arith.constant 0 : i32
    %ne3A_1224 = arith.cmpi ne, %rem3A_1222, %ne3A_1223 : i32
    %lt3A_1225 = arith.constant 0 : i32
    %lt3A_1226 = arith.cmpi slt, %rem3A_1222, %lt3A_1225 : i32
    %lt3A_1227 = arith.constant 0 : i32
    %lt3A_1228 = arith.cmpi slt, %select_n3A_1221, %lt3A_1227 : i32
    %ne3A_1229 = arith.xori %lt3A_1226, %lt3A_1228 : i1
    %and3A_1230 = arith.andi %ne3A_1229, %ne3A_1224 : i1
    %add3A_1231 = arith.addi %rem3A_1222, %select_n3A_1221 : i32
    %select_n3A_1232 = arith.select %and3A_1230, %add3A_1231, %rem3A_1222 : i32
    %jit3A_1233 = arith.constant 8 : i32
    %div3A_1234 = arith.divsi %add3A_1191, %jit3A_1233 : i32
    %sign3A_1235 = arith.constant 0 : i32
    %sign3A_1236 = arith.cmpi sgt, %add3A_1191, %sign3A_1235 : i32
    %sign3A_1237 = arith.extui %sign3A_1236 : i1 to i32
    %sign3A_1238 = arith.constant 0 : i32
    %sign3A_1239 = arith.cmpi slt, %add3A_1191, %sign3A_1238 : i32
    %sign3A_1240 = arith.extui %sign3A_1239 : i1 to i32
    %sign3A_1241 = arith.subi %sign3A_1237, %sign3A_1240 : i32
    %sign3A_1242 = arith.constant 0 : i32
    %sign3A_1243 = arith.cmpi sgt, %jit3A_1233, %sign3A_1242 : i32
    %sign3A_1244 = arith.extui %sign3A_1243 : i1 to i32
    %sign3A_1245 = arith.constant 0 : i32
    %sign3A_1246 = arith.cmpi slt, %jit3A_1233, %sign3A_1245 : i32
    %sign3A_1247 = arith.extui %sign3A_1246 : i1 to i32
    %sign3A_1248 = arith.subi %sign3A_1244, %sign3A_1247 : i32
    %ne3A_1249 = arith.cmpi ne, %sign3A_1241, %sign3A_1248 : i32
    %rem3A_1250 = arith.remsi %add3A_1191, %jit3A_1233 : i32
    %ne3A_1251 = arith.constant 0 : i32
    %ne3A_1252 = arith.cmpi ne, %rem3A_1250, %ne3A_1251 : i32
    %and3A_1253 = arith.andi %ne3A_1249, %ne3A_1252 : i1
    %sub3A_1254 = arith.constant 1 : i32
    %sub3A_1255 = arith.subi %div3A_1234, %sub3A_1254 : i32
    %select_n3A_1256 = arith.select %and3A_1253, %sub3A_1255, %div3A_1234 : i32
    %jit3A_1257 = arith.constant 8 : i32
    %eq3A_1258 = arith.constant 0 : i32
    %eq3A_1259 = arith.cmpi eq, %jit3A_1257, %eq3A_1258 : i32
    %jit3A_1260 = arith.constant 1 : i32
    %select_n3A_1261 = arith.select %eq3A_1259, %jit3A_1260, %jit3A_1257 : i32
    %rem3A_1262 = arith.remsi %add3A_1191, %select_n3A_1261 : i32
    %ne3A_1263 = arith.constant 0 : i32
    %ne3A_1264 = arith.cmpi ne, %rem3A_1262, %ne3A_1263 : i32
    %lt3A_1265 = arith.constant 0 : i32
    %lt3A_1266 = arith.cmpi slt, %rem3A_1262, %lt3A_1265 : i32
    %lt3A_1267 = arith.constant 0 : i32
    %lt3A_1268 = arith.cmpi slt, %select_n3A_1261, %lt3A_1267 : i32
    %ne3A_1269 = arith.xori %lt3A_1266, %lt3A_1268 : i1
    %and3A_1270 = arith.andi %ne3A_1269, %ne3A_1264 : i1
    %add3A_1271 = arith.addi %rem3A_1262, %select_n3A_1261 : i32
    %select_n3A_1272 = arith.select %and3A_1270, %add3A_1271, %rem3A_1262 : i32
    %dma_start3A_1273 = arith.constant 2 : i32
    %dma_start3A_1274 = arith.constant 0 : i32
    %dma_start3A_1275 = arith.constant 0 : i32
    %dma_start3A_1276 = tpu.memref_slice %arg6[%dma_start3A_1273, %dma_start3A_1274, %dma_start3A_1275] : memref<3x128x128xf32, #tpu.memory_space<vmem>> -> memref<1x128x128xf32, #tpu.memory_space<vmem>>
    %dma_start3A_1277 = tpu.memref_squeeze %dma_start3A_1276 : memref<1x128x128xf32, #tpu.memory_space<vmem>> -> memref<128x128xf32, #tpu.memory_space<vmem>>
    %dma_start3A_1278 = arith.constant 0 : i32
    %dma_start3A_1279 = arith.constant 0 : i32
    %dma_start3A_1280 = tpu.memref_slice %arg5[%sub3A_1216, %dma_start3A_1278, %dma_start3A_1279] : memref<3x8x128xi32, #tpu.memory_space<vmem>> -> memref<1x8x128xi32, #tpu.memory_space<vmem>>
    %dma_start3A_1281 = tpu.memref_squeeze %dma_start3A_1280 : memref<1x8x128xi32, #tpu.memory_space<vmem>> -> memref<8x128xi32, #tpu.memory_space<vmem>>
    %dma_start3A_1282 = arith.constant 0 : i32
    %dma_start3A_1283 = tpu.memref_slice %dma_start3A_1281[%select_n3A_1232, %dma_start3A_1282] : memref<8x128xi32, #tpu.memory_space<vmem>> -> memref<1x128xi32, #tpu.memory_space<vmem>>
    %dma_start3A_1284 = tpu.memref_squeeze %dma_start3A_1283 : memref<1x128xi32, #tpu.memory_space<vmem>> -> memref<128xi32, #tpu.memory_space<vmem>>
    %dma_start3A_1285 = arith.constant 0 : i32
    %dma_start3A_1286 = arith.constant 0 : i32
    %dma_start3A_1287 = tpu.memref_slice %arg2[%dma_start3A_1285, %dma_start3A_1286] : memref<1000x128xf32, #tpu.memory_space<hbm>> -> memref<1000x128xf32, #tpu.memory_space<hbm>>
    tpu.enqueue_indirect_dma source(%dma_start3A_1287 : memref<1000x128xf32, #tpu.memory_space<hbm>>) target(%dma_start3A_1277 : memref<128x128xf32, #tpu.memory_space<vmem>>) offsets(%dma_start3A_1284 : memref<128xi32, #tpu.memory_space<vmem>>) semaphore(%arg9 : memref<!tpu.dma_semaphore, #tpu.memory_space<semaphore_mem>>)
    %add3A_1288 = arith.constant 3 : i32
    %add3A_1289 = arith.addi %add3A_4, %add3A_1288 : i32
    %jit3A_1290 = arith.constant 8 : i32
    %div3A_1291 = arith.divsi %add3A_1289, %jit3A_1290 : i32
    %sign3A_1292 = arith.constant 0 : i32
    %sign3A_1293 = arith.cmpi sgt, %add3A_1289, %sign3A_1292 : i32
    %sign3A_1294 = arith.extui %sign3A_1293 : i1 to i32
    %sign3A_1295 = arith.constant 0 : i32
    %sign3A_1296 = arith.cmpi slt, %add3A_1289, %sign3A_1295 : i32
    %sign3A_1297 = arith.extui %sign3A_1296 : i1 to i32
    %sign3A_1298 = arith.subi %sign3A_1294, %sign3A_1297 : i32
    %sign3A_1299 = arith.constant 0 : i32
    %sign3A_1300 = arith.cmpi sgt, %jit3A_1290, %sign3A_1299 : i32
    %sign3A_1301 = arith.extui %sign3A_1300 : i1 to i32
    %sign3A_1302 = arith.constant 0 : i32
    %sign3A_1303 = arith.cmpi slt, %jit3A_1290, %sign3A_1302 : i32
    %sign3A_1304 = arith.extui %sign3A_1303 : i1 to i32
    %sign3A_1305 = arith.subi %sign3A_1301, %sign3A_1304 : i32
    %ne3A_1306 = arith.cmpi ne, %sign3A_1298, %sign3A_1305 : i32
    %rem3A_1307 = arith.remsi %add3A_1289, %jit3A_1290 : i32
    %ne3A_1308 = arith.constant 0 : i32
    %ne3A_1309 = arith.cmpi ne, %rem3A_1307, %ne3A_1308 : i32
    %and3A_1310 = arith.andi %ne3A_1306, %ne3A_1309 : i1
    %sub3A_1311 = arith.constant 1 : i32
    %sub3A_1312 = arith.subi %div3A_1291, %sub3A_1311 : i32
    %select_n3A_1313 = arith.select %and3A_1310, %sub3A_1312, %div3A_1291 : i32
    %sub3A_1314 = arith.subi %select_n3A_1313, %min3A_22 : i32
    %jit3A_1315 = arith.constant 8 : i32
    %eq3A_1316 = arith.constant 0 : i32
    %eq3A_1317 = arith.cmpi eq, %jit3A_1315, %eq3A_1316 : i32
    %jit3A_1318 = arith.constant 1 : i32
    %select_n3A_1319 = arith.select %eq3A_1317, %jit3A_1318, %jit3A_1315 : i32
    %rem3A_1320 = arith.remsi %add3A_1289, %select_n3A_1319 : i32
    %ne3A_1321 = arith.constant 0 : i32
    %ne3A_1322 = arith.cmpi ne, %rem3A_1320, %ne3A_1321 : i32
    %lt3A_1323 = arith.constant 0 : i32
    %lt3A_1324 = arith.cmpi slt, %rem3A_1320, %lt3A_1323 : i32
    %lt3A_1325 = arith.constant 0 : i32
    %lt3A_1326 = arith.cmpi slt, %select_n3A_1319, %lt3A_1325 : i32
    %ne3A_1327 = arith.xori %lt3A_1324, %lt3A_1326 : i1
    %and3A_1328 = arith.andi %ne3A_1327, %ne3A_1322 : i1
    %add3A_1329 = arith.addi %rem3A_1320, %select_n3A_1319 : i32
    %select_n3A_1330 = arith.select %and3A_1328, %add3A_1329, %rem3A_1320 : i32
    %jit3A_1331 = arith.constant 8 : i32
    %div3A_1332 = arith.divsi %add3A_1289, %jit3A_1331 : i32
    %sign3A_1333 = arith.constant 0 : i32
    %sign3A_1334 = arith.cmpi sgt, %add3A_1289, %sign3A_1333 : i32
    %sign3A_1335 = arith.extui %sign3A_1334 : i1 to i32
    %sign3A_1336 = arith.constant 0 : i32
    %sign3A_1337 = arith.cmpi slt, %add3A_1289, %sign3A_1336 : i32
    %sign3A_1338 = arith.extui %sign3A_1337 : i1 to i32
    %sign3A_1339 = arith.subi %sign3A_1335, %sign3A_1338 : i32
    %sign3A_1340 = arith.constant 0 : i32
    %sign3A_1341 = arith.cmpi sgt, %jit3A_1331, %sign3A_1340 : i32
    %sign3A_1342 = arith.extui %sign3A_1341 : i1 to i32
    %sign3A_1343 = arith.constant 0 : i32
    %sign3A_1344 = arith.cmpi slt, %jit3A_1331, %sign3A_1343 : i32
    %sign3A_1345 = arith.extui %sign3A_1344 : i1 to i32
    %sign3A_1346 = arith.subi %sign3A_1342, %sign3A_1345 : i32
    %ne3A_1347 = arith.cmpi ne, %sign3A_1339, %sign3A_1346 : i32
    %rem3A_1348 = arith.remsi %add3A_1289, %jit3A_1331 : i32
    %ne3A_1349 = arith.constant 0 : i32
    %ne3A_1350 = arith.cmpi ne, %rem3A_1348, %ne3A_1349 : i32
    %and3A_1351 = arith.andi %ne3A_1347, %ne3A_1350 : i1
    %sub3A_1352 = arith.constant 1 : i32
    %sub3A_1353 = arith.subi %div3A_1332, %sub3A_1352 : i32
    %select_n3A_1354 = arith.select %and3A_1351, %sub3A_1353, %div3A_1332 : i32
    %jit3A_1355 = arith.constant 8 : i32
    %eq3A_1356 = arith.constant 0 : i32
    %eq3A_1357 = arith.cmpi eq, %jit3A_1355, %eq3A_1356 : i32
    %jit3A_1358 = arith.constant 1 : i32
    %select_n3A_1359 = arith.select %eq3A_1357, %jit3A_1358, %jit3A_1355 : i32
    %rem3A_1360 = arith.remsi %add3A_1289, %select_n3A_1359 : i32
    %ne3A_1361 = arith.constant 0 : i32
    %ne3A_1362 = arith.cmpi ne, %rem3A_1360, %ne3A_1361 : i32
    %lt3A_1363 = arith.constant 0 : i32
    %lt3A_1364 = arith.cmpi slt, %rem3A_1360, %lt3A_1363 : i32
    %lt3A_1365 = arith.constant 0 : i32
    %lt3A_1366 = arith.cmpi slt, %select_n3A_1359, %lt3A_1365 : i32
    %ne3A_1367 = arith.xori %lt3A_1364, %lt3A_1366 : i1
    %and3A_1368 = arith.andi %ne3A_1367, %ne3A_1362 : i1
    %add3A_1369 = arith.addi %rem3A_1360, %select_n3A_1359 : i32
    %select_n3A_1370 = arith.select %and3A_1368, %add3A_1369, %rem3A_1360 : i32
    %dma_wait3A_1371 = arith.constant 0 : i32
    %dma_wait3A_1372 = arith.constant 0 : i32
    %dma_wait3A_1373 = arith.constant 0 : i32
    %dma_wait3A_1374 = tpu.memref_slice %arg6[%dma_wait3A_1371, %dma_wait3A_1372, %dma_wait3A_1373] : memref<3x128x128xf32, #tpu.memory_space<vmem>> -> memref<1x128x128xf32, #tpu.memory_space<vmem>>
    %dma_wait3A_1375 = tpu.memref_squeeze %dma_wait3A_1374 : memref<1x128x128xf32, #tpu.memory_space<vmem>> -> memref<128x128xf32, #tpu.memory_space<vmem>>
    %dma_wait3A_1376 = arith.constant 0 : i32
    %dma_wait3A_1377 = arith.constant 0 : i32
    %dma_wait3A_1378 = tpu.memref_slice %arg5[%sub3A_1314, %dma_wait3A_1376, %dma_wait3A_1377] : memref<3x8x128xi32, #tpu.memory_space<vmem>> -> memref<1x8x128xi32, #tpu.memory_space<vmem>>
    %dma_wait3A_1379 = tpu.memref_squeeze %dma_wait3A_1378 : memref<1x8x128xi32, #tpu.memory_space<vmem>> -> memref<8x128xi32, #tpu.memory_space<vmem>>
    %dma_wait3A_1380 = arith.constant 0 : i32
    %dma_wait3A_1381 = tpu.memref_slice %dma_wait3A_1379[%select_n3A_1330, %dma_wait3A_1380] : memref<8x128xi32, #tpu.memory_space<vmem>> -> memref<1x128xi32, #tpu.memory_space<vmem>>
    %dma_wait3A_1382 = tpu.memref_squeeze %dma_wait3A_1381 : memref<1x128xi32, #tpu.memory_space<vmem>> -> memref<128xi32, #tpu.memory_space<vmem>>
    %dma_wait3A_1383 = arith.constant 0 : i32
    %dma_wait3A_1384 = arith.constant 0 : i32
    %dma_wait3A_1385 = tpu.memref_slice %arg2[%dma_wait3A_1383, %dma_wait3A_1384] : memref<1000x128xf32, #tpu.memory_space<hbm>> -> memref<1000x128xf32, #tpu.memory_space<hbm>>
    tpu.wait_indirect_dma semaphore(%arg7 : memref<!tpu.dma_semaphore, #tpu.memory_space<semaphore_mem>>) src(%dma_wait3A_1385 : memref<1000x128xf32, #tpu.memory_space<hbm>>) dst(%dma_wait3A_1375 : memref<128x128xf32, #tpu.memory_space<vmem>>)
    %mul3A_1386 = arith.constant 128 : i32
    %mul3A_1387 = arith.muli %select_n3A_1370, %mul3A_1386 : i32
    %dma_start3A_1388 = arith.constant 0 : i32
    %dma_start3A_1389 = arith.constant 0 : i32
    %dma_start3A_1390 = arith.constant 0 : i32
    %dma_start3A_1391 = tpu.memref_slice %arg6[%dma_start3A_1388, %dma_start3A_1389, %dma_start3A_1390] : memref<3x128x128xf32, #tpu.memory_space<vmem>> -> memref<1x128x128xf32, #tpu.memory_space<vmem>>
    %dma_start3A_1392 = tpu.memref_squeeze %dma_start3A_1391 : memref<1x128x128xf32, #tpu.memory_space<vmem>> -> memref<128x128xf32, #tpu.memory_space<vmem>>
    %dma_start3A_1393 = arith.constant 0 : i32
    %dma_start3A_1394 = arith.constant 0 : i32
    %dma_start3A_1395 = tpu.memref_slice %arg4[%select_n3A_1354, %dma_start3A_1393, %dma_start3A_1394] : memref<38x1024x128xf32, #tpu.memory_space<hbm>> -> memref<1x1024x128xf32, #tpu.memory_space<hbm>>
    %dma_start3A_1396 = tpu.memref_squeeze %dma_start3A_1395 : memref<1x1024x128xf32, #tpu.memory_space<hbm>> -> memref<1024x128xf32, #tpu.memory_space<hbm>>
    %dma_start3A_1397 = arith.constant 0 : i32
    %dma_start3A_1398 = tpu.memref_slice %dma_start3A_1396[%mul3A_1387, %dma_start3A_1397] : memref<1024x128xf32, #tpu.memory_space<hbm>> -> memref<128x128xf32, #tpu.memory_space<hbm>>
    %dma_start3A_1399 = arith.constant 0 : i32
    %dma_start3A_1400 = arith.constant 0 : i32
    %dma_start3A_1401 = tpu.memref_slice %arg4[%select_n3A_1354, %dma_start3A_1399, %dma_start3A_1400] : memref<38x1024x128xf32, #tpu.memory_space<hbm>> -> memref<1x1024x128xf32, #tpu.memory_space<hbm>>
    %dma_start3A_1402 = tpu.memref_squeeze %dma_start3A_1401 : memref<1x1024x128xf32, #tpu.memory_space<hbm>> -> memref<1024x128xf32, #tpu.memory_space<hbm>>
    %dma_start3A_1403 = arith.constant 0 : i32
    %dma_start3A_1404 = tpu.memref_slice %dma_start3A_1402[%mul3A_1387, %dma_start3A_1403] : memref<1024x128xf32, #tpu.memory_space<hbm>> -> memref<128x128xf32, #tpu.memory_space<hbm>>
    %dma_start3A_1405 = arith.constant 0 : i32
    %dma_start3A_1406 = arith.constant 0 : i32
    %dma_start3A_1407 = tpu.memref_slice %arg6[%dma_start3A_1388, %dma_start3A_1405, %dma_start3A_1406] : memref<3x128x128xf32, #tpu.memory_space<vmem>> -> memref<1x128x128xf32, #tpu.memory_space<vmem>>
    %dma_start3A_1408 = tpu.memref_squeeze %dma_start3A_1407 : memref<1x128x128xf32, #tpu.memory_space<vmem>> -> memref<128x128xf32, #tpu.memory_space<vmem>>
    tpu.enqueue_dma source(%dma_start3A_1408 : memref<128x128xf32, #tpu.memory_space<vmem>>) target(%dma_start3A_1404 : memref<128x128xf32, #tpu.memory_space<hbm>>) target_semaphore(%arg10 : memref<!tpu.dma_semaphore, #tpu.memory_space<semaphore_mem>>)
    %add3A_1409 = arith.constant 3 : i32
    %add3A_1410 = arith.addi %add3A_4, %add3A_1409 : i32
    %jit3A_1411 = arith.constant 8 : i32
    %div3A_1412 = arith.divsi %add3A_1410, %jit3A_1411 : i32
    %sign3A_1413 = arith.constant 0 : i32
    %sign3A_1414 = arith.cmpi sgt, %add3A_1410, %sign3A_1413 : i32
    %sign3A_1415 = arith.extui %sign3A_1414 : i1 to i32
    %sign3A_1416 = arith.constant 0 : i32
    %sign3A_1417 = arith.cmpi slt, %add3A_1410, %sign3A_1416 : i32
    %sign3A_1418 = arith.extui %sign3A_1417 : i1 to i32
    %sign3A_1419 = arith.subi %sign3A_1415, %sign3A_1418 : i32
    %sign3A_1420 = arith.constant 0 : i32
    %sign3A_1421 = arith.cmpi sgt, %jit3A_1411, %sign3A_1420 : i32
    %sign3A_1422 = arith.extui %sign3A_1421 : i1 to i32
    %sign3A_1423 = arith.constant 0 : i32
    %sign3A_1424 = arith.cmpi slt, %jit3A_1411, %sign3A_1423 : i32
    %sign3A_1425 = arith.extui %sign3A_1424 : i1 to i32
    %sign3A_1426 = arith.subi %sign3A_1422, %sign3A_1425 : i32
    %ne3A_1427 = arith.cmpi ne, %sign3A_1419, %sign3A_1426 : i32
    %rem3A_1428 = arith.remsi %add3A_1410, %jit3A_1411 : i32
    %ne3A_1429 = arith.constant 0 : i32
    %ne3A_1430 = arith.cmpi ne, %rem3A_1428, %ne3A_1429 : i32
    %and3A_1431 = arith.andi %ne3A_1427, %ne3A_1430 : i1
    %sub3A_1432 = arith.constant 1 : i32
    %sub3A_1433 = arith.subi %div3A_1412, %sub3A_1432 : i32
    %select_n3A_1434 = arith.select %and3A_1431, %sub3A_1433, %div3A_1412 : i32
    %sub3A_1435 = arith.subi %select_n3A_1434, %min3A_22 : i32
    %jit3A_1436 = arith.constant 8 : i32
    %eq3A_1437 = arith.constant 0 : i32
    %eq3A_1438 = arith.cmpi eq, %jit3A_1436, %eq3A_1437 : i32
    %jit3A_1439 = arith.constant 1 : i32
    %select_n3A_1440 = arith.select %eq3A_1438, %jit3A_1439, %jit3A_1436 : i32
    %rem3A_1441 = arith.remsi %add3A_1410, %select_n3A_1440 : i32
    %ne3A_1442 = arith.constant 0 : i32
    %ne3A_1443 = arith.cmpi ne, %rem3A_1441, %ne3A_1442 : i32
    %lt3A_1444 = arith.constant 0 : i32
    %lt3A_1445 = arith.cmpi slt, %rem3A_1441, %lt3A_1444 : i32
    %lt3A_1446 = arith.constant 0 : i32
    %lt3A_1447 = arith.cmpi slt, %select_n3A_1440, %lt3A_1446 : i32
    %ne3A_1448 = arith.xori %lt3A_1445, %lt3A_1447 : i1
    %and3A_1449 = arith.andi %ne3A_1448, %ne3A_1443 : i1
    %add3A_1450 = arith.addi %rem3A_1441, %select_n3A_1440 : i32
    %select_n3A_1451 = arith.select %and3A_1449, %add3A_1450, %rem3A_1441 : i32
    %jit3A_1452 = arith.constant 8 : i32
    %div3A_1453 = arith.divsi %add3A_1410, %jit3A_1452 : i32
    %sign3A_1454 = arith.constant 0 : i32
    %sign3A_1455 = arith.cmpi sgt, %add3A_1410, %sign3A_1454 : i32
    %sign3A_1456 = arith.extui %sign3A_1455 : i1 to i32
    %sign3A_1457 = arith.constant 0 : i32
    %sign3A_1458 = arith.cmpi slt, %add3A_1410, %sign3A_1457 : i32
    %sign3A_1459 = arith.extui %sign3A_1458 : i1 to i32
    %sign3A_1460 = arith.subi %sign3A_1456, %sign3A_1459 : i32
    %sign3A_1461 = arith.constant 0 : i32
    %sign3A_1462 = arith.cmpi sgt, %jit3A_1452, %sign3A_1461 : i32
    %sign3A_1463 = arith.extui %sign3A_1462 : i1 to i32
    %sign3A_1464 = arith.constant 0 : i32
    %sign3A_1465 = arith.cmpi slt, %jit3A_1452, %sign3A_1464 : i32
    %sign3A_1466 = arith.extui %sign3A_1465 : i1 to i32
    %sign3A_1467 = arith.subi %sign3A_1463, %sign3A_1466 : i32
    %ne3A_1468 = arith.cmpi ne, %sign3A_1460, %sign3A_1467 : i32
    %rem3A_1469 = arith.remsi %add3A_1410, %jit3A_1452 : i32
    %ne3A_1470 = arith.constant 0 : i32
    %ne3A_1471 = arith.cmpi ne, %rem3A_1469, %ne3A_1470 : i32
    %and3A_1472 = arith.andi %ne3A_1468, %ne3A_1471 : i1
    %sub3A_1473 = arith.constant 1 : i32
    %sub3A_1474 = arith.subi %div3A_1453, %sub3A_1473 : i32
    %select_n3A_1475 = arith.select %and3A_1472, %sub3A_1474, %div3A_1453 : i32
    %jit3A_1476 = arith.constant 8 : i32
    %eq3A_1477 = arith.constant 0 : i32
    %eq3A_1478 = arith.cmpi eq, %jit3A_1476, %eq3A_1477 : i32
    %jit3A_1479 = arith.constant 1 : i32
    %select_n3A_1480 = arith.select %eq3A_1478, %jit3A_1479, %jit3A_1476 : i32
    %rem3A_1481 = arith.remsi %add3A_1410, %select_n3A_1480 : i32
    %ne3A_1482 = arith.constant 0 : i32
    %ne3A_1483 = arith.cmpi ne, %rem3A_1481, %ne3A_1482 : i32
    %lt3A_1484 = arith.constant 0 : i32
    %lt3A_1485 = arith.cmpi slt, %rem3A_1481, %lt3A_1484 : i32
    %lt3A_1486 = arith.constant 0 : i32
    %lt3A_1487 = arith.cmpi slt, %select_n3A_1480, %lt3A_1486 : i32
    %ne3A_1488 = arith.xori %lt3A_1485, %lt3A_1487 : i1
    %and3A_1489 = arith.andi %ne3A_1488, %ne3A_1483 : i1
    %add3A_1490 = arith.addi %rem3A_1481, %select_n3A_1480 : i32
    %select_n3A_1491 = arith.select %and3A_1489, %add3A_1490, %rem3A_1481 : i32
    %mul3A_1492 = arith.constant 128 : i32
    %mul3A_1493 = arith.muli %select_n3A_1491, %mul3A_1492 : i32
    %dma_wait3A_1494 = arith.constant 0 : i32
    %dma_wait3A_1495 = arith.constant 0 : i32
    %dma_wait3A_1496 = arith.constant 0 : i32
    %dma_wait3A_1497 = tpu.memref_slice %arg6[%dma_wait3A_1494, %dma_wait3A_1495, %dma_wait3A_1496] : memref<3x128x128xf32, #tpu.memory_space<vmem>> -> memref<1x128x128xf32, #tpu.memory_space<vmem>>
    %dma_wait3A_1498 = tpu.memref_squeeze %dma_wait3A_1497 : memref<1x128x128xf32, #tpu.memory_space<vmem>> -> memref<128x128xf32, #tpu.memory_space<vmem>>
    %dma_wait3A_1499 = arith.constant 0 : i32
    %dma_wait3A_1500 = arith.constant 0 : i32
    %dma_wait3A_1501 = tpu.memref_slice %arg4[%select_n3A_1475, %dma_wait3A_1499, %dma_wait3A_1500] : memref<38x1024x128xf32, #tpu.memory_space<hbm>> -> memref<1x1024x128xf32, #tpu.memory_space<hbm>>
    %dma_wait3A_1502 = tpu.memref_squeeze %dma_wait3A_1501 : memref<1x1024x128xf32, #tpu.memory_space<hbm>> -> memref<1024x128xf32, #tpu.memory_space<hbm>>
    %dma_wait3A_1503 = arith.constant 0 : i32
    %dma_wait3A_1504 = tpu.memref_slice %dma_wait3A_1502[%mul3A_1493, %dma_wait3A_1503] : memref<1024x128xf32, #tpu.memory_space<hbm>> -> memref<128x128xf32, #tpu.memory_space<hbm>>
    %dma_wait3A_1505 = arith.constant 0 : i32
    %dma_wait3A_1506 = arith.constant 0 : i32
    %dma_wait3A_1507 = tpu.memref_slice %arg4[%select_n3A_1475, %dma_wait3A_1505, %dma_wait3A_1506] : memref<38x1024x128xf32, #tpu.memory_space<hbm>> -> memref<1x1024x128xf32, #tpu.memory_space<hbm>>
    %dma_wait3A_1508 = tpu.memref_squeeze %dma_wait3A_1507 : memref<1x1024x128xf32, #tpu.memory_space<hbm>> -> memref<1024x128xf32, #tpu.memory_space<hbm>>
    %dma_wait3A_1509 = arith.constant 0 : i32
    %dma_wait3A_1510 = tpu.memref_slice %dma_wait3A_1508[%mul3A_1493, %dma_wait3A_1509] : memref<1024x128xf32, #tpu.memory_space<hbm>> -> memref<128x128xf32, #tpu.memory_space<hbm>>
    %dma_wait3A_1511 = arith.constant 0 : i32
    %dma_wait3A_1512 = arith.constant 0 : i32
    %dma_wait3A_1513 = tpu.memref_slice %arg6[%dma_wait3A_1494, %dma_wait3A_1511, %dma_wait3A_1512] : memref<3x128x128xf32, #tpu.memory_space<vmem>> -> memref<1x128x128xf32, #tpu.memory_space<vmem>>
    %dma_wait3A_1514 = tpu.memref_squeeze %dma_wait3A_1513 : memref<1x128x128xf32, #tpu.memory_space<vmem>> -> memref<128x128xf32, #tpu.memory_space<vmem>>
    tpu.wait_dma2 semaphore(%arg10 : memref<!tpu.dma_semaphore, #tpu.memory_space<semaphore_mem>>) src(%dma_wait3A_1514 : memref<128x128xf32, #tpu.memory_space<vmem>>) dst(%dma_wait3A_1510 : memref<128x128xf32, #tpu.memory_space<hbm>>)
    %add3A_1515 = arith.constant 6 : i32
    %add3A_1516 = arith.addi %add3A_4, %add3A_1515 : i32
    %jit3A_1517 = arith.constant 8 : i32
    %div3A_1518 = arith.divsi %add3A_1516, %jit3A_1517 : i32
    %sign3A_1519 = arith.constant 0 : i32
    %sign3A_1520 = arith.cmpi sgt, %add3A_1516, %sign3A_1519 : i32
    %sign3A_1521 = arith.extui %sign3A_1520 : i1 to i32
    %sign3A_1522 = arith.constant 0 : i32
    %sign3A_1523 = arith.cmpi slt, %add3A_1516, %sign3A_1522 : i32
    %sign3A_1524 = arith.extui %sign3A_1523 : i1 to i32
    %sign3A_1525 = arith.subi %sign3A_1521, %sign3A_1524 : i32
    %sign3A_1526 = arith.constant 0 : i32
    %sign3A_1527 = arith.cmpi sgt, %jit3A_1517, %sign3A_1526 : i32
    %sign3A_1528 = arith.extui %sign3A_1527 : i1 to i32
    %sign3A_1529 = arith.constant 0 : i32
    %sign3A_1530 = arith.cmpi slt, %jit3A_1517, %sign3A_1529 : i32
    %sign3A_1531 = arith.extui %sign3A_1530 : i1 to i32
    %sign3A_1532 = arith.subi %sign3A_1528, %sign3A_1531 : i32
    %ne3A_1533 = arith.cmpi ne, %sign3A_1525, %sign3A_1532 : i32
    %rem3A_1534 = arith.remsi %add3A_1516, %jit3A_1517 : i32
    %ne3A_1535 = arith.constant 0 : i32
    %ne3A_1536 = arith.cmpi ne, %rem3A_1534, %ne3A_1535 : i32
    %and3A_1537 = arith.andi %ne3A_1533, %ne3A_1536 : i1
    %sub3A_1538 = arith.constant 1 : i32
    %sub3A_1539 = arith.subi %div3A_1518, %sub3A_1538 : i32
    %select_n3A_1540 = arith.select %and3A_1537, %sub3A_1539, %div3A_1518 : i32
    %sub3A_1541 = arith.subi %select_n3A_1540, %min3A_22 : i32
    %jit3A_1542 = arith.constant 8 : i32
    %eq3A_1543 = arith.constant 0 : i32
    %eq3A_1544 = arith.cmpi eq, %jit3A_1542, %eq3A_1543 : i32
    %jit3A_1545 = arith.constant 1 : i32
    %select_n3A_1546 = arith.select %eq3A_1544, %jit3A_1545, %jit3A_1542 : i32
    %rem3A_1547 = arith.remsi %add3A_1516, %select_n3A_1546 : i32
    %ne3A_1548 = arith.constant 0 : i32
    %ne3A_1549 = arith.cmpi ne, %rem3A_1547, %ne3A_1548 : i32
    %lt3A_1550 = arith.constant 0 : i32
    %lt3A_1551 = arith.cmpi slt, %rem3A_1547, %lt3A_1550 : i32
    %lt3A_1552 = arith.constant 0 : i32
    %lt3A_1553 = arith.cmpi slt, %select_n3A_1546, %lt3A_1552 : i32
    %ne3A_1554 = arith.xori %lt3A_1551, %lt3A_1553 : i1
    %and3A_1555 = arith.andi %ne3A_1554, %ne3A_1549 : i1
    %add3A_1556 = arith.addi %rem3A_1547, %select_n3A_1546 : i32
    %select_n3A_1557 = arith.select %and3A_1555, %add3A_1556, %rem3A_1547 : i32
    %jit3A_1558 = arith.constant 8 : i32
    %div3A_1559 = arith.divsi %add3A_1516, %jit3A_1558 : i32
    %sign3A_1560 = arith.constant 0 : i32
    %sign3A_1561 = arith.cmpi sgt, %add3A_1516, %sign3A_1560 : i32
    %sign3A_1562 = arith.extui %sign3A_1561 : i1 to i32
    %sign3A_1563 = arith.constant 0 : i32
    %sign3A_1564 = arith.cmpi slt, %add3A_1516, %sign3A_1563 : i32
    %sign3A_1565 = arith.extui %sign3A_1564 : i1 to i32
    %sign3A_1566 = arith.subi %sign3A_1562, %sign3A_1565 : i32
    %sign3A_1567 = arith.constant 0 : i32
    %sign3A_1568 = arith.cmpi sgt, %jit3A_1558, %sign3A_1567 : i32
    %sign3A_1569 = arith.extui %sign3A_1568 : i1 to i32
    %sign3A_1570 = arith.constant 0 : i32
    %sign3A_1571 = arith.cmpi slt, %jit3A_1558, %sign3A_1570 : i32
    %sign3A_1572 = arith.extui %sign3A_1571 : i1 to i32
    %sign3A_1573 = arith.subi %sign3A_1569, %sign3A_1572 : i32
    %ne3A_1574 = arith.cmpi ne, %sign3A_1566, %sign3A_1573 : i32
    %rem3A_1575 = arith.remsi %add3A_1516, %jit3A_1558 : i32
    %ne3A_1576 = arith.constant 0 : i32
    %ne3A_1577 = arith.cmpi ne, %rem3A_1575, %ne3A_1576 : i32
    %and3A_1578 = arith.andi %ne3A_1574, %ne3A_1577 : i1
    %sub3A_1579 = arith.constant 1 : i32
    %sub3A_1580 = arith.subi %div3A_1559, %sub3A_1579 : i32
    %select_n3A_1581 = arith.select %and3A_1578, %sub3A_1580, %div3A_1559 : i32
    %jit3A_1582 = arith.constant 8 : i32
    %eq3A_1583 = arith.constant 0 : i32
    %eq3A_1584 = arith.cmpi eq, %jit3A_1582, %eq3A_1583 : i32
    %jit3A_1585 = arith.constant 1 : i32
    %select_n3A_1586 = arith.select %eq3A_1584, %jit3A_1585, %jit3A_1582 : i32
    %rem3A_1587 = arith.remsi %add3A_1516, %select_n3A_1586 : i32
    %ne3A_1588 = arith.constant 0 : i32
    %ne3A_1589 = arith.cmpi ne, %rem3A_1587, %ne3A_1588 : i32
    %lt3A_1590 = arith.constant 0 : i32
    %lt3A_1591 = arith.cmpi slt, %rem3A_1587, %lt3A_1590 : i32
    %lt3A_1592 = arith.constant 0 : i32
    %lt3A_1593 = arith.cmpi slt, %select_n3A_1586, %lt3A_1592 : i32
    %ne3A_1594 = arith.xori %lt3A_1591, %lt3A_1593 : i1
    %and3A_1595 = arith.andi %ne3A_1594, %ne3A_1589 : i1
    %add3A_1596 = arith.addi %rem3A_1587, %select_n3A_1586 : i32
    %select_n3A_1597 = arith.select %and3A_1595, %add3A_1596, %rem3A_1587 : i32
    %dma_start3A_1598 = arith.constant 0 : i32
    %dma_start3A_1599 = arith.constant 0 : i32
    %dma_start3A_1600 = arith.constant 0 : i32
    %dma_start3A_1601 = tpu.memref_slice %arg6[%dma_start3A_1598, %dma_start3A_1599, %dma_start3A_1600] : memref<3x128x128xf32, #tpu.memory_space<vmem>> -> memref<1x128x128xf32, #tpu.memory_space<vmem>>
    %dma_start3A_1602 = tpu.memref_squeeze %dma_start3A_1601 : memref<1x128x128xf32, #tpu.memory_space<vmem>> -> memref<128x128xf32, #tpu.memory_space<vmem>>
    %dma_start3A_1603 = arith.constant 0 : i32
    %dma_start3A_1604 = arith.constant 0 : i32
    %dma_start3A_1605 = tpu.memref_slice %arg5[%sub3A_1541, %dma_start3A_1603, %dma_start3A_1604] : memref<3x8x128xi32, #tpu.memory_space<vmem>> -> memref<1x8x128xi32, #tpu.memory_space<vmem>>
    %dma_start3A_1606 = tpu.memref_squeeze %dma_start3A_1605 : memref<1x8x128xi32, #tpu.memory_space<vmem>> -> memref<8x128xi32, #tpu.memory_space<vmem>>
    %dma_start3A_1607 = arith.constant 0 : i32
    %dma_start3A_1608 = tpu.memref_slice %dma_start3A_1606[%select_n3A_1557, %dma_start3A_1607] : memref<8x128xi32, #tpu.memory_space<vmem>> -> memref<1x128xi32, #tpu.memory_space<vmem>>
    %dma_start3A_1609 = tpu.memref_squeeze %dma_start3A_1608 : memref<1x128xi32, #tpu.memory_space<vmem>> -> memref<128xi32, #tpu.memory_space<vmem>>
    %dma_start3A_1610 = arith.constant 0 : i32
    %dma_start3A_1611 = arith.constant 0 : i32
    %dma_start3A_1612 = tpu.memref_slice %arg2[%dma_start3A_1610, %dma_start3A_1611] : memref<1000x128xf32, #tpu.memory_space<hbm>> -> memref<1000x128xf32, #tpu.memory_space<hbm>>
    tpu.enqueue_indirect_dma source(%dma_start3A_1612 : memref<1000x128xf32, #tpu.memory_space<hbm>>) target(%dma_start3A_1602 : memref<128x128xf32, #tpu.memory_space<vmem>>) offsets(%dma_start3A_1609 : memref<128xi32, #tpu.memory_space<vmem>>) semaphore(%arg7 : memref<!tpu.dma_semaphore, #tpu.memory_space<semaphore_mem>>)
    %add3A_1613 = arith.constant 4 : i32
    %add3A_1614 = arith.addi %add3A_4, %add3A_1613 : i32
    %jit3A_1615 = arith.constant 8 : i32
    %div3A_1616 = arith.divsi %add3A_1614, %jit3A_1615 : i32
    %sign3A_1617 = arith.constant 0 : i32
    %sign3A_1618 = arith.cmpi sgt, %add3A_1614, %sign3A_1617 : i32
    %sign3A_1619 = arith.extui %sign3A_1618 : i1 to i32
    %sign3A_1620 = arith.constant 0 : i32
    %sign3A_1621 = arith.cmpi slt, %add3A_1614, %sign3A_1620 : i32
    %sign3A_1622 = arith.extui %sign3A_1621 : i1 to i32
    %sign3A_1623 = arith.subi %sign3A_1619, %sign3A_1622 : i32
    %sign3A_1624 = arith.constant 0 : i32
    %sign3A_1625 = arith.cmpi sgt, %jit3A_1615, %sign3A_1624 : i32
    %sign3A_1626 = arith.extui %sign3A_1625 : i1 to i32
    %sign3A_1627 = arith.constant 0 : i32
    %sign3A_1628 = arith.cmpi slt, %jit3A_1615, %sign3A_1627 : i32
    %sign3A_1629 = arith.extui %sign3A_1628 : i1 to i32
    %sign3A_1630 = arith.subi %sign3A_1626, %sign3A_1629 : i32
    %ne3A_1631 = arith.cmpi ne, %sign3A_1623, %sign3A_1630 : i32
    %rem3A_1632 = arith.remsi %add3A_1614, %jit3A_1615 : i32
    %ne3A_1633 = arith.constant 0 : i32
    %ne3A_1634 = arith.cmpi ne, %rem3A_1632, %ne3A_1633 : i32
    %and3A_1635 = arith.andi %ne3A_1631, %ne3A_1634 : i1
    %sub3A_1636 = arith.constant 1 : i32
    %sub3A_1637 = arith.subi %div3A_1616, %sub3A_1636 : i32
    %select_n3A_1638 = arith.select %and3A_1635, %sub3A_1637, %div3A_1616 : i32
    %sub3A_1639 = arith.subi %select_n3A_1638, %min3A_22 : i32
    %jit3A_1640 = arith.constant 8 : i32
    %eq3A_1641 = arith.constant 0 : i32
    %eq3A_1642 = arith.cmpi eq, %jit3A_1640, %eq3A_1641 : i32
    %jit3A_1643 = arith.constant 1 : i32
    %select_n3A_1644 = arith.select %eq3A_1642, %jit3A_1643, %jit3A_1640 : i32
    %rem3A_1645 = arith.remsi %add3A_1614, %select_n3A_1644 : i32
    %ne3A_1646 = arith.constant 0 : i32
    %ne3A_1647 = arith.cmpi ne, %rem3A_1645, %ne3A_1646 : i32
    %lt3A_1648 = arith.constant 0 : i32
    %lt3A_1649 = arith.cmpi slt, %rem3A_1645, %lt3A_1648 : i32
    %lt3A_1650 = arith.constant 0 : i32
    %lt3A_1651 = arith.cmpi slt, %select_n3A_1644, %lt3A_1650 : i32
    %ne3A_1652 = arith.xori %lt3A_1649, %lt3A_1651 : i1
    %and3A_1653 = arith.andi %ne3A_1652, %ne3A_1647 : i1
    %add3A_1654 = arith.addi %rem3A_1645, %select_n3A_1644 : i32
    %select_n3A_1655 = arith.select %and3A_1653, %add3A_1654, %rem3A_1645 : i32
    %jit3A_1656 = arith.constant 8 : i32
    %div3A_1657 = arith.divsi %add3A_1614, %jit3A_1656 : i32
    %sign3A_1658 = arith.constant 0 : i32
    %sign3A_1659 = arith.cmpi sgt, %add3A_1614, %sign3A_1658 : i32
    %sign3A_1660 = arith.extui %sign3A_1659 : i1 to i32
    %sign3A_1661 = arith.constant 0 : i32
    %sign3A_1662 = arith.cmpi slt, %add3A_1614, %sign3A_1661 : i32
    %sign3A_1663 = arith.extui %sign3A_1662 : i1 to i32
    %sign3A_1664 = arith.subi %sign3A_1660, %sign3A_1663 : i32
    %sign3A_1665 = arith.constant 0 : i32
    %sign3A_1666 = arith.cmpi sgt, %jit3A_1656, %sign3A_1665 : i32
    %sign3A_1667 = arith.extui %sign3A_1666 : i1 to i32
    %sign3A_1668 = arith.constant 0 : i32
    %sign3A_1669 = arith.cmpi slt, %jit3A_1656, %sign3A_1668 : i32
    %sign3A_1670 = arith.extui %sign3A_1669 : i1 to i32
    %sign3A_1671 = arith.subi %sign3A_1667, %sign3A_1670 : i32
    %ne3A_1672 = arith.cmpi ne, %sign3A_1664, %sign3A_1671 : i32
    %rem3A_1673 = arith.remsi %add3A_1614, %jit3A_1656 : i32
    %ne3A_1674 = arith.constant 0 : i32
    %ne3A_1675 = arith.cmpi ne, %rem3A_1673, %ne3A_1674 : i32
    %and3A_1676 = arith.andi %ne3A_1672, %ne3A_1675 : i1
    %sub3A_1677 = arith.constant 1 : i32
    %sub3A_1678 = arith.subi %div3A_1657, %sub3A_1677 : i32
    %select_n3A_1679 = arith.select %and3A_1676, %sub3A_1678, %div3A_1657 : i32
    %jit3A_1680 = arith.constant 8 : i32
    %eq3A_1681 = arith.constant 0 : i32
    %eq3A_1682 = arith.cmpi eq, %jit3A_1680, %eq3A_1681 : i32
    %jit3A_1683 = arith.constant 1 : i32
    %select_n3A_1684 = arith.select %eq3A_1682, %jit3A_1683, %jit3A_1680 : i32
    %rem3A_1685 = arith.remsi %add3A_1614, %select_n3A_1684 : i32
    %ne3A_1686 = arith.constant 0 : i32
    %ne3A_1687 = arith.cmpi ne, %rem3A_1685, %ne3A_1686 : i32
    %lt3A_1688 = arith.constant 0 : i32
    %lt3A_1689 = arith.cmpi slt, %rem3A_1685, %lt3A_1688 : i32
    %lt3A_1690 = arith.constant 0 : i32
    %lt3A_1691 = arith.cmpi slt, %select_n3A_1684, %lt3A_1690 : i32
    %ne3A_1692 = arith.xori %lt3A_1689, %lt3A_1691 : i1
    %and3A_1693 = arith.andi %ne3A_1692, %ne3A_1687 : i1
    %add3A_1694 = arith.addi %rem3A_1685, %select_n3A_1684 : i32
    %select_n3A_1695 = arith.select %and3A_1693, %add3A_1694, %rem3A_1685 : i32
    %dma_wait3A_1696 = arith.constant 1 : i32
    %dma_wait3A_1697 = arith.constant 0 : i32
    %dma_wait3A_1698 = arith.constant 0 : i32
    %dma_wait3A_1699 = tpu.memref_slice %arg6[%dma_wait3A_1696, %dma_wait3A_1697, %dma_wait3A_1698] : memref<3x128x128xf32, #tpu.memory_space<vmem>> -> memref<1x128x128xf32, #tpu.memory_space<vmem>>
    %dma_wait3A_1700 = tpu.memref_squeeze %dma_wait3A_1699 : memref<1x128x128xf32, #tpu.memory_space<vmem>> -> memref<128x128xf32, #tpu.memory_space<vmem>>
    %dma_wait3A_1701 = arith.constant 0 : i32
    %dma_wait3A_1702 = arith.constant 0 : i32
    %dma_wait3A_1703 = tpu.memref_slice %arg5[%sub3A_1639, %dma_wait3A_1701, %dma_wait3A_1702] : memref<3x8x128xi32, #tpu.memory_space<vmem>> -> memref<1x8x128xi32, #tpu.memory_space<vmem>>
    %dma_wait3A_1704 = tpu.memref_squeeze %dma_wait3A_1703 : memref<1x8x128xi32, #tpu.memory_space<vmem>> -> memref<8x128xi32, #tpu.memory_space<vmem>>
    %dma_wait3A_1705 = arith.constant 0 : i32
    %dma_wait3A_1706 = tpu.memref_slice %dma_wait3A_1704[%select_n3A_1655, %dma_wait3A_1705] : memref<8x128xi32, #tpu.memory_space<vmem>> -> memref<1x128xi32, #tpu.memory_space<vmem>>
    %dma_wait3A_1707 = tpu.memref_squeeze %dma_wait3A_1706 : memref<1x128xi32, #tpu.memory_space<vmem>> -> memref<128xi32, #tpu.memory_space<vmem>>
    %dma_wait3A_1708 = arith.constant 0 : i32
    %dma_wait3A_1709 = arith.constant 0 : i32
    %dma_wait3A_1710 = tpu.memref_slice %arg2[%dma_wait3A_1708, %dma_wait3A_1709] : memref<1000x128xf32, #tpu.memory_space<hbm>> -> memref<1000x128xf32, #tpu.memory_space<hbm>>
    tpu.wait_indirect_dma semaphore(%arg8 : memref<!tpu.dma_semaphore, #tpu.memory_space<semaphore_mem>>) src(%dma_wait3A_1710 : memref<1000x128xf32, #tpu.memory_space<hbm>>) dst(%dma_wait3A_1700 : memref<128x128xf32, #tpu.memory_space<vmem>>)
    %mul3A_1711 = arith.constant 128 : i32
    %mul3A_1712 = arith.muli %select_n3A_1695, %mul3A_1711 : i32
    %dma_start3A_1713 = arith.constant 1 : i32
    %dma_start3A_1714 = arith.constant 0 : i32
    %dma_start3A_1715 = arith.constant 0 : i32
    %dma_start3A_1716 = tpu.memref_slice %arg6[%dma_start3A_1713, %dma_start3A_1714, %dma_start3A_1715] : memref<3x128x128xf32, #tpu.memory_space<vmem>> -> memref<1x128x128xf32, #tpu.memory_space<vmem>>
    %dma_start3A_1717 = tpu.memref_squeeze %dma_start3A_1716 : memref<1x128x128xf32, #tpu.memory_space<vmem>> -> memref<128x128xf32, #tpu.memory_space<vmem>>
    %dma_start3A_1718 = arith.constant 0 : i32
    %dma_start3A_1719 = arith.constant 0 : i32
    %dma_start3A_1720 = tpu.memref_slice %arg4[%select_n3A_1679, %dma_start3A_1718, %dma_start3A_1719] : memref<38x1024x128xf32, #tpu.memory_space<hbm>> -> memref<1x1024x128xf32, #tpu.memory_space<hbm>>
    %dma_start3A_1721 = tpu.memref_squeeze %dma_start3A_1720 : memref<1x1024x128xf32, #tpu.memory_space<hbm>> -> memref<1024x128xf32, #tpu.memory_space<hbm>>
    %dma_start3A_1722 = arith.constant 0 : i32
    %dma_start3A_1723 = tpu.memref_slice %dma_start3A_1721[%mul3A_1712, %dma_start3A_1722] : memref<1024x128xf32, #tpu.memory_space<hbm>> -> memref<128x128xf32, #tpu.memory_space<hbm>>
    %dma_start3A_1724 = arith.constant 0 : i32
    %dma_start3A_1725 = arith.constant 0 : i32
    %dma_start3A_1726 = tpu.memref_slice %arg4[%select_n3A_1679, %dma_start3A_1724, %dma_start3A_1725] : memref<38x1024x128xf32, #tpu.memory_space<hbm>> -> memref<1x1024x128xf32, #tpu.memory_space<hbm>>
    %dma_start3A_1727 = tpu.memref_squeeze %dma_start3A_1726 : memref<1x1024x128xf32, #tpu.memory_space<hbm>> -> memref<1024x128xf32, #tpu.memory_space<hbm>>
    %dma_start3A_1728 = arith.constant 0 : i32
    %dma_start3A_1729 = tpu.memref_slice %dma_start3A_1727[%mul3A_1712, %dma_start3A_1728] : memref<1024x128xf32, #tpu.memory_space<hbm>> -> memref<128x128xf32, #tpu.memory_space<hbm>>
    %dma_start3A_1730 = arith.constant 0 : i32
    %dma_start3A_1731 = arith.constant 0 : i32
    %dma_start3A_1732 = tpu.memref_slice %arg6[%dma_start3A_1713, %dma_start3A_1730, %dma_start3A_1731] : memref<3x128x128xf32, #tpu.memory_space<vmem>> -> memref<1x128x128xf32, #tpu.memory_space<vmem>>
    %dma_start3A_1733 = tpu.memref_squeeze %dma_start3A_1732 : memref<1x128x128xf32, #tpu.memory_space<vmem>> -> memref<128x128xf32, #tpu.memory_space<vmem>>
    tpu.enqueue_dma source(%dma_start3A_1733 : memref<128x128xf32, #tpu.memory_space<vmem>>) target(%dma_start3A_1729 : memref<128x128xf32, #tpu.memory_space<hbm>>) target_semaphore(%arg11 : memref<!tpu.dma_semaphore, #tpu.memory_space<semaphore_mem>>)
    %add3A_1734 = arith.constant 4 : i32
    %add3A_1735 = arith.addi %add3A_4, %add3A_1734 : i32
    %jit3A_1736 = arith.constant 8 : i32
    %div3A_1737 = arith.divsi %add3A_1735, %jit3A_1736 : i32
    %sign3A_1738 = arith.constant 0 : i32
    %sign3A_1739 = arith.cmpi sgt, %add3A_1735, %sign3A_1738 : i32
    %sign3A_1740 = arith.extui %sign3A_1739 : i1 to i32
    %sign3A_1741 = arith.constant 0 : i32
    %sign3A_1742 = arith.cmpi slt, %add3A_1735, %sign3A_1741 : i32
    %sign3A_1743 = arith.extui %sign3A_1742 : i1 to i32
    %sign3A_1744 = arith.subi %sign3A_1740, %sign3A_1743 : i32
    %sign3A_1745 = arith.constant 0 : i32
    %sign3A_1746 = arith.cmpi sgt, %jit3A_1736, %sign3A_1745 : i32
    %sign3A_1747 = arith.extui %sign3A_1746 : i1 to i32
    %sign3A_1748 = arith.constant 0 : i32
    %sign3A_1749 = arith.cmpi slt, %jit3A_1736, %sign3A_1748 : i32
    %sign3A_1750 = arith.extui %sign3A_1749 : i1 to i32
    %sign3A_1751 = arith.subi %sign3A_1747, %sign3A_1750 : i32
    %ne3A_1752 = arith.cmpi ne, %sign3A_1744, %sign3A_1751 : i32
    %rem3A_1753 = arith.remsi %add3A_1735, %jit3A_1736 : i32
    %ne3A_1754 = arith.constant 0 : i32
    %ne3A_1755 = arith.cmpi ne, %rem3A_1753, %ne3A_1754 : i32
    %and3A_1756 = arith.andi %ne3A_1752, %ne3A_1755 : i1
    %sub3A_1757 = arith.constant 1 : i32
    %sub3A_1758 = arith.subi %div3A_1737, %sub3A_1757 : i32
    %select_n3A_1759 = arith.select %and3A_1756, %sub3A_1758, %div3A_1737 : i32
    %sub3A_1760 = arith.subi %select_n3A_1759, %min3A_22 : i32
    %jit3A_1761 = arith.constant 8 : i32
    %eq3A_1762 = arith.constant 0 : i32
    %eq3A_1763 = arith.cmpi eq, %jit3A_1761, %eq3A_1762 : i32
    %jit3A_1764 = arith.constant 1 : i32
    %select_n3A_1765 = arith.select %eq3A_1763, %jit3A_1764, %jit3A_1761 : i32
    %rem3A_1766 = arith.remsi %add3A_1735, %select_n3A_1765 : i32
    %ne3A_1767 = arith.constant 0 : i32
    %ne3A_1768 = arith.cmpi ne, %rem3A_1766, %ne3A_1767 : i32
    %lt3A_1769 = arith.constant 0 : i32
    %lt3A_1770 = arith.cmpi slt, %rem3A_1766, %lt3A_1769 : i32
    %lt3A_1771 = arith.constant 0 : i32
    %lt3A_1772 = arith.cmpi slt, %select_n3A_1765, %lt3A_1771 : i32
    %ne3A_1773 = arith.xori %lt3A_1770, %lt3A_1772 : i1
    %and3A_1774 = arith.andi %ne3A_1773, %ne3A_1768 : i1
    %add3A_1775 = arith.addi %rem3A_1766, %select_n3A_1765 : i32
    %select_n3A_1776 = arith.select %and3A_1774, %add3A_1775, %rem3A_1766 : i32
    %jit3A_1777 = arith.constant 8 : i32
    %div3A_1778 = arith.divsi %add3A_1735, %jit3A_1777 : i32
    %sign3A_1779 = arith.constant 0 : i32
    %sign3A_1780 = arith.cmpi sgt, %add3A_1735, %sign3A_1779 : i32
    %sign3A_1781 = arith.extui %sign3A_1780 : i1 to i32
    %sign3A_1782 = arith.constant 0 : i32
    %sign3A_1783 = arith.cmpi slt, %add3A_1735, %sign3A_1782 : i32
    %sign3A_1784 = arith.extui %sign3A_1783 : i1 to i32
    %sign3A_1785 = arith.subi %sign3A_1781, %sign3A_1784 : i32
    %sign3A_1786 = arith.constant 0 : i32
    %sign3A_1787 = arith.cmpi sgt, %jit3A_1777, %sign3A_1786 : i32
    %sign3A_1788 = arith.extui %sign3A_1787 : i1 to i32
    %sign3A_1789 = arith.constant 0 : i32
    %sign3A_1790 = arith.cmpi slt, %jit3A_1777, %sign3A_1789 : i32
    %sign3A_1791 = arith.extui %sign3A_1790 : i1 to i32
    %sign3A_1792 = arith.subi %sign3A_1788, %sign3A_1791 : i32
    %ne3A_1793 = arith.cmpi ne, %sign3A_1785, %sign3A_1792 : i32
    %rem3A_1794 = arith.remsi %add3A_1735, %jit3A_1777 : i32
    %ne3A_1795 = arith.constant 0 : i32
    %ne3A_1796 = arith.cmpi ne, %rem3A_1794, %ne3A_1795 : i32
    %and3A_1797 = arith.andi %ne3A_1793, %ne3A_1796 : i1
    %sub3A_1798 = arith.constant 1 : i32
    %sub3A_1799 = arith.subi %div3A_1778, %sub3A_1798 : i32
    %select_n3A_1800 = arith.select %and3A_1797, %sub3A_1799, %div3A_1778 : i32
    %jit3A_1801 = arith.constant 8 : i32
    %eq3A_1802 = arith.constant 0 : i32
    %eq3A_1803 = arith.cmpi eq, %jit3A_1801, %eq3A_1802 : i32
    %jit3A_1804 = arith.constant 1 : i32
    %select_n3A_1805 = arith.select %eq3A_1803, %jit3A_1804, %jit3A_1801 : i32
    %rem3A_1806 = arith.remsi %add3A_1735, %select_n3A_1805 : i32
    %ne3A_1807 = arith.constant 0 : i32
    %ne3A_1808 = arith.cmpi ne, %rem3A_1806, %ne3A_1807 : i32
    %lt3A_1809 = arith.constant 0 : i32
    %lt3A_1810 = arith.cmpi slt, %rem3A_1806, %lt3A_1809 : i32
    %lt3A_1811 = arith.constant 0 : i32
    %lt3A_1812 = arith.cmpi slt, %select_n3A_1805, %lt3A_1811 : i32
    %ne3A_1813 = arith.xori %lt3A_1810, %lt3A_1812 : i1
    %and3A_1814 = arith.andi %ne3A_1813, %ne3A_1808 : i1
    %add3A_1815 = arith.addi %rem3A_1806, %select_n3A_1805 : i32
    %select_n3A_1816 = arith.select %and3A_1814, %add3A_1815, %rem3A_1806 : i32
    %mul3A_1817 = arith.constant 128 : i32
    %mul3A_1818 = arith.muli %select_n3A_1816, %mul3A_1817 : i32
    %dma_wait3A_1819 = arith.constant 1 : i32
    %dma_wait3A_1820 = arith.constant 0 : i32
    %dma_wait3A_1821 = arith.constant 0 : i32
    %dma_wait3A_1822 = tpu.memref_slice %arg6[%dma_wait3A_1819, %dma_wait3A_1820, %dma_wait3A_1821] : memref<3x128x128xf32, #tpu.memory_space<vmem>> -> memref<1x128x128xf32, #tpu.memory_space<vmem>>
    %dma_wait3A_1823 = tpu.memref_squeeze %dma_wait3A_1822 : memref<1x128x128xf32, #tpu.memory_space<vmem>> -> memref<128x128xf32, #tpu.memory_space<vmem>>
    %dma_wait3A_1824 = arith.constant 0 : i32
    %dma_wait3A_1825 = arith.constant 0 : i32
    %dma_wait3A_1826 = tpu.memref_slice %arg4[%select_n3A_1800, %dma_wait3A_1824, %dma_wait3A_1825] : memref<38x1024x128xf32, #tpu.memory_space<hbm>> -> memref<1x1024x128xf32, #tpu.memory_space<hbm>>
    %dma_wait3A_1827 = tpu.memref_squeeze %dma_wait3A_1826 : memref<1x1024x128xf32, #tpu.memory_space<hbm>> -> memref<1024x128xf32, #tpu.memory_space<hbm>>
    %dma_wait3A_1828 = arith.constant 0 : i32
    %dma_wait3A_1829 = tpu.memref_slice %dma_wait3A_1827[%mul3A_1818, %dma_wait3A_1828] : memref<1024x128xf32, #tpu.memory_space<hbm>> -> memref<128x128xf32, #tpu.memory_space<hbm>>
    %dma_wait3A_1830 = arith.constant 0 : i32
    %dma_wait3A_1831 = arith.constant 0 : i32
    %dma_wait3A_1832 = tpu.memref_slice %arg4[%select_n3A_1800, %dma_wait3A_1830, %dma_wait3A_1831] : memref<38x1024x128xf32, #tpu.memory_space<hbm>> -> memref<1x1024x128xf32, #tpu.memory_space<hbm>>
    %dma_wait3A_1833 = tpu.memref_squeeze %dma_wait3A_1832 : memref<1x1024x128xf32, #tpu.memory_space<hbm>> -> memref<1024x128xf32, #tpu.memory_space<hbm>>
    %dma_wait3A_1834 = arith.constant 0 : i32
    %dma_wait3A_1835 = tpu.memref_slice %dma_wait3A_1833[%mul3A_1818, %dma_wait3A_1834] : memref<1024x128xf32, #tpu.memory_space<hbm>> -> memref<128x128xf32, #tpu.memory_space<hbm>>
    %dma_wait3A_1836 = arith.constant 0 : i32
    %dma_wait3A_1837 = arith.constant 0 : i32
    %dma_wait3A_1838 = tpu.memref_slice %arg6[%dma_wait3A_1819, %dma_wait3A_1836, %dma_wait3A_1837] : memref<3x128x128xf32, #tpu.memory_space<vmem>> -> memref<1x128x128xf32, #tpu.memory_space<vmem>>
    %dma_wait3A_1839 = tpu.memref_squeeze %dma_wait3A_1838 : memref<1x128x128xf32, #tpu.memory_space<vmem>> -> memref<128x128xf32, #tpu.memory_space<vmem>>
    tpu.wait_dma2 semaphore(%arg11 : memref<!tpu.dma_semaphore, #tpu.memory_space<semaphore_mem>>) src(%dma_wait3A_1839 : memref<128x128xf32, #tpu.memory_space<vmem>>) dst(%dma_wait3A_1835 : memref<128x128xf32, #tpu.memory_space<hbm>>)
    %add3A_1840 = arith.constant 7 : i32
    %add3A_1841 = arith.addi %add3A_4, %add3A_1840 : i32
    %jit3A_1842 = arith.constant 8 : i32
    %div3A_1843 = arith.divsi %add3A_1841, %jit3A_1842 : i32
    %sign3A_1844 = arith.constant 0 : i32
    %sign3A_1845 = arith.cmpi sgt, %add3A_1841, %sign3A_1844 : i32
    %sign3A_1846 = arith.extui %sign3A_1845 : i1 to i32
    %sign3A_1847 = arith.constant 0 : i32
    %sign3A_1848 = arith.cmpi slt, %add3A_1841, %sign3A_1847 : i32
    %sign3A_1849 = arith.extui %sign3A_1848 : i1 to i32
    %sign3A_1850 = arith.subi %sign3A_1846, %sign3A_1849 : i32
    %sign3A_1851 = arith.constant 0 : i32
    %sign3A_1852 = arith.cmpi sgt, %jit3A_1842, %sign3A_1851 : i32
    %sign3A_1853 = arith.extui %sign3A_1852 : i1 to i32
    %sign3A_1854 = arith.constant 0 : i32
    %sign3A_1855 = arith.cmpi slt, %jit3A_1842, %sign3A_1854 : i32
    %sign3A_1856 = arith.extui %sign3A_1855 : i1 to i32
    %sign3A_1857 = arith.subi %sign3A_1853, %sign3A_1856 : i32
    %ne3A_1858 = arith.cmpi ne, %sign3A_1850, %sign3A_1857 : i32
    %rem3A_1859 = arith.remsi %add3A_1841, %jit3A_1842 : i32
    %ne3A_1860 = arith.constant 0 : i32
    %ne3A_1861 = arith.cmpi ne, %rem3A_1859, %ne3A_1860 : i32
    %and3A_1862 = arith.andi %ne3A_1858, %ne3A_1861 : i1
    %sub3A_1863 = arith.constant 1 : i32
    %sub3A_1864 = arith.subi %div3A_1843, %sub3A_1863 : i32
    %select_n3A_1865 = arith.select %and3A_1862, %sub3A_1864, %div3A_1843 : i32
    %sub3A_1866 = arith.subi %select_n3A_1865, %min3A_22 : i32
    %jit3A_1867 = arith.constant 8 : i32
    %eq3A_1868 = arith.constant 0 : i32
    %eq3A_1869 = arith.cmpi eq, %jit3A_1867, %eq3A_1868 : i32
    %jit3A_1870 = arith.constant 1 : i32
    %select_n3A_1871 = arith.select %eq3A_1869, %jit3A_1870, %jit3A_1867 : i32
    %rem3A_1872 = arith.remsi %add3A_1841, %select_n3A_1871 : i32
    %ne3A_1873 = arith.constant 0 : i32
    %ne3A_1874 = arith.cmpi ne, %rem3A_1872, %ne3A_1873 : i32
    %lt3A_1875 = arith.constant 0 : i32
    %lt3A_1876 = arith.cmpi slt, %rem3A_1872, %lt3A_1875 : i32
    %lt3A_1877 = arith.constant 0 : i32
    %lt3A_1878 = arith.cmpi slt, %select_n3A_1871, %lt3A_1877 : i32
    %ne3A_1879 = arith.xori %lt3A_1876, %lt3A_1878 : i1
    %and3A_1880 = arith.andi %ne3A_1879, %ne3A_1874 : i1
    %add3A_1881 = arith.addi %rem3A_1872, %select_n3A_1871 : i32
    %select_n3A_1882 = arith.select %and3A_1880, %add3A_1881, %rem3A_1872 : i32
    %jit3A_1883 = arith.constant 8 : i32
    %div3A_1884 = arith.divsi %add3A_1841, %jit3A_1883 : i32
    %sign3A_1885 = arith.constant 0 : i32
    %sign3A_1886 = arith.cmpi sgt, %add3A_1841, %sign3A_1885 : i32
    %sign3A_1887 = arith.extui %sign3A_1886 : i1 to i32
    %sign3A_1888 = arith.constant 0 : i32
    %sign3A_1889 = arith.cmpi slt, %add3A_1841, %sign3A_1888 : i32
    %sign3A_1890 = arith.extui %sign3A_1889 : i1 to i32
    %sign3A_1891 = arith.subi %sign3A_1887, %sign3A_1890 : i32
    %sign3A_1892 = arith.constant 0 : i32
    %sign3A_1893 = arith.cmpi sgt, %jit3A_1883, %sign3A_1892 : i32
    %sign3A_1894 = arith.extui %sign3A_1893 : i1 to i32
    %sign3A_1895 = arith.constant 0 : i32
    %sign3A_1896 = arith.cmpi slt, %jit3A_1883, %sign3A_1895 : i32
    %sign3A_1897 = arith.extui %sign3A_1896 : i1 to i32
    %sign3A_1898 = arith.subi %sign3A_1894, %sign3A_1897 : i32
    %ne3A_1899 = arith.cmpi ne, %sign3A_1891, %sign3A_1898 : i32
    %rem3A_1900 = arith.remsi %add3A_1841, %jit3A_1883 : i32
    %ne3A_1901 = arith.constant 0 : i32
    %ne3A_1902 = arith.cmpi ne, %rem3A_1900, %ne3A_1901 : i32
    %and3A_1903 = arith.andi %ne3A_1899, %ne3A_1902 : i1
    %sub3A_1904 = arith.constant 1 : i32
    %sub3A_1905 = arith.subi %div3A_1884, %sub3A_1904 : i32
    %select_n3A_1906 = arith.select %and3A_1903, %sub3A_1905, %div3A_1884 : i32
    %jit3A_1907 = arith.constant 8 : i32
    %eq3A_1908 = arith.constant 0 : i32
    %eq3A_1909 = arith.cmpi eq, %jit3A_1907, %eq3A_1908 : i32
    %jit3A_1910 = arith.constant 1 : i32
    %select_n3A_1911 = arith.select %eq3A_1909, %jit3A_1910, %jit3A_1907 : i32
    %rem3A_1912 = arith.remsi %add3A_1841, %select_n3A_1911 : i32
    %ne3A_1913 = arith.constant 0 : i32
    %ne3A_1914 = arith.cmpi ne, %rem3A_1912, %ne3A_1913 : i32
    %lt3A_1915 = arith.constant 0 : i32
    %lt3A_1916 = arith.cmpi slt, %rem3A_1912, %lt3A_1915 : i32
    %lt3A_1917 = arith.constant 0 : i32
    %lt3A_1918 = arith.cmpi slt, %select_n3A_1911, %lt3A_1917 : i32
    %ne3A_1919 = arith.xori %lt3A_1916, %lt3A_1918 : i1
    %and3A_1920 = arith.andi %ne3A_1919, %ne3A_1914 : i1
    %add3A_1921 = arith.addi %rem3A_1912, %select_n3A_1911 : i32
    %select_n3A_1922 = arith.select %and3A_1920, %add3A_1921, %rem3A_1912 : i32
    %dma_start3A_1923 = arith.constant 1 : i32
    %dma_start3A_1924 = arith.constant 0 : i32
    %dma_start3A_1925 = arith.constant 0 : i32
    %dma_start3A_1926 = tpu.memref_slice %arg6[%dma_start3A_1923, %dma_start3A_1924, %dma_start3A_1925] : memref<3x128x128xf32, #tpu.memory_space<vmem>> -> memref<1x128x128xf32, #tpu.memory_space<vmem>>
    %dma_start3A_1927 = tpu.memref_squeeze %dma_start3A_1926 : memref<1x128x128xf32, #tpu.memory_space<vmem>> -> memref<128x128xf32, #tpu.memory_space<vmem>>
    %dma_start3A_1928 = arith.constant 0 : i32
    %dma_start3A_1929 = arith.constant 0 : i32
    %dma_start3A_1930 = tpu.memref_slice %arg5[%sub3A_1866, %dma_start3A_1928, %dma_start3A_1929] : memref<3x8x128xi32, #tpu.memory_space<vmem>> -> memref<1x8x128xi32, #tpu.memory_space<vmem>>
    %dma_start3A_1931 = tpu.memref_squeeze %dma_start3A_1930 : memref<1x8x128xi32, #tpu.memory_space<vmem>> -> memref<8x128xi32, #tpu.memory_space<vmem>>
    %dma_start3A_1932 = arith.constant 0 : i32
    %dma_start3A_1933 = tpu.memref_slice %dma_start3A_1931[%select_n3A_1882, %dma_start3A_1932] : memref<8x128xi32, #tpu.memory_space<vmem>> -> memref<1x128xi32, #tpu.memory_space<vmem>>
    %dma_start3A_1934 = tpu.memref_squeeze %dma_start3A_1933 : memref<1x128xi32, #tpu.memory_space<vmem>> -> memref<128xi32, #tpu.memory_space<vmem>>
    %dma_start3A_1935 = arith.constant 0 : i32
    %dma_start3A_1936 = arith.constant 0 : i32
    %dma_start3A_1937 = tpu.memref_slice %arg2[%dma_start3A_1935, %dma_start3A_1936] : memref<1000x128xf32, #tpu.memory_space<hbm>> -> memref<1000x128xf32, #tpu.memory_space<hbm>>
    tpu.enqueue_indirect_dma source(%dma_start3A_1937 : memref<1000x128xf32, #tpu.memory_space<hbm>>) target(%dma_start3A_1927 : memref<128x128xf32, #tpu.memory_space<vmem>>) offsets(%dma_start3A_1934 : memref<128xi32, #tpu.memory_space<vmem>>) semaphore(%arg8 : memref<!tpu.dma_semaphore, #tpu.memory_space<semaphore_mem>>)
    %add3A_1938 = arith.constant 5 : i32
    %add3A_1939 = arith.addi %add3A_4, %add3A_1938 : i32
    %jit3A_1940 = arith.constant 8 : i32
    %div3A_1941 = arith.divsi %add3A_1939, %jit3A_1940 : i32
    %sign3A_1942 = arith.constant 0 : i32
    %sign3A_1943 = arith.cmpi sgt, %add3A_1939, %sign3A_1942 : i32
    %sign3A_1944 = arith.extui %sign3A_1943 : i1 to i32
    %sign3A_1945 = arith.constant 0 : i32
    %sign3A_1946 = arith.cmpi slt, %add3A_1939, %sign3A_1945 : i32
    %sign3A_1947 = arith.extui %sign3A_1946 : i1 to i32
    %sign3A_1948 = arith.subi %sign3A_1944, %sign3A_1947 : i32
    %sign3A_1949 = arith.constant 0 : i32
    %sign3A_1950 = arith.cmpi sgt, %jit3A_1940, %sign3A_1949 : i32
    %sign3A_1951 = arith.extui %sign3A_1950 : i1 to i32
    %sign3A_1952 = arith.constant 0 : i32
    %sign3A_1953 = arith.cmpi slt, %jit3A_1940, %sign3A_1952 : i32
    %sign3A_1954 = arith.extui %sign3A_1953 : i1 to i32
    %sign3A_1955 = arith.subi %sign3A_1951, %sign3A_1954 : i32
    %ne3A_1956 = arith.cmpi ne, %sign3A_1948, %sign3A_1955 : i32
    %rem3A_1957 = arith.remsi %add3A_1939, %jit3A_1940 : i32
    %ne3A_1958 = arith.constant 0 : i32
    %ne3A_1959 = arith.cmpi ne, %rem3A_1957, %ne3A_1958 : i32
    %and3A_1960 = arith.andi %ne3A_1956, %ne3A_1959 : i1
    %sub3A_1961 = arith.constant 1 : i32
    %sub3A_1962 = arith.subi %div3A_1941, %sub3A_1961 : i32
    %select_n3A_1963 = arith.select %and3A_1960, %sub3A_1962, %div3A_1941 : i32
    %sub3A_1964 = arith.subi %select_n3A_1963, %min3A_22 : i32
    %jit3A_1965 = arith.constant 8 : i32
    %eq3A_1966 = arith.constant 0 : i32
    %eq3A_1967 = arith.cmpi eq, %jit3A_1965, %eq3A_1966 : i32
    %jit3A_1968 = arith.constant 1 : i32
    %select_n3A_1969 = arith.select %eq3A_1967, %jit3A_1968, %jit3A_1965 : i32
    %rem3A_1970 = arith.remsi %add3A_1939, %select_n3A_1969 : i32
    %ne3A_1971 = arith.constant 0 : i32
    %ne3A_1972 = arith.cmpi ne, %rem3A_1970, %ne3A_1971 : i32
    %lt3A_1973 = arith.constant 0 : i32
    %lt3A_1974 = arith.cmpi slt, %rem3A_1970, %lt3A_1973 : i32
    %lt3A_1975 = arith.constant 0 : i32
    %lt3A_1976 = arith.cmpi slt, %select_n3A_1969, %lt3A_1975 : i32
    %ne3A_1977 = arith.xori %lt3A_1974, %lt3A_1976 : i1
    %and3A_1978 = arith.andi %ne3A_1977, %ne3A_1972 : i1
    %add3A_1979 = arith.addi %rem3A_1970, %select_n3A_1969 : i32
    %select_n3A_1980 = arith.select %and3A_1978, %add3A_1979, %rem3A_1970 : i32
    %jit3A_1981 = arith.constant 8 : i32
    %div3A_1982 = arith.divsi %add3A_1939, %jit3A_1981 : i32
    %sign3A_1983 = arith.constant 0 : i32
    %sign3A_1984 = arith.cmpi sgt, %add3A_1939, %sign3A_1983 : i32
    %sign3A_1985 = arith.extui %sign3A_1984 : i1 to i32
    %sign3A_1986 = arith.constant 0 : i32
    %sign3A_1987 = arith.cmpi slt, %add3A_1939, %sign3A_1986 : i32
    %sign3A_1988 = arith.extui %sign3A_1987 : i1 to i32
    %sign3A_1989 = arith.subi %sign3A_1985, %sign3A_1988 : i32
    %sign3A_1990 = arith.constant 0 : i32
    %sign3A_1991 = arith.cmpi sgt, %jit3A_1981, %sign3A_1990 : i32
    %sign3A_1992 = arith.extui %sign3A_1991 : i1 to i32
    %sign3A_1993 = arith.constant 0 : i32
    %sign3A_1994 = arith.cmpi slt, %jit3A_1981, %sign3A_1993 : i32
    %sign3A_1995 = arith.extui %sign3A_1994 : i1 to i32
    %sign3A_1996 = arith.subi %sign3A_1992, %sign3A_1995 : i32
    %ne3A_1997 = arith.cmpi ne, %sign3A_1989, %sign3A_1996 : i32
    %rem3A_1998 = arith.remsi %add3A_1939, %jit3A_1981 : i32
    %ne3A_1999 = arith.constant 0 : i32
    %ne3A_2000 = arith.cmpi ne, %rem3A_1998, %ne3A_1999 : i32
    %and3A_2001 = arith.andi %ne3A_1997, %ne3A_2000 : i1
    %sub3A_2002 = arith.constant 1 : i32
    %sub3A_2003 = arith.subi %div3A_1982, %sub3A_2002 : i32
    %select_n3A_2004 = arith.select %and3A_2001, %sub3A_2003, %div3A_1982 : i32
    %jit3A_2005 = arith.constant 8 : i32
    %eq3A_2006 = arith.constant 0 : i32
    %eq3A_2007 = arith.cmpi eq, %jit3A_2005, %eq3A_2006 : i32
    %jit3A_2008 = arith.constant 1 : i32
    %select_n3A_2009 = arith.select %eq3A_2007, %jit3A_2008, %jit3A_2005 : i32
    %rem3A_2010 = arith.remsi %add3A_1939, %select_n3A_2009 : i32
    %ne3A_2011 = arith.constant 0 : i32
    %ne3A_2012 = arith.cmpi ne, %rem3A_2010, %ne3A_2011 : i32
    %lt3A_2013 = arith.constant 0 : i32
    %lt3A_2014 = arith.cmpi slt, %rem3A_2010, %lt3A_2013 : i32
    %lt3A_2015 = arith.constant 0 : i32
    %lt3A_2016 = arith.cmpi slt, %select_n3A_2009, %lt3A_2015 : i32
    %ne3A_2017 = arith.xori %lt3A_2014, %lt3A_2016 : i1
    %and3A_2018 = arith.andi %ne3A_2017, %ne3A_2012 : i1
    %add3A_2019 = arith.addi %rem3A_2010, %select_n3A_2009 : i32
    %select_n3A_2020 = arith.select %and3A_2018, %add3A_2019, %rem3A_2010 : i32
    %dma_wait3A_2021 = arith.constant 2 : i32
    %dma_wait3A_2022 = arith.constant 0 : i32
    %dma_wait3A_2023 = arith.constant 0 : i32
    %dma_wait3A_2024 = tpu.memref_slice %arg6[%dma_wait3A_2021, %dma_wait3A_2022, %dma_wait3A_2023] : memref<3x128x128xf32, #tpu.memory_space<vmem>> -> memref<1x128x128xf32, #tpu.memory_space<vmem>>
    %dma_wait3A_2025 = tpu.memref_squeeze %dma_wait3A_2024 : memref<1x128x128xf32, #tpu.memory_space<vmem>> -> memref<128x128xf32, #tpu.memory_space<vmem>>
    %dma_wait3A_2026 = arith.constant 0 : i32
    %dma_wait3A_2027 = arith.constant 0 : i32
    %dma_wait3A_2028 = tpu.memref_slice %arg5[%sub3A_1964, %dma_wait3A_2026, %dma_wait3A_2027] : memref<3x8x128xi32, #tpu.memory_space<vmem>> -> memref<1x8x128xi32, #tpu.memory_space<vmem>>
    %dma_wait3A_2029 = tpu.memref_squeeze %dma_wait3A_2028 : memref<1x8x128xi32, #tpu.memory_space<vmem>> -> memref<8x128xi32, #tpu.memory_space<vmem>>
    %dma_wait3A_2030 = arith.constant 0 : i32
    %dma_wait3A_2031 = tpu.memref_slice %dma_wait3A_2029[%select_n3A_1980, %dma_wait3A_2030] : memref<8x128xi32, #tpu.memory_space<vmem>> -> memref<1x128xi32, #tpu.memory_space<vmem>>
    %dma_wait3A_2032 = tpu.memref_squeeze %dma_wait3A_2031 : memref<1x128xi32, #tpu.memory_space<vmem>> -> memref<128xi32, #tpu.memory_space<vmem>>
    %dma_wait3A_2033 = arith.constant 0 : i32
    %dma_wait3A_2034 = arith.constant 0 : i32
    %dma_wait3A_2035 = tpu.memref_slice %arg2[%dma_wait3A_2033, %dma_wait3A_2034] : memref<1000x128xf32, #tpu.memory_space<hbm>> -> memref<1000x128xf32, #tpu.memory_space<hbm>>
    tpu.wait_indirect_dma semaphore(%arg9 : memref<!tpu.dma_semaphore, #tpu.memory_space<semaphore_mem>>) src(%dma_wait3A_2035 : memref<1000x128xf32, #tpu.memory_space<hbm>>) dst(%dma_wait3A_2025 : memref<128x128xf32, #tpu.memory_space<vmem>>)
    %mul3A_2036 = arith.constant 128 : i32
    %mul3A_2037 = arith.muli %select_n3A_2020, %mul3A_2036 : i32
    %dma_start3A_2038 = arith.constant 2 : i32
    %dma_start3A_2039 = arith.constant 0 : i32
    %dma_start3A_2040 = arith.constant 0 : i32
    %dma_start3A_2041 = tpu.memref_slice %arg6[%dma_start3A_2038, %dma_start3A_2039, %dma_start3A_2040] : memref<3x128x128xf32, #tpu.memory_space<vmem>> -> memref<1x128x128xf32, #tpu.memory_space<vmem>>
    %dma_start3A_2042 = tpu.memref_squeeze %dma_start3A_2041 : memref<1x128x128xf32, #tpu.memory_space<vmem>> -> memref<128x128xf32, #tpu.memory_space<vmem>>
    %dma_start3A_2043 = arith.constant 0 : i32
    %dma_start3A_2044 = arith.constant 0 : i32
    %dma_start3A_2045 = tpu.memref_slice %arg4[%select_n3A_2004, %dma_start3A_2043, %dma_start3A_2044] : memref<38x1024x128xf32, #tpu.memory_space<hbm>> -> memref<1x1024x128xf32, #tpu.memory_space<hbm>>
    %dma_start3A_2046 = tpu.memref_squeeze %dma_start3A_2045 : memref<1x1024x128xf32, #tpu.memory_space<hbm>> -> memref<1024x128xf32, #tpu.memory_space<hbm>>
    %dma_start3A_2047 = arith.constant 0 : i32
    %dma_start3A_2048 = tpu.memref_slice %dma_start3A_2046[%mul3A_2037, %dma_start3A_2047] : memref<1024x128xf32, #tpu.memory_space<hbm>> -> memref<128x128xf32, #tpu.memory_space<hbm>>
    %dma_start3A_2049 = arith.constant 0 : i32
    %dma_start3A_2050 = arith.constant 0 : i32
    %dma_start3A_2051 = tpu.memref_slice %arg4[%select_n3A_2004, %dma_start3A_2049, %dma_start3A_2050] : memref<38x1024x128xf32, #tpu.memory_space<hbm>> -> memref<1x1024x128xf32, #tpu.memory_space<hbm>>
    %dma_start3A_2052 = tpu.memref_squeeze %dma_start3A_2051 : memref<1x1024x128xf32, #tpu.memory_space<hbm>> -> memref<1024x128xf32, #tpu.memory_space<hbm>>
    %dma_start3A_2053 = arith.constant 0 : i32
    %dma_start3A_2054 = tpu.memref_slice %dma_start3A_2052[%mul3A_2037, %dma_start3A_2053] : memref<1024x128xf32, #tpu.memory_space<hbm>> -> memref<128x128xf32, #tpu.memory_space<hbm>>
    %dma_start3A_2055 = arith.constant 0 : i32
    %dma_start3A_2056 = arith.constant 0 : i32
    %dma_start3A_2057 = tpu.memref_slice %arg6[%dma_start3A_2038, %dma_start3A_2055, %dma_start3A_2056] : memref<3x128x128xf32, #tpu.memory_space<vmem>> -> memref<1x128x128xf32, #tpu.memory_space<vmem>>
    %dma_start3A_2058 = tpu.memref_squeeze %dma_start3A_2057 : memref<1x128x128xf32, #tpu.memory_space<vmem>> -> memref<128x128xf32, #tpu.memory_space<vmem>>
    tpu.enqueue_dma source(%dma_start3A_2058 : memref<128x128xf32, #tpu.memory_space<vmem>>) target(%dma_start3A_2054 : memref<128x128xf32, #tpu.memory_space<hbm>>) target_semaphore(%arg12 : memref<!tpu.dma_semaphore, #tpu.memory_space<semaphore_mem>>)
    %add3A_2059 = arith.constant 5 : i32
    %add3A_2060 = arith.addi %add3A_4, %add3A_2059 : i32
    %jit3A_2061 = arith.constant 8 : i32
    %div3A_2062 = arith.divsi %add3A_2060, %jit3A_2061 : i32
    %sign3A_2063 = arith.constant 0 : i32
    %sign3A_2064 = arith.cmpi sgt, %add3A_2060, %sign3A_2063 : i32
    %sign3A_2065 = arith.extui %sign3A_2064 : i1 to i32
    %sign3A_2066 = arith.constant 0 : i32
    %sign3A_2067 = arith.cmpi slt, %add3A_2060, %sign3A_2066 : i32
    %sign3A_2068 = arith.extui %sign3A_2067 : i1 to i32
    %sign3A_2069 = arith.subi %sign3A_2065, %sign3A_2068 : i32
    %sign3A_2070 = arith.constant 0 : i32
    %sign3A_2071 = arith.cmpi sgt, %jit3A_2061, %sign3A_2070 : i32
    %sign3A_2072 = arith.extui %sign3A_2071 : i1 to i32
    %sign3A_2073 = arith.constant 0 : i32
    %sign3A_2074 = arith.cmpi slt, %jit3A_2061, %sign3A_2073 : i32
    %sign3A_2075 = arith.extui %sign3A_2074 : i1 to i32
    %sign3A_2076 = arith.subi %sign3A_2072, %sign3A_2075 : i32
    %ne3A_2077 = arith.cmpi ne, %sign3A_2069, %sign3A_2076 : i32
    %rem3A_2078 = arith.remsi %add3A_2060, %jit3A_2061 : i32
    %ne3A_2079 = arith.constant 0 : i32
    %ne3A_2080 = arith.cmpi ne, %rem3A_2078, %ne3A_2079 : i32
    %and3A_2081 = arith.andi %ne3A_2077, %ne3A_2080 : i1
    %sub3A_2082 = arith.constant 1 : i32
    %sub3A_2083 = arith.subi %div3A_2062, %sub3A_2082 : i32
    %select_n3A_2084 = arith.select %and3A_2081, %sub3A_2083, %div3A_2062 : i32
    %sub3A_2085 = arith.subi %select_n3A_2084, %min3A_22 : i32
    %jit3A_2086 = arith.constant 8 : i32
    %eq3A_2087 = arith.constant 0 : i32
    %eq3A_2088 = arith.cmpi eq, %jit3A_2086, %eq3A_2087 : i32
    %jit3A_2089 = arith.constant 1 : i32
    %select_n3A_2090 = arith.select %eq3A_2088, %jit3A_2089, %jit3A_2086 : i32
    %rem3A_2091 = arith.remsi %add3A_2060, %select_n3A_2090 : i32
    %ne3A_2092 = arith.constant 0 : i32
    %ne3A_2093 = arith.cmpi ne, %rem3A_2091, %ne3A_2092 : i32
    %lt3A_2094 = arith.constant 0 : i32
    %lt3A_2095 = arith.cmpi slt, %rem3A_2091, %lt3A_2094 : i32
    %lt3A_2096 = arith.constant 0 : i32
    %lt3A_2097 = arith.cmpi slt, %select_n3A_2090, %lt3A_2096 : i32
    %ne3A_2098 = arith.xori %lt3A_2095, %lt3A_2097 : i1
    %and3A_2099 = arith.andi %ne3A_2098, %ne3A_2093 : i1
    %add3A_2100 = arith.addi %rem3A_2091, %select_n3A_2090 : i32
    %select_n3A_2101 = arith.select %and3A_2099, %add3A_2100, %rem3A_2091 : i32
    %jit3A_2102 = arith.constant 8 : i32
    %div3A_2103 = arith.divsi %add3A_2060, %jit3A_2102 : i32
    %sign3A_2104 = arith.constant 0 : i32
    %sign3A_2105 = arith.cmpi sgt, %add3A_2060, %sign3A_2104 : i32
    %sign3A_2106 = arith.extui %sign3A_2105 : i1 to i32
    %sign3A_2107 = arith.constant 0 : i32
    %sign3A_2108 = arith.cmpi slt, %add3A_2060, %sign3A_2107 : i32
    %sign3A_2109 = arith.extui %sign3A_2108 : i1 to i32
    %sign3A_2110 = arith.subi %sign3A_2106, %sign3A_2109 : i32
    %sign3A_2111 = arith.constant 0 : i32
    %sign3A_2112 = arith.cmpi sgt, %jit3A_2102, %sign3A_2111 : i32
    %sign3A_2113 = arith.extui %sign3A_2112 : i1 to i32
    %sign3A_2114 = arith.constant 0 : i32
    %sign3A_2115 = arith.cmpi slt, %jit3A_2102, %sign3A_2114 : i32
    %sign3A_2116 = arith.extui %sign3A_2115 : i1 to i32
    %sign3A_2117 = arith.subi %sign3A_2113, %sign3A_2116 : i32
    %ne3A_2118 = arith.cmpi ne, %sign3A_2110, %sign3A_2117 : i32
    %rem3A_2119 = arith.remsi %add3A_2060, %jit3A_2102 : i32
    %ne3A_2120 = arith.constant 0 : i32
    %ne3A_2121 = arith.cmpi ne, %rem3A_2119, %ne3A_2120 : i32
    %and3A_2122 = arith.andi %ne3A_2118, %ne3A_2121 : i1
    %sub3A_2123 = arith.constant 1 : i32
    %sub3A_2124 = arith.subi %div3A_2103, %sub3A_2123 : i32
    %select_n3A_2125 = arith.select %and3A_2122, %sub3A_2124, %div3A_2103 : i32
    %jit3A_2126 = arith.constant 8 : i32
    %eq3A_2127 = arith.constant 0 : i32
    %eq3A_2128 = arith.cmpi eq, %jit3A_2126, %eq3A_2127 : i32
    %jit3A_2129 = arith.constant 1 : i32
    %select_n3A_2130 = arith.select %eq3A_2128, %jit3A_2129, %jit3A_2126 : i32
    %rem3A_2131 = arith.remsi %add3A_2060, %select_n3A_2130 : i32
    %ne3A_2132 = arith.constant 0 : i32
    %ne3A_2133 = arith.cmpi ne, %rem3A_2131, %ne3A_2132 : i32
    %lt3A_2134 = arith.constant 0 : i32
    %lt3A_2135 = arith.cmpi slt, %rem3A_2131, %lt3A_2134 : i32
    %lt3A_2136 = arith.constant 0 : i32
    %lt3A_2137 = arith.cmpi slt, %select_n3A_2130, %lt3A_2136 : i32
    %ne3A_2138 = arith.xori %lt3A_2135, %lt3A_2137 : i1
    %and3A_2139 = arith.andi %ne3A_2138, %ne3A_2133 : i1
    %add3A_2140 = arith.addi %rem3A_2131, %select_n3A_2130 : i32
    %select_n3A_2141 = arith.select %and3A_2139, %add3A_2140, %rem3A_2131 : i32
    %mul3A_2142 = arith.constant 128 : i32
    %mul3A_2143 = arith.muli %select_n3A_2141, %mul3A_2142 : i32
    %dma_wait3A_2144 = arith.constant 2 : i32
    %dma_wait3A_2145 = arith.constant 0 : i32
    %dma_wait3A_2146 = arith.constant 0 : i32
    %dma_wait3A_2147 = tpu.memref_slice %arg6[%dma_wait3A_2144, %dma_wait3A_2145, %dma_wait3A_2146] : memref<3x128x128xf32, #tpu.memory_space<vmem>> -> memref<1x128x128xf32, #tpu.memory_space<vmem>>
    %dma_wait3A_2148 = tpu.memref_squeeze %dma_wait3A_2147 : memref<1x128x128xf32, #tpu.memory_space<vmem>> -> memref<128x128xf32, #tpu.memory_space<vmem>>
    %dma_wait3A_2149 = arith.constant 0 : i32
    %dma_wait3A_2150 = arith.constant 0 : i32
    %dma_wait3A_2151 = tpu.memref_slice %arg4[%select_n3A_2125, %dma_wait3A_2149, %dma_wait3A_2150] : memref<38x1024x128xf32, #tpu.memory_space<hbm>> -> memref<1x1024x128xf32, #tpu.memory_space<hbm>>
    %dma_wait3A_2152 = tpu.memref_squeeze %dma_wait3A_2151 : memref<1x1024x128xf32, #tpu.memory_space<hbm>> -> memref<1024x128xf32, #tpu.memory_space<hbm>>
    %dma_wait3A_2153 = arith.constant 0 : i32
    %dma_wait3A_2154 = tpu.memref_slice %dma_wait3A_2152[%mul3A_2143, %dma_wait3A_2153] : memref<1024x128xf32, #tpu.memory_space<hbm>> -> memref<128x128xf32, #tpu.memory_space<hbm>>
    %dma_wait3A_2155 = arith.constant 0 : i32
    %dma_wait3A_2156 = arith.constant 0 : i32
    %dma_wait3A_2157 = tpu.memref_slice %arg4[%select_n3A_2125, %dma_wait3A_2155, %dma_wait3A_2156] : memref<38x1024x128xf32, #tpu.memory_space<hbm>> -> memref<1x1024x128xf32, #tpu.memory_space<hbm>>
    %dma_wait3A_2158 = tpu.memref_squeeze %dma_wait3A_2157 : memref<1x1024x128xf32, #tpu.memory_space<hbm>> -> memref<1024x128xf32, #tpu.memory_space<hbm>>
    %dma_wait3A_2159 = arith.constant 0 : i32
    %dma_wait3A_2160 = tpu.memref_slice %dma_wait3A_2158[%mul3A_2143, %dma_wait3A_2159] : memref<1024x128xf32, #tpu.memory_space<hbm>> -> memref<128x128xf32, #tpu.memory_space<hbm>>
    %dma_wait3A_2161 = arith.constant 0 : i32
    %dma_wait3A_2162 = arith.constant 0 : i32
    %dma_wait3A_2163 = tpu.memref_slice %arg6[%dma_wait3A_2144, %dma_wait3A_2161, %dma_wait3A_2162] : memref<3x128x128xf32, #tpu.memory_space<vmem>> -> memref<1x128x128xf32, #tpu.memory_space<vmem>>
    %dma_wait3A_2164 = tpu.memref_squeeze %dma_wait3A_2163 : memref<1x128x128xf32, #tpu.memory_space<vmem>> -> memref<128x128xf32, #tpu.memory_space<vmem>>
    tpu.wait_dma2 semaphore(%arg12 : memref<!tpu.dma_semaphore, #tpu.memory_space<semaphore_mem>>) src(%dma_wait3A_2164 : memref<128x128xf32, #tpu.memory_space<vmem>>) dst(%dma_wait3A_2160 : memref<128x128xf32, #tpu.memory_space<hbm>>)
    %add3A_2165 = arith.constant 8 : i32
    %add3A_2166 = arith.addi %add3A_4, %add3A_2165 : i32
    %jit3A_2167 = arith.constant 8 : i32
    %div3A_2168 = arith.divsi %add3A_2166, %jit3A_2167 : i32
    %sign3A_2169 = arith.constant 0 : i32
    %sign3A_2170 = arith.cmpi sgt, %add3A_2166, %sign3A_2169 : i32
    %sign3A_2171 = arith.extui %sign3A_2170 : i1 to i32
    %sign3A_2172 = arith.constant 0 : i32
    %sign3A_2173 = arith.cmpi slt, %add3A_2166, %sign3A_2172 : i32
    %sign3A_2174 = arith.extui %sign3A_2173 : i1 to i32
    %sign3A_2175 = arith.subi %sign3A_2171, %sign3A_2174 : i32
    %sign3A_2176 = arith.constant 0 : i32
    %sign3A_2177 = arith.cmpi sgt, %jit3A_2167, %sign3A_2176 : i32
    %sign3A_2178 = arith.extui %sign3A_2177 : i1 to i32
    %sign3A_2179 = arith.constant 0 : i32
    %sign3A_2180 = arith.cmpi slt, %jit3A_2167, %sign3A_2179 : i32
    %sign3A_2181 = arith.extui %sign3A_2180 : i1 to i32
    %sign3A_2182 = arith.subi %sign3A_2178, %sign3A_2181 : i32
    %ne3A_2183 = arith.cmpi ne, %sign3A_2175, %sign3A_2182 : i32
    %rem3A_2184 = arith.remsi %add3A_2166, %jit3A_2167 : i32
    %ne3A_2185 = arith.constant 0 : i32
    %ne3A_2186 = arith.cmpi ne, %rem3A_2184, %ne3A_2185 : i32
    %and3A_2187 = arith.andi %ne3A_2183, %ne3A_2186 : i1
    %sub3A_2188 = arith.constant 1 : i32
    %sub3A_2189 = arith.subi %div3A_2168, %sub3A_2188 : i32
    %select_n3A_2190 = arith.select %and3A_2187, %sub3A_2189, %div3A_2168 : i32
    %sub3A_2191 = arith.subi %select_n3A_2190, %min3A_22 : i32
    %jit3A_2192 = arith.constant 8 : i32
    %eq3A_2193 = arith.constant 0 : i32
    %eq3A_2194 = arith.cmpi eq, %jit3A_2192, %eq3A_2193 : i32
    %jit3A_2195 = arith.constant 1 : i32
    %select_n3A_2196 = arith.select %eq3A_2194, %jit3A_2195, %jit3A_2192 : i32
    %rem3A_2197 = arith.remsi %add3A_2166, %select_n3A_2196 : i32
    %ne3A_2198 = arith.constant 0 : i32
    %ne3A_2199 = arith.cmpi ne, %rem3A_2197, %ne3A_2198 : i32
    %lt3A_2200 = arith.constant 0 : i32
    %lt3A_2201 = arith.cmpi slt, %rem3A_2197, %lt3A_2200 : i32
    %lt3A_2202 = arith.constant 0 : i32
    %lt3A_2203 = arith.cmpi slt, %select_n3A_2196, %lt3A_2202 : i32
    %ne3A_2204 = arith.xori %lt3A_2201, %lt3A_2203 : i1
    %and3A_2205 = arith.andi %ne3A_2204, %ne3A_2199 : i1
    %add3A_2206 = arith.addi %rem3A_2197, %select_n3A_2196 : i32
    %select_n3A_2207 = arith.select %and3A_2205, %add3A_2206, %rem3A_2197 : i32
    %jit3A_2208 = arith.constant 8 : i32
    %div3A_2209 = arith.divsi %add3A_2166, %jit3A_2208 : i32
    %sign3A_2210 = arith.constant 0 : i32
    %sign3A_2211 = arith.cmpi sgt, %add3A_2166, %sign3A_2210 : i32
    %sign3A_2212 = arith.extui %sign3A_2211 : i1 to i32
    %sign3A_2213 = arith.constant 0 : i32
    %sign3A_2214 = arith.cmpi slt, %add3A_2166, %sign3A_2213 : i32
    %sign3A_2215 = arith.extui %sign3A_2214 : i1 to i32
    %sign3A_2216 = arith.subi %sign3A_2212, %sign3A_2215 : i32
    %sign3A_2217 = arith.constant 0 : i32
    %sign3A_2218 = arith.cmpi sgt, %jit3A_2208, %sign3A_2217 : i32
    %sign3A_2219 = arith.extui %sign3A_2218 : i1 to i32
    %sign3A_2220 = arith.constant 0 : i32
    %sign3A_2221 = arith.cmpi slt, %jit3A_2208, %sign3A_2220 : i32
    %sign3A_2222 = arith.extui %sign3A_2221 : i1 to i32
    %sign3A_2223 = arith.subi %sign3A_2219, %sign3A_2222 : i32
    %ne3A_2224 = arith.cmpi ne, %sign3A_2216, %sign3A_2223 : i32
    %rem3A_2225 = arith.remsi %add3A_2166, %jit3A_2208 : i32
    %ne3A_2226 = arith.constant 0 : i32
    %ne3A_2227 = arith.cmpi ne, %rem3A_2225, %ne3A_2226 : i32
    %and3A_2228 = arith.andi %ne3A_2224, %ne3A_2227 : i1
    %sub3A_2229 = arith.constant 1 : i32
    %sub3A_2230 = arith.subi %div3A_2209, %sub3A_2229 : i32
    %select_n3A_2231 = arith.select %and3A_2228, %sub3A_2230, %div3A_2209 : i32
    %jit3A_2232 = arith.constant 8 : i32
    %eq3A_2233 = arith.constant 0 : i32
    %eq3A_2234 = arith.cmpi eq, %jit3A_2232, %eq3A_2233 : i32
    %jit3A_2235 = arith.constant 1 : i32
    %select_n3A_2236 = arith.select %eq3A_2234, %jit3A_2235, %jit3A_2232 : i32
    %rem3A_2237 = arith.remsi %add3A_2166, %select_n3A_2236 : i32
    %ne3A_2238 = arith.constant 0 : i32
    %ne3A_2239 = arith.cmpi ne, %rem3A_2237, %ne3A_2238 : i32
    %lt3A_2240 = arith.constant 0 : i32
    %lt3A_2241 = arith.cmpi slt, %rem3A_2237, %lt3A_2240 : i32
    %lt3A_2242 = arith.constant 0 : i32
    %lt3A_2243 = arith.cmpi slt, %select_n3A_2236, %lt3A_2242 : i32
    %ne3A_2244 = arith.xori %lt3A_2241, %lt3A_2243 : i1
    %and3A_2245 = arith.andi %ne3A_2244, %ne3A_2239 : i1
    %add3A_2246 = arith.addi %rem3A_2237, %select_n3A_2236 : i32
    %select_n3A_2247 = arith.select %and3A_2245, %add3A_2246, %rem3A_2237 : i32
    %dma_start3A_2248 = arith.constant 2 : i32
    %dma_start3A_2249 = arith.constant 0 : i32
    %dma_start3A_2250 = arith.constant 0 : i32
    %dma_start3A_2251 = tpu.memref_slice %arg6[%dma_start3A_2248, %dma_start3A_2249, %dma_start3A_2250] : memref<3x128x128xf32, #tpu.memory_space<vmem>> -> memref<1x128x128xf32, #tpu.memory_space<vmem>>
    %dma_start3A_2252 = tpu.memref_squeeze %dma_start3A_2251 : memref<1x128x128xf32, #tpu.memory_space<vmem>> -> memref<128x128xf32, #tpu.memory_space<vmem>>
    %dma_start3A_2253 = arith.constant 0 : i32
    %dma_start3A_2254 = arith.constant 0 : i32
    %dma_start3A_2255 = tpu.memref_slice %arg5[%sub3A_2191, %dma_start3A_2253, %dma_start3A_2254] : memref<3x8x128xi32, #tpu.memory_space<vmem>> -> memref<1x8x128xi32, #tpu.memory_space<vmem>>
    %dma_start3A_2256 = tpu.memref_squeeze %dma_start3A_2255 : memref<1x8x128xi32, #tpu.memory_space<vmem>> -> memref<8x128xi32, #tpu.memory_space<vmem>>
    %dma_start3A_2257 = arith.constant 0 : i32
    %dma_start3A_2258 = tpu.memref_slice %dma_start3A_2256[%select_n3A_2207, %dma_start3A_2257] : memref<8x128xi32, #tpu.memory_space<vmem>> -> memref<1x128xi32, #tpu.memory_space<vmem>>
    %dma_start3A_2259 = tpu.memref_squeeze %dma_start3A_2258 : memref<1x128xi32, #tpu.memory_space<vmem>> -> memref<128xi32, #tpu.memory_space<vmem>>
    %dma_start3A_2260 = arith.constant 0 : i32
    %dma_start3A_2261 = arith.constant 0 : i32
    %dma_start3A_2262 = tpu.memref_slice %arg2[%dma_start3A_2260, %dma_start3A_2261] : memref<1000x128xf32, #tpu.memory_space<hbm>> -> memref<1000x128xf32, #tpu.memory_space<hbm>>
    tpu.enqueue_indirect_dma source(%dma_start3A_2262 : memref<1000x128xf32, #tpu.memory_space<hbm>>) target(%dma_start3A_2252 : memref<128x128xf32, #tpu.memory_space<vmem>>) offsets(%dma_start3A_2259 : memref<128xi32, #tpu.memory_space<vmem>>) semaphore(%arg9 : memref<!tpu.dma_semaphore, #tpu.memory_space<semaphore_mem>>)
    %add3A_2263 = arith.constant 6 : i32
    %add3A_2264 = arith.addi %add3A_4, %add3A_2263 : i32
    %jit3A_2265 = arith.constant 8 : i32
    %div3A_2266 = arith.divsi %add3A_2264, %jit3A_2265 : i32
    %sign3A_2267 = arith.constant 0 : i32
    %sign3A_2268 = arith.cmpi sgt, %add3A_2264, %sign3A_2267 : i32
    %sign3A_2269 = arith.extui %sign3A_2268 : i1 to i32
    %sign3A_2270 = arith.constant 0 : i32
    %sign3A_2271 = arith.cmpi slt, %add3A_2264, %sign3A_2270 : i32
    %sign3A_2272 = arith.extui %sign3A_2271 : i1 to i32
    %sign3A_2273 = arith.subi %sign3A_2269, %sign3A_2272 : i32
    %sign3A_2274 = arith.constant 0 : i32
    %sign3A_2275 = arith.cmpi sgt, %jit3A_2265, %sign3A_2274 : i32
    %sign3A_2276 = arith.extui %sign3A_2275 : i1 to i32
    %sign3A_2277 = arith.constant 0 : i32
    %sign3A_2278 = arith.cmpi slt, %jit3A_2265, %sign3A_2277 : i32
    %sign3A_2279 = arith.extui %sign3A_2278 : i1 to i32
    %sign3A_2280 = arith.subi %sign3A_2276, %sign3A_2279 : i32
    %ne3A_2281 = arith.cmpi ne, %sign3A_2273, %sign3A_2280 : i32
    %rem3A_2282 = arith.remsi %add3A_2264, %jit3A_2265 : i32
    %ne3A_2283 = arith.constant 0 : i32
    %ne3A_2284 = arith.cmpi ne, %rem3A_2282, %ne3A_2283 : i32
    %and3A_2285 = arith.andi %ne3A_2281, %ne3A_2284 : i1
    %sub3A_2286 = arith.constant 1 : i32
    %sub3A_2287 = arith.subi %div3A_2266, %sub3A_2286 : i32
    %select_n3A_2288 = arith.select %and3A_2285, %sub3A_2287, %div3A_2266 : i32
    %sub3A_2289 = arith.subi %select_n3A_2288, %min3A_22 : i32
    %jit3A_2290 = arith.constant 8 : i32
    %eq3A_2291 = arith.constant 0 : i32
    %eq3A_2292 = arith.cmpi eq, %jit3A_2290, %eq3A_2291 : i32
    %jit3A_2293 = arith.constant 1 : i32
    %select_n3A_2294 = arith.select %eq3A_2292, %jit3A_2293, %jit3A_2290 : i32
    %rem3A_2295 = arith.remsi %add3A_2264, %select_n3A_2294 : i32
    %ne3A_2296 = arith.constant 0 : i32
    %ne3A_2297 = arith.cmpi ne, %rem3A_2295, %ne3A_2296 : i32
    %lt3A_2298 = arith.constant 0 : i32
    %lt3A_2299 = arith.cmpi slt, %rem3A_2295, %lt3A_2298 : i32
    %lt3A_2300 = arith.constant 0 : i32
    %lt3A_2301 = arith.cmpi slt, %select_n3A_2294, %lt3A_2300 : i32
    %ne3A_2302 = arith.xori %lt3A_2299, %lt3A_2301 : i1
    %and3A_2303 = arith.andi %ne3A_2302, %ne3A_2297 : i1
    %add3A_2304 = arith.addi %rem3A_2295, %select_n3A_2294 : i32
    %select_n3A_2305 = arith.select %and3A_2303, %add3A_2304, %rem3A_2295 : i32
    %jit3A_2306 = arith.constant 8 : i32
    %div3A_2307 = arith.divsi %add3A_2264, %jit3A_2306 : i32
    %sign3A_2308 = arith.constant 0 : i32
    %sign3A_2309 = arith.cmpi sgt, %add3A_2264, %sign3A_2308 : i32
    %sign3A_2310 = arith.extui %sign3A_2309 : i1 to i32
    %sign3A_2311 = arith.constant 0 : i32
    %sign3A_2312 = arith.cmpi slt, %add3A_2264, %sign3A_2311 : i32
    %sign3A_2313 = arith.extui %sign3A_2312 : i1 to i32
    %sign3A_2314 = arith.subi %sign3A_2310, %sign3A_2313 : i32
    %sign3A_2315 = arith.constant 0 : i32
    %sign3A_2316 = arith.cmpi sgt, %jit3A_2306, %sign3A_2315 : i32
    %sign3A_2317 = arith.extui %sign3A_2316 : i1 to i32
    %sign3A_2318 = arith.constant 0 : i32
    %sign3A_2319 = arith.cmpi slt, %jit3A_2306, %sign3A_2318 : i32
    %sign3A_2320 = arith.extui %sign3A_2319 : i1 to i32
    %sign3A_2321 = arith.subi %sign3A_2317, %sign3A_2320 : i32
    %ne3A_2322 = arith.cmpi ne, %sign3A_2314, %sign3A_2321 : i32
    %rem3A_2323 = arith.remsi %add3A_2264, %jit3A_2306 : i32
    %ne3A_2324 = arith.constant 0 : i32
    %ne3A_2325 = arith.cmpi ne, %rem3A_2323, %ne3A_2324 : i32
    %and3A_2326 = arith.andi %ne3A_2322, %ne3A_2325 : i1
    %sub3A_2327 = arith.constant 1 : i32
    %sub3A_2328 = arith.subi %div3A_2307, %sub3A_2327 : i32
    %select_n3A_2329 = arith.select %and3A_2326, %sub3A_2328, %div3A_2307 : i32
    %jit3A_2330 = arith.constant 8 : i32
    %eq3A_2331 = arith.constant 0 : i32
    %eq3A_2332 = arith.cmpi eq, %jit3A_2330, %eq3A_2331 : i32
    %jit3A_2333 = arith.constant 1 : i32
    %select_n3A_2334 = arith.select %eq3A_2332, %jit3A_2333, %jit3A_2330 : i32
    %rem3A_2335 = arith.remsi %add3A_2264, %select_n3A_2334 : i32
    %ne3A_2336 = arith.constant 0 : i32
    %ne3A_2337 = arith.cmpi ne, %rem3A_2335, %ne3A_2336 : i32
    %lt3A_2338 = arith.constant 0 : i32
    %lt3A_2339 = arith.cmpi slt, %rem3A_2335, %lt3A_2338 : i32
    %lt3A_2340 = arith.constant 0 : i32
    %lt3A_2341 = arith.cmpi slt, %select_n3A_2334, %lt3A_2340 : i32
    %ne3A_2342 = arith.xori %lt3A_2339, %lt3A_2341 : i1
    %and3A_2343 = arith.andi %ne3A_2342, %ne3A_2337 : i1
    %add3A_2344 = arith.addi %rem3A_2335, %select_n3A_2334 : i32
    %select_n3A_2345 = arith.select %and3A_2343, %add3A_2344, %rem3A_2335 : i32
    %dma_wait3A_2346 = arith.constant 0 : i32
    %dma_wait3A_2347 = arith.constant 0 : i32
    %dma_wait3A_2348 = arith.constant 0 : i32
    %dma_wait3A_2349 = tpu.memref_slice %arg6[%dma_wait3A_2346, %dma_wait3A_2347, %dma_wait3A_2348] : memref<3x128x128xf32, #tpu.memory_space<vmem>> -> memref<1x128x128xf32, #tpu.memory_space<vmem>>
    %dma_wait3A_2350 = tpu.memref_squeeze %dma_wait3A_2349 : memref<1x128x128xf32, #tpu.memory_space<vmem>> -> memref<128x128xf32, #tpu.memory_space<vmem>>
    %dma_wait3A_2351 = arith.constant 0 : i32
    %dma_wait3A_2352 = arith.constant 0 : i32
    %dma_wait3A_2353 = tpu.memref_slice %arg5[%sub3A_2289, %dma_wait3A_2351, %dma_wait3A_2352] : memref<3x8x128xi32, #tpu.memory_space<vmem>> -> memref<1x8x128xi32, #tpu.memory_space<vmem>>
    %dma_wait3A_2354 = tpu.memref_squeeze %dma_wait3A_2353 : memref<1x8x128xi32, #tpu.memory_space<vmem>> -> memref<8x128xi32, #tpu.memory_space<vmem>>
    %dma_wait3A_2355 = arith.constant 0 : i32
    %dma_wait3A_2356 = tpu.memref_slice %dma_wait3A_2354[%select_n3A_2305, %dma_wait3A_2355] : memref<8x128xi32, #tpu.memory_space<vmem>> -> memref<1x128xi32, #tpu.memory_space<vmem>>
    %dma_wait3A_2357 = tpu.memref_squeeze %dma_wait3A_2356 : memref<1x128xi32, #tpu.memory_space<vmem>> -> memref<128xi32, #tpu.memory_space<vmem>>
    %dma_wait3A_2358 = arith.constant 0 : i32
    %dma_wait3A_2359 = arith.constant 0 : i32
    %dma_wait3A_2360 = tpu.memref_slice %arg2[%dma_wait3A_2358, %dma_wait3A_2359] : memref<1000x128xf32, #tpu.memory_space<hbm>> -> memref<1000x128xf32, #tpu.memory_space<hbm>>
    tpu.wait_indirect_dma semaphore(%arg7 : memref<!tpu.dma_semaphore, #tpu.memory_space<semaphore_mem>>) src(%dma_wait3A_2360 : memref<1000x128xf32, #tpu.memory_space<hbm>>) dst(%dma_wait3A_2350 : memref<128x128xf32, #tpu.memory_space<vmem>>)
    %mul3A_2361 = arith.constant 128 : i32
    %mul3A_2362 = arith.muli %select_n3A_2345, %mul3A_2361 : i32
    %dma_start3A_2363 = arith.constant 0 : i32
    %dma_start3A_2364 = arith.constant 0 : i32
    %dma_start3A_2365 = arith.constant 0 : i32
    %dma_start3A_2366 = tpu.memref_slice %arg6[%dma_start3A_2363, %dma_start3A_2364, %dma_start3A_2365] : memref<3x128x128xf32, #tpu.memory_space<vmem>> -> memref<1x128x128xf32, #tpu.memory_space<vmem>>
    %dma_start3A_2367 = tpu.memref_squeeze %dma_start3A_2366 : memref<1x128x128xf32, #tpu.memory_space<vmem>> -> memref<128x128xf32, #tpu.memory_space<vmem>>
    %dma_start3A_2368 = arith.constant 0 : i32
    %dma_start3A_2369 = arith.constant 0 : i32
    %dma_start3A_2370 = tpu.memref_slice %arg4[%select_n3A_2329, %dma_start3A_2368, %dma_start3A_2369] : memref<38x1024x128xf32, #tpu.memory_space<hbm>> -> memref<1x1024x128xf32, #tpu.memory_space<hbm>>
    %dma_start3A_2371 = tpu.memref_squeeze %dma_start3A_2370 : memref<1x1024x128xf32, #tpu.memory_space<hbm>> -> memref<1024x128xf32, #tpu.memory_space<hbm>>
    %dma_start3A_2372 = arith.constant 0 : i32
    %dma_start3A_2373 = tpu.memref_slice %dma_start3A_2371[%mul3A_2362, %dma_start3A_2372] : memref<1024x128xf32, #tpu.memory_space<hbm>> -> memref<128x128xf32, #tpu.memory_space<hbm>>
    %dma_start3A_2374 = arith.constant 0 : i32
    %dma_start3A_2375 = arith.constant 0 : i32
    %dma_start3A_2376 = tpu.memref_slice %arg4[%select_n3A_2329, %dma_start3A_2374, %dma_start3A_2375] : memref<38x1024x128xf32, #tpu.memory_space<hbm>> -> memref<1x1024x128xf32, #tpu.memory_space<hbm>>
    %dma_start3A_2377 = tpu.memref_squeeze %dma_start3A_2376 : memref<1x1024x128xf32, #tpu.memory_space<hbm>> -> memref<1024x128xf32, #tpu.memory_space<hbm>>
    %dma_start3A_2378 = arith.constant 0 : i32
    %dma_start3A_2379 = tpu.memref_slice %dma_start3A_2377[%mul3A_2362, %dma_start3A_2378] : memref<1024x128xf32, #tpu.memory_space<hbm>> -> memref<128x128xf32, #tpu.memory_space<hbm>>
    %dma_start3A_2380 = arith.constant 0 : i32
    %dma_start3A_2381 = arith.constant 0 : i32
    %dma_start3A_2382 = tpu.memref_slice %arg6[%dma_start3A_2363, %dma_start3A_2380, %dma_start3A_2381] : memref<3x128x128xf32, #tpu.memory_space<vmem>> -> memref<1x128x128xf32, #tpu.memory_space<vmem>>
    %dma_start3A_2383 = tpu.memref_squeeze %dma_start3A_2382 : memref<1x128x128xf32, #tpu.memory_space<vmem>> -> memref<128x128xf32, #tpu.memory_space<vmem>>
    tpu.enqueue_dma source(%dma_start3A_2383 : memref<128x128xf32, #tpu.memory_space<vmem>>) target(%dma_start3A_2379 : memref<128x128xf32, #tpu.memory_space<hbm>>) target_semaphore(%arg10 : memref<!tpu.dma_semaphore, #tpu.memory_space<semaphore_mem>>)
    %add3A_2384 = arith.constant 6 : i32
    %add3A_2385 = arith.addi %add3A_4, %add3A_2384 : i32
    %jit3A_2386 = arith.constant 8 : i32
    %div3A_2387 = arith.divsi %add3A_2385, %jit3A_2386 : i32
    %sign3A_2388 = arith.constant 0 : i32
    %sign3A_2389 = arith.cmpi sgt, %add3A_2385, %sign3A_2388 : i32
    %sign3A_2390 = arith.extui %sign3A_2389 : i1 to i32
    %sign3A_2391 = arith.constant 0 : i32
    %sign3A_2392 = arith.cmpi slt, %add3A_2385, %sign3A_2391 : i32
    %sign3A_2393 = arith.extui %sign3A_2392 : i1 to i32
    %sign3A_2394 = arith.subi %sign3A_2390, %sign3A_2393 : i32
    %sign3A_2395 = arith.constant 0 : i32
    %sign3A_2396 = arith.cmpi sgt, %jit3A_2386, %sign3A_2395 : i32
    %sign3A_2397 = arith.extui %sign3A_2396 : i1 to i32
    %sign3A_2398 = arith.constant 0 : i32
    %sign3A_2399 = arith.cmpi slt, %jit3A_2386, %sign3A_2398 : i32
    %sign3A_2400 = arith.extui %sign3A_2399 : i1 to i32
    %sign3A_2401 = arith.subi %sign3A_2397, %sign3A_2400 : i32
    %ne3A_2402 = arith.cmpi ne, %sign3A_2394, %sign3A_2401 : i32
    %rem3A_2403 = arith.remsi %add3A_2385, %jit3A_2386 : i32
    %ne3A_2404 = arith.constant 0 : i32
    %ne3A_2405 = arith.cmpi ne, %rem3A_2403, %ne3A_2404 : i32
    %and3A_2406 = arith.andi %ne3A_2402, %ne3A_2405 : i1
    %sub3A_2407 = arith.constant 1 : i32
    %sub3A_2408 = arith.subi %div3A_2387, %sub3A_2407 : i32
    %select_n3A_2409 = arith.select %and3A_2406, %sub3A_2408, %div3A_2387 : i32
    %sub3A_2410 = arith.subi %select_n3A_2409, %min3A_22 : i32
    %jit3A_2411 = arith.constant 8 : i32
    %eq3A_2412 = arith.constant 0 : i32
    %eq3A_2413 = arith.cmpi eq, %jit3A_2411, %eq3A_2412 : i32
    %jit3A_2414 = arith.constant 1 : i32
    %select_n3A_2415 = arith.select %eq3A_2413, %jit3A_2414, %jit3A_2411 : i32
    %rem3A_2416 = arith.remsi %add3A_2385, %select_n3A_2415 : i32
    %ne3A_2417 = arith.constant 0 : i32
    %ne3A_2418 = arith.cmpi ne, %rem3A_2416, %ne3A_2417 : i32
    %lt3A_2419 = arith.constant 0 : i32
    %lt3A_2420 = arith.cmpi slt, %rem3A_2416, %lt3A_2419 : i32
    %lt3A_2421 = arith.constant 0 : i32
    %lt3A_2422 = arith.cmpi slt, %select_n3A_2415, %lt3A_2421 : i32
    %ne3A_2423 = arith.xori %lt3A_2420, %lt3A_2422 : i1
    %and3A_2424 = arith.andi %ne3A_2423, %ne3A_2418 : i1
    %add3A_2425 = arith.addi %rem3A_2416, %select_n3A_2415 : i32
    %select_n3A_2426 = arith.select %and3A_2424, %add3A_2425, %rem3A_2416 : i32
    %jit3A_2427 = arith.constant 8 : i32
    %div3A_2428 = arith.divsi %add3A_2385, %jit3A_2427 : i32
    %sign3A_2429 = arith.constant 0 : i32
    %sign3A_2430 = arith.cmpi sgt, %add3A_2385, %sign3A_2429 : i32
    %sign3A_2431 = arith.extui %sign3A_2430 : i1 to i32
    %sign3A_2432 = arith.constant 0 : i32
    %sign3A_2433 = arith.cmpi slt, %add3A_2385, %sign3A_2432 : i32
    %sign3A_2434 = arith.extui %sign3A_2433 : i1 to i32
    %sign3A_2435 = arith.subi %sign3A_2431, %sign3A_2434 : i32
    %sign3A_2436 = arith.constant 0 : i32
    %sign3A_2437 = arith.cmpi sgt, %jit3A_2427, %sign3A_2436 : i32
    %sign3A_2438 = arith.extui %sign3A_2437 : i1 to i32
    %sign3A_2439 = arith.constant 0 : i32
    %sign3A_2440 = arith.cmpi slt, %jit3A_2427, %sign3A_2439 : i32
    %sign3A_2441 = arith.extui %sign3A_2440 : i1 to i32
    %sign3A_2442 = arith.subi %sign3A_2438, %sign3A_2441 : i32
    %ne3A_2443 = arith.cmpi ne, %sign3A_2435, %sign3A_2442 : i32
    %rem3A_2444 = arith.remsi %add3A_2385, %jit3A_2427 : i32
    %ne3A_2445 = arith.constant 0 : i32
    %ne3A_2446 = arith.cmpi ne, %rem3A_2444, %ne3A_2445 : i32
    %and3A_2447 = arith.andi %ne3A_2443, %ne3A_2446 : i1
    %sub3A_2448 = arith.constant 1 : i32
    %sub3A_2449 = arith.subi %div3A_2428, %sub3A_2448 : i32
    %select_n3A_2450 = arith.select %and3A_2447, %sub3A_2449, %div3A_2428 : i32
    %jit3A_2451 = arith.constant 8 : i32
    %eq3A_2452 = arith.constant 0 : i32
    %eq3A_2453 = arith.cmpi eq, %jit3A_2451, %eq3A_2452 : i32
    %jit3A_2454 = arith.constant 1 : i32
    %select_n3A_2455 = arith.select %eq3A_2453, %jit3A_2454, %jit3A_2451 : i32
    %rem3A_2456 = arith.remsi %add3A_2385, %select_n3A_2455 : i32
    %ne3A_2457 = arith.constant 0 : i32
    %ne3A_2458 = arith.cmpi ne, %rem3A_2456, %ne3A_2457 : i32
    %lt3A_2459 = arith.constant 0 : i32
    %lt3A_2460 = arith.cmpi slt, %rem3A_2456, %lt3A_2459 : i32
    %lt3A_2461 = arith.constant 0 : i32
    %lt3A_2462 = arith.cmpi slt, %select_n3A_2455, %lt3A_2461 : i32
    %ne3A_2463 = arith.xori %lt3A_2460, %lt3A_2462 : i1
    %and3A_2464 = arith.andi %ne3A_2463, %ne3A_2458 : i1
    %add3A_2465 = arith.addi %rem3A_2456, %select_n3A_2455 : i32
    %select_n3A_2466 = arith.select %and3A_2464, %add3A_2465, %rem3A_2456 : i32
    %mul3A_2467 = arith.constant 128 : i32
    %mul3A_2468 = arith.muli %select_n3A_2466, %mul3A_2467 : i32
    %dma_wait3A_2469 = arith.constant 0 : i32
    %dma_wait3A_2470 = arith.constant 0 : i32
    %dma_wait3A_2471 = arith.constant 0 : i32
    %dma_wait3A_2472 = tpu.memref_slice %arg6[%dma_wait3A_2469, %dma_wait3A_2470, %dma_wait3A_2471] : memref<3x128x128xf32, #tpu.memory_space<vmem>> -> memref<1x128x128xf32, #tpu.memory_space<vmem>>
    %dma_wait3A_2473 = tpu.memref_squeeze %dma_wait3A_2472 : memref<1x128x128xf32, #tpu.memory_space<vmem>> -> memref<128x128xf32, #tpu.memory_space<vmem>>
    %dma_wait3A_2474 = arith.constant 0 : i32
    %dma_wait3A_2475 = arith.constant 0 : i32
    %dma_wait3A_2476 = tpu.memref_slice %arg4[%select_n3A_2450, %dma_wait3A_2474, %dma_wait3A_2475] : memref<38x1024x128xf32, #tpu.memory_space<hbm>> -> memref<1x1024x128xf32, #tpu.memory_space<hbm>>
    %dma_wait3A_2477 = tpu.memref_squeeze %dma_wait3A_2476 : memref<1x1024x128xf32, #tpu.memory_space<hbm>> -> memref<1024x128xf32, #tpu.memory_space<hbm>>
    %dma_wait3A_2478 = arith.constant 0 : i32
    %dma_wait3A_2479 = tpu.memref_slice %dma_wait3A_2477[%mul3A_2468, %dma_wait3A_2478] : memref<1024x128xf32, #tpu.memory_space<hbm>> -> memref<128x128xf32, #tpu.memory_space<hbm>>
    %dma_wait3A_2480 = arith.constant 0 : i32
    %dma_wait3A_2481 = arith.constant 0 : i32
    %dma_wait3A_2482 = tpu.memref_slice %arg4[%select_n3A_2450, %dma_wait3A_2480, %dma_wait3A_2481] : memref<38x1024x128xf32, #tpu.memory_space<hbm>> -> memref<1x1024x128xf32, #tpu.memory_space<hbm>>
    %dma_wait3A_2483 = tpu.memref_squeeze %dma_wait3A_2482 : memref<1x1024x128xf32, #tpu.memory_space<hbm>> -> memref<1024x128xf32, #tpu.memory_space<hbm>>
    %dma_wait3A_2484 = arith.constant 0 : i32
    %dma_wait3A_2485 = tpu.memref_slice %dma_wait3A_2483[%mul3A_2468, %dma_wait3A_2484] : memref<1024x128xf32, #tpu.memory_space<hbm>> -> memref<128x128xf32, #tpu.memory_space<hbm>>
    %dma_wait3A_2486 = arith.constant 0 : i32
    %dma_wait3A_2487 = arith.constant 0 : i32
    %dma_wait3A_2488 = tpu.memref_slice %arg6[%dma_wait3A_2469, %dma_wait3A_2486, %dma_wait3A_2487] : memref<3x128x128xf32, #tpu.memory_space<vmem>> -> memref<1x128x128xf32, #tpu.memory_space<vmem>>
    %dma_wait3A_2489 = tpu.memref_squeeze %dma_wait3A_2488 : memref<1x128x128xf32, #tpu.memory_space<vmem>> -> memref<128x128xf32, #tpu.memory_space<vmem>>
    tpu.wait_dma2 semaphore(%arg10 : memref<!tpu.dma_semaphore, #tpu.memory_space<semaphore_mem>>) src(%dma_wait3A_2489 : memref<128x128xf32, #tpu.memory_space<vmem>>) dst(%dma_wait3A_2485 : memref<128x128xf32, #tpu.memory_space<hbm>>)
    %lt3A_2490 = arith.constant 16 : i32
    %lt3A_2491 = arith.cmpi slt, %add3A, %lt3A_2490 : i32
    %convert_element_type3A = arith.extui %lt3A_2491 : i1 to i32
    %cond3A = arith.constant 0 : i32
    %cond3A_2492 = arith.cmpi ne, %convert_element_type3A, %cond3A : i32
    scf.if %cond3A_2492 {
      %add3A_2957 = arith.constant 9 : i32
      %add3A_2958 = arith.addi %add3A_4, %add3A_2957 : i32
      %jit3A_2959 = arith.constant 8 : i32
      %div3A_2960 = arith.divsi %add3A_2958, %jit3A_2959 : i32
      %sign3A_2961 = arith.constant 0 : i32
      %sign3A_2962 = arith.cmpi sgt, %add3A_2958, %sign3A_2961 : i32
      %sign3A_2963 = arith.extui %sign3A_2962 : i1 to i32
      %sign3A_2964 = arith.constant 0 : i32
      %sign3A_2965 = arith.cmpi slt, %add3A_2958, %sign3A_2964 : i32
      %sign3A_2966 = arith.extui %sign3A_2965 : i1 to i32
      %sign3A_2967 = arith.subi %sign3A_2963, %sign3A_2966 : i32
      %sign3A_2968 = arith.constant 0 : i32
      %sign3A_2969 = arith.cmpi sgt, %jit3A_2959, %sign3A_2968 : i32
      %sign3A_2970 = arith.extui %sign3A_2969 : i1 to i32
      %sign3A_2971 = arith.constant 0 : i32
      %sign3A_2972 = arith.cmpi slt, %jit3A_2959, %sign3A_2971 : i32
      %sign3A_2973 = arith.extui %sign3A_2972 : i1 to i32
      %sign3A_2974 = arith.subi %sign3A_2970, %sign3A_2973 : i32
      %ne3A_2975 = arith.cmpi ne, %sign3A_2967, %sign3A_2974 : i32
      %rem3A_2976 = arith.remsi %add3A_2958, %jit3A_2959 : i32
      %ne3A_2977 = arith.constant 0 : i32
      %ne3A_2978 = arith.cmpi ne, %rem3A_2976, %ne3A_2977 : i32
      %and3A_2979 = arith.andi %ne3A_2975, %ne3A_2978 : i1
      %sub3A_2980 = arith.constant 1 : i32
      %sub3A_2981 = arith.subi %div3A_2960, %sub3A_2980 : i32
      %select_n3A_2982 = arith.select %and3A_2979, %sub3A_2981, %div3A_2960 : i32
      %sub3A_2983 = arith.subi %select_n3A_2982, %min3A_22 : i32
      %jit3A_2984 = arith.constant 8 : i32
      %eq3A_2985 = arith.constant 0 : i32
      %eq3A_2986 = arith.cmpi eq, %jit3A_2984, %eq3A_2985 : i32
      %jit3A_2987 = arith.constant 1 : i32
      %select_n3A_2988 = arith.select %eq3A_2986, %jit3A_2987, %jit3A_2984 : i32
      %rem3A_2989 = arith.remsi %add3A_2958, %select_n3A_2988 : i32
      %ne3A_2990 = arith.constant 0 : i32
      %ne3A_2991 = arith.cmpi ne, %rem3A_2989, %ne3A_2990 : i32
      %lt3A_2992 = arith.constant 0 : i32
      %lt3A_2993 = arith.cmpi slt, %rem3A_2989, %lt3A_2992 : i32
      %lt3A_2994 = arith.constant 0 : i32
      %lt3A_2995 = arith.cmpi slt, %select_n3A_2988, %lt3A_2994 : i32
      %ne3A_2996 = arith.xori %lt3A_2993, %lt3A_2995 : i1
      %and3A_2997 = arith.andi %ne3A_2996, %ne3A_2991 : i1
      %add3A_2998 = arith.addi %rem3A_2989, %select_n3A_2988 : i32
      %select_n3A_2999 = arith.select %and3A_2997, %add3A_2998, %rem3A_2989 : i32
      %jit3A_3000 = arith.constant 8 : i32
      %div3A_3001 = arith.divsi %add3A_2958, %jit3A_3000 : i32
      %sign3A_3002 = arith.constant 0 : i32
      %sign3A_3003 = arith.cmpi sgt, %add3A_2958, %sign3A_3002 : i32
      %sign3A_3004 = arith.extui %sign3A_3003 : i1 to i32
      %sign3A_3005 = arith.constant 0 : i32
      %sign3A_3006 = arith.cmpi slt, %add3A_2958, %sign3A_3005 : i32
      %sign3A_3007 = arith.extui %sign3A_3006 : i1 to i32
      %sign3A_3008 = arith.subi %sign3A_3004, %sign3A_3007 : i32
      %sign3A_3009 = arith.constant 0 : i32
      %sign3A_3010 = arith.cmpi sgt, %jit3A_3000, %sign3A_3009 : i32
      %sign3A_3011 = arith.extui %sign3A_3010 : i1 to i32
      %sign3A_3012 = arith.constant 0 : i32
      %sign3A_3013 = arith.cmpi slt, %jit3A_3000, %sign3A_3012 : i32
      %sign3A_3014 = arith.extui %sign3A_3013 : i1 to i32
      %sign3A_3015 = arith.subi %sign3A_3011, %sign3A_3014 : i32
      %ne3A_3016 = arith.cmpi ne, %sign3A_3008, %sign3A_3015 : i32
      %rem3A_3017 = arith.remsi %add3A_2958, %jit3A_3000 : i32
      %ne3A_3018 = arith.constant 0 : i32
      %ne3A_3019 = arith.cmpi ne, %rem3A_3017, %ne3A_3018 : i32
      %and3A_3020 = arith.andi %ne3A_3016, %ne3A_3019 : i1
      %sub3A_3021 = arith.constant 1 : i32
      %sub3A_3022 = arith.subi %div3A_3001, %sub3A_3021 : i32
      %select_n3A_3023 = arith.select %and3A_3020, %sub3A_3022, %div3A_3001 : i32
      %jit3A_3024 = arith.constant 8 : i32
      %eq3A_3025 = arith.constant 0 : i32
      %eq3A_3026 = arith.cmpi eq, %jit3A_3024, %eq3A_3025 : i32
      %jit3A_3027 = arith.constant 1 : i32
      %select_n3A_3028 = arith.select %eq3A_3026, %jit3A_3027, %jit3A_3024 : i32
      %rem3A_3029 = arith.remsi %add3A_2958, %select_n3A_3028 : i32
      %ne3A_3030 = arith.constant 0 : i32
      %ne3A_3031 = arith.cmpi ne, %rem3A_3029, %ne3A_3030 : i32
      %lt3A_3032 = arith.constant 0 : i32
      %lt3A_3033 = arith.cmpi slt, %rem3A_3029, %lt3A_3032 : i32
      %lt3A_3034 = arith.constant 0 : i32
      %lt3A_3035 = arith.cmpi slt, %select_n3A_3028, %lt3A_3034 : i32
      %ne3A_3036 = arith.xori %lt3A_3033, %lt3A_3035 : i1
      %and3A_3037 = arith.andi %ne3A_3036, %ne3A_3031 : i1
      %add3A_3038 = arith.addi %rem3A_3029, %select_n3A_3028 : i32
      %select_n3A_3039 = arith.select %and3A_3037, %add3A_3038, %rem3A_3029 : i32
      %dma_start3A_3040 = arith.constant 0 : i32
      %dma_start3A_3041 = arith.constant 0 : i32
      %dma_start3A_3042 = arith.constant 0 : i32
      %dma_start3A_3043 = tpu.memref_slice %arg6[%dma_start3A_3040, %dma_start3A_3041, %dma_start3A_3042] : memref<3x128x128xf32, #tpu.memory_space<vmem>> -> memref<1x128x128xf32, #tpu.memory_space<vmem>>
      %dma_start3A_3044 = tpu.memref_squeeze %dma_start3A_3043 : memref<1x128x128xf32, #tpu.memory_space<vmem>> -> memref<128x128xf32, #tpu.memory_space<vmem>>
      %dma_start3A_3045 = arith.constant 0 : i32
      %dma_start3A_3046 = arith.constant 0 : i32
      %dma_start3A_3047 = tpu.memref_slice %arg5[%sub3A_2983, %dma_start3A_3045, %dma_start3A_3046] : memref<3x8x128xi32, #tpu.memory_space<vmem>> -> memref<1x8x128xi32, #tpu.memory_space<vmem>>
      %dma_start3A_3048 = tpu.memref_squeeze %dma_start3A_3047 : memref<1x8x128xi32, #tpu.memory_space<vmem>> -> memref<8x128xi32, #tpu.memory_space<vmem>>
      %dma_start3A_3049 = arith.constant 0 : i32
      %dma_start3A_3050 = tpu.memref_slice %dma_start3A_3048[%select_n3A_2999, %dma_start3A_3049] : memref<8x128xi32, #tpu.memory_space<vmem>> -> memref<1x128xi32, #tpu.memory_space<vmem>>
      %dma_start3A_3051 = tpu.memref_squeeze %dma_start3A_3050 : memref<1x128xi32, #tpu.memory_space<vmem>> -> memref<128xi32, #tpu.memory_space<vmem>>
      %dma_start3A_3052 = arith.constant 0 : i32
      %dma_start3A_3053 = arith.constant 0 : i32
      %dma_start3A_3054 = tpu.memref_slice %arg2[%dma_start3A_3052, %dma_start3A_3053] : memref<1000x128xf32, #tpu.memory_space<hbm>> -> memref<1000x128xf32, #tpu.memory_space<hbm>>
      tpu.enqueue_indirect_dma source(%dma_start3A_3054 : memref<1000x128xf32, #tpu.memory_space<hbm>>) target(%dma_start3A_3044 : memref<128x128xf32, #tpu.memory_space<vmem>>) offsets(%dma_start3A_3051 : memref<128xi32, #tpu.memory_space<vmem>>) semaphore(%arg7 : memref<!tpu.dma_semaphore, #tpu.memory_space<semaphore_mem>>)
    } else {
    }
    %add3A_2493 = arith.constant 7 : i32
    %add3A_2494 = arith.addi %add3A_4, %add3A_2493 : i32
    %jit3A_2495 = arith.constant 8 : i32
    %div3A_2496 = arith.divsi %add3A_2494, %jit3A_2495 : i32
    %sign3A_2497 = arith.constant 0 : i32
    %sign3A_2498 = arith.cmpi sgt, %add3A_2494, %sign3A_2497 : i32
    %sign3A_2499 = arith.extui %sign3A_2498 : i1 to i32
    %sign3A_2500 = arith.constant 0 : i32
    %sign3A_2501 = arith.cmpi slt, %add3A_2494, %sign3A_2500 : i32
    %sign3A_2502 = arith.extui %sign3A_2501 : i1 to i32
    %sign3A_2503 = arith.subi %sign3A_2499, %sign3A_2502 : i32
    %sign3A_2504 = arith.constant 0 : i32
    %sign3A_2505 = arith.cmpi sgt, %jit3A_2495, %sign3A_2504 : i32
    %sign3A_2506 = arith.extui %sign3A_2505 : i1 to i32
    %sign3A_2507 = arith.constant 0 : i32
    %sign3A_2508 = arith.cmpi slt, %jit3A_2495, %sign3A_2507 : i32
    %sign3A_2509 = arith.extui %sign3A_2508 : i1 to i32
    %sign3A_2510 = arith.subi %sign3A_2506, %sign3A_2509 : i32
    %ne3A_2511 = arith.cmpi ne, %sign3A_2503, %sign3A_2510 : i32
    %rem3A_2512 = arith.remsi %add3A_2494, %jit3A_2495 : i32
    %ne3A_2513 = arith.constant 0 : i32
    %ne3A_2514 = arith.cmpi ne, %rem3A_2512, %ne3A_2513 : i32
    %and3A_2515 = arith.andi %ne3A_2511, %ne3A_2514 : i1
    %sub3A_2516 = arith.constant 1 : i32
    %sub3A_2517 = arith.subi %div3A_2496, %sub3A_2516 : i32
    %select_n3A_2518 = arith.select %and3A_2515, %sub3A_2517, %div3A_2496 : i32
    %sub3A_2519 = arith.subi %select_n3A_2518, %min3A_22 : i32
    %jit3A_2520 = arith.constant 8 : i32
    %eq3A_2521 = arith.constant 0 : i32
    %eq3A_2522 = arith.cmpi eq, %jit3A_2520, %eq3A_2521 : i32
    %jit3A_2523 = arith.constant 1 : i32
    %select_n3A_2524 = arith.select %eq3A_2522, %jit3A_2523, %jit3A_2520 : i32
    %rem3A_2525 = arith.remsi %add3A_2494, %select_n3A_2524 : i32
    %ne3A_2526 = arith.constant 0 : i32
    %ne3A_2527 = arith.cmpi ne, %rem3A_2525, %ne3A_2526 : i32
    %lt3A_2528 = arith.constant 0 : i32
    %lt3A_2529 = arith.cmpi slt, %rem3A_2525, %lt3A_2528 : i32
    %lt3A_2530 = arith.constant 0 : i32
    %lt3A_2531 = arith.cmpi slt, %select_n3A_2524, %lt3A_2530 : i32
    %ne3A_2532 = arith.xori %lt3A_2529, %lt3A_2531 : i1
    %and3A_2533 = arith.andi %ne3A_2532, %ne3A_2527 : i1
    %add3A_2534 = arith.addi %rem3A_2525, %select_n3A_2524 : i32
    %select_n3A_2535 = arith.select %and3A_2533, %add3A_2534, %rem3A_2525 : i32
    %jit3A_2536 = arith.constant 8 : i32
    %div3A_2537 = arith.divsi %add3A_2494, %jit3A_2536 : i32
    %sign3A_2538 = arith.constant 0 : i32
    %sign3A_2539 = arith.cmpi sgt, %add3A_2494, %sign3A_2538 : i32
    %sign3A_2540 = arith.extui %sign3A_2539 : i1 to i32
    %sign3A_2541 = arith.constant 0 : i32
    %sign3A_2542 = arith.cmpi slt, %add3A_2494, %sign3A_2541 : i32
    %sign3A_2543 = arith.extui %sign3A_2542 : i1 to i32
    %sign3A_2544 = arith.subi %sign3A_2540, %sign3A_2543 : i32
    %sign3A_2545 = arith.constant 0 : i32
    %sign3A_2546 = arith.cmpi sgt, %jit3A_2536, %sign3A_2545 : i32
    %sign3A_2547 = arith.extui %sign3A_2546 : i1 to i32
    %sign3A_2548 = arith.constant 0 : i32
    %sign3A_2549 = arith.cmpi slt, %jit3A_2536, %sign3A_2548 : i32
    %sign3A_2550 = arith.extui %sign3A_2549 : i1 to i32
    %sign3A_2551 = arith.subi %sign3A_2547, %sign3A_2550 : i32
    %ne3A_2552 = arith.cmpi ne, %sign3A_2544, %sign3A_2551 : i32
    %rem3A_2553 = arith.remsi %add3A_2494, %jit3A_2536 : i32
    %ne3A_2554 = arith.constant 0 : i32
    %ne3A_2555 = arith.cmpi ne, %rem3A_2553, %ne3A_2554 : i32
    %and3A_2556 = arith.andi %ne3A_2552, %ne3A_2555 : i1
    %sub3A_2557 = arith.constant 1 : i32
    %sub3A_2558 = arith.subi %div3A_2537, %sub3A_2557 : i32
    %select_n3A_2559 = arith.select %and3A_2556, %sub3A_2558, %div3A_2537 : i32
    %jit3A_2560 = arith.constant 8 : i32
    %eq3A_2561 = arith.constant 0 : i32
    %eq3A_2562 = arith.cmpi eq, %jit3A_2560, %eq3A_2561 : i32
    %jit3A_2563 = arith.constant 1 : i32
    %select_n3A_2564 = arith.select %eq3A_2562, %jit3A_2563, %jit3A_2560 : i32
    %rem3A_2565 = arith.remsi %add3A_2494, %select_n3A_2564 : i32
    %ne3A_2566 = arith.constant 0 : i32
    %ne3A_2567 = arith.cmpi ne, %rem3A_2565, %ne3A_2566 : i32
    %lt3A_2568 = arith.constant 0 : i32
    %lt3A_2569 = arith.cmpi slt, %rem3A_2565, %lt3A_2568 : i32
    %lt3A_2570 = arith.constant 0 : i32
    %lt3A_2571 = arith.cmpi slt, %select_n3A_2564, %lt3A_2570 : i32
    %ne3A_2572 = arith.xori %lt3A_2569, %lt3A_2571 : i1
    %and3A_2573 = arith.andi %ne3A_2572, %ne3A_2567 : i1
    %add3A_2574 = arith.addi %rem3A_2565, %select_n3A_2564 : i32
    %select_n3A_2575 = arith.select %and3A_2573, %add3A_2574, %rem3A_2565 : i32
    %dma_wait3A_2576 = arith.constant 1 : i32
    %dma_wait3A_2577 = arith.constant 0 : i32
    %dma_wait3A_2578 = arith.constant 0 : i32
    %dma_wait3A_2579 = tpu.memref_slice %arg6[%dma_wait3A_2576, %dma_wait3A_2577, %dma_wait3A_2578] : memref<3x128x128xf32, #tpu.memory_space<vmem>> -> memref<1x128x128xf32, #tpu.memory_space<vmem>>
    %dma_wait3A_2580 = tpu.memref_squeeze %dma_wait3A_2579 : memref<1x128x128xf32, #tpu.memory_space<vmem>> -> memref<128x128xf32, #tpu.memory_space<vmem>>
    %dma_wait3A_2581 = arith.constant 0 : i32
    %dma_wait3A_2582 = arith.constant 0 : i32
    %dma_wait3A_2583 = tpu.memref_slice %arg5[%sub3A_2519, %dma_wait3A_2581, %dma_wait3A_2582] : memref<3x8x128xi32, #tpu.memory_space<vmem>> -> memref<1x8x128xi32, #tpu.memory_space<vmem>>
    %dma_wait3A_2584 = tpu.memref_squeeze %dma_wait3A_2583 : memref<1x8x128xi32, #tpu.memory_space<vmem>> -> memref<8x128xi32, #tpu.memory_space<vmem>>
    %dma_wait3A_2585 = arith.constant 0 : i32
    %dma_wait3A_2586 = tpu.memref_slice %dma_wait3A_2584[%select_n3A_2535, %dma_wait3A_2585] : memref<8x128xi32, #tpu.memory_space<vmem>> -> memref<1x128xi32, #tpu.memory_space<vmem>>
    %dma_wait3A_2587 = tpu.memref_squeeze %dma_wait3A_2586 : memref<1x128xi32, #tpu.memory_space<vmem>> -> memref<128xi32, #tpu.memory_space<vmem>>
    %dma_wait3A_2588 = arith.constant 0 : i32
    %dma_wait3A_2589 = arith.constant 0 : i32
    %dma_wait3A_2590 = tpu.memref_slice %arg2[%dma_wait3A_2588, %dma_wait3A_2589] : memref<1000x128xf32, #tpu.memory_space<hbm>> -> memref<1000x128xf32, #tpu.memory_space<hbm>>
    tpu.wait_indirect_dma semaphore(%arg8 : memref<!tpu.dma_semaphore, #tpu.memory_space<semaphore_mem>>) src(%dma_wait3A_2590 : memref<1000x128xf32, #tpu.memory_space<hbm>>) dst(%dma_wait3A_2580 : memref<128x128xf32, #tpu.memory_space<vmem>>)
    %mul3A_2591 = arith.constant 128 : i32
    %mul3A_2592 = arith.muli %select_n3A_2575, %mul3A_2591 : i32
    %dma_start3A_2593 = arith.constant 1 : i32
    %dma_start3A_2594 = arith.constant 0 : i32
    %dma_start3A_2595 = arith.constant 0 : i32
    %dma_start3A_2596 = tpu.memref_slice %arg6[%dma_start3A_2593, %dma_start3A_2594, %dma_start3A_2595] : memref<3x128x128xf32, #tpu.memory_space<vmem>> -> memref<1x128x128xf32, #tpu.memory_space<vmem>>
    %dma_start3A_2597 = tpu.memref_squeeze %dma_start3A_2596 : memref<1x128x128xf32, #tpu.memory_space<vmem>> -> memref<128x128xf32, #tpu.memory_space<vmem>>
    %dma_start3A_2598 = arith.constant 0 : i32
    %dma_start3A_2599 = arith.constant 0 : i32
    %dma_start3A_2600 = tpu.memref_slice %arg4[%select_n3A_2559, %dma_start3A_2598, %dma_start3A_2599] : memref<38x1024x128xf32, #tpu.memory_space<hbm>> -> memref<1x1024x128xf32, #tpu.memory_space<hbm>>
    %dma_start3A_2601 = tpu.memref_squeeze %dma_start3A_2600 : memref<1x1024x128xf32, #tpu.memory_space<hbm>> -> memref<1024x128xf32, #tpu.memory_space<hbm>>
    %dma_start3A_2602 = arith.constant 0 : i32
    %dma_start3A_2603 = tpu.memref_slice %dma_start3A_2601[%mul3A_2592, %dma_start3A_2602] : memref<1024x128xf32, #tpu.memory_space<hbm>> -> memref<128x128xf32, #tpu.memory_space<hbm>>
    %dma_start3A_2604 = arith.constant 0 : i32
    %dma_start3A_2605 = arith.constant 0 : i32
    %dma_start3A_2606 = tpu.memref_slice %arg4[%select_n3A_2559, %dma_start3A_2604, %dma_start3A_2605] : memref<38x1024x128xf32, #tpu.memory_space<hbm>> -> memref<1x1024x128xf32, #tpu.memory_space<hbm>>
    %dma_start3A_2607 = tpu.memref_squeeze %dma_start3A_2606 : memref<1x1024x128xf32, #tpu.memory_space<hbm>> -> memref<1024x128xf32, #tpu.memory_space<hbm>>
    %dma_start3A_2608 = arith.constant 0 : i32
    %dma_start3A_2609 = tpu.memref_slice %dma_start3A_2607[%mul3A_2592, %dma_start3A_2608] : memref<1024x128xf32, #tpu.memory_space<hbm>> -> memref<128x128xf32, #tpu.memory_space<hbm>>
    %dma_start3A_2610 = arith.constant 0 : i32
    %dma_start3A_2611 = arith.constant 0 : i32
    %dma_start3A_2612 = tpu.memref_slice %arg6[%dma_start3A_2593, %dma_start3A_2610, %dma_start3A_2611] : memref<3x128x128xf32, #tpu.memory_space<vmem>> -> memref<1x128x128xf32, #tpu.memory_space<vmem>>
    %dma_start3A_2613 = tpu.memref_squeeze %dma_start3A_2612 : memref<1x128x128xf32, #tpu.memory_space<vmem>> -> memref<128x128xf32, #tpu.memory_space<vmem>>
    tpu.enqueue_dma source(%dma_start3A_2613 : memref<128x128xf32, #tpu.memory_space<vmem>>) target(%dma_start3A_2609 : memref<128x128xf32, #tpu.memory_space<hbm>>) target_semaphore(%arg11 : memref<!tpu.dma_semaphore, #tpu.memory_space<semaphore_mem>>)
    %add3A_2614 = arith.constant 8 : i32
    %add3A_2615 = arith.addi %add3A_4, %add3A_2614 : i32
    %jit3A_2616 = arith.constant 8 : i32
    %div3A_2617 = arith.divsi %add3A_2615, %jit3A_2616 : i32
    %sign3A_2618 = arith.constant 0 : i32
    %sign3A_2619 = arith.cmpi sgt, %add3A_2615, %sign3A_2618 : i32
    %sign3A_2620 = arith.extui %sign3A_2619 : i1 to i32
    %sign3A_2621 = arith.constant 0 : i32
    %sign3A_2622 = arith.cmpi slt, %add3A_2615, %sign3A_2621 : i32
    %sign3A_2623 = arith.extui %sign3A_2622 : i1 to i32
    %sign3A_2624 = arith.subi %sign3A_2620, %sign3A_2623 : i32
    %sign3A_2625 = arith.constant 0 : i32
    %sign3A_2626 = arith.cmpi sgt, %jit3A_2616, %sign3A_2625 : i32
    %sign3A_2627 = arith.extui %sign3A_2626 : i1 to i32
    %sign3A_2628 = arith.constant 0 : i32
    %sign3A_2629 = arith.cmpi slt, %jit3A_2616, %sign3A_2628 : i32
    %sign3A_2630 = arith.extui %sign3A_2629 : i1 to i32
    %sign3A_2631 = arith.subi %sign3A_2627, %sign3A_2630 : i32
    %ne3A_2632 = arith.cmpi ne, %sign3A_2624, %sign3A_2631 : i32
    %rem3A_2633 = arith.remsi %add3A_2615, %jit3A_2616 : i32
    %ne3A_2634 = arith.constant 0 : i32
    %ne3A_2635 = arith.cmpi ne, %rem3A_2633, %ne3A_2634 : i32
    %and3A_2636 = arith.andi %ne3A_2632, %ne3A_2635 : i1
    %sub3A_2637 = arith.constant 1 : i32
    %sub3A_2638 = arith.subi %div3A_2617, %sub3A_2637 : i32
    %select_n3A_2639 = arith.select %and3A_2636, %sub3A_2638, %div3A_2617 : i32
    %sub3A_2640 = arith.subi %select_n3A_2639, %min3A_22 : i32
    %jit3A_2641 = arith.constant 8 : i32
    %eq3A_2642 = arith.constant 0 : i32
    %eq3A_2643 = arith.cmpi eq, %jit3A_2641, %eq3A_2642 : i32
    %jit3A_2644 = arith.constant 1 : i32
    %select_n3A_2645 = arith.select %eq3A_2643, %jit3A_2644, %jit3A_2641 : i32
    %rem3A_2646 = arith.remsi %add3A_2615, %select_n3A_2645 : i32
    %ne3A_2647 = arith.constant 0 : i32
    %ne3A_2648 = arith.cmpi ne, %rem3A_2646, %ne3A_2647 : i32
    %lt3A_2649 = arith.constant 0 : i32
    %lt3A_2650 = arith.cmpi slt, %rem3A_2646, %lt3A_2649 : i32
    %lt3A_2651 = arith.constant 0 : i32
    %lt3A_2652 = arith.cmpi slt, %select_n3A_2645, %lt3A_2651 : i32
    %ne3A_2653 = arith.xori %lt3A_2650, %lt3A_2652 : i1
    %and3A_2654 = arith.andi %ne3A_2653, %ne3A_2648 : i1
    %add3A_2655 = arith.addi %rem3A_2646, %select_n3A_2645 : i32
    %select_n3A_2656 = arith.select %and3A_2654, %add3A_2655, %rem3A_2646 : i32
    %jit3A_2657 = arith.constant 8 : i32
    %div3A_2658 = arith.divsi %add3A_2615, %jit3A_2657 : i32
    %sign3A_2659 = arith.constant 0 : i32
    %sign3A_2660 = arith.cmpi sgt, %add3A_2615, %sign3A_2659 : i32
    %sign3A_2661 = arith.extui %sign3A_2660 : i1 to i32
    %sign3A_2662 = arith.constant 0 : i32
    %sign3A_2663 = arith.cmpi slt, %add3A_2615, %sign3A_2662 : i32
    %sign3A_2664 = arith.extui %sign3A_2663 : i1 to i32
    %sign3A_2665 = arith.subi %sign3A_2661, %sign3A_2664 : i32
    %sign3A_2666 = arith.constant 0 : i32
    %sign3A_2667 = arith.cmpi sgt, %jit3A_2657, %sign3A_2666 : i32
    %sign3A_2668 = arith.extui %sign3A_2667 : i1 to i32
    %sign3A_2669 = arith.constant 0 : i32
    %sign3A_2670 = arith.cmpi slt, %jit3A_2657, %sign3A_2669 : i32
    %sign3A_2671 = arith.extui %sign3A_2670 : i1 to i32
    %sign3A_2672 = arith.subi %sign3A_2668, %sign3A_2671 : i32
    %ne3A_2673 = arith.cmpi ne, %sign3A_2665, %sign3A_2672 : i32
    %rem3A_2674 = arith.remsi %add3A_2615, %jit3A_2657 : i32
    %ne3A_2675 = arith.constant 0 : i32
    %ne3A_2676 = arith.cmpi ne, %rem3A_2674, %ne3A_2675 : i32
    %and3A_2677 = arith.andi %ne3A_2673, %ne3A_2676 : i1
    %sub3A_2678 = arith.constant 1 : i32
    %sub3A_2679 = arith.subi %div3A_2658, %sub3A_2678 : i32
    %select_n3A_2680 = arith.select %and3A_2677, %sub3A_2679, %div3A_2658 : i32
    %jit3A_2681 = arith.constant 8 : i32
    %eq3A_2682 = arith.constant 0 : i32
    %eq3A_2683 = arith.cmpi eq, %jit3A_2681, %eq3A_2682 : i32
    %jit3A_2684 = arith.constant 1 : i32
    %select_n3A_2685 = arith.select %eq3A_2683, %jit3A_2684, %jit3A_2681 : i32
    %rem3A_2686 = arith.remsi %add3A_2615, %select_n3A_2685 : i32
    %ne3A_2687 = arith.constant 0 : i32
    %ne3A_2688 = arith.cmpi ne, %rem3A_2686, %ne3A_2687 : i32
    %lt3A_2689 = arith.constant 0 : i32
    %lt3A_2690 = arith.cmpi slt, %rem3A_2686, %lt3A_2689 : i32
    %lt3A_2691 = arith.constant 0 : i32
    %lt3A_2692 = arith.cmpi slt, %select_n3A_2685, %lt3A_2691 : i32
    %ne3A_2693 = arith.xori %lt3A_2690, %lt3A_2692 : i1
    %and3A_2694 = arith.andi %ne3A_2693, %ne3A_2688 : i1
    %add3A_2695 = arith.addi %rem3A_2686, %select_n3A_2685 : i32
    %select_n3A_2696 = arith.select %and3A_2694, %add3A_2695, %rem3A_2686 : i32
    %dma_wait3A_2697 = arith.constant 2 : i32
    %dma_wait3A_2698 = arith.constant 0 : i32
    %dma_wait3A_2699 = arith.constant 0 : i32
    %dma_wait3A_2700 = tpu.memref_slice %arg6[%dma_wait3A_2697, %dma_wait3A_2698, %dma_wait3A_2699] : memref<3x128x128xf32, #tpu.memory_space<vmem>> -> memref<1x128x128xf32, #tpu.memory_space<vmem>>
    %dma_wait3A_2701 = tpu.memref_squeeze %dma_wait3A_2700 : memref<1x128x128xf32, #tpu.memory_space<vmem>> -> memref<128x128xf32, #tpu.memory_space<vmem>>
    %dma_wait3A_2702 = arith.constant 0 : i32
    %dma_wait3A_2703 = arith.constant 0 : i32
    %dma_wait3A_2704 = tpu.memref_slice %arg5[%sub3A_2640, %dma_wait3A_2702, %dma_wait3A_2703] : memref<3x8x128xi32, #tpu.memory_space<vmem>> -> memref<1x8x128xi32, #tpu.memory_space<vmem>>
    %dma_wait3A_2705 = tpu.memref_squeeze %dma_wait3A_2704 : memref<1x8x128xi32, #tpu.memory_space<vmem>> -> memref<8x128xi32, #tpu.memory_space<vmem>>
    %dma_wait3A_2706 = arith.constant 0 : i32
    %dma_wait3A_2707 = tpu.memref_slice %dma_wait3A_2705[%select_n3A_2656, %dma_wait3A_2706] : memref<8x128xi32, #tpu.memory_space<vmem>> -> memref<1x128xi32, #tpu.memory_space<vmem>>
    %dma_wait3A_2708 = tpu.memref_squeeze %dma_wait3A_2707 : memref<1x128xi32, #tpu.memory_space<vmem>> -> memref<128xi32, #tpu.memory_space<vmem>>
    %dma_wait3A_2709 = arith.constant 0 : i32
    %dma_wait3A_2710 = arith.constant 0 : i32
    %dma_wait3A_2711 = tpu.memref_slice %arg2[%dma_wait3A_2709, %dma_wait3A_2710] : memref<1000x128xf32, #tpu.memory_space<hbm>> -> memref<1000x128xf32, #tpu.memory_space<hbm>>
    tpu.wait_indirect_dma semaphore(%arg9 : memref<!tpu.dma_semaphore, #tpu.memory_space<semaphore_mem>>) src(%dma_wait3A_2711 : memref<1000x128xf32, #tpu.memory_space<hbm>>) dst(%dma_wait3A_2701 : memref<128x128xf32, #tpu.memory_space<vmem>>)
    %mul3A_2712 = arith.constant 128 : i32
    %mul3A_2713 = arith.muli %select_n3A_2696, %mul3A_2712 : i32
    %dma_start3A_2714 = arith.constant 2 : i32
    %dma_start3A_2715 = arith.constant 0 : i32
    %dma_start3A_2716 = arith.constant 0 : i32
    %dma_start3A_2717 = tpu.memref_slice %arg6[%dma_start3A_2714, %dma_start3A_2715, %dma_start3A_2716] : memref<3x128x128xf32, #tpu.memory_space<vmem>> -> memref<1x128x128xf32, #tpu.memory_space<vmem>>
    %dma_start3A_2718 = tpu.memref_squeeze %dma_start3A_2717 : memref<1x128x128xf32, #tpu.memory_space<vmem>> -> memref<128x128xf32, #tpu.memory_space<vmem>>
    %dma_start3A_2719 = arith.constant 0 : i32
    %dma_start3A_2720 = arith.constant 0 : i32
    %dma_start3A_2721 = tpu.memref_slice %arg4[%select_n3A_2680, %dma_start3A_2719, %dma_start3A_2720] : memref<38x1024x128xf32, #tpu.memory_space<hbm>> -> memref<1x1024x128xf32, #tpu.memory_space<hbm>>
    %dma_start3A_2722 = tpu.memref_squeeze %dma_start3A_2721 : memref<1x1024x128xf32, #tpu.memory_space<hbm>> -> memref<1024x128xf32, #tpu.memory_space<hbm>>
    %dma_start3A_2723 = arith.constant 0 : i32
    %dma_start3A_2724 = tpu.memref_slice %dma_start3A_2722[%mul3A_2713, %dma_start3A_2723] : memref<1024x128xf32, #tpu.memory_space<hbm>> -> memref<128x128xf32, #tpu.memory_space<hbm>>
    %dma_start3A_2725 = arith.constant 0 : i32
    %dma_start3A_2726 = arith.constant 0 : i32
    %dma_start3A_2727 = tpu.memref_slice %arg4[%select_n3A_2680, %dma_start3A_2725, %dma_start3A_2726] : memref<38x1024x128xf32, #tpu.memory_space<hbm>> -> memref<1x1024x128xf32, #tpu.memory_space<hbm>>
    %dma_start3A_2728 = tpu.memref_squeeze %dma_start3A_2727 : memref<1x1024x128xf32, #tpu.memory_space<hbm>> -> memref<1024x128xf32, #tpu.memory_space<hbm>>
    %dma_start3A_2729 = arith.constant 0 : i32
    %dma_start3A_2730 = tpu.memref_slice %dma_start3A_2728[%mul3A_2713, %dma_start3A_2729] : memref<1024x128xf32, #tpu.memory_space<hbm>> -> memref<128x128xf32, #tpu.memory_space<hbm>>
    %dma_start3A_2731 = arith.constant 0 : i32
    %dma_start3A_2732 = arith.constant 0 : i32
    %dma_start3A_2733 = tpu.memref_slice %arg6[%dma_start3A_2714, %dma_start3A_2731, %dma_start3A_2732] : memref<3x128x128xf32, #tpu.memory_space<vmem>> -> memref<1x128x128xf32, #tpu.memory_space<vmem>>
    %dma_start3A_2734 = tpu.memref_squeeze %dma_start3A_2733 : memref<1x128x128xf32, #tpu.memory_space<vmem>> -> memref<128x128xf32, #tpu.memory_space<vmem>>
    tpu.enqueue_dma source(%dma_start3A_2734 : memref<128x128xf32, #tpu.memory_space<vmem>>) target(%dma_start3A_2730 : memref<128x128xf32, #tpu.memory_space<hbm>>) target_semaphore(%arg12 : memref<!tpu.dma_semaphore, #tpu.memory_space<semaphore_mem>>)
    %lt3A_2735 = arith.constant 16 : i32
    %lt3A_2736 = arith.cmpi slt, %add3A, %lt3A_2735 : i32
    %convert_element_type3A_2737 = arith.extui %lt3A_2736 : i1 to i32
    %cond3A_2738 = arith.constant 0 : i32
    %cond3A_2739 = arith.cmpi ne, %convert_element_type3A_2737, %cond3A_2738 : i32
    scf.if %cond3A_2739 {
      %add3A_2957 = arith.constant 9 : i32
      %add3A_2958 = arith.addi %add3A_4, %add3A_2957 : i32
      %jit3A_2959 = arith.constant 8 : i32
      %div3A_2960 = arith.divsi %add3A_2958, %jit3A_2959 : i32
      %sign3A_2961 = arith.constant 0 : i32
      %sign3A_2962 = arith.cmpi sgt, %add3A_2958, %sign3A_2961 : i32
      %sign3A_2963 = arith.extui %sign3A_2962 : i1 to i32
      %sign3A_2964 = arith.constant 0 : i32
      %sign3A_2965 = arith.cmpi slt, %add3A_2958, %sign3A_2964 : i32
      %sign3A_2966 = arith.extui %sign3A_2965 : i1 to i32
      %sign3A_2967 = arith.subi %sign3A_2963, %sign3A_2966 : i32
      %sign3A_2968 = arith.constant 0 : i32
      %sign3A_2969 = arith.cmpi sgt, %jit3A_2959, %sign3A_2968 : i32
      %sign3A_2970 = arith.extui %sign3A_2969 : i1 to i32
      %sign3A_2971 = arith.constant 0 : i32
      %sign3A_2972 = arith.cmpi slt, %jit3A_2959, %sign3A_2971 : i32
      %sign3A_2973 = arith.extui %sign3A_2972 : i1 to i32
      %sign3A_2974 = arith.subi %sign3A_2970, %sign3A_2973 : i32
      %ne3A_2975 = arith.cmpi ne, %sign3A_2967, %sign3A_2974 : i32
      %rem3A_2976 = arith.remsi %add3A_2958, %jit3A_2959 : i32
      %ne3A_2977 = arith.constant 0 : i32
      %ne3A_2978 = arith.cmpi ne, %rem3A_2976, %ne3A_2977 : i32
      %and3A_2979 = arith.andi %ne3A_2975, %ne3A_2978 : i1
      %sub3A_2980 = arith.constant 1 : i32
      %sub3A_2981 = arith.subi %div3A_2960, %sub3A_2980 : i32
      %select_n3A_2982 = arith.select %and3A_2979, %sub3A_2981, %div3A_2960 : i32
      %sub3A_2983 = arith.subi %select_n3A_2982, %min3A_22 : i32
      %jit3A_2984 = arith.constant 8 : i32
      %eq3A_2985 = arith.constant 0 : i32
      %eq3A_2986 = arith.cmpi eq, %jit3A_2984, %eq3A_2985 : i32
      %jit3A_2987 = arith.constant 1 : i32
      %select_n3A_2988 = arith.select %eq3A_2986, %jit3A_2987, %jit3A_2984 : i32
      %rem3A_2989 = arith.remsi %add3A_2958, %select_n3A_2988 : i32
      %ne3A_2990 = arith.constant 0 : i32
      %ne3A_2991 = arith.cmpi ne, %rem3A_2989, %ne3A_2990 : i32
      %lt3A_2992 = arith.constant 0 : i32
      %lt3A_2993 = arith.cmpi slt, %rem3A_2989, %lt3A_2992 : i32
      %lt3A_2994 = arith.constant 0 : i32
      %lt3A_2995 = arith.cmpi slt, %select_n3A_2988, %lt3A_2994 : i32
      %ne3A_2996 = arith.xori %lt3A_2993, %lt3A_2995 : i1
      %and3A_2997 = arith.andi %ne3A_2996, %ne3A_2991 : i1
      %add3A_2998 = arith.addi %rem3A_2989, %select_n3A_2988 : i32
      %select_n3A_2999 = arith.select %and3A_2997, %add3A_2998, %rem3A_2989 : i32
      %jit3A_3000 = arith.constant 8 : i32
      %div3A_3001 = arith.divsi %add3A_2958, %jit3A_3000 : i32
      %sign3A_3002 = arith.constant 0 : i32
      %sign3A_3003 = arith.cmpi sgt, %add3A_2958, %sign3A_3002 : i32
      %sign3A_3004 = arith.extui %sign3A_3003 : i1 to i32
      %sign3A_3005 = arith.constant 0 : i32
      %sign3A_3006 = arith.cmpi slt, %add3A_2958, %sign3A_3005 : i32
      %sign3A_3007 = arith.extui %sign3A_3006 : i1 to i32
      %sign3A_3008 = arith.subi %sign3A_3004, %sign3A_3007 : i32
      %sign3A_3009 = arith.constant 0 : i32
      %sign3A_3010 = arith.cmpi sgt, %jit3A_3000, %sign3A_3009 : i32
      %sign3A_3011 = arith.extui %sign3A_3010 : i1 to i32
      %sign3A_3012 = arith.constant 0 : i32
      %sign3A_3013 = arith.cmpi slt, %jit3A_3000, %sign3A_3012 : i32
      %sign3A_3014 = arith.extui %sign3A_3013 : i1 to i32
      %sign3A_3015 = arith.subi %sign3A_3011, %sign3A_3014 : i32
      %ne3A_3016 = arith.cmpi ne, %sign3A_3008, %sign3A_3015 : i32
      %rem3A_3017 = arith.remsi %add3A_2958, %jit3A_3000 : i32
      %ne3A_3018 = arith.constant 0 : i32
      %ne3A_3019 = arith.cmpi ne, %rem3A_3017, %ne3A_3018 : i32
      %and3A_3020 = arith.andi %ne3A_3016, %ne3A_3019 : i1
      %sub3A_3021 = arith.constant 1 : i32
      %sub3A_3022 = arith.subi %div3A_3001, %sub3A_3021 : i32
      %select_n3A_3023 = arith.select %and3A_3020, %sub3A_3022, %div3A_3001 : i32
      %jit3A_3024 = arith.constant 8 : i32
      %eq3A_3025 = arith.constant 0 : i32
      %eq3A_3026 = arith.cmpi eq, %jit3A_3024, %eq3A_3025 : i32
      %jit3A_3027 = arith.constant 1 : i32
      %select_n3A_3028 = arith.select %eq3A_3026, %jit3A_3027, %jit3A_3024 : i32
      %rem3A_3029 = arith.remsi %add3A_2958, %select_n3A_3028 : i32
      %ne3A_3030 = arith.constant 0 : i32
      %ne3A_3031 = arith.cmpi ne, %rem3A_3029, %ne3A_3030 : i32
      %lt3A_3032 = arith.constant 0 : i32
      %lt3A_3033 = arith.cmpi slt, %rem3A_3029, %lt3A_3032 : i32
      %lt3A_3034 = arith.constant 0 : i32
      %lt3A_3035 = arith.cmpi slt, %select_n3A_3028, %lt3A_3034 : i32
      %ne3A_3036 = arith.xori %lt3A_3033, %lt3A_3035 : i1
      %and3A_3037 = arith.andi %ne3A_3036, %ne3A_3031 : i1
      %add3A_3038 = arith.addi %rem3A_3029, %select_n3A_3028 : i32
      %select_n3A_3039 = arith.select %and3A_3037, %add3A_3038, %rem3A_3029 : i32
      %dma_wait3A_3040 = arith.constant 0 : i32
      %dma_wait3A_3041 = arith.constant 0 : i32
      %dma_wait3A_3042 = arith.constant 0 : i32
      %dma_wait3A_3043 = tpu.memref_slice %arg6[%dma_wait3A_3040, %dma_wait3A_3041, %dma_wait3A_3042] : memref<3x128x128xf32, #tpu.memory_space<vmem>> -> memref<1x128x128xf32, #tpu.memory_space<vmem>>
      %dma_wait3A_3044 = tpu.memref_squeeze %dma_wait3A_3043 : memref<1x128x128xf32, #tpu.memory_space<vmem>> -> memref<128x128xf32, #tpu.memory_space<vmem>>
      %dma_wait3A_3045 = arith.constant 0 : i32
      %dma_wait3A_3046 = arith.constant 0 : i32
      %dma_wait3A_3047 = tpu.memref_slice %arg5[%sub3A_2983, %dma_wait3A_3045, %dma_wait3A_3046] : memref<3x8x128xi32, #tpu.memory_space<vmem>> -> memref<1x8x128xi32, #tpu.memory_space<vmem>>
      %dma_wait3A_3048 = tpu.memref_squeeze %dma_wait3A_3047 : memref<1x8x128xi32, #tpu.memory_space<vmem>> -> memref<8x128xi32, #tpu.memory_space<vmem>>
      %dma_wait3A_3049 = arith.constant 0 : i32
      %dma_wait3A_3050 = tpu.memref_slice %dma_wait3A_3048[%select_n3A_2999, %dma_wait3A_3049] : memref<8x128xi32, #tpu.memory_space<vmem>> -> memref<1x128xi32, #tpu.memory_space<vmem>>
      %dma_wait3A_3051 = tpu.memref_squeeze %dma_wait3A_3050 : memref<1x128xi32, #tpu.memory_space<vmem>> -> memref<128xi32, #tpu.memory_space<vmem>>
      %dma_wait3A_3052 = arith.constant 0 : i32
      %dma_wait3A_3053 = arith.constant 0 : i32
      %dma_wait3A_3054 = tpu.memref_slice %arg2[%dma_wait3A_3052, %dma_wait3A_3053] : memref<1000x128xf32, #tpu.memory_space<hbm>> -> memref<1000x128xf32, #tpu.memory_space<hbm>>
      tpu.wait_indirect_dma semaphore(%arg7 : memref<!tpu.dma_semaphore, #tpu.memory_space<semaphore_mem>>) src(%dma_wait3A_3054 : memref<1000x128xf32, #tpu.memory_space<hbm>>) dst(%dma_wait3A_3044 : memref<128x128xf32, #tpu.memory_space<vmem>>)
      %mul3A_3055 = arith.constant 128 : i32
      %mul3A_3056 = arith.muli %select_n3A_3039, %mul3A_3055 : i32
      %dma_start3A_3057 = arith.constant 0 : i32
      %dma_start3A_3058 = arith.constant 0 : i32
      %dma_start3A_3059 = arith.constant 0 : i32
      %dma_start3A_3060 = tpu.memref_slice %arg6[%dma_start3A_3057, %dma_start3A_3058, %dma_start3A_3059] : memref<3x128x128xf32, #tpu.memory_space<vmem>> -> memref<1x128x128xf32, #tpu.memory_space<vmem>>
      %dma_start3A_3061 = tpu.memref_squeeze %dma_start3A_3060 : memref<1x128x128xf32, #tpu.memory_space<vmem>> -> memref<128x128xf32, #tpu.memory_space<vmem>>
      %dma_start3A_3062 = arith.constant 0 : i32
      %dma_start3A_3063 = arith.constant 0 : i32
      %dma_start3A_3064 = tpu.memref_slice %arg4[%select_n3A_3023, %dma_start3A_3062, %dma_start3A_3063] : memref<38x1024x128xf32, #tpu.memory_space<hbm>> -> memref<1x1024x128xf32, #tpu.memory_space<hbm>>
      %dma_start3A_3065 = tpu.memref_squeeze %dma_start3A_3064 : memref<1x1024x128xf32, #tpu.memory_space<hbm>> -> memref<1024x128xf32, #tpu.memory_space<hbm>>
      %dma_start3A_3066 = arith.constant 0 : i32
      %dma_start3A_3067 = tpu.memref_slice %dma_start3A_3065[%mul3A_3056, %dma_start3A_3066] : memref<1024x128xf32, #tpu.memory_space<hbm>> -> memref<128x128xf32, #tpu.memory_space<hbm>>
      %dma_start3A_3068 = arith.constant 0 : i32
      %dma_start3A_3069 = arith.constant 0 : i32
      %dma_start3A_3070 = tpu.memref_slice %arg4[%select_n3A_3023, %dma_start3A_3068, %dma_start3A_3069] : memref<38x1024x128xf32, #tpu.memory_space<hbm>> -> memref<1x1024x128xf32, #tpu.memory_space<hbm>>
      %dma_start3A_3071 = tpu.memref_squeeze %dma_start3A_3070 : memref<1x1024x128xf32, #tpu.memory_space<hbm>> -> memref<1024x128xf32, #tpu.memory_space<hbm>>
      %dma_start3A_3072 = arith.constant 0 : i32
      %dma_start3A_3073 = tpu.memref_slice %dma_start3A_3071[%mul3A_3056, %dma_start3A_3072] : memref<1024x128xf32, #tpu.memory_space<hbm>> -> memref<128x128xf32, #tpu.memory_space<hbm>>
      %dma_start3A_3074 = arith.constant 0 : i32
      %dma_start3A_3075 = arith.constant 0 : i32
      %dma_start3A_3076 = tpu.memref_slice %arg6[%dma_start3A_3057, %dma_start3A_3074, %dma_start3A_3075] : memref<3x128x128xf32, #tpu.memory_space<vmem>> -> memref<1x128x128xf32, #tpu.memory_space<vmem>>
      %dma_start3A_3077 = tpu.memref_squeeze %dma_start3A_3076 : memref<1x128x128xf32, #tpu.memory_space<vmem>> -> memref<128x128xf32, #tpu.memory_space<vmem>>
      tpu.enqueue_dma source(%dma_start3A_3077 : memref<128x128xf32, #tpu.memory_space<vmem>>) target(%dma_start3A_3073 : memref<128x128xf32, #tpu.memory_space<hbm>>) target_semaphore(%arg10 : memref<!tpu.dma_semaphore, #tpu.memory_space<semaphore_mem>>)
    } else {
    }
    %add3A_2740 = arith.constant 7 : i32
    %add3A_2741 = arith.addi %add3A_4, %add3A_2740 : i32
    %jit3A_2742 = arith.constant 8 : i32
    %div3A_2743 = arith.divsi %add3A_2741, %jit3A_2742 : i32
    %sign3A_2744 = arith.constant 0 : i32
    %sign3A_2745 = arith.cmpi sgt, %add3A_2741, %sign3A_2744 : i32
    %sign3A_2746 = arith.extui %sign3A_2745 : i1 to i32
    %sign3A_2747 = arith.constant 0 : i32
    %sign3A_2748 = arith.cmpi slt, %add3A_2741, %sign3A_2747 : i32
    %sign3A_2749 = arith.extui %sign3A_2748 : i1 to i32
    %sign3A_2750 = arith.subi %sign3A_2746, %sign3A_2749 : i32
    %sign3A_2751 = arith.constant 0 : i32
    %sign3A_2752 = arith.cmpi sgt, %jit3A_2742, %sign3A_2751 : i32
    %sign3A_2753 = arith.extui %sign3A_2752 : i1 to i32
    %sign3A_2754 = arith.constant 0 : i32
    %sign3A_2755 = arith.cmpi slt, %jit3A_2742, %sign3A_2754 : i32
    %sign3A_2756 = arith.extui %sign3A_2755 : i1 to i32
    %sign3A_2757 = arith.subi %sign3A_2753, %sign3A_2756 : i32
    %ne3A_2758 = arith.cmpi ne, %sign3A_2750, %sign3A_2757 : i32
    %rem3A_2759 = arith.remsi %add3A_2741, %jit3A_2742 : i32
    %ne3A_2760 = arith.constant 0 : i32
    %ne3A_2761 = arith.cmpi ne, %rem3A_2759, %ne3A_2760 : i32
    %and3A_2762 = arith.andi %ne3A_2758, %ne3A_2761 : i1
    %sub3A_2763 = arith.constant 1 : i32
    %sub3A_2764 = arith.subi %div3A_2743, %sub3A_2763 : i32
    %select_n3A_2765 = arith.select %and3A_2762, %sub3A_2764, %div3A_2743 : i32
    %sub3A_2766 = arith.subi %select_n3A_2765, %min3A_22 : i32
    %jit3A_2767 = arith.constant 8 : i32
    %eq3A_2768 = arith.constant 0 : i32
    %eq3A_2769 = arith.cmpi eq, %jit3A_2767, %eq3A_2768 : i32
    %jit3A_2770 = arith.constant 1 : i32
    %select_n3A_2771 = arith.select %eq3A_2769, %jit3A_2770, %jit3A_2767 : i32
    %rem3A_2772 = arith.remsi %add3A_2741, %select_n3A_2771 : i32
    %ne3A_2773 = arith.constant 0 : i32
    %ne3A_2774 = arith.cmpi ne, %rem3A_2772, %ne3A_2773 : i32
    %lt3A_2775 = arith.constant 0 : i32
    %lt3A_2776 = arith.cmpi slt, %rem3A_2772, %lt3A_2775 : i32
    %lt3A_2777 = arith.constant 0 : i32
    %lt3A_2778 = arith.cmpi slt, %select_n3A_2771, %lt3A_2777 : i32
    %ne3A_2779 = arith.xori %lt3A_2776, %lt3A_2778 : i1
    %and3A_2780 = arith.andi %ne3A_2779, %ne3A_2774 : i1
    %add3A_2781 = arith.addi %rem3A_2772, %select_n3A_2771 : i32
    %select_n3A_2782 = arith.select %and3A_2780, %add3A_2781, %rem3A_2772 : i32
    %jit3A_2783 = arith.constant 8 : i32
    %div3A_2784 = arith.divsi %add3A_2741, %jit3A_2783 : i32
    %sign3A_2785 = arith.constant 0 : i32
    %sign3A_2786 = arith.cmpi sgt, %add3A_2741, %sign3A_2785 : i32
    %sign3A_2787 = arith.extui %sign3A_2786 : i1 to i32
    %sign3A_2788 = arith.constant 0 : i32
    %sign3A_2789 = arith.cmpi slt, %add3A_2741, %sign3A_2788 : i32
    %sign3A_2790 = arith.extui %sign3A_2789 : i1 to i32
    %sign3A_2791 = arith.subi %sign3A_2787, %sign3A_2790 : i32
    %sign3A_2792 = arith.constant 0 : i32
    %sign3A_2793 = arith.cmpi sgt, %jit3A_2783, %sign3A_2792 : i32
    %sign3A_2794 = arith.extui %sign3A_2793 : i1 to i32
    %sign3A_2795 = arith.constant 0 : i32
    %sign3A_2796 = arith.cmpi slt, %jit3A_2783, %sign3A_2795 : i32
    %sign3A_2797 = arith.extui %sign3A_2796 : i1 to i32
    %sign3A_2798 = arith.subi %sign3A_2794, %sign3A_2797 : i32
    %ne3A_2799 = arith.cmpi ne, %sign3A_2791, %sign3A_2798 : i32
    %rem3A_2800 = arith.remsi %add3A_2741, %jit3A_2783 : i32
    %ne3A_2801 = arith.constant 0 : i32
    %ne3A_2802 = arith.cmpi ne, %rem3A_2800, %ne3A_2801 : i32
    %and3A_2803 = arith.andi %ne3A_2799, %ne3A_2802 : i1
    %sub3A_2804 = arith.constant 1 : i32
    %sub3A_2805 = arith.subi %div3A_2784, %sub3A_2804 : i32
    %select_n3A_2806 = arith.select %and3A_2803, %sub3A_2805, %div3A_2784 : i32
    %jit3A_2807 = arith.constant 8 : i32
    %eq3A_2808 = arith.constant 0 : i32
    %eq3A_2809 = arith.cmpi eq, %jit3A_2807, %eq3A_2808 : i32
    %jit3A_2810 = arith.constant 1 : i32
    %select_n3A_2811 = arith.select %eq3A_2809, %jit3A_2810, %jit3A_2807 : i32
    %rem3A_2812 = arith.remsi %add3A_2741, %select_n3A_2811 : i32
    %ne3A_2813 = arith.constant 0 : i32
    %ne3A_2814 = arith.cmpi ne, %rem3A_2812, %ne3A_2813 : i32
    %lt3A_2815 = arith.constant 0 : i32
    %lt3A_2816 = arith.cmpi slt, %rem3A_2812, %lt3A_2815 : i32
    %lt3A_2817 = arith.constant 0 : i32
    %lt3A_2818 = arith.cmpi slt, %select_n3A_2811, %lt3A_2817 : i32
    %ne3A_2819 = arith.xori %lt3A_2816, %lt3A_2818 : i1
    %and3A_2820 = arith.andi %ne3A_2819, %ne3A_2814 : i1
    %add3A_2821 = arith.addi %rem3A_2812, %select_n3A_2811 : i32
    %select_n3A_2822 = arith.select %and3A_2820, %add3A_2821, %rem3A_2812 : i32
    %mul3A_2823 = arith.constant 128 : i32
    %mul3A_2824 = arith.muli %select_n3A_2822, %mul3A_2823 : i32
    %dma_wait3A_2825 = arith.constant 1 : i32
    %dma_wait3A_2826 = arith.constant 0 : i32
    %dma_wait3A_2827 = arith.constant 0 : i32
    %dma_wait3A_2828 = tpu.memref_slice %arg6[%dma_wait3A_2825, %dma_wait3A_2826, %dma_wait3A_2827] : memref<3x128x128xf32, #tpu.memory_space<vmem>> -> memref<1x128x128xf32, #tpu.memory_space<vmem>>
    %dma_wait3A_2829 = tpu.memref_squeeze %dma_wait3A_2828 : memref<1x128x128xf32, #tpu.memory_space<vmem>> -> memref<128x128xf32, #tpu.memory_space<vmem>>
    %dma_wait3A_2830 = arith.constant 0 : i32
    %dma_wait3A_2831 = arith.constant 0 : i32
    %dma_wait3A_2832 = tpu.memref_slice %arg4[%select_n3A_2806, %dma_wait3A_2830, %dma_wait3A_2831] : memref<38x1024x128xf32, #tpu.memory_space<hbm>> -> memref<1x1024x128xf32, #tpu.memory_space<hbm>>
    %dma_wait3A_2833 = tpu.memref_squeeze %dma_wait3A_2832 : memref<1x1024x128xf32, #tpu.memory_space<hbm>> -> memref<1024x128xf32, #tpu.memory_space<hbm>>
    %dma_wait3A_2834 = arith.constant 0 : i32
    %dma_wait3A_2835 = tpu.memref_slice %dma_wait3A_2833[%mul3A_2824, %dma_wait3A_2834] : memref<1024x128xf32, #tpu.memory_space<hbm>> -> memref<128x128xf32, #tpu.memory_space<hbm>>
    %dma_wait3A_2836 = arith.constant 0 : i32
    %dma_wait3A_2837 = arith.constant 0 : i32
    %dma_wait3A_2838 = tpu.memref_slice %arg4[%select_n3A_2806, %dma_wait3A_2836, %dma_wait3A_2837] : memref<38x1024x128xf32, #tpu.memory_space<hbm>> -> memref<1x1024x128xf32, #tpu.memory_space<hbm>>
    %dma_wait3A_2839 = tpu.memref_squeeze %dma_wait3A_2838 : memref<1x1024x128xf32, #tpu.memory_space<hbm>> -> memref<1024x128xf32, #tpu.memory_space<hbm>>
    %dma_wait3A_2840 = arith.constant 0 : i32
    %dma_wait3A_2841 = tpu.memref_slice %dma_wait3A_2839[%mul3A_2824, %dma_wait3A_2840] : memref<1024x128xf32, #tpu.memory_space<hbm>> -> memref<128x128xf32, #tpu.memory_space<hbm>>
    %dma_wait3A_2842 = arith.constant 0 : i32
    %dma_wait3A_2843 = arith.constant 0 : i32
    %dma_wait3A_2844 = tpu.memref_slice %arg6[%dma_wait3A_2825, %dma_wait3A_2842, %dma_wait3A_2843] : memref<3x128x128xf32, #tpu.memory_space<vmem>> -> memref<1x128x128xf32, #tpu.memory_space<vmem>>
    %dma_wait3A_2845 = tpu.memref_squeeze %dma_wait3A_2844 : memref<1x128x128xf32, #tpu.memory_space<vmem>> -> memref<128x128xf32, #tpu.memory_space<vmem>>
    tpu.wait_dma2 semaphore(%arg11 : memref<!tpu.dma_semaphore, #tpu.memory_space<semaphore_mem>>) src(%dma_wait3A_2845 : memref<128x128xf32, #tpu.memory_space<vmem>>) dst(%dma_wait3A_2841 : memref<128x128xf32, #tpu.memory_space<hbm>>)
    %add3A_2846 = arith.constant 8 : i32
    %add3A_2847 = arith.addi %add3A_4, %add3A_2846 : i32
    %jit3A_2848 = arith.constant 8 : i32
    %div3A_2849 = arith.divsi %add3A_2847, %jit3A_2848 : i32
    %sign3A_2850 = arith.constant 0 : i32
    %sign3A_2851 = arith.cmpi sgt, %add3A_2847, %sign3A_2850 : i32
    %sign3A_2852 = arith.extui %sign3A_2851 : i1 to i32
    %sign3A_2853 = arith.constant 0 : i32
    %sign3A_2854 = arith.cmpi slt, %add3A_2847, %sign3A_2853 : i32
    %sign3A_2855 = arith.extui %sign3A_2854 : i1 to i32
    %sign3A_2856 = arith.subi %sign3A_2852, %sign3A_2855 : i32
    %sign3A_2857 = arith.constant 0 : i32
    %sign3A_2858 = arith.cmpi sgt, %jit3A_2848, %sign3A_2857 : i32
    %sign3A_2859 = arith.extui %sign3A_2858 : i1 to i32
    %sign3A_2860 = arith.constant 0 : i32
    %sign3A_2861 = arith.cmpi slt, %jit3A_2848, %sign3A_2860 : i32
    %sign3A_2862 = arith.extui %sign3A_2861 : i1 to i32
    %sign3A_2863 = arith.subi %sign3A_2859, %sign3A_2862 : i32
    %ne3A_2864 = arith.cmpi ne, %sign3A_2856, %sign3A_2863 : i32
    %rem3A_2865 = arith.remsi %add3A_2847, %jit3A_2848 : i32
    %ne3A_2866 = arith.constant 0 : i32
    %ne3A_2867 = arith.cmpi ne, %rem3A_2865, %ne3A_2866 : i32
    %and3A_2868 = arith.andi %ne3A_2864, %ne3A_2867 : i1
    %sub3A_2869 = arith.constant 1 : i32
    %sub3A_2870 = arith.subi %div3A_2849, %sub3A_2869 : i32
    %select_n3A_2871 = arith.select %and3A_2868, %sub3A_2870, %div3A_2849 : i32
    %sub3A_2872 = arith.subi %select_n3A_2871, %min3A_22 : i32
    %jit3A_2873 = arith.constant 8 : i32
    %eq3A_2874 = arith.constant 0 : i32
    %eq3A_2875 = arith.cmpi eq, %jit3A_2873, %eq3A_2874 : i32
    %jit3A_2876 = arith.constant 1 : i32
    %select_n3A_2877 = arith.select %eq3A_2875, %jit3A_2876, %jit3A_2873 : i32
    %rem3A_2878 = arith.remsi %add3A_2847, %select_n3A_2877 : i32
    %ne3A_2879 = arith.constant 0 : i32
    %ne3A_2880 = arith.cmpi ne, %rem3A_2878, %ne3A_2879 : i32
    %lt3A_2881 = arith.constant 0 : i32
    %lt3A_2882 = arith.cmpi slt, %rem3A_2878, %lt3A_2881 : i32
    %lt3A_2883 = arith.constant 0 : i32
    %lt3A_2884 = arith.cmpi slt, %select_n3A_2877, %lt3A_2883 : i32
    %ne3A_2885 = arith.xori %lt3A_2882, %lt3A_2884 : i1
    %and3A_2886 = arith.andi %ne3A_2885, %ne3A_2880 : i1
    %add3A_2887 = arith.addi %rem3A_2878, %select_n3A_2877 : i32
    %select_n3A_2888 = arith.select %and3A_2886, %add3A_2887, %rem3A_2878 : i32
    %jit3A_2889 = arith.constant 8 : i32
    %div3A_2890 = arith.divsi %add3A_2847, %jit3A_2889 : i32
    %sign3A_2891 = arith.constant 0 : i32
    %sign3A_2892 = arith.cmpi sgt, %add3A_2847, %sign3A_2891 : i32
    %sign3A_2893 = arith.extui %sign3A_2892 : i1 to i32
    %sign3A_2894 = arith.constant 0 : i32
    %sign3A_2895 = arith.cmpi slt, %add3A_2847, %sign3A_2894 : i32
    %sign3A_2896 = arith.extui %sign3A_2895 : i1 to i32
    %sign3A_2897 = arith.subi %sign3A_2893, %sign3A_2896 : i32
    %sign3A_2898 = arith.constant 0 : i32
    %sign3A_2899 = arith.cmpi sgt, %jit3A_2889, %sign3A_2898 : i32
    %sign3A_2900 = arith.extui %sign3A_2899 : i1 to i32
    %sign3A_2901 = arith.constant 0 : i32
    %sign3A_2902 = arith.cmpi slt, %jit3A_2889, %sign3A_2901 : i32
    %sign3A_2903 = arith.extui %sign3A_2902 : i1 to i32
    %sign3A_2904 = arith.subi %sign3A_2900, %sign3A_2903 : i32
    %ne3A_2905 = arith.cmpi ne, %sign3A_2897, %sign3A_2904 : i32
    %rem3A_2906 = arith.remsi %add3A_2847, %jit3A_2889 : i32
    %ne3A_2907 = arith.constant 0 : i32
    %ne3A_2908 = arith.cmpi ne, %rem3A_2906, %ne3A_2907 : i32
    %and3A_2909 = arith.andi %ne3A_2905, %ne3A_2908 : i1
    %sub3A_2910 = arith.constant 1 : i32
    %sub3A_2911 = arith.subi %div3A_2890, %sub3A_2910 : i32
    %select_n3A_2912 = arith.select %and3A_2909, %sub3A_2911, %div3A_2890 : i32
    %jit3A_2913 = arith.constant 8 : i32
    %eq3A_2914 = arith.constant 0 : i32
    %eq3A_2915 = arith.cmpi eq, %jit3A_2913, %eq3A_2914 : i32
    %jit3A_2916 = arith.constant 1 : i32
    %select_n3A_2917 = arith.select %eq3A_2915, %jit3A_2916, %jit3A_2913 : i32
    %rem3A_2918 = arith.remsi %add3A_2847, %select_n3A_2917 : i32
    %ne3A_2919 = arith.constant 0 : i32
    %ne3A_2920 = arith.cmpi ne, %rem3A_2918, %ne3A_2919 : i32
    %lt3A_2921 = arith.constant 0 : i32
    %lt3A_2922 = arith.cmpi slt, %rem3A_2918, %lt3A_2921 : i32
    %lt3A_2923 = arith.constant 0 : i32
    %lt3A_2924 = arith.cmpi slt, %select_n3A_2917, %lt3A_2923 : i32
    %ne3A_2925 = arith.xori %lt3A_2922, %lt3A_2924 : i1
    %and3A_2926 = arith.andi %ne3A_2925, %ne3A_2920 : i1
    %add3A_2927 = arith.addi %rem3A_2918, %select_n3A_2917 : i32
    %select_n3A_2928 = arith.select %and3A_2926, %add3A_2927, %rem3A_2918 : i32
    %mul3A_2929 = arith.constant 128 : i32
    %mul3A_2930 = arith.muli %select_n3A_2928, %mul3A_2929 : i32
    %dma_wait3A_2931 = arith.constant 2 : i32
    %dma_wait3A_2932 = arith.constant 0 : i32
    %dma_wait3A_2933 = arith.constant 0 : i32
    %dma_wait3A_2934 = tpu.memref_slice %arg6[%dma_wait3A_2931, %dma_wait3A_2932, %dma_wait3A_2933] : memref<3x128x128xf32, #tpu.memory_space<vmem>> -> memref<1x128x128xf32, #tpu.memory_space<vmem>>
    %dma_wait3A_2935 = tpu.memref_squeeze %dma_wait3A_2934 : memref<1x128x128xf32, #tpu.memory_space<vmem>> -> memref<128x128xf32, #tpu.memory_space<vmem>>
    %dma_wait3A_2936 = arith.constant 0 : i32
    %dma_wait3A_2937 = arith.constant 0 : i32
    %dma_wait3A_2938 = tpu.memref_slice %arg4[%select_n3A_2912, %dma_wait3A_2936, %dma_wait3A_2937] : memref<38x1024x128xf32, #tpu.memory_space<hbm>> -> memref<1x1024x128xf32, #tpu.memory_space<hbm>>
    %dma_wait3A_2939 = tpu.memref_squeeze %dma_wait3A_2938 : memref<1x1024x128xf32, #tpu.memory_space<hbm>> -> memref<1024x128xf32, #tpu.memory_space<hbm>>
    %dma_wait3A_2940 = arith.constant 0 : i32
    %dma_wait3A_2941 = tpu.memref_slice %dma_wait3A_2939[%mul3A_2930, %dma_wait3A_2940] : memref<1024x128xf32, #tpu.memory_space<hbm>> -> memref<128x128xf32, #tpu.memory_space<hbm>>
    %dma_wait3A_2942 = arith.constant 0 : i32
    %dma_wait3A_2943 = arith.constant 0 : i32
    %dma_wait3A_2944 = tpu.memref_slice %arg4[%select_n3A_2912, %dma_wait3A_2942, %dma_wait3A_2943] : memref<38x1024x128xf32, #tpu.memory_space<hbm>> -> memref<1x1024x128xf32, #tpu.memory_space<hbm>>
    %dma_wait3A_2945 = tpu.memref_squeeze %dma_wait3A_2944 : memref<1x1024x128xf32, #tpu.memory_space<hbm>> -> memref<1024x128xf32, #tpu.memory_space<hbm>>
    %dma_wait3A_2946 = arith.constant 0 : i32
    %dma_wait3A_2947 = tpu.memref_slice %dma_wait3A_2945[%mul3A_2930, %dma_wait3A_2946] : memref<1024x128xf32, #tpu.memory_space<hbm>> -> memref<128x128xf32, #tpu.memory_space<hbm>>
    %dma_wait3A_2948 = arith.constant 0 : i32
    %dma_wait3A_2949 = arith.constant 0 : i32
    %dma_wait3A_2950 = tpu.memref_slice %arg6[%dma_wait3A_2931, %dma_wait3A_2948, %dma_wait3A_2949] : memref<3x128x128xf32, #tpu.memory_space<vmem>> -> memref<1x128x128xf32, #tpu.memory_space<vmem>>
    %dma_wait3A_2951 = tpu.memref_squeeze %dma_wait3A_2950 : memref<1x128x128xf32, #tpu.memory_space<vmem>> -> memref<128x128xf32, #tpu.memory_space<vmem>>
    tpu.wait_dma2 semaphore(%arg12 : memref<!tpu.dma_semaphore, #tpu.memory_space<semaphore_mem>>) src(%dma_wait3A_2951 : memref<128x128xf32, #tpu.memory_space<vmem>>) dst(%dma_wait3A_2947 : memref<128x128xf32, #tpu.memory_space<hbm>>)
    %lt3A_2952 = arith.constant 16 : i32
    %lt3A_2953 = arith.cmpi slt, %add3A, %lt3A_2952 : i32
    %convert_element_type3A_2954 = arith.extui %lt3A_2953 : i1 to i32
    %cond3A_2955 = arith.constant 0 : i32
    %cond3A_2956 = arith.cmpi ne, %convert_element_type3A_2954, %cond3A_2955 : i32
    scf.if %cond3A_2956 {
      %add3A_2957 = arith.constant 9 : i32
      %add3A_2958 = arith.addi %add3A_4, %add3A_2957 : i32
      %jit3A_2959 = arith.constant 8 : i32
      %div3A_2960 = arith.divsi %add3A_2958, %jit3A_2959 : i32
      %sign3A_2961 = arith.constant 0 : i32
      %sign3A_2962 = arith.cmpi sgt, %add3A_2958, %sign3A_2961 : i32
      %sign3A_2963 = arith.extui %sign3A_2962 : i1 to i32
      %sign3A_2964 = arith.constant 0 : i32
      %sign3A_2965 = arith.cmpi slt, %add3A_2958, %sign3A_2964 : i32
      %sign3A_2966 = arith.extui %sign3A_2965 : i1 to i32
      %sign3A_2967 = arith.subi %sign3A_2963, %sign3A_2966 : i32
      %sign3A_2968 = arith.constant 0 : i32
      %sign3A_2969 = arith.cmpi sgt, %jit3A_2959, %sign3A_2968 : i32
      %sign3A_2970 = arith.extui %sign3A_2969 : i1 to i32
      %sign3A_2971 = arith.constant 0 : i32
      %sign3A_2972 = arith.cmpi slt, %jit3A_2959, %sign3A_2971 : i32
      %sign3A_2973 = arith.extui %sign3A_2972 : i1 to i32
      %sign3A_2974 = arith.subi %sign3A_2970, %sign3A_2973 : i32
      %ne3A_2975 = arith.cmpi ne, %sign3A_2967, %sign3A_2974 : i32
      %rem3A_2976 = arith.remsi %add3A_2958, %jit3A_2959 : i32
      %ne3A_2977 = arith.constant 0 : i32
      %ne3A_2978 = arith.cmpi ne, %rem3A_2976, %ne3A_2977 : i32
      %and3A_2979 = arith.andi %ne3A_2975, %ne3A_2978 : i1
      %sub3A_2980 = arith.constant 1 : i32
      %sub3A_2981 = arith.subi %div3A_2960, %sub3A_2980 : i32
      %select_n3A_2982 = arith.select %and3A_2979, %sub3A_2981, %div3A_2960 : i32
      %sub3A_2983 = arith.subi %select_n3A_2982, %min3A_22 : i32
      %jit3A_2984 = arith.constant 8 : i32
      %eq3A_2985 = arith.constant 0 : i32
      %eq3A_2986 = arith.cmpi eq, %jit3A_2984, %eq3A_2985 : i32
      %jit3A_2987 = arith.constant 1 : i32
      %select_n3A_2988 = arith.select %eq3A_2986, %jit3A_2987, %jit3A_2984 : i32
      %rem3A_2989 = arith.remsi %add3A_2958, %select_n3A_2988 : i32
      %ne3A_2990 = arith.constant 0 : i32
      %ne3A_2991 = arith.cmpi ne, %rem3A_2989, %ne3A_2990 : i32
      %lt3A_2992 = arith.constant 0 : i32
      %lt3A_2993 = arith.cmpi slt, %rem3A_2989, %lt3A_2992 : i32
      %lt3A_2994 = arith.constant 0 : i32
      %lt3A_2995 = arith.cmpi slt, %select_n3A_2988, %lt3A_2994 : i32
      %ne3A_2996 = arith.xori %lt3A_2993, %lt3A_2995 : i1
      %and3A_2997 = arith.andi %ne3A_2996, %ne3A_2991 : i1
      %add3A_2998 = arith.addi %rem3A_2989, %select_n3A_2988 : i32
      %select_n3A_2999 = arith.select %and3A_2997, %add3A_2998, %rem3A_2989 : i32
      %jit3A_3000 = arith.constant 8 : i32
      %div3A_3001 = arith.divsi %add3A_2958, %jit3A_3000 : i32
      %sign3A_3002 = arith.constant 0 : i32
      %sign3A_3003 = arith.cmpi sgt, %add3A_2958, %sign3A_3002 : i32
      %sign3A_3004 = arith.extui %sign3A_3003 : i1 to i32
      %sign3A_3005 = arith.constant 0 : i32
      %sign3A_3006 = arith.cmpi slt, %add3A_2958, %sign3A_3005 : i32
      %sign3A_3007 = arith.extui %sign3A_3006 : i1 to i32
      %sign3A_3008 = arith.subi %sign3A_3004, %sign3A_3007 : i32
      %sign3A_3009 = arith.constant 0 : i32
      %sign3A_3010 = arith.cmpi sgt, %jit3A_3000, %sign3A_3009 : i32
      %sign3A_3011 = arith.extui %sign3A_3010 : i1 to i32
      %sign3A_3012 = arith.constant 0 : i32
      %sign3A_3013 = arith.cmpi slt, %jit3A_3000, %sign3A_3012 : i32
      %sign3A_3014 = arith.extui %sign3A_3013 : i1 to i32
      %sign3A_3015 = arith.subi %sign3A_3011, %sign3A_3014 : i32
      %ne3A_3016 = arith.cmpi ne, %sign3A_3008, %sign3A_3015 : i32
      %rem3A_3017 = arith.remsi %add3A_2958, %jit3A_3000 : i32
      %ne3A_3018 = arith.constant 0 : i32
      %ne3A_3019 = arith.cmpi ne, %rem3A_3017, %ne3A_3018 : i32
      %and3A_3020 = arith.andi %ne3A_3016, %ne3A_3019 : i1
      %sub3A_3021 = arith.constant 1 : i32
      %sub3A_3022 = arith.subi %div3A_3001, %sub3A_3021 : i32
      %select_n3A_3023 = arith.select %and3A_3020, %sub3A_3022, %div3A_3001 : i32
      %jit3A_3024 = arith.constant 8 : i32
      %eq3A_3025 = arith.constant 0 : i32
      %eq3A_3026 = arith.cmpi eq, %jit3A_3024, %eq3A_3025 : i32
      %jit3A_3027 = arith.constant 1 : i32
      %select_n3A_3028 = arith.select %eq3A_3026, %jit3A_3027, %jit3A_3024 : i32
      %rem3A_3029 = arith.remsi %add3A_2958, %select_n3A_3028 : i32
      %ne3A_3030 = arith.constant 0 : i32
      %ne3A_3031 = arith.cmpi ne, %rem3A_3029, %ne3A_3030 : i32
      %lt3A_3032 = arith.constant 0 : i32
      %lt3A_3033 = arith.cmpi slt, %rem3A_3029, %lt3A_3032 : i32
      %lt3A_3034 = arith.constant 0 : i32
      %lt3A_3035 = arith.cmpi slt, %select_n3A_3028, %lt3A_3034 : i32
      %ne3A_3036 = arith.xori %lt3A_3033, %lt3A_3035 : i1
      %and3A_3037 = arith.andi %ne3A_3036, %ne3A_3031 : i1
      %add3A_3038 = arith.addi %rem3A_3029, %select_n3A_3028 : i32
      %select_n3A_3039 = arith.select %and3A_3037, %add3A_3038, %rem3A_3029 : i32
      %mul3A_3040 = arith.constant 128 : i32
      %mul3A_3041 = arith.muli %select_n3A_3039, %mul3A_3040 : i32
      %dma_wait3A_3042 = arith.constant 0 : i32
      %dma_wait3A_3043 = arith.constant 0 : i32
      %dma_wait3A_3044 = arith.constant 0 : i32
      %dma_wait3A_3045 = tpu.memref_slice %arg6[%dma_wait3A_3042, %dma_wait3A_3043, %dma_wait3A_3044] : memref<3x128x128xf32, #tpu.memory_space<vmem>> -> memref<1x128x128xf32, #tpu.memory_space<vmem>>
      %dma_wait3A_3046 = tpu.memref_squeeze %dma_wait3A_3045 : memref<1x128x128xf32, #tpu.memory_space<vmem>> -> memref<128x128xf32, #tpu.memory_space<vmem>>
      %dma_wait3A_3047 = arith.constant 0 : i32
      %dma_wait3A_3048 = arith.constant 0 : i32
      %dma_wait3A_3049 = tpu.memref_slice %arg4[%select_n3A_3023, %dma_wait3A_3047, %dma_wait3A_3048] : memref<38x1024x128xf32, #tpu.memory_space<hbm>> -> memref<1x1024x128xf32, #tpu.memory_space<hbm>>
      %dma_wait3A_3050 = tpu.memref_squeeze %dma_wait3A_3049 : memref<1x1024x128xf32, #tpu.memory_space<hbm>> -> memref<1024x128xf32, #tpu.memory_space<hbm>>
      %dma_wait3A_3051 = arith.constant 0 : i32
      %dma_wait3A_3052 = tpu.memref_slice %dma_wait3A_3050[%mul3A_3041, %dma_wait3A_3051] : memref<1024x128xf32, #tpu.memory_space<hbm>> -> memref<128x128xf32, #tpu.memory_space<hbm>>
      %dma_wait3A_3053 = arith.constant 0 : i32
      %dma_wait3A_3054 = arith.constant 0 : i32
      %dma_wait3A_3055 = tpu.memref_slice %arg4[%select_n3A_3023, %dma_wait3A_3053, %dma_wait3A_3054] : memref<38x1024x128xf32, #tpu.memory_space<hbm>> -> memref<1x1024x128xf32, #tpu.memory_space<hbm>>
      %dma_wait3A_3056 = tpu.memref_squeeze %dma_wait3A_3055 : memref<1x1024x128xf32, #tpu.memory_space<hbm>> -> memref<1024x128xf32, #tpu.memory_space<hbm>>
      %dma_wait3A_3057 = arith.constant 0 : i32
      %dma_wait3A_3058 = tpu.memref_slice %dma_wait3A_3056[%mul3A_3041, %dma_wait3A_3057] : memref<1024x128xf32, #tpu.memory_space<hbm>> -> memref<128x128xf32, #tpu.memory_space<hbm>>
      %dma_wait3A_3059 = arith.constant 0 : i32
      %dma_wait3A_3060 = arith.constant 0 : i32
      %dma_wait3A_3061 = tpu.memref_slice %arg6[%dma_wait3A_3042, %dma_wait3A_3059, %dma_wait3A_3060] : memref<3x128x128xf32, #tpu.memory_space<vmem>> -> memref<1x128x128xf32, #tpu.memory_space<vmem>>
      %dma_wait3A_3062 = tpu.memref_squeeze %dma_wait3A_3061 : memref<1x128x128xf32, #tpu.memory_space<vmem>> -> memref<128x128xf32, #tpu.memory_space<vmem>>
      tpu.wait_dma2 semaphore(%arg10 : memref<!tpu.dma_semaphore, #tpu.memory_space<semaphore_mem>>) src(%dma_wait3A_3062 : memref<128x128xf32, #tpu.memory_space<vmem>>) dst(%dma_wait3A_3058 : memref<128x128xf32, #tpu.memory_space<hbm>>)
    } else {
    }
    return
  }
}

#map = affine_map<(d0, d1) -> (0, 0)>
#map1 = affine_map<(d0, d1) -> (0, 0, 0)>
module attributes {stable_mosaic.version = 14 : i64} {
  func.func @gather(%arg0: i32, %arg1: i32, %arg2: memref<1000x128xf32, #tpu.memory_space<hbm>>, %arg3: memref<12x8x128xi32, #tpu.memory_space<hbm>>, %arg4: memref<12x1024x128xf32, #tpu.memory_space<hbm>>, %arg5: memref<2x8x128xi32, #tpu.memory_space<vmem>>, %arg6: memref<3x128x128xf32, #tpu.memory_space<vmem>>, %arg7: memref<!tpu.dma_semaphore, #tpu.memory_space<semaphore_mem>>, %arg8: memref<!tpu.dma_semaphore, #tpu.memory_space<semaphore_mem>>, %arg9: memref<!tpu.dma_semaphore, #tpu.memory_space<semaphore_mem>>, %arg10: memref<!tpu.dma_semaphore, #tpu.memory_space<semaphore_mem>>, %arg11: memref<!tpu.dma_semaphore, #tpu.memory_space<semaphore_mem>>, %arg12: memref<!tpu.dma_semaphore, #tpu.memory_space<semaphore_mem>>) attributes {dimension_semantics = [#tpu.dimension_semantics<core_parallel>, #tpu.dimension_semantics<subcore_parallel>], iteration_bounds = array<i64: 2, 16>, scalar_prefetch = 0 : i64, scratch_operands = 8 : i64, tpu.core_type = #tpu.core_type<sc_vector_subcore>, window_params = [{transform_indices = #map}, {transform_indices = #map1}, {transform_indices = #map1}]} {
    %mul3A = arith.constant 2 : i32
    %mul3A_0 = arith.muli %arg1, %mul3A : i32
    %add3A = arith.addi %mul3A_0, %arg0 : i32
    %mul3A_1 = arith.constant 3 : i32
    %mul3A_2 = arith.muli %mul3A_1, %add3A : i32
    %min3A = arith.constant 0 : i32
    %min3A_3 = arith.minsi %add3A, %min3A : i32
    %add3A_4 = arith.addi %mul3A_2, %min3A_3 : i32
    %jit3A = arith.constant 8 : i32
    %div3A = arith.divsi %add3A_4, %jit3A : i32
    %sign3A = arith.constant 0 : i32
    %sign3A_5 = arith.cmpi sgt, %add3A_4, %sign3A : i32
    %sign3A_6 = arith.extui %sign3A_5 : i1 to i32
    %sign3A_7 = arith.constant 0 : i32
    %sign3A_8 = arith.cmpi slt, %add3A_4, %sign3A_7 : i32
    %sign3A_9 = arith.extui %sign3A_8 : i1 to i32
    %sign3A_10 = arith.subi %sign3A_6, %sign3A_9 : i32
    %sign3A_11 = arith.constant 0 : i32
    %sign3A_12 = arith.cmpi sgt, %jit3A, %sign3A_11 : i32
    %sign3A_13 = arith.extui %sign3A_12 : i1 to i32
    %sign3A_14 = arith.constant 0 : i32
    %sign3A_15 = arith.cmpi slt, %jit3A, %sign3A_14 : i32
    %sign3A_16 = arith.extui %sign3A_15 : i1 to i32
    %sign3A_17 = arith.subi %sign3A_13, %sign3A_16 : i32
    %ne3A = arith.cmpi ne, %sign3A_10, %sign3A_17 : i32
    %rem3A = arith.remsi %add3A_4, %jit3A : i32
    %ne3A_18 = arith.constant 0 : i32
    %ne3A_19 = arith.cmpi ne, %rem3A, %ne3A_18 : i32
    %and3A = arith.andi %ne3A, %ne3A_19 : i1
    %sub3A = arith.constant 1 : i32
    %sub3A_20 = arith.subi %div3A, %sub3A : i32
    %select_n3A = arith.select %and3A, %sub3A_20, %div3A : i32
    %min3A_21 = arith.constant 10 : i32
    %min3A_22 = arith.minsi %select_n3A, %min3A_21 : i32
    "tpu.region"() ({
      %run_scoped3A = tpu.sem_alloc : memref<!tpu.dma_semaphore, #tpu.memory_space<semaphore_mem>>
      %dma_start3A_994 = arith.constant 0 : i32
      %dma_start3A_995 = arith.constant 0 : i32
      %dma_start3A_996 = tpu.memref_slice %arg3[%min3A_22, %dma_start3A_994, %dma_start3A_995] : memref<12x8x128xi32, #tpu.memory_space<hbm>> -> memref<2x8x128xi32, #tpu.memory_space<hbm>>
      %dma_start3A_997 = arith.constant 0 : i32
      %dma_start3A_998 = arith.constant 0 : i32
      %dma_start3A_999 = tpu.memref_slice %arg3[%min3A_22, %dma_start3A_997, %dma_start3A_998] : memref<12x8x128xi32, #tpu.memory_space<hbm>> -> memref<2x8x128xi32, #tpu.memory_space<hbm>>
      tpu.enqueue_dma source(%dma_start3A_999 : memref<2x8x128xi32, #tpu.memory_space<hbm>>) target(%arg5 : memref<2x8x128xi32, #tpu.memory_space<vmem>>) target_semaphore(%run_scoped3A : memref<!tpu.dma_semaphore, #tpu.memory_space<semaphore_mem>>)
      %dma_wait3A_1000 = arith.constant 0 : i32
      %dma_wait3A_1001 = arith.constant 0 : i32
      %dma_wait3A_1002 = tpu.memref_slice %arg3[%min3A_22, %dma_wait3A_1000, %dma_wait3A_1001] : memref<12x8x128xi32, #tpu.memory_space<hbm>> -> memref<2x8x128xi32, #tpu.memory_space<hbm>>
      %dma_wait3A_1003 = arith.constant 0 : i32
      %dma_wait3A_1004 = arith.constant 0 : i32
      %dma_wait3A_1005 = tpu.memref_slice %arg3[%min3A_22, %dma_wait3A_1003, %dma_wait3A_1004] : memref<12x8x128xi32, #tpu.memory_space<hbm>> -> memref<2x8x128xi32, #tpu.memory_space<hbm>>
      tpu.wait_dma2 semaphore(%run_scoped3A : memref<!tpu.dma_semaphore, #tpu.memory_space<semaphore_mem>>) src(%dma_wait3A_1005 : memref<2x8x128xi32, #tpu.memory_space<hbm>>) dst(%arg5 : memref<2x8x128xi32, #tpu.memory_space<vmem>>)
      tpu.yield
    }) : () -> ()
    %add3A_23 = arith.constant 0 : i32
    %add3A_24 = arith.addi %add3A_4, %add3A_23 : i32
    %jit3A_25 = arith.constant 8 : i32
    %div3A_26 = arith.divsi %add3A_24, %jit3A_25 : i32
    %sign3A_27 = arith.constant 0 : i32
    %sign3A_28 = arith.cmpi sgt, %add3A_24, %sign3A_27 : i32
    %sign3A_29 = arith.extui %sign3A_28 : i1 to i32
    %sign3A_30 = arith.constant 0 : i32
    %sign3A_31 = arith.cmpi slt, %add3A_24, %sign3A_30 : i32
    %sign3A_32 = arith.extui %sign3A_31 : i1 to i32
    %sign3A_33 = arith.subi %sign3A_29, %sign3A_32 : i32
    %sign3A_34 = arith.constant 0 : i32
    %sign3A_35 = arith.cmpi sgt, %jit3A_25, %sign3A_34 : i32
    %sign3A_36 = arith.extui %sign3A_35 : i1 to i32
    %sign3A_37 = arith.constant 0 : i32
    %sign3A_38 = arith.cmpi slt, %jit3A_25, %sign3A_37 : i32
    %sign3A_39 = arith.extui %sign3A_38 : i1 to i32
    %sign3A_40 = arith.subi %sign3A_36, %sign3A_39 : i32
    %ne3A_41 = arith.cmpi ne, %sign3A_33, %sign3A_40 : i32
    %rem3A_42 = arith.remsi %add3A_24, %jit3A_25 : i32
    %ne3A_43 = arith.constant 0 : i32
    %ne3A_44 = arith.cmpi ne, %rem3A_42, %ne3A_43 : i32
    %and3A_45 = arith.andi %ne3A_41, %ne3A_44 : i1
    %sub3A_46 = arith.constant 1 : i32
    %sub3A_47 = arith.subi %div3A_26, %sub3A_46 : i32
    %select_n3A_48 = arith.select %and3A_45, %sub3A_47, %div3A_26 : i32
    %sub3A_49 = arith.subi %select_n3A_48, %min3A_22 : i32
    %jit3A_50 = arith.constant 8 : i32
    %eq3A = arith.constant 0 : i32
    %eq3A_51 = arith.cmpi eq, %jit3A_50, %eq3A : i32
    %jit3A_52 = arith.constant 1 : i32
    %select_n3A_53 = arith.select %eq3A_51, %jit3A_52, %jit3A_50 : i32
    %rem3A_54 = arith.remsi %add3A_24, %select_n3A_53 : i32
    %ne3A_55 = arith.constant 0 : i32
    %ne3A_56 = arith.cmpi ne, %rem3A_54, %ne3A_55 : i32
    %lt3A = arith.constant 0 : i32
    %lt3A_57 = arith.cmpi slt, %rem3A_54, %lt3A : i32
    %lt3A_58 = arith.constant 0 : i32
    %lt3A_59 = arith.cmpi slt, %select_n3A_53, %lt3A_58 : i32
    %ne3A_60 = arith.xori %lt3A_57, %lt3A_59 : i1
    %and3A_61 = arith.andi %ne3A_60, %ne3A_56 : i1
    %add3A_62 = arith.addi %rem3A_54, %select_n3A_53 : i32
    %select_n3A_63 = arith.select %and3A_61, %add3A_62, %rem3A_54 : i32
    %jit3A_64 = arith.constant 8 : i32
    %div3A_65 = arith.divsi %add3A_24, %jit3A_64 : i32
    %sign3A_66 = arith.constant 0 : i32
    %sign3A_67 = arith.cmpi sgt, %add3A_24, %sign3A_66 : i32
    %sign3A_68 = arith.extui %sign3A_67 : i1 to i32
    %sign3A_69 = arith.constant 0 : i32
    %sign3A_70 = arith.cmpi slt, %add3A_24, %sign3A_69 : i32
    %sign3A_71 = arith.extui %sign3A_70 : i1 to i32
    %sign3A_72 = arith.subi %sign3A_68, %sign3A_71 : i32
    %sign3A_73 = arith.constant 0 : i32
    %sign3A_74 = arith.cmpi sgt, %jit3A_64, %sign3A_73 : i32
    %sign3A_75 = arith.extui %sign3A_74 : i1 to i32
    %sign3A_76 = arith.constant 0 : i32
    %sign3A_77 = arith.cmpi slt, %jit3A_64, %sign3A_76 : i32
    %sign3A_78 = arith.extui %sign3A_77 : i1 to i32
    %sign3A_79 = arith.subi %sign3A_75, %sign3A_78 : i32
    %ne3A_80 = arith.cmpi ne, %sign3A_72, %sign3A_79 : i32
    %rem3A_81 = arith.remsi %add3A_24, %jit3A_64 : i32
    %ne3A_82 = arith.constant 0 : i32
    %ne3A_83 = arith.cmpi ne, %rem3A_81, %ne3A_82 : i32
    %and3A_84 = arith.andi %ne3A_80, %ne3A_83 : i1
    %sub3A_85 = arith.constant 1 : i32
    %sub3A_86 = arith.subi %div3A_65, %sub3A_85 : i32
    %select_n3A_87 = arith.select %and3A_84, %sub3A_86, %div3A_65 : i32
    %jit3A_88 = arith.constant 8 : i32
    %eq3A_89 = arith.constant 0 : i32
    %eq3A_90 = arith.cmpi eq, %jit3A_88, %eq3A_89 : i32
    %jit3A_91 = arith.constant 1 : i32
    %select_n3A_92 = arith.select %eq3A_90, %jit3A_91, %jit3A_88 : i32
    %rem3A_93 = arith.remsi %add3A_24, %select_n3A_92 : i32
    %ne3A_94 = arith.constant 0 : i32
    %ne3A_95 = arith.cmpi ne, %rem3A_93, %ne3A_94 : i32
    %lt3A_96 = arith.constant 0 : i32
    %lt3A_97 = arith.cmpi slt, %rem3A_93, %lt3A_96 : i32
    %lt3A_98 = arith.constant 0 : i32
    %lt3A_99 = arith.cmpi slt, %select_n3A_92, %lt3A_98 : i32
    %ne3A_100 = arith.xori %lt3A_97, %lt3A_99 : i1
    %and3A_101 = arith.andi %ne3A_100, %ne3A_95 : i1
    %add3A_102 = arith.addi %rem3A_93, %select_n3A_92 : i32
    %select_n3A_103 = arith.select %and3A_101, %add3A_102, %rem3A_93 : i32
    %dma_start3A = arith.constant 0 : i32
    %dma_start3A_104 = arith.constant 0 : i32
    %dma_start3A_105 = arith.constant 0 : i32
    %dma_start3A_106 = tpu.memref_slice %arg6[%dma_start3A, %dma_start3A_104, %dma_start3A_105] : memref<3x128x128xf32, #tpu.memory_space<vmem>> -> memref<1x128x128xf32, #tpu.memory_space<vmem>>
    %dma_start3A_107 = tpu.memref_squeeze %dma_start3A_106 : memref<1x128x128xf32, #tpu.memory_space<vmem>> -> memref<128x128xf32, #tpu.memory_space<vmem>>
    %dma_start3A_108 = arith.constant 0 : i32
    %dma_start3A_109 = arith.constant 0 : i32
    %dma_start3A_110 = tpu.memref_slice %arg5[%sub3A_49, %dma_start3A_108, %dma_start3A_109] : memref<2x8x128xi32, #tpu.memory_space<vmem>> -> memref<1x8x128xi32, #tpu.memory_space<vmem>>
    %dma_start3A_111 = tpu.memref_squeeze %dma_start3A_110 : memref<1x8x128xi32, #tpu.memory_space<vmem>> -> memref<8x128xi32, #tpu.memory_space<vmem>>
    %dma_start3A_112 = arith.constant 0 : i32
    %dma_start3A_113 = tpu.memref_slice %dma_start3A_111[%select_n3A_63, %dma_start3A_112] : memref<8x128xi32, #tpu.memory_space<vmem>> -> memref<1x128xi32, #tpu.memory_space<vmem>>
    %dma_start3A_114 = tpu.memref_squeeze %dma_start3A_113 : memref<1x128xi32, #tpu.memory_space<vmem>> -> memref<128xi32, #tpu.memory_space<vmem>>
    %dma_start3A_115 = arith.constant 0 : i32
    %dma_start3A_116 = arith.constant 0 : i32
    %dma_start3A_117 = tpu.memref_slice %arg2[%dma_start3A_115, %dma_start3A_116] : memref<1000x128xf32, #tpu.memory_space<hbm>> -> memref<1000x128xf32, #tpu.memory_space<hbm>>
    tpu.enqueue_indirect_dma source(%dma_start3A_117 : memref<1000x128xf32, #tpu.memory_space<hbm>>) target(%dma_start3A_107 : memref<128x128xf32, #tpu.memory_space<vmem>>) offsets(%dma_start3A_114 : memref<128xi32, #tpu.memory_space<vmem>>) semaphore(%arg7 : memref<!tpu.dma_semaphore, #tpu.memory_space<semaphore_mem>>)
    %add3A_118 = arith.constant 1 : i32
    %add3A_119 = arith.addi %add3A_4, %add3A_118 : i32
    %jit3A_120 = arith.constant 8 : i32
    %div3A_121 = arith.divsi %add3A_119, %jit3A_120 : i32
    %sign3A_122 = arith.constant 0 : i32
    %sign3A_123 = arith.cmpi sgt, %add3A_119, %sign3A_122 : i32
    %sign3A_124 = arith.extui %sign3A_123 : i1 to i32
    %sign3A_125 = arith.constant 0 : i32
    %sign3A_126 = arith.cmpi slt, %add3A_119, %sign3A_125 : i32
    %sign3A_127 = arith.extui %sign3A_126 : i1 to i32
    %sign3A_128 = arith.subi %sign3A_124, %sign3A_127 : i32
    %sign3A_129 = arith.constant 0 : i32
    %sign3A_130 = arith.cmpi sgt, %jit3A_120, %sign3A_129 : i32
    %sign3A_131 = arith.extui %sign3A_130 : i1 to i32
    %sign3A_132 = arith.constant 0 : i32
    %sign3A_133 = arith.cmpi slt, %jit3A_120, %sign3A_132 : i32
    %sign3A_134 = arith.extui %sign3A_133 : i1 to i32
    %sign3A_135 = arith.subi %sign3A_131, %sign3A_134 : i32
    %ne3A_136 = arith.cmpi ne, %sign3A_128, %sign3A_135 : i32
    %rem3A_137 = arith.remsi %add3A_119, %jit3A_120 : i32
    %ne3A_138 = arith.constant 0 : i32
    %ne3A_139 = arith.cmpi ne, %rem3A_137, %ne3A_138 : i32
    %and3A_140 = arith.andi %ne3A_136, %ne3A_139 : i1
    %sub3A_141 = arith.constant 1 : i32
    %sub3A_142 = arith.subi %div3A_121, %sub3A_141 : i32
    %select_n3A_143 = arith.select %and3A_140, %sub3A_142, %div3A_121 : i32
    %sub3A_144 = arith.subi %select_n3A_143, %min3A_22 : i32
    %jit3A_145 = arith.constant 8 : i32
    %eq3A_146 = arith.constant 0 : i32
    %eq3A_147 = arith.cmpi eq, %jit3A_145, %eq3A_146 : i32
    %jit3A_148 = arith.constant 1 : i32
    %select_n3A_149 = arith.select %eq3A_147, %jit3A_148, %jit3A_145 : i32
    %rem3A_150 = arith.remsi %add3A_119, %select_n3A_149 : i32
    %ne3A_151 = arith.constant 0 : i32
    %ne3A_152 = arith.cmpi ne, %rem3A_150, %ne3A_151 : i32
    %lt3A_153 = arith.constant 0 : i32
    %lt3A_154 = arith.cmpi slt, %rem3A_150, %lt3A_153 : i32
    %lt3A_155 = arith.constant 0 : i32
    %lt3A_156 = arith.cmpi slt, %select_n3A_149, %lt3A_155 : i32
    %ne3A_157 = arith.xori %lt3A_154, %lt3A_156 : i1
    %and3A_158 = arith.andi %ne3A_157, %ne3A_152 : i1
    %add3A_159 = arith.addi %rem3A_150, %select_n3A_149 : i32
    %select_n3A_160 = arith.select %and3A_158, %add3A_159, %rem3A_150 : i32
    %jit3A_161 = arith.constant 8 : i32
    %div3A_162 = arith.divsi %add3A_119, %jit3A_161 : i32
    %sign3A_163 = arith.constant 0 : i32
    %sign3A_164 = arith.cmpi sgt, %add3A_119, %sign3A_163 : i32
    %sign3A_165 = arith.extui %sign3A_164 : i1 to i32
    %sign3A_166 = arith.constant 0 : i32
    %sign3A_167 = arith.cmpi slt, %add3A_119, %sign3A_166 : i32
    %sign3A_168 = arith.extui %sign3A_167 : i1 to i32
    %sign3A_169 = arith.subi %sign3A_165, %sign3A_168 : i32
    %sign3A_170 = arith.constant 0 : i32
    %sign3A_171 = arith.cmpi sgt, %jit3A_161, %sign3A_170 : i32
    %sign3A_172 = arith.extui %sign3A_171 : i1 to i32
    %sign3A_173 = arith.constant 0 : i32
    %sign3A_174 = arith.cmpi slt, %jit3A_161, %sign3A_173 : i32
    %sign3A_175 = arith.extui %sign3A_174 : i1 to i32
    %sign3A_176 = arith.subi %sign3A_172, %sign3A_175 : i32
    %ne3A_177 = arith.cmpi ne, %sign3A_169, %sign3A_176 : i32
    %rem3A_178 = arith.remsi %add3A_119, %jit3A_161 : i32
    %ne3A_179 = arith.constant 0 : i32
    %ne3A_180 = arith.cmpi ne, %rem3A_178, %ne3A_179 : i32
    %and3A_181 = arith.andi %ne3A_177, %ne3A_180 : i1
    %sub3A_182 = arith.constant 1 : i32
    %sub3A_183 = arith.subi %div3A_162, %sub3A_182 : i32
    %select_n3A_184 = arith.select %and3A_181, %sub3A_183, %div3A_162 : i32
    %jit3A_185 = arith.constant 8 : i32
    %eq3A_186 = arith.constant 0 : i32
    %eq3A_187 = arith.cmpi eq, %jit3A_185, %eq3A_186 : i32
    %jit3A_188 = arith.constant 1 : i32
    %select_n3A_189 = arith.select %eq3A_187, %jit3A_188, %jit3A_185 : i32
    %rem3A_190 = arith.remsi %add3A_119, %select_n3A_189 : i32
    %ne3A_191 = arith.constant 0 : i32
    %ne3A_192 = arith.cmpi ne, %rem3A_190, %ne3A_191 : i32
    %lt3A_193 = arith.constant 0 : i32
    %lt3A_194 = arith.cmpi slt, %rem3A_190, %lt3A_193 : i32
    %lt3A_195 = arith.constant 0 : i32
    %lt3A_196 = arith.cmpi slt, %select_n3A_189, %lt3A_195 : i32
    %ne3A_197 = arith.xori %lt3A_194, %lt3A_196 : i1
    %and3A_198 = arith.andi %ne3A_197, %ne3A_192 : i1
    %add3A_199 = arith.addi %rem3A_190, %select_n3A_189 : i32
    %select_n3A_200 = arith.select %and3A_198, %add3A_199, %rem3A_190 : i32
    %dma_start3A_201 = arith.constant 1 : i32
    %dma_start3A_202 = arith.constant 0 : i32
    %dma_start3A_203 = arith.constant 0 : i32
    %dma_start3A_204 = tpu.memref_slice %arg6[%dma_start3A_201, %dma_start3A_202, %dma_start3A_203] : memref<3x128x128xf32, #tpu.memory_space<vmem>> -> memref<1x128x128xf32, #tpu.memory_space<vmem>>
    %dma_start3A_205 = tpu.memref_squeeze %dma_start3A_204 : memref<1x128x128xf32, #tpu.memory_space<vmem>> -> memref<128x128xf32, #tpu.memory_space<vmem>>
    %dma_start3A_206 = arith.constant 0 : i32
    %dma_start3A_207 = arith.constant 0 : i32
    %dma_start3A_208 = tpu.memref_slice %arg5[%sub3A_144, %dma_start3A_206, %dma_start3A_207] : memref<2x8x128xi32, #tpu.memory_space<vmem>> -> memref<1x8x128xi32, #tpu.memory_space<vmem>>
    %dma_start3A_209 = tpu.memref_squeeze %dma_start3A_208 : memref<1x8x128xi32, #tpu.memory_space<vmem>> -> memref<8x128xi32, #tpu.memory_space<vmem>>
    %dma_start3A_210 = arith.constant 0 : i32
    %dma_start3A_211 = tpu.memref_slice %dma_start3A_209[%select_n3A_160, %dma_start3A_210] : memref<8x128xi32, #tpu.memory_space<vmem>> -> memref<1x128xi32, #tpu.memory_space<vmem>>
    %dma_start3A_212 = tpu.memref_squeeze %dma_start3A_211 : memref<1x128xi32, #tpu.memory_space<vmem>> -> memref<128xi32, #tpu.memory_space<vmem>>
    %dma_start3A_213 = arith.constant 0 : i32
    %dma_start3A_214 = arith.constant 0 : i32
    %dma_start3A_215 = tpu.memref_slice %arg2[%dma_start3A_213, %dma_start3A_214] : memref<1000x128xf32, #tpu.memory_space<hbm>> -> memref<1000x128xf32, #tpu.memory_space<hbm>>
    tpu.enqueue_indirect_dma source(%dma_start3A_215 : memref<1000x128xf32, #tpu.memory_space<hbm>>) target(%dma_start3A_205 : memref<128x128xf32, #tpu.memory_space<vmem>>) offsets(%dma_start3A_212 : memref<128xi32, #tpu.memory_space<vmem>>) semaphore(%arg8 : memref<!tpu.dma_semaphore, #tpu.memory_space<semaphore_mem>>)
    %add3A_216 = arith.constant 2 : i32
    %add3A_217 = arith.addi %add3A_4, %add3A_216 : i32
    %jit3A_218 = arith.constant 8 : i32
    %div3A_219 = arith.divsi %add3A_217, %jit3A_218 : i32
    %sign3A_220 = arith.constant 0 : i32
    %sign3A_221 = arith.cmpi sgt, %add3A_217, %sign3A_220 : i32
    %sign3A_222 = arith.extui %sign3A_221 : i1 to i32
    %sign3A_223 = arith.constant 0 : i32
    %sign3A_224 = arith.cmpi slt, %add3A_217, %sign3A_223 : i32
    %sign3A_225 = arith.extui %sign3A_224 : i1 to i32
    %sign3A_226 = arith.subi %sign3A_222, %sign3A_225 : i32
    %sign3A_227 = arith.constant 0 : i32
    %sign3A_228 = arith.cmpi sgt, %jit3A_218, %sign3A_227 : i32
    %sign3A_229 = arith.extui %sign3A_228 : i1 to i32
    %sign3A_230 = arith.constant 0 : i32
    %sign3A_231 = arith.cmpi slt, %jit3A_218, %sign3A_230 : i32
    %sign3A_232 = arith.extui %sign3A_231 : i1 to i32
    %sign3A_233 = arith.subi %sign3A_229, %sign3A_232 : i32
    %ne3A_234 = arith.cmpi ne, %sign3A_226, %sign3A_233 : i32
    %rem3A_235 = arith.remsi %add3A_217, %jit3A_218 : i32
    %ne3A_236 = arith.constant 0 : i32
    %ne3A_237 = arith.cmpi ne, %rem3A_235, %ne3A_236 : i32
    %and3A_238 = arith.andi %ne3A_234, %ne3A_237 : i1
    %sub3A_239 = arith.constant 1 : i32
    %sub3A_240 = arith.subi %div3A_219, %sub3A_239 : i32
    %select_n3A_241 = arith.select %and3A_238, %sub3A_240, %div3A_219 : i32
    %sub3A_242 = arith.subi %select_n3A_241, %min3A_22 : i32
    %jit3A_243 = arith.constant 8 : i32
    %eq3A_244 = arith.constant 0 : i32
    %eq3A_245 = arith.cmpi eq, %jit3A_243, %eq3A_244 : i32
    %jit3A_246 = arith.constant 1 : i32
    %select_n3A_247 = arith.select %eq3A_245, %jit3A_246, %jit3A_243 : i32
    %rem3A_248 = arith.remsi %add3A_217, %select_n3A_247 : i32
    %ne3A_249 = arith.constant 0 : i32
    %ne3A_250 = arith.cmpi ne, %rem3A_248, %ne3A_249 : i32
    %lt3A_251 = arith.constant 0 : i32
    %lt3A_252 = arith.cmpi slt, %rem3A_248, %lt3A_251 : i32
    %lt3A_253 = arith.constant 0 : i32
    %lt3A_254 = arith.cmpi slt, %select_n3A_247, %lt3A_253 : i32
    %ne3A_255 = arith.xori %lt3A_252, %lt3A_254 : i1
    %and3A_256 = arith.andi %ne3A_255, %ne3A_250 : i1
    %add3A_257 = arith.addi %rem3A_248, %select_n3A_247 : i32
    %select_n3A_258 = arith.select %and3A_256, %add3A_257, %rem3A_248 : i32
    %jit3A_259 = arith.constant 8 : i32
    %div3A_260 = arith.divsi %add3A_217, %jit3A_259 : i32
    %sign3A_261 = arith.constant 0 : i32
    %sign3A_262 = arith.cmpi sgt, %add3A_217, %sign3A_261 : i32
    %sign3A_263 = arith.extui %sign3A_262 : i1 to i32
    %sign3A_264 = arith.constant 0 : i32
    %sign3A_265 = arith.cmpi slt, %add3A_217, %sign3A_264 : i32
    %sign3A_266 = arith.extui %sign3A_265 : i1 to i32
    %sign3A_267 = arith.subi %sign3A_263, %sign3A_266 : i32
    %sign3A_268 = arith.constant 0 : i32
    %sign3A_269 = arith.cmpi sgt, %jit3A_259, %sign3A_268 : i32
    %sign3A_270 = arith.extui %sign3A_269 : i1 to i32
    %sign3A_271 = arith.constant 0 : i32
    %sign3A_272 = arith.cmpi slt, %jit3A_259, %sign3A_271 : i32
    %sign3A_273 = arith.extui %sign3A_272 : i1 to i32
    %sign3A_274 = arith.subi %sign3A_270, %sign3A_273 : i32
    %ne3A_275 = arith.cmpi ne, %sign3A_267, %sign3A_274 : i32
    %rem3A_276 = arith.remsi %add3A_217, %jit3A_259 : i32
    %ne3A_277 = arith.constant 0 : i32
    %ne3A_278 = arith.cmpi ne, %rem3A_276, %ne3A_277 : i32
    %and3A_279 = arith.andi %ne3A_275, %ne3A_278 : i1
    %sub3A_280 = arith.constant 1 : i32
    %sub3A_281 = arith.subi %div3A_260, %sub3A_280 : i32
    %select_n3A_282 = arith.select %and3A_279, %sub3A_281, %div3A_260 : i32
    %jit3A_283 = arith.constant 8 : i32
    %eq3A_284 = arith.constant 0 : i32
    %eq3A_285 = arith.cmpi eq, %jit3A_283, %eq3A_284 : i32
    %jit3A_286 = arith.constant 1 : i32
    %select_n3A_287 = arith.select %eq3A_285, %jit3A_286, %jit3A_283 : i32
    %rem3A_288 = arith.remsi %add3A_217, %select_n3A_287 : i32
    %ne3A_289 = arith.constant 0 : i32
    %ne3A_290 = arith.cmpi ne, %rem3A_288, %ne3A_289 : i32
    %lt3A_291 = arith.constant 0 : i32
    %lt3A_292 = arith.cmpi slt, %rem3A_288, %lt3A_291 : i32
    %lt3A_293 = arith.constant 0 : i32
    %lt3A_294 = arith.cmpi slt, %select_n3A_287, %lt3A_293 : i32
    %ne3A_295 = arith.xori %lt3A_292, %lt3A_294 : i1
    %and3A_296 = arith.andi %ne3A_295, %ne3A_290 : i1
    %add3A_297 = arith.addi %rem3A_288, %select_n3A_287 : i32
    %select_n3A_298 = arith.select %and3A_296, %add3A_297, %rem3A_288 : i32
    %dma_start3A_299 = arith.constant 2 : i32
    %dma_start3A_300 = arith.constant 0 : i32
    %dma_start3A_301 = arith.constant 0 : i32
    %dma_start3A_302 = tpu.memref_slice %arg6[%dma_start3A_299, %dma_start3A_300, %dma_start3A_301] : memref<3x128x128xf32, #tpu.memory_space<vmem>> -> memref<1x128x128xf32, #tpu.memory_space<vmem>>
    %dma_start3A_303 = tpu.memref_squeeze %dma_start3A_302 : memref<1x128x128xf32, #tpu.memory_space<vmem>> -> memref<128x128xf32, #tpu.memory_space<vmem>>
    %dma_start3A_304 = arith.constant 0 : i32
    %dma_start3A_305 = arith.constant 0 : i32
    %dma_start3A_306 = tpu.memref_slice %arg5[%sub3A_242, %dma_start3A_304, %dma_start3A_305] : memref<2x8x128xi32, #tpu.memory_space<vmem>> -> memref<1x8x128xi32, #tpu.memory_space<vmem>>
    %dma_start3A_307 = tpu.memref_squeeze %dma_start3A_306 : memref<1x8x128xi32, #tpu.memory_space<vmem>> -> memref<8x128xi32, #tpu.memory_space<vmem>>
    %dma_start3A_308 = arith.constant 0 : i32
    %dma_start3A_309 = tpu.memref_slice %dma_start3A_307[%select_n3A_258, %dma_start3A_308] : memref<8x128xi32, #tpu.memory_space<vmem>> -> memref<1x128xi32, #tpu.memory_space<vmem>>
    %dma_start3A_310 = tpu.memref_squeeze %dma_start3A_309 : memref<1x128xi32, #tpu.memory_space<vmem>> -> memref<128xi32, #tpu.memory_space<vmem>>
    %dma_start3A_311 = arith.constant 0 : i32
    %dma_start3A_312 = arith.constant 0 : i32
    %dma_start3A_313 = tpu.memref_slice %arg2[%dma_start3A_311, %dma_start3A_312] : memref<1000x128xf32, #tpu.memory_space<hbm>> -> memref<1000x128xf32, #tpu.memory_space<hbm>>
    tpu.enqueue_indirect_dma source(%dma_start3A_313 : memref<1000x128xf32, #tpu.memory_space<hbm>>) target(%dma_start3A_303 : memref<128x128xf32, #tpu.memory_space<vmem>>) offsets(%dma_start3A_310 : memref<128xi32, #tpu.memory_space<vmem>>) semaphore(%arg9 : memref<!tpu.dma_semaphore, #tpu.memory_space<semaphore_mem>>)
    %add3A_314 = arith.constant 0 : i32
    %add3A_315 = arith.addi %add3A_4, %add3A_314 : i32
    %jit3A_316 = arith.constant 8 : i32
    %div3A_317 = arith.divsi %add3A_315, %jit3A_316 : i32
    %sign3A_318 = arith.constant 0 : i32
    %sign3A_319 = arith.cmpi sgt, %add3A_315, %sign3A_318 : i32
    %sign3A_320 = arith.extui %sign3A_319 : i1 to i32
    %sign3A_321 = arith.constant 0 : i32
    %sign3A_322 = arith.cmpi slt, %add3A_315, %sign3A_321 : i32
    %sign3A_323 = arith.extui %sign3A_322 : i1 to i32
    %sign3A_324 = arith.subi %sign3A_320, %sign3A_323 : i32
    %sign3A_325 = arith.constant 0 : i32
    %sign3A_326 = arith.cmpi sgt, %jit3A_316, %sign3A_325 : i32
    %sign3A_327 = arith.extui %sign3A_326 : i1 to i32
    %sign3A_328 = arith.constant 0 : i32
    %sign3A_329 = arith.cmpi slt, %jit3A_316, %sign3A_328 : i32
    %sign3A_330 = arith.extui %sign3A_329 : i1 to i32
    %sign3A_331 = arith.subi %sign3A_327, %sign3A_330 : i32
    %ne3A_332 = arith.cmpi ne, %sign3A_324, %sign3A_331 : i32
    %rem3A_333 = arith.remsi %add3A_315, %jit3A_316 : i32
    %ne3A_334 = arith.constant 0 : i32
    %ne3A_335 = arith.cmpi ne, %rem3A_333, %ne3A_334 : i32
    %and3A_336 = arith.andi %ne3A_332, %ne3A_335 : i1
    %sub3A_337 = arith.constant 1 : i32
    %sub3A_338 = arith.subi %div3A_317, %sub3A_337 : i32
    %select_n3A_339 = arith.select %and3A_336, %sub3A_338, %div3A_317 : i32
    %sub3A_340 = arith.subi %select_n3A_339, %min3A_22 : i32
    %jit3A_341 = arith.constant 8 : i32
    %eq3A_342 = arith.constant 0 : i32
    %eq3A_343 = arith.cmpi eq, %jit3A_341, %eq3A_342 : i32
    %jit3A_344 = arith.constant 1 : i32
    %select_n3A_345 = arith.select %eq3A_343, %jit3A_344, %jit3A_341 : i32
    %rem3A_346 = arith.remsi %add3A_315, %select_n3A_345 : i32
    %ne3A_347 = arith.constant 0 : i32
    %ne3A_348 = arith.cmpi ne, %rem3A_346, %ne3A_347 : i32
    %lt3A_349 = arith.constant 0 : i32
    %lt3A_350 = arith.cmpi slt, %rem3A_346, %lt3A_349 : i32
    %lt3A_351 = arith.constant 0 : i32
    %lt3A_352 = arith.cmpi slt, %select_n3A_345, %lt3A_351 : i32
    %ne3A_353 = arith.xori %lt3A_350, %lt3A_352 : i1
    %and3A_354 = arith.andi %ne3A_353, %ne3A_348 : i1
    %add3A_355 = arith.addi %rem3A_346, %select_n3A_345 : i32
    %select_n3A_356 = arith.select %and3A_354, %add3A_355, %rem3A_346 : i32
    %jit3A_357 = arith.constant 8 : i32
    %div3A_358 = arith.divsi %add3A_315, %jit3A_357 : i32
    %sign3A_359 = arith.constant 0 : i32
    %sign3A_360 = arith.cmpi sgt, %add3A_315, %sign3A_359 : i32
    %sign3A_361 = arith.extui %sign3A_360 : i1 to i32
    %sign3A_362 = arith.constant 0 : i32
    %sign3A_363 = arith.cmpi slt, %add3A_315, %sign3A_362 : i32
    %sign3A_364 = arith.extui %sign3A_363 : i1 to i32
    %sign3A_365 = arith.subi %sign3A_361, %sign3A_364 : i32
    %sign3A_366 = arith.constant 0 : i32
    %sign3A_367 = arith.cmpi sgt, %jit3A_357, %sign3A_366 : i32
    %sign3A_368 = arith.extui %sign3A_367 : i1 to i32
    %sign3A_369 = arith.constant 0 : i32
    %sign3A_370 = arith.cmpi slt, %jit3A_357, %sign3A_369 : i32
    %sign3A_371 = arith.extui %sign3A_370 : i1 to i32
    %sign3A_372 = arith.subi %sign3A_368, %sign3A_371 : i32
    %ne3A_373 = arith.cmpi ne, %sign3A_365, %sign3A_372 : i32
    %rem3A_374 = arith.remsi %add3A_315, %jit3A_357 : i32
    %ne3A_375 = arith.constant 0 : i32
    %ne3A_376 = arith.cmpi ne, %rem3A_374, %ne3A_375 : i32
    %and3A_377 = arith.andi %ne3A_373, %ne3A_376 : i1
    %sub3A_378 = arith.constant 1 : i32
    %sub3A_379 = arith.subi %div3A_358, %sub3A_378 : i32
    %select_n3A_380 = arith.select %and3A_377, %sub3A_379, %div3A_358 : i32
    %jit3A_381 = arith.constant 8 : i32
    %eq3A_382 = arith.constant 0 : i32
    %eq3A_383 = arith.cmpi eq, %jit3A_381, %eq3A_382 : i32
    %jit3A_384 = arith.constant 1 : i32
    %select_n3A_385 = arith.select %eq3A_383, %jit3A_384, %jit3A_381 : i32
    %rem3A_386 = arith.remsi %add3A_315, %select_n3A_385 : i32
    %ne3A_387 = arith.constant 0 : i32
    %ne3A_388 = arith.cmpi ne, %rem3A_386, %ne3A_387 : i32
    %lt3A_389 = arith.constant 0 : i32
    %lt3A_390 = arith.cmpi slt, %rem3A_386, %lt3A_389 : i32
    %lt3A_391 = arith.constant 0 : i32
    %lt3A_392 = arith.cmpi slt, %select_n3A_385, %lt3A_391 : i32
    %ne3A_393 = arith.xori %lt3A_390, %lt3A_392 : i1
    %and3A_394 = arith.andi %ne3A_393, %ne3A_388 : i1
    %add3A_395 = arith.addi %rem3A_386, %select_n3A_385 : i32
    %select_n3A_396 = arith.select %and3A_394, %add3A_395, %rem3A_386 : i32
    %dma_wait3A = arith.constant 0 : i32
    %dma_wait3A_397 = arith.constant 0 : i32
    %dma_wait3A_398 = arith.constant 0 : i32
    %dma_wait3A_399 = tpu.memref_slice %arg6[%dma_wait3A, %dma_wait3A_397, %dma_wait3A_398] : memref<3x128x128xf32, #tpu.memory_space<vmem>> -> memref<1x128x128xf32, #tpu.memory_space<vmem>>
    %dma_wait3A_400 = tpu.memref_squeeze %dma_wait3A_399 : memref<1x128x128xf32, #tpu.memory_space<vmem>> -> memref<128x128xf32, #tpu.memory_space<vmem>>
    %dma_wait3A_401 = arith.constant 0 : i32
    %dma_wait3A_402 = arith.constant 0 : i32
    %dma_wait3A_403 = tpu.memref_slice %arg5[%sub3A_340, %dma_wait3A_401, %dma_wait3A_402] : memref<2x8x128xi32, #tpu.memory_space<vmem>> -> memref<1x8x128xi32, #tpu.memory_space<vmem>>
    %dma_wait3A_404 = tpu.memref_squeeze %dma_wait3A_403 : memref<1x8x128xi32, #tpu.memory_space<vmem>> -> memref<8x128xi32, #tpu.memory_space<vmem>>
    %dma_wait3A_405 = arith.constant 0 : i32
    %dma_wait3A_406 = tpu.memref_slice %dma_wait3A_404[%select_n3A_356, %dma_wait3A_405] : memref<8x128xi32, #tpu.memory_space<vmem>> -> memref<1x128xi32, #tpu.memory_space<vmem>>
    %dma_wait3A_407 = tpu.memref_squeeze %dma_wait3A_406 : memref<1x128xi32, #tpu.memory_space<vmem>> -> memref<128xi32, #tpu.memory_space<vmem>>
    %dma_wait3A_408 = arith.constant 0 : i32
    %dma_wait3A_409 = arith.constant 0 : i32
    %dma_wait3A_410 = tpu.memref_slice %arg2[%dma_wait3A_408, %dma_wait3A_409] : memref<1000x128xf32, #tpu.memory_space<hbm>> -> memref<1000x128xf32, #tpu.memory_space<hbm>>
    tpu.wait_indirect_dma semaphore(%arg7 : memref<!tpu.dma_semaphore, #tpu.memory_space<semaphore_mem>>) src(%dma_wait3A_410 : memref<1000x128xf32, #tpu.memory_space<hbm>>) dst(%dma_wait3A_400 : memref<128x128xf32, #tpu.memory_space<vmem>>)
    %mul3A_411 = arith.constant 128 : i32
    %mul3A_412 = arith.muli %select_n3A_396, %mul3A_411 : i32
    %dma_start3A_413 = arith.constant 0 : i32
    %dma_start3A_414 = arith.constant 0 : i32
    %dma_start3A_415 = arith.constant 0 : i32
    %dma_start3A_416 = tpu.memref_slice %arg6[%dma_start3A_413, %dma_start3A_414, %dma_start3A_415] : memref<3x128x128xf32, #tpu.memory_space<vmem>> -> memref<1x128x128xf32, #tpu.memory_space<vmem>>
    %dma_start3A_417 = tpu.memref_squeeze %dma_start3A_416 : memref<1x128x128xf32, #tpu.memory_space<vmem>> -> memref<128x128xf32, #tpu.memory_space<vmem>>
    %dma_start3A_418 = arith.constant 0 : i32
    %dma_start3A_419 = arith.constant 0 : i32
    %dma_start3A_420 = tpu.memref_slice %arg4[%select_n3A_380, %dma_start3A_418, %dma_start3A_419] : memref<12x1024x128xf32, #tpu.memory_space<hbm>> -> memref<1x1024x128xf32, #tpu.memory_space<hbm>>
    %dma_start3A_421 = tpu.memref_squeeze %dma_start3A_420 : memref<1x1024x128xf32, #tpu.memory_space<hbm>> -> memref<1024x128xf32, #tpu.memory_space<hbm>>
    %dma_start3A_422 = arith.constant 0 : i32
    %dma_start3A_423 = tpu.memref_slice %dma_start3A_421[%mul3A_412, %dma_start3A_422] : memref<1024x128xf32, #tpu.memory_space<hbm>> -> memref<128x128xf32, #tpu.memory_space<hbm>>
    %dma_start3A_424 = arith.constant 0 : i32
    %dma_start3A_425 = arith.constant 0 : i32
    %dma_start3A_426 = tpu.memref_slice %arg4[%select_n3A_380, %dma_start3A_424, %dma_start3A_425] : memref<12x1024x128xf32, #tpu.memory_space<hbm>> -> memref<1x1024x128xf32, #tpu.memory_space<hbm>>
    %dma_start3A_427 = tpu.memref_squeeze %dma_start3A_426 : memref<1x1024x128xf32, #tpu.memory_space<hbm>> -> memref<1024x128xf32, #tpu.memory_space<hbm>>
    %dma_start3A_428 = arith.constant 0 : i32
    %dma_start3A_429 = tpu.memref_slice %dma_start3A_427[%mul3A_412, %dma_start3A_428] : memref<1024x128xf32, #tpu.memory_space<hbm>> -> memref<128x128xf32, #tpu.memory_space<hbm>>
    %dma_start3A_430 = arith.constant 0 : i32
    %dma_start3A_431 = arith.constant 0 : i32
    %dma_start3A_432 = tpu.memref_slice %arg6[%dma_start3A_413, %dma_start3A_430, %dma_start3A_431] : memref<3x128x128xf32, #tpu.memory_space<vmem>> -> memref<1x128x128xf32, #tpu.memory_space<vmem>>
    %dma_start3A_433 = tpu.memref_squeeze %dma_start3A_432 : memref<1x128x128xf32, #tpu.memory_space<vmem>> -> memref<128x128xf32, #tpu.memory_space<vmem>>
    tpu.enqueue_dma source(%dma_start3A_433 : memref<128x128xf32, #tpu.memory_space<vmem>>) target(%dma_start3A_429 : memref<128x128xf32, #tpu.memory_space<hbm>>) target_semaphore(%arg10 : memref<!tpu.dma_semaphore, #tpu.memory_space<semaphore_mem>>)
    %add3A_434 = arith.constant 1 : i32
    %add3A_435 = arith.addi %add3A_4, %add3A_434 : i32
    %jit3A_436 = arith.constant 8 : i32
    %div3A_437 = arith.divsi %add3A_435, %jit3A_436 : i32
    %sign3A_438 = arith.constant 0 : i32
    %sign3A_439 = arith.cmpi sgt, %add3A_435, %sign3A_438 : i32
    %sign3A_440 = arith.extui %sign3A_439 : i1 to i32
    %sign3A_441 = arith.constant 0 : i32
    %sign3A_442 = arith.cmpi slt, %add3A_435, %sign3A_441 : i32
    %sign3A_443 = arith.extui %sign3A_442 : i1 to i32
    %sign3A_444 = arith.subi %sign3A_440, %sign3A_443 : i32
    %sign3A_445 = arith.constant 0 : i32
    %sign3A_446 = arith.cmpi sgt, %jit3A_436, %sign3A_445 : i32
    %sign3A_447 = arith.extui %sign3A_446 : i1 to i32
    %sign3A_448 = arith.constant 0 : i32
    %sign3A_449 = arith.cmpi slt, %jit3A_436, %sign3A_448 : i32
    %sign3A_450 = arith.extui %sign3A_449 : i1 to i32
    %sign3A_451 = arith.subi %sign3A_447, %sign3A_450 : i32
    %ne3A_452 = arith.cmpi ne, %sign3A_444, %sign3A_451 : i32
    %rem3A_453 = arith.remsi %add3A_435, %jit3A_436 : i32
    %ne3A_454 = arith.constant 0 : i32
    %ne3A_455 = arith.cmpi ne, %rem3A_453, %ne3A_454 : i32
    %and3A_456 = arith.andi %ne3A_452, %ne3A_455 : i1
    %sub3A_457 = arith.constant 1 : i32
    %sub3A_458 = arith.subi %div3A_437, %sub3A_457 : i32
    %select_n3A_459 = arith.select %and3A_456, %sub3A_458, %div3A_437 : i32
    %sub3A_460 = arith.subi %select_n3A_459, %min3A_22 : i32
    %jit3A_461 = arith.constant 8 : i32
    %eq3A_462 = arith.constant 0 : i32
    %eq3A_463 = arith.cmpi eq, %jit3A_461, %eq3A_462 : i32
    %jit3A_464 = arith.constant 1 : i32
    %select_n3A_465 = arith.select %eq3A_463, %jit3A_464, %jit3A_461 : i32
    %rem3A_466 = arith.remsi %add3A_435, %select_n3A_465 : i32
    %ne3A_467 = arith.constant 0 : i32
    %ne3A_468 = arith.cmpi ne, %rem3A_466, %ne3A_467 : i32
    %lt3A_469 = arith.constant 0 : i32
    %lt3A_470 = arith.cmpi slt, %rem3A_466, %lt3A_469 : i32
    %lt3A_471 = arith.constant 0 : i32
    %lt3A_472 = arith.cmpi slt, %select_n3A_465, %lt3A_471 : i32
    %ne3A_473 = arith.xori %lt3A_470, %lt3A_472 : i1
    %and3A_474 = arith.andi %ne3A_473, %ne3A_468 : i1
    %add3A_475 = arith.addi %rem3A_466, %select_n3A_465 : i32
    %select_n3A_476 = arith.select %and3A_474, %add3A_475, %rem3A_466 : i32
    %jit3A_477 = arith.constant 8 : i32
    %div3A_478 = arith.divsi %add3A_435, %jit3A_477 : i32
    %sign3A_479 = arith.constant 0 : i32
    %sign3A_480 = arith.cmpi sgt, %add3A_435, %sign3A_479 : i32
    %sign3A_481 = arith.extui %sign3A_480 : i1 to i32
    %sign3A_482 = arith.constant 0 : i32
    %sign3A_483 = arith.cmpi slt, %add3A_435, %sign3A_482 : i32
    %sign3A_484 = arith.extui %sign3A_483 : i1 to i32
    %sign3A_485 = arith.subi %sign3A_481, %sign3A_484 : i32
    %sign3A_486 = arith.constant 0 : i32
    %sign3A_487 = arith.cmpi sgt, %jit3A_477, %sign3A_486 : i32
    %sign3A_488 = arith.extui %sign3A_487 : i1 to i32
    %sign3A_489 = arith.constant 0 : i32
    %sign3A_490 = arith.cmpi slt, %jit3A_477, %sign3A_489 : i32
    %sign3A_491 = arith.extui %sign3A_490 : i1 to i32
    %sign3A_492 = arith.subi %sign3A_488, %sign3A_491 : i32
    %ne3A_493 = arith.cmpi ne, %sign3A_485, %sign3A_492 : i32
    %rem3A_494 = arith.remsi %add3A_435, %jit3A_477 : i32
    %ne3A_495 = arith.constant 0 : i32
    %ne3A_496 = arith.cmpi ne, %rem3A_494, %ne3A_495 : i32
    %and3A_497 = arith.andi %ne3A_493, %ne3A_496 : i1
    %sub3A_498 = arith.constant 1 : i32
    %sub3A_499 = arith.subi %div3A_478, %sub3A_498 : i32
    %select_n3A_500 = arith.select %and3A_497, %sub3A_499, %div3A_478 : i32
    %jit3A_501 = arith.constant 8 : i32
    %eq3A_502 = arith.constant 0 : i32
    %eq3A_503 = arith.cmpi eq, %jit3A_501, %eq3A_502 : i32
    %jit3A_504 = arith.constant 1 : i32
    %select_n3A_505 = arith.select %eq3A_503, %jit3A_504, %jit3A_501 : i32
    %rem3A_506 = arith.remsi %add3A_435, %select_n3A_505 : i32
    %ne3A_507 = arith.constant 0 : i32
    %ne3A_508 = arith.cmpi ne, %rem3A_506, %ne3A_507 : i32
    %lt3A_509 = arith.constant 0 : i32
    %lt3A_510 = arith.cmpi slt, %rem3A_506, %lt3A_509 : i32
    %lt3A_511 = arith.constant 0 : i32
    %lt3A_512 = arith.cmpi slt, %select_n3A_505, %lt3A_511 : i32
    %ne3A_513 = arith.xori %lt3A_510, %lt3A_512 : i1
    %and3A_514 = arith.andi %ne3A_513, %ne3A_508 : i1
    %add3A_515 = arith.addi %rem3A_506, %select_n3A_505 : i32
    %select_n3A_516 = arith.select %and3A_514, %add3A_515, %rem3A_506 : i32
    %dma_wait3A_517 = arith.constant 1 : i32
    %dma_wait3A_518 = arith.constant 0 : i32
    %dma_wait3A_519 = arith.constant 0 : i32
    %dma_wait3A_520 = tpu.memref_slice %arg6[%dma_wait3A_517, %dma_wait3A_518, %dma_wait3A_519] : memref<3x128x128xf32, #tpu.memory_space<vmem>> -> memref<1x128x128xf32, #tpu.memory_space<vmem>>
    %dma_wait3A_521 = tpu.memref_squeeze %dma_wait3A_520 : memref<1x128x128xf32, #tpu.memory_space<vmem>> -> memref<128x128xf32, #tpu.memory_space<vmem>>
    %dma_wait3A_522 = arith.constant 0 : i32
    %dma_wait3A_523 = arith.constant 0 : i32
    %dma_wait3A_524 = tpu.memref_slice %arg5[%sub3A_460, %dma_wait3A_522, %dma_wait3A_523] : memref<2x8x128xi32, #tpu.memory_space<vmem>> -> memref<1x8x128xi32, #tpu.memory_space<vmem>>
    %dma_wait3A_525 = tpu.memref_squeeze %dma_wait3A_524 : memref<1x8x128xi32, #tpu.memory_space<vmem>> -> memref<8x128xi32, #tpu.memory_space<vmem>>
    %dma_wait3A_526 = arith.constant 0 : i32
    %dma_wait3A_527 = tpu.memref_slice %dma_wait3A_525[%select_n3A_476, %dma_wait3A_526] : memref<8x128xi32, #tpu.memory_space<vmem>> -> memref<1x128xi32, #tpu.memory_space<vmem>>
    %dma_wait3A_528 = tpu.memref_squeeze %dma_wait3A_527 : memref<1x128xi32, #tpu.memory_space<vmem>> -> memref<128xi32, #tpu.memory_space<vmem>>
    %dma_wait3A_529 = arith.constant 0 : i32
    %dma_wait3A_530 = arith.constant 0 : i32
    %dma_wait3A_531 = tpu.memref_slice %arg2[%dma_wait3A_529, %dma_wait3A_530] : memref<1000x128xf32, #tpu.memory_space<hbm>> -> memref<1000x128xf32, #tpu.memory_space<hbm>>
    tpu.wait_indirect_dma semaphore(%arg8 : memref<!tpu.dma_semaphore, #tpu.memory_space<semaphore_mem>>) src(%dma_wait3A_531 : memref<1000x128xf32, #tpu.memory_space<hbm>>) dst(%dma_wait3A_521 : memref<128x128xf32, #tpu.memory_space<vmem>>)
    %mul3A_532 = arith.constant 128 : i32
    %mul3A_533 = arith.muli %select_n3A_516, %mul3A_532 : i32
    %dma_start3A_534 = arith.constant 1 : i32
    %dma_start3A_535 = arith.constant 0 : i32
    %dma_start3A_536 = arith.constant 0 : i32
    %dma_start3A_537 = tpu.memref_slice %arg6[%dma_start3A_534, %dma_start3A_535, %dma_start3A_536] : memref<3x128x128xf32, #tpu.memory_space<vmem>> -> memref<1x128x128xf32, #tpu.memory_space<vmem>>
    %dma_start3A_538 = tpu.memref_squeeze %dma_start3A_537 : memref<1x128x128xf32, #tpu.memory_space<vmem>> -> memref<128x128xf32, #tpu.memory_space<vmem>>
    %dma_start3A_539 = arith.constant 0 : i32
    %dma_start3A_540 = arith.constant 0 : i32
    %dma_start3A_541 = tpu.memref_slice %arg4[%select_n3A_500, %dma_start3A_539, %dma_start3A_540] : memref<12x1024x128xf32, #tpu.memory_space<hbm>> -> memref<1x1024x128xf32, #tpu.memory_space<hbm>>
    %dma_start3A_542 = tpu.memref_squeeze %dma_start3A_541 : memref<1x1024x128xf32, #tpu.memory_space<hbm>> -> memref<1024x128xf32, #tpu.memory_space<hbm>>
    %dma_start3A_543 = arith.constant 0 : i32
    %dma_start3A_544 = tpu.memref_slice %dma_start3A_542[%mul3A_533, %dma_start3A_543] : memref<1024x128xf32, #tpu.memory_space<hbm>> -> memref<128x128xf32, #tpu.memory_space<hbm>>
    %dma_start3A_545 = arith.constant 0 : i32
    %dma_start3A_546 = arith.constant 0 : i32
    %dma_start3A_547 = tpu.memref_slice %arg4[%select_n3A_500, %dma_start3A_545, %dma_start3A_546] : memref<12x1024x128xf32, #tpu.memory_space<hbm>> -> memref<1x1024x128xf32, #tpu.memory_space<hbm>>
    %dma_start3A_548 = tpu.memref_squeeze %dma_start3A_547 : memref<1x1024x128xf32, #tpu.memory_space<hbm>> -> memref<1024x128xf32, #tpu.memory_space<hbm>>
    %dma_start3A_549 = arith.constant 0 : i32
    %dma_start3A_550 = tpu.memref_slice %dma_start3A_548[%mul3A_533, %dma_start3A_549] : memref<1024x128xf32, #tpu.memory_space<hbm>> -> memref<128x128xf32, #tpu.memory_space<hbm>>
    %dma_start3A_551 = arith.constant 0 : i32
    %dma_start3A_552 = arith.constant 0 : i32
    %dma_start3A_553 = tpu.memref_slice %arg6[%dma_start3A_534, %dma_start3A_551, %dma_start3A_552] : memref<3x128x128xf32, #tpu.memory_space<vmem>> -> memref<1x128x128xf32, #tpu.memory_space<vmem>>
    %dma_start3A_554 = tpu.memref_squeeze %dma_start3A_553 : memref<1x128x128xf32, #tpu.memory_space<vmem>> -> memref<128x128xf32, #tpu.memory_space<vmem>>
    tpu.enqueue_dma source(%dma_start3A_554 : memref<128x128xf32, #tpu.memory_space<vmem>>) target(%dma_start3A_550 : memref<128x128xf32, #tpu.memory_space<hbm>>) target_semaphore(%arg11 : memref<!tpu.dma_semaphore, #tpu.memory_space<semaphore_mem>>)
    %add3A_555 = arith.constant 2 : i32
    %add3A_556 = arith.addi %add3A_4, %add3A_555 : i32
    %jit3A_557 = arith.constant 8 : i32
    %div3A_558 = arith.divsi %add3A_556, %jit3A_557 : i32
    %sign3A_559 = arith.constant 0 : i32
    %sign3A_560 = arith.cmpi sgt, %add3A_556, %sign3A_559 : i32
    %sign3A_561 = arith.extui %sign3A_560 : i1 to i32
    %sign3A_562 = arith.constant 0 : i32
    %sign3A_563 = arith.cmpi slt, %add3A_556, %sign3A_562 : i32
    %sign3A_564 = arith.extui %sign3A_563 : i1 to i32
    %sign3A_565 = arith.subi %sign3A_561, %sign3A_564 : i32
    %sign3A_566 = arith.constant 0 : i32
    %sign3A_567 = arith.cmpi sgt, %jit3A_557, %sign3A_566 : i32
    %sign3A_568 = arith.extui %sign3A_567 : i1 to i32
    %sign3A_569 = arith.constant 0 : i32
    %sign3A_570 = arith.cmpi slt, %jit3A_557, %sign3A_569 : i32
    %sign3A_571 = arith.extui %sign3A_570 : i1 to i32
    %sign3A_572 = arith.subi %sign3A_568, %sign3A_571 : i32
    %ne3A_573 = arith.cmpi ne, %sign3A_565, %sign3A_572 : i32
    %rem3A_574 = arith.remsi %add3A_556, %jit3A_557 : i32
    %ne3A_575 = arith.constant 0 : i32
    %ne3A_576 = arith.cmpi ne, %rem3A_574, %ne3A_575 : i32
    %and3A_577 = arith.andi %ne3A_573, %ne3A_576 : i1
    %sub3A_578 = arith.constant 1 : i32
    %sub3A_579 = arith.subi %div3A_558, %sub3A_578 : i32
    %select_n3A_580 = arith.select %and3A_577, %sub3A_579, %div3A_558 : i32
    %sub3A_581 = arith.subi %select_n3A_580, %min3A_22 : i32
    %jit3A_582 = arith.constant 8 : i32
    %eq3A_583 = arith.constant 0 : i32
    %eq3A_584 = arith.cmpi eq, %jit3A_582, %eq3A_583 : i32
    %jit3A_585 = arith.constant 1 : i32
    %select_n3A_586 = arith.select %eq3A_584, %jit3A_585, %jit3A_582 : i32
    %rem3A_587 = arith.remsi %add3A_556, %select_n3A_586 : i32
    %ne3A_588 = arith.constant 0 : i32
    %ne3A_589 = arith.cmpi ne, %rem3A_587, %ne3A_588 : i32
    %lt3A_590 = arith.constant 0 : i32
    %lt3A_591 = arith.cmpi slt, %rem3A_587, %lt3A_590 : i32
    %lt3A_592 = arith.constant 0 : i32
    %lt3A_593 = arith.cmpi slt, %select_n3A_586, %lt3A_592 : i32
    %ne3A_594 = arith.xori %lt3A_591, %lt3A_593 : i1
    %and3A_595 = arith.andi %ne3A_594, %ne3A_589 : i1
    %add3A_596 = arith.addi %rem3A_587, %select_n3A_586 : i32
    %select_n3A_597 = arith.select %and3A_595, %add3A_596, %rem3A_587 : i32
    %jit3A_598 = arith.constant 8 : i32
    %div3A_599 = arith.divsi %add3A_556, %jit3A_598 : i32
    %sign3A_600 = arith.constant 0 : i32
    %sign3A_601 = arith.cmpi sgt, %add3A_556, %sign3A_600 : i32
    %sign3A_602 = arith.extui %sign3A_601 : i1 to i32
    %sign3A_603 = arith.constant 0 : i32
    %sign3A_604 = arith.cmpi slt, %add3A_556, %sign3A_603 : i32
    %sign3A_605 = arith.extui %sign3A_604 : i1 to i32
    %sign3A_606 = arith.subi %sign3A_602, %sign3A_605 : i32
    %sign3A_607 = arith.constant 0 : i32
    %sign3A_608 = arith.cmpi sgt, %jit3A_598, %sign3A_607 : i32
    %sign3A_609 = arith.extui %sign3A_608 : i1 to i32
    %sign3A_610 = arith.constant 0 : i32
    %sign3A_611 = arith.cmpi slt, %jit3A_598, %sign3A_610 : i32
    %sign3A_612 = arith.extui %sign3A_611 : i1 to i32
    %sign3A_613 = arith.subi %sign3A_609, %sign3A_612 : i32
    %ne3A_614 = arith.cmpi ne, %sign3A_606, %sign3A_613 : i32
    %rem3A_615 = arith.remsi %add3A_556, %jit3A_598 : i32
    %ne3A_616 = arith.constant 0 : i32
    %ne3A_617 = arith.cmpi ne, %rem3A_615, %ne3A_616 : i32
    %and3A_618 = arith.andi %ne3A_614, %ne3A_617 : i1
    %sub3A_619 = arith.constant 1 : i32
    %sub3A_620 = arith.subi %div3A_599, %sub3A_619 : i32
    %select_n3A_621 = arith.select %and3A_618, %sub3A_620, %div3A_599 : i32
    %jit3A_622 = arith.constant 8 : i32
    %eq3A_623 = arith.constant 0 : i32
    %eq3A_624 = arith.cmpi eq, %jit3A_622, %eq3A_623 : i32
    %jit3A_625 = arith.constant 1 : i32
    %select_n3A_626 = arith.select %eq3A_624, %jit3A_625, %jit3A_622 : i32
    %rem3A_627 = arith.remsi %add3A_556, %select_n3A_626 : i32
    %ne3A_628 = arith.constant 0 : i32
    %ne3A_629 = arith.cmpi ne, %rem3A_627, %ne3A_628 : i32
    %lt3A_630 = arith.constant 0 : i32
    %lt3A_631 = arith.cmpi slt, %rem3A_627, %lt3A_630 : i32
    %lt3A_632 = arith.constant 0 : i32
    %lt3A_633 = arith.cmpi slt, %select_n3A_626, %lt3A_632 : i32
    %ne3A_634 = arith.xori %lt3A_631, %lt3A_633 : i1
    %and3A_635 = arith.andi %ne3A_634, %ne3A_629 : i1
    %add3A_636 = arith.addi %rem3A_627, %select_n3A_626 : i32
    %select_n3A_637 = arith.select %and3A_635, %add3A_636, %rem3A_627 : i32
    %dma_wait3A_638 = arith.constant 2 : i32
    %dma_wait3A_639 = arith.constant 0 : i32
    %dma_wait3A_640 = arith.constant 0 : i32
    %dma_wait3A_641 = tpu.memref_slice %arg6[%dma_wait3A_638, %dma_wait3A_639, %dma_wait3A_640] : memref<3x128x128xf32, #tpu.memory_space<vmem>> -> memref<1x128x128xf32, #tpu.memory_space<vmem>>
    %dma_wait3A_642 = tpu.memref_squeeze %dma_wait3A_641 : memref<1x128x128xf32, #tpu.memory_space<vmem>> -> memref<128x128xf32, #tpu.memory_space<vmem>>
    %dma_wait3A_643 = arith.constant 0 : i32
    %dma_wait3A_644 = arith.constant 0 : i32
    %dma_wait3A_645 = tpu.memref_slice %arg5[%sub3A_581, %dma_wait3A_643, %dma_wait3A_644] : memref<2x8x128xi32, #tpu.memory_space<vmem>> -> memref<1x8x128xi32, #tpu.memory_space<vmem>>
    %dma_wait3A_646 = tpu.memref_squeeze %dma_wait3A_645 : memref<1x8x128xi32, #tpu.memory_space<vmem>> -> memref<8x128xi32, #tpu.memory_space<vmem>>
    %dma_wait3A_647 = arith.constant 0 : i32
    %dma_wait3A_648 = tpu.memref_slice %dma_wait3A_646[%select_n3A_597, %dma_wait3A_647] : memref<8x128xi32, #tpu.memory_space<vmem>> -> memref<1x128xi32, #tpu.memory_space<vmem>>
    %dma_wait3A_649 = tpu.memref_squeeze %dma_wait3A_648 : memref<1x128xi32, #tpu.memory_space<vmem>> -> memref<128xi32, #tpu.memory_space<vmem>>
    %dma_wait3A_650 = arith.constant 0 : i32
    %dma_wait3A_651 = arith.constant 0 : i32
    %dma_wait3A_652 = tpu.memref_slice %arg2[%dma_wait3A_650, %dma_wait3A_651] : memref<1000x128xf32, #tpu.memory_space<hbm>> -> memref<1000x128xf32, #tpu.memory_space<hbm>>
    tpu.wait_indirect_dma semaphore(%arg9 : memref<!tpu.dma_semaphore, #tpu.memory_space<semaphore_mem>>) src(%dma_wait3A_652 : memref<1000x128xf32, #tpu.memory_space<hbm>>) dst(%dma_wait3A_642 : memref<128x128xf32, #tpu.memory_space<vmem>>)
    %mul3A_653 = arith.constant 128 : i32
    %mul3A_654 = arith.muli %select_n3A_637, %mul3A_653 : i32
    %dma_start3A_655 = arith.constant 2 : i32
    %dma_start3A_656 = arith.constant 0 : i32
    %dma_start3A_657 = arith.constant 0 : i32
    %dma_start3A_658 = tpu.memref_slice %arg6[%dma_start3A_655, %dma_start3A_656, %dma_start3A_657] : memref<3x128x128xf32, #tpu.memory_space<vmem>> -> memref<1x128x128xf32, #tpu.memory_space<vmem>>
    %dma_start3A_659 = tpu.memref_squeeze %dma_start3A_658 : memref<1x128x128xf32, #tpu.memory_space<vmem>> -> memref<128x128xf32, #tpu.memory_space<vmem>>
    %dma_start3A_660 = arith.constant 0 : i32
    %dma_start3A_661 = arith.constant 0 : i32
    %dma_start3A_662 = tpu.memref_slice %arg4[%select_n3A_621, %dma_start3A_660, %dma_start3A_661] : memref<12x1024x128xf32, #tpu.memory_space<hbm>> -> memref<1x1024x128xf32, #tpu.memory_space<hbm>>
    %dma_start3A_663 = tpu.memref_squeeze %dma_start3A_662 : memref<1x1024x128xf32, #tpu.memory_space<hbm>> -> memref<1024x128xf32, #tpu.memory_space<hbm>>
    %dma_start3A_664 = arith.constant 0 : i32
    %dma_start3A_665 = tpu.memref_slice %dma_start3A_663[%mul3A_654, %dma_start3A_664] : memref<1024x128xf32, #tpu.memory_space<hbm>> -> memref<128x128xf32, #tpu.memory_space<hbm>>
    %dma_start3A_666 = arith.constant 0 : i32
    %dma_start3A_667 = arith.constant 0 : i32
    %dma_start3A_668 = tpu.memref_slice %arg4[%select_n3A_621, %dma_start3A_666, %dma_start3A_667] : memref<12x1024x128xf32, #tpu.memory_space<hbm>> -> memref<1x1024x128xf32, #tpu.memory_space<hbm>>
    %dma_start3A_669 = tpu.memref_squeeze %dma_start3A_668 : memref<1x1024x128xf32, #tpu.memory_space<hbm>> -> memref<1024x128xf32, #tpu.memory_space<hbm>>
    %dma_start3A_670 = arith.constant 0 : i32
    %dma_start3A_671 = tpu.memref_slice %dma_start3A_669[%mul3A_654, %dma_start3A_670] : memref<1024x128xf32, #tpu.memory_space<hbm>> -> memref<128x128xf32, #tpu.memory_space<hbm>>
    %dma_start3A_672 = arith.constant 0 : i32
    %dma_start3A_673 = arith.constant 0 : i32
    %dma_start3A_674 = tpu.memref_slice %arg6[%dma_start3A_655, %dma_start3A_672, %dma_start3A_673] : memref<3x128x128xf32, #tpu.memory_space<vmem>> -> memref<1x128x128xf32, #tpu.memory_space<vmem>>
    %dma_start3A_675 = tpu.memref_squeeze %dma_start3A_674 : memref<1x128x128xf32, #tpu.memory_space<vmem>> -> memref<128x128xf32, #tpu.memory_space<vmem>>
    tpu.enqueue_dma source(%dma_start3A_675 : memref<128x128xf32, #tpu.memory_space<vmem>>) target(%dma_start3A_671 : memref<128x128xf32, #tpu.memory_space<hbm>>) target_semaphore(%arg12 : memref<!tpu.dma_semaphore, #tpu.memory_space<semaphore_mem>>)
    %add3A_676 = arith.constant 0 : i32
    %add3A_677 = arith.addi %add3A_4, %add3A_676 : i32
    %jit3A_678 = arith.constant 8 : i32
    %div3A_679 = arith.divsi %add3A_677, %jit3A_678 : i32
    %sign3A_680 = arith.constant 0 : i32
    %sign3A_681 = arith.cmpi sgt, %add3A_677, %sign3A_680 : i32
    %sign3A_682 = arith.extui %sign3A_681 : i1 to i32
    %sign3A_683 = arith.constant 0 : i32
    %sign3A_684 = arith.cmpi slt, %add3A_677, %sign3A_683 : i32
    %sign3A_685 = arith.extui %sign3A_684 : i1 to i32
    %sign3A_686 = arith.subi %sign3A_682, %sign3A_685 : i32
    %sign3A_687 = arith.constant 0 : i32
    %sign3A_688 = arith.cmpi sgt, %jit3A_678, %sign3A_687 : i32
    %sign3A_689 = arith.extui %sign3A_688 : i1 to i32
    %sign3A_690 = arith.constant 0 : i32
    %sign3A_691 = arith.cmpi slt, %jit3A_678, %sign3A_690 : i32
    %sign3A_692 = arith.extui %sign3A_691 : i1 to i32
    %sign3A_693 = arith.subi %sign3A_689, %sign3A_692 : i32
    %ne3A_694 = arith.cmpi ne, %sign3A_686, %sign3A_693 : i32
    %rem3A_695 = arith.remsi %add3A_677, %jit3A_678 : i32
    %ne3A_696 = arith.constant 0 : i32
    %ne3A_697 = arith.cmpi ne, %rem3A_695, %ne3A_696 : i32
    %and3A_698 = arith.andi %ne3A_694, %ne3A_697 : i1
    %sub3A_699 = arith.constant 1 : i32
    %sub3A_700 = arith.subi %div3A_679, %sub3A_699 : i32
    %select_n3A_701 = arith.select %and3A_698, %sub3A_700, %div3A_679 : i32
    %sub3A_702 = arith.subi %select_n3A_701, %min3A_22 : i32
    %jit3A_703 = arith.constant 8 : i32
    %eq3A_704 = arith.constant 0 : i32
    %eq3A_705 = arith.cmpi eq, %jit3A_703, %eq3A_704 : i32
    %jit3A_706 = arith.constant 1 : i32
    %select_n3A_707 = arith.select %eq3A_705, %jit3A_706, %jit3A_703 : i32
    %rem3A_708 = arith.remsi %add3A_677, %select_n3A_707 : i32
    %ne3A_709 = arith.constant 0 : i32
    %ne3A_710 = arith.cmpi ne, %rem3A_708, %ne3A_709 : i32
    %lt3A_711 = arith.constant 0 : i32
    %lt3A_712 = arith.cmpi slt, %rem3A_708, %lt3A_711 : i32
    %lt3A_713 = arith.constant 0 : i32
    %lt3A_714 = arith.cmpi slt, %select_n3A_707, %lt3A_713 : i32
    %ne3A_715 = arith.xori %lt3A_712, %lt3A_714 : i1
    %and3A_716 = arith.andi %ne3A_715, %ne3A_710 : i1
    %add3A_717 = arith.addi %rem3A_708, %select_n3A_707 : i32
    %select_n3A_718 = arith.select %and3A_716, %add3A_717, %rem3A_708 : i32
    %jit3A_719 = arith.constant 8 : i32
    %div3A_720 = arith.divsi %add3A_677, %jit3A_719 : i32
    %sign3A_721 = arith.constant 0 : i32
    %sign3A_722 = arith.cmpi sgt, %add3A_677, %sign3A_721 : i32
    %sign3A_723 = arith.extui %sign3A_722 : i1 to i32
    %sign3A_724 = arith.constant 0 : i32
    %sign3A_725 = arith.cmpi slt, %add3A_677, %sign3A_724 : i32
    %sign3A_726 = arith.extui %sign3A_725 : i1 to i32
    %sign3A_727 = arith.subi %sign3A_723, %sign3A_726 : i32
    %sign3A_728 = arith.constant 0 : i32
    %sign3A_729 = arith.cmpi sgt, %jit3A_719, %sign3A_728 : i32
    %sign3A_730 = arith.extui %sign3A_729 : i1 to i32
    %sign3A_731 = arith.constant 0 : i32
    %sign3A_732 = arith.cmpi slt, %jit3A_719, %sign3A_731 : i32
    %sign3A_733 = arith.extui %sign3A_732 : i1 to i32
    %sign3A_734 = arith.subi %sign3A_730, %sign3A_733 : i32
    %ne3A_735 = arith.cmpi ne, %sign3A_727, %sign3A_734 : i32
    %rem3A_736 = arith.remsi %add3A_677, %jit3A_719 : i32
    %ne3A_737 = arith.constant 0 : i32
    %ne3A_738 = arith.cmpi ne, %rem3A_736, %ne3A_737 : i32
    %and3A_739 = arith.andi %ne3A_735, %ne3A_738 : i1
    %sub3A_740 = arith.constant 1 : i32
    %sub3A_741 = arith.subi %div3A_720, %sub3A_740 : i32
    %select_n3A_742 = arith.select %and3A_739, %sub3A_741, %div3A_720 : i32
    %jit3A_743 = arith.constant 8 : i32
    %eq3A_744 = arith.constant 0 : i32
    %eq3A_745 = arith.cmpi eq, %jit3A_743, %eq3A_744 : i32
    %jit3A_746 = arith.constant 1 : i32
    %select_n3A_747 = arith.select %eq3A_745, %jit3A_746, %jit3A_743 : i32
    %rem3A_748 = arith.remsi %add3A_677, %select_n3A_747 : i32
    %ne3A_749 = arith.constant 0 : i32
    %ne3A_750 = arith.cmpi ne, %rem3A_748, %ne3A_749 : i32
    %lt3A_751 = arith.constant 0 : i32
    %lt3A_752 = arith.cmpi slt, %rem3A_748, %lt3A_751 : i32
    %lt3A_753 = arith.constant 0 : i32
    %lt3A_754 = arith.cmpi slt, %select_n3A_747, %lt3A_753 : i32
    %ne3A_755 = arith.xori %lt3A_752, %lt3A_754 : i1
    %and3A_756 = arith.andi %ne3A_755, %ne3A_750 : i1
    %add3A_757 = arith.addi %rem3A_748, %select_n3A_747 : i32
    %select_n3A_758 = arith.select %and3A_756, %add3A_757, %rem3A_748 : i32
    %mul3A_759 = arith.constant 128 : i32
    %mul3A_760 = arith.muli %select_n3A_758, %mul3A_759 : i32
    %dma_wait3A_761 = arith.constant 0 : i32
    %dma_wait3A_762 = arith.constant 0 : i32
    %dma_wait3A_763 = arith.constant 0 : i32
    %dma_wait3A_764 = tpu.memref_slice %arg6[%dma_wait3A_761, %dma_wait3A_762, %dma_wait3A_763] : memref<3x128x128xf32, #tpu.memory_space<vmem>> -> memref<1x128x128xf32, #tpu.memory_space<vmem>>
    %dma_wait3A_765 = tpu.memref_squeeze %dma_wait3A_764 : memref<1x128x128xf32, #tpu.memory_space<vmem>> -> memref<128x128xf32, #tpu.memory_space<vmem>>
    %dma_wait3A_766 = arith.constant 0 : i32
    %dma_wait3A_767 = arith.constant 0 : i32
    %dma_wait3A_768 = tpu.memref_slice %arg4[%select_n3A_742, %dma_wait3A_766, %dma_wait3A_767] : memref<12x1024x128xf32, #tpu.memory_space<hbm>> -> memref<1x1024x128xf32, #tpu.memory_space<hbm>>
    %dma_wait3A_769 = tpu.memref_squeeze %dma_wait3A_768 : memref<1x1024x128xf32, #tpu.memory_space<hbm>> -> memref<1024x128xf32, #tpu.memory_space<hbm>>
    %dma_wait3A_770 = arith.constant 0 : i32
    %dma_wait3A_771 = tpu.memref_slice %dma_wait3A_769[%mul3A_760, %dma_wait3A_770] : memref<1024x128xf32, #tpu.memory_space<hbm>> -> memref<128x128xf32, #tpu.memory_space<hbm>>
    %dma_wait3A_772 = arith.constant 0 : i32
    %dma_wait3A_773 = arith.constant 0 : i32
    %dma_wait3A_774 = tpu.memref_slice %arg4[%select_n3A_742, %dma_wait3A_772, %dma_wait3A_773] : memref<12x1024x128xf32, #tpu.memory_space<hbm>> -> memref<1x1024x128xf32, #tpu.memory_space<hbm>>
    %dma_wait3A_775 = tpu.memref_squeeze %dma_wait3A_774 : memref<1x1024x128xf32, #tpu.memory_space<hbm>> -> memref<1024x128xf32, #tpu.memory_space<hbm>>
    %dma_wait3A_776 = arith.constant 0 : i32
    %dma_wait3A_777 = tpu.memref_slice %dma_wait3A_775[%mul3A_760, %dma_wait3A_776] : memref<1024x128xf32, #tpu.memory_space<hbm>> -> memref<128x128xf32, #tpu.memory_space<hbm>>
    %dma_wait3A_778 = arith.constant 0 : i32
    %dma_wait3A_779 = arith.constant 0 : i32
    %dma_wait3A_780 = tpu.memref_slice %arg6[%dma_wait3A_761, %dma_wait3A_778, %dma_wait3A_779] : memref<3x128x128xf32, #tpu.memory_space<vmem>> -> memref<1x128x128xf32, #tpu.memory_space<vmem>>
    %dma_wait3A_781 = tpu.memref_squeeze %dma_wait3A_780 : memref<1x128x128xf32, #tpu.memory_space<vmem>> -> memref<128x128xf32, #tpu.memory_space<vmem>>
    tpu.wait_dma2 semaphore(%arg10 : memref<!tpu.dma_semaphore, #tpu.memory_space<semaphore_mem>>) src(%dma_wait3A_781 : memref<128x128xf32, #tpu.memory_space<vmem>>) dst(%dma_wait3A_777 : memref<128x128xf32, #tpu.memory_space<hbm>>)
    %add3A_782 = arith.constant 1 : i32
    %add3A_783 = arith.addi %add3A_4, %add3A_782 : i32
    %jit3A_784 = arith.constant 8 : i32
    %div3A_785 = arith.divsi %add3A_783, %jit3A_784 : i32
    %sign3A_786 = arith.constant 0 : i32
    %sign3A_787 = arith.cmpi sgt, %add3A_783, %sign3A_786 : i32
    %sign3A_788 = arith.extui %sign3A_787 : i1 to i32
    %sign3A_789 = arith.constant 0 : i32
    %sign3A_790 = arith.cmpi slt, %add3A_783, %sign3A_789 : i32
    %sign3A_791 = arith.extui %sign3A_790 : i1 to i32
    %sign3A_792 = arith.subi %sign3A_788, %sign3A_791 : i32
    %sign3A_793 = arith.constant 0 : i32
    %sign3A_794 = arith.cmpi sgt, %jit3A_784, %sign3A_793 : i32
    %sign3A_795 = arith.extui %sign3A_794 : i1 to i32
    %sign3A_796 = arith.constant 0 : i32
    %sign3A_797 = arith.cmpi slt, %jit3A_784, %sign3A_796 : i32
    %sign3A_798 = arith.extui %sign3A_797 : i1 to i32
    %sign3A_799 = arith.subi %sign3A_795, %sign3A_798 : i32
    %ne3A_800 = arith.cmpi ne, %sign3A_792, %sign3A_799 : i32
    %rem3A_801 = arith.remsi %add3A_783, %jit3A_784 : i32
    %ne3A_802 = arith.constant 0 : i32
    %ne3A_803 = arith.cmpi ne, %rem3A_801, %ne3A_802 : i32
    %and3A_804 = arith.andi %ne3A_800, %ne3A_803 : i1
    %sub3A_805 = arith.constant 1 : i32
    %sub3A_806 = arith.subi %div3A_785, %sub3A_805 : i32
    %select_n3A_807 = arith.select %and3A_804, %sub3A_806, %div3A_785 : i32
    %sub3A_808 = arith.subi %select_n3A_807, %min3A_22 : i32
    %jit3A_809 = arith.constant 8 : i32
    %eq3A_810 = arith.constant 0 : i32
    %eq3A_811 = arith.cmpi eq, %jit3A_809, %eq3A_810 : i32
    %jit3A_812 = arith.constant 1 : i32
    %select_n3A_813 = arith.select %eq3A_811, %jit3A_812, %jit3A_809 : i32
    %rem3A_814 = arith.remsi %add3A_783, %select_n3A_813 : i32
    %ne3A_815 = arith.constant 0 : i32
    %ne3A_816 = arith.cmpi ne, %rem3A_814, %ne3A_815 : i32
    %lt3A_817 = arith.constant 0 : i32
    %lt3A_818 = arith.cmpi slt, %rem3A_814, %lt3A_817 : i32
    %lt3A_819 = arith.constant 0 : i32
    %lt3A_820 = arith.cmpi slt, %select_n3A_813, %lt3A_819 : i32
    %ne3A_821 = arith.xori %lt3A_818, %lt3A_820 : i1
    %and3A_822 = arith.andi %ne3A_821, %ne3A_816 : i1
    %add3A_823 = arith.addi %rem3A_814, %select_n3A_813 : i32
    %select_n3A_824 = arith.select %and3A_822, %add3A_823, %rem3A_814 : i32
    %jit3A_825 = arith.constant 8 : i32
    %div3A_826 = arith.divsi %add3A_783, %jit3A_825 : i32
    %sign3A_827 = arith.constant 0 : i32
    %sign3A_828 = arith.cmpi sgt, %add3A_783, %sign3A_827 : i32
    %sign3A_829 = arith.extui %sign3A_828 : i1 to i32
    %sign3A_830 = arith.constant 0 : i32
    %sign3A_831 = arith.cmpi slt, %add3A_783, %sign3A_830 : i32
    %sign3A_832 = arith.extui %sign3A_831 : i1 to i32
    %sign3A_833 = arith.subi %sign3A_829, %sign3A_832 : i32
    %sign3A_834 = arith.constant 0 : i32
    %sign3A_835 = arith.cmpi sgt, %jit3A_825, %sign3A_834 : i32
    %sign3A_836 = arith.extui %sign3A_835 : i1 to i32
    %sign3A_837 = arith.constant 0 : i32
    %sign3A_838 = arith.cmpi slt, %jit3A_825, %sign3A_837 : i32
    %sign3A_839 = arith.extui %sign3A_838 : i1 to i32
    %sign3A_840 = arith.subi %sign3A_836, %sign3A_839 : i32
    %ne3A_841 = arith.cmpi ne, %sign3A_833, %sign3A_840 : i32
    %rem3A_842 = arith.remsi %add3A_783, %jit3A_825 : i32
    %ne3A_843 = arith.constant 0 : i32
    %ne3A_844 = arith.cmpi ne, %rem3A_842, %ne3A_843 : i32
    %and3A_845 = arith.andi %ne3A_841, %ne3A_844 : i1
    %sub3A_846 = arith.constant 1 : i32
    %sub3A_847 = arith.subi %div3A_826, %sub3A_846 : i32
    %select_n3A_848 = arith.select %and3A_845, %sub3A_847, %div3A_826 : i32
    %jit3A_849 = arith.constant 8 : i32
    %eq3A_850 = arith.constant 0 : i32
    %eq3A_851 = arith.cmpi eq, %jit3A_849, %eq3A_850 : i32
    %jit3A_852 = arith.constant 1 : i32
    %select_n3A_853 = arith.select %eq3A_851, %jit3A_852, %jit3A_849 : i32
    %rem3A_854 = arith.remsi %add3A_783, %select_n3A_853 : i32
    %ne3A_855 = arith.constant 0 : i32
    %ne3A_856 = arith.cmpi ne, %rem3A_854, %ne3A_855 : i32
    %lt3A_857 = arith.constant 0 : i32
    %lt3A_858 = arith.cmpi slt, %rem3A_854, %lt3A_857 : i32
    %lt3A_859 = arith.constant 0 : i32
    %lt3A_860 = arith.cmpi slt, %select_n3A_853, %lt3A_859 : i32
    %ne3A_861 = arith.xori %lt3A_858, %lt3A_860 : i1
    %and3A_862 = arith.andi %ne3A_861, %ne3A_856 : i1
    %add3A_863 = arith.addi %rem3A_854, %select_n3A_853 : i32
    %select_n3A_864 = arith.select %and3A_862, %add3A_863, %rem3A_854 : i32
    %mul3A_865 = arith.constant 128 : i32
    %mul3A_866 = arith.muli %select_n3A_864, %mul3A_865 : i32
    %dma_wait3A_867 = arith.constant 1 : i32
    %dma_wait3A_868 = arith.constant 0 : i32
    %dma_wait3A_869 = arith.constant 0 : i32
    %dma_wait3A_870 = tpu.memref_slice %arg6[%dma_wait3A_867, %dma_wait3A_868, %dma_wait3A_869] : memref<3x128x128xf32, #tpu.memory_space<vmem>> -> memref<1x128x128xf32, #tpu.memory_space<vmem>>
    %dma_wait3A_871 = tpu.memref_squeeze %dma_wait3A_870 : memref<1x128x128xf32, #tpu.memory_space<vmem>> -> memref<128x128xf32, #tpu.memory_space<vmem>>
    %dma_wait3A_872 = arith.constant 0 : i32
    %dma_wait3A_873 = arith.constant 0 : i32
    %dma_wait3A_874 = tpu.memref_slice %arg4[%select_n3A_848, %dma_wait3A_872, %dma_wait3A_873] : memref<12x1024x128xf32, #tpu.memory_space<hbm>> -> memref<1x1024x128xf32, #tpu.memory_space<hbm>>
    %dma_wait3A_875 = tpu.memref_squeeze %dma_wait3A_874 : memref<1x1024x128xf32, #tpu.memory_space<hbm>> -> memref<1024x128xf32, #tpu.memory_space<hbm>>
    %dma_wait3A_876 = arith.constant 0 : i32
    %dma_wait3A_877 = tpu.memref_slice %dma_wait3A_875[%mul3A_866, %dma_wait3A_876] : memref<1024x128xf32, #tpu.memory_space<hbm>> -> memref<128x128xf32, #tpu.memory_space<hbm>>
    %dma_wait3A_878 = arith.constant 0 : i32
    %dma_wait3A_879 = arith.constant 0 : i32
    %dma_wait3A_880 = tpu.memref_slice %arg4[%select_n3A_848, %dma_wait3A_878, %dma_wait3A_879] : memref<12x1024x128xf32, #tpu.memory_space<hbm>> -> memref<1x1024x128xf32, #tpu.memory_space<hbm>>
    %dma_wait3A_881 = tpu.memref_squeeze %dma_wait3A_880 : memref<1x1024x128xf32, #tpu.memory_space<hbm>> -> memref<1024x128xf32, #tpu.memory_space<hbm>>
    %dma_wait3A_882 = arith.constant 0 : i32
    %dma_wait3A_883 = tpu.memref_slice %dma_wait3A_881[%mul3A_866, %dma_wait3A_882] : memref<1024x128xf32, #tpu.memory_space<hbm>> -> memref<128x128xf32, #tpu.memory_space<hbm>>
    %dma_wait3A_884 = arith.constant 0 : i32
    %dma_wait3A_885 = arith.constant 0 : i32
    %dma_wait3A_886 = tpu.memref_slice %arg6[%dma_wait3A_867, %dma_wait3A_884, %dma_wait3A_885] : memref<3x128x128xf32, #tpu.memory_space<vmem>> -> memref<1x128x128xf32, #tpu.memory_space<vmem>>
    %dma_wait3A_887 = tpu.memref_squeeze %dma_wait3A_886 : memref<1x128x128xf32, #tpu.memory_space<vmem>> -> memref<128x128xf32, #tpu.memory_space<vmem>>
    tpu.wait_dma2 semaphore(%arg11 : memref<!tpu.dma_semaphore, #tpu.memory_space<semaphore_mem>>) src(%dma_wait3A_887 : memref<128x128xf32, #tpu.memory_space<vmem>>) dst(%dma_wait3A_883 : memref<128x128xf32, #tpu.memory_space<hbm>>)
    %add3A_888 = arith.constant 2 : i32
    %add3A_889 = arith.addi %add3A_4, %add3A_888 : i32
    %jit3A_890 = arith.constant 8 : i32
    %div3A_891 = arith.divsi %add3A_889, %jit3A_890 : i32
    %sign3A_892 = arith.constant 0 : i32
    %sign3A_893 = arith.cmpi sgt, %add3A_889, %sign3A_892 : i32
    %sign3A_894 = arith.extui %sign3A_893 : i1 to i32
    %sign3A_895 = arith.constant 0 : i32
    %sign3A_896 = arith.cmpi slt, %add3A_889, %sign3A_895 : i32
    %sign3A_897 = arith.extui %sign3A_896 : i1 to i32
    %sign3A_898 = arith.subi %sign3A_894, %sign3A_897 : i32
    %sign3A_899 = arith.constant 0 : i32
    %sign3A_900 = arith.cmpi sgt, %jit3A_890, %sign3A_899 : i32
    %sign3A_901 = arith.extui %sign3A_900 : i1 to i32
    %sign3A_902 = arith.constant 0 : i32
    %sign3A_903 = arith.cmpi slt, %jit3A_890, %sign3A_902 : i32
    %sign3A_904 = arith.extui %sign3A_903 : i1 to i32
    %sign3A_905 = arith.subi %sign3A_901, %sign3A_904 : i32
    %ne3A_906 = arith.cmpi ne, %sign3A_898, %sign3A_905 : i32
    %rem3A_907 = arith.remsi %add3A_889, %jit3A_890 : i32
    %ne3A_908 = arith.constant 0 : i32
    %ne3A_909 = arith.cmpi ne, %rem3A_907, %ne3A_908 : i32
    %and3A_910 = arith.andi %ne3A_906, %ne3A_909 : i1
    %sub3A_911 = arith.constant 1 : i32
    %sub3A_912 = arith.subi %div3A_891, %sub3A_911 : i32
    %select_n3A_913 = arith.select %and3A_910, %sub3A_912, %div3A_891 : i32
    %sub3A_914 = arith.subi %select_n3A_913, %min3A_22 : i32
    %jit3A_915 = arith.constant 8 : i32
    %eq3A_916 = arith.constant 0 : i32
    %eq3A_917 = arith.cmpi eq, %jit3A_915, %eq3A_916 : i32
    %jit3A_918 = arith.constant 1 : i32
    %select_n3A_919 = arith.select %eq3A_917, %jit3A_918, %jit3A_915 : i32
    %rem3A_920 = arith.remsi %add3A_889, %select_n3A_919 : i32
    %ne3A_921 = arith.constant 0 : i32
    %ne3A_922 = arith.cmpi ne, %rem3A_920, %ne3A_921 : i32
    %lt3A_923 = arith.constant 0 : i32
    %lt3A_924 = arith.cmpi slt, %rem3A_920, %lt3A_923 : i32
    %lt3A_925 = arith.constant 0 : i32
    %lt3A_926 = arith.cmpi slt, %select_n3A_919, %lt3A_925 : i32
    %ne3A_927 = arith.xori %lt3A_924, %lt3A_926 : i1
    %and3A_928 = arith.andi %ne3A_927, %ne3A_922 : i1
    %add3A_929 = arith.addi %rem3A_920, %select_n3A_919 : i32
    %select_n3A_930 = arith.select %and3A_928, %add3A_929, %rem3A_920 : i32
    %jit3A_931 = arith.constant 8 : i32
    %div3A_932 = arith.divsi %add3A_889, %jit3A_931 : i32
    %sign3A_933 = arith.constant 0 : i32
    %sign3A_934 = arith.cmpi sgt, %add3A_889, %sign3A_933 : i32
    %sign3A_935 = arith.extui %sign3A_934 : i1 to i32
    %sign3A_936 = arith.constant 0 : i32
    %sign3A_937 = arith.cmpi slt, %add3A_889, %sign3A_936 : i32
    %sign3A_938 = arith.extui %sign3A_937 : i1 to i32
    %sign3A_939 = arith.subi %sign3A_935, %sign3A_938 : i32
    %sign3A_940 = arith.constant 0 : i32
    %sign3A_941 = arith.cmpi sgt, %jit3A_931, %sign3A_940 : i32
    %sign3A_942 = arith.extui %sign3A_941 : i1 to i32
    %sign3A_943 = arith.constant 0 : i32
    %sign3A_944 = arith.cmpi slt, %jit3A_931, %sign3A_943 : i32
    %sign3A_945 = arith.extui %sign3A_944 : i1 to i32
    %sign3A_946 = arith.subi %sign3A_942, %sign3A_945 : i32
    %ne3A_947 = arith.cmpi ne, %sign3A_939, %sign3A_946 : i32
    %rem3A_948 = arith.remsi %add3A_889, %jit3A_931 : i32
    %ne3A_949 = arith.constant 0 : i32
    %ne3A_950 = arith.cmpi ne, %rem3A_948, %ne3A_949 : i32
    %and3A_951 = arith.andi %ne3A_947, %ne3A_950 : i1
    %sub3A_952 = arith.constant 1 : i32
    %sub3A_953 = arith.subi %div3A_932, %sub3A_952 : i32
    %select_n3A_954 = arith.select %and3A_951, %sub3A_953, %div3A_932 : i32
    %jit3A_955 = arith.constant 8 : i32
    %eq3A_956 = arith.constant 0 : i32
    %eq3A_957 = arith.cmpi eq, %jit3A_955, %eq3A_956 : i32
    %jit3A_958 = arith.constant 1 : i32
    %select_n3A_959 = arith.select %eq3A_957, %jit3A_958, %jit3A_955 : i32
    %rem3A_960 = arith.remsi %add3A_889, %select_n3A_959 : i32
    %ne3A_961 = arith.constant 0 : i32
    %ne3A_962 = arith.cmpi ne, %rem3A_960, %ne3A_961 : i32
    %lt3A_963 = arith.constant 0 : i32
    %lt3A_964 = arith.cmpi slt, %rem3A_960, %lt3A_963 : i32
    %lt3A_965 = arith.constant 0 : i32
    %lt3A_966 = arith.cmpi slt, %select_n3A_959, %lt3A_965 : i32
    %ne3A_967 = arith.xori %lt3A_964, %lt3A_966 : i1
    %and3A_968 = arith.andi %ne3A_967, %ne3A_962 : i1
    %add3A_969 = arith.addi %rem3A_960, %select_n3A_959 : i32
    %select_n3A_970 = arith.select %and3A_968, %add3A_969, %rem3A_960 : i32
    %mul3A_971 = arith.constant 128 : i32
    %mul3A_972 = arith.muli %select_n3A_970, %mul3A_971 : i32
    %dma_wait3A_973 = arith.constant 2 : i32
    %dma_wait3A_974 = arith.constant 0 : i32
    %dma_wait3A_975 = arith.constant 0 : i32
    %dma_wait3A_976 = tpu.memref_slice %arg6[%dma_wait3A_973, %dma_wait3A_974, %dma_wait3A_975] : memref<3x128x128xf32, #tpu.memory_space<vmem>> -> memref<1x128x128xf32, #tpu.memory_space<vmem>>
    %dma_wait3A_977 = tpu.memref_squeeze %dma_wait3A_976 : memref<1x128x128xf32, #tpu.memory_space<vmem>> -> memref<128x128xf32, #tpu.memory_space<vmem>>
    %dma_wait3A_978 = arith.constant 0 : i32
    %dma_wait3A_979 = arith.constant 0 : i32
    %dma_wait3A_980 = tpu.memref_slice %arg4[%select_n3A_954, %dma_wait3A_978, %dma_wait3A_979] : memref<12x1024x128xf32, #tpu.memory_space<hbm>> -> memref<1x1024x128xf32, #tpu.memory_space<hbm>>
    %dma_wait3A_981 = tpu.memref_squeeze %dma_wait3A_980 : memref<1x1024x128xf32, #tpu.memory_space<hbm>> -> memref<1024x128xf32, #tpu.memory_space<hbm>>
    %dma_wait3A_982 = arith.constant 0 : i32
    %dma_wait3A_983 = tpu.memref_slice %dma_wait3A_981[%mul3A_972, %dma_wait3A_982] : memref<1024x128xf32, #tpu.memory_space<hbm>> -> memref<128x128xf32, #tpu.memory_space<hbm>>
    %dma_wait3A_984 = arith.constant 0 : i32
    %dma_wait3A_985 = arith.constant 0 : i32
    %dma_wait3A_986 = tpu.memref_slice %arg4[%select_n3A_954, %dma_wait3A_984, %dma_wait3A_985] : memref<12x1024x128xf32, #tpu.memory_space<hbm>> -> memref<1x1024x128xf32, #tpu.memory_space<hbm>>
    %dma_wait3A_987 = tpu.memref_squeeze %dma_wait3A_986 : memref<1x1024x128xf32, #tpu.memory_space<hbm>> -> memref<1024x128xf32, #tpu.memory_space<hbm>>
    %dma_wait3A_988 = arith.constant 0 : i32
    %dma_wait3A_989 = tpu.memref_slice %dma_wait3A_987[%mul3A_972, %dma_wait3A_988] : memref<1024x128xf32, #tpu.memory_space<hbm>> -> memref<128x128xf32, #tpu.memory_space<hbm>>
    %dma_wait3A_990 = arith.constant 0 : i32
    %dma_wait3A_991 = arith.constant 0 : i32
    %dma_wait3A_992 = tpu.memref_slice %arg6[%dma_wait3A_973, %dma_wait3A_990, %dma_wait3A_991] : memref<3x128x128xf32, #tpu.memory_space<vmem>> -> memref<1x128x128xf32, #tpu.memory_space<vmem>>
    %dma_wait3A_993 = tpu.memref_squeeze %dma_wait3A_992 : memref<1x128x128xf32, #tpu.memory_space<vmem>> -> memref<128x128xf32, #tpu.memory_space<vmem>>
    tpu.wait_dma2 semaphore(%arg12 : memref<!tpu.dma_semaphore, #tpu.memory_space<semaphore_mem>>) src(%dma_wait3A_993 : memref<128x128xf32, #tpu.memory_space<vmem>>) dst(%dma_wait3A_989 : memref<128x128xf32, #tpu.memory_space<hbm>>)
    return
  }
}

module attributes {stable_mosaic.version = 14 : i64} {
  func.func @_mlp_body(%arg0: i32, %arg1: memref<1x1024x128xf32, #tpu.memory_space<vmem>>, %arg2: memref<256x128xf32, #tpu.memory_space<vmem>>, %arg3: memref<256x1xf32, #tpu.memory_space<vmem>>, %arg4: memref<1000x256xf32, #tpu.memory_space<vmem>>, %arg5: memref<1000x1xf32, #tpu.memory_space<vmem>>, %arg6: memref<1x1000x1024xf32, #tpu.memory_space<vmem>>) attributes {dimension_semantics = [#tpu.dimension_semantics<parallel>], iteration_bounds = array<i64: 12>, scalar_prefetch = 0 : i64, scratch_operands = 0 : i64, tpu.core_type = #tpu.core_type<tc>, window_params = [{transform_indices = @transform_0, window_bounds = array<i64: 1, 1024, 128>}, {pipeline_mode = #tpu.pipeline_mode<synchronous>, transform_indices = @transform_1, window_bounds = array<i64: 256, 128>}, {pipeline_mode = #tpu.pipeline_mode<synchronous>, transform_indices = @transform_2, window_bounds = array<i64: 256, 1>}, {pipeline_mode = #tpu.pipeline_mode<synchronous>, transform_indices = @transform_3, window_bounds = array<i64: 1000, 256>}, {pipeline_mode = #tpu.pipeline_mode<synchronous>, transform_indices = @transform_4, window_bounds = array<i64: 1000, 1>}, {transform_indices = @transform_5, window_bounds = array<i64: 1, 1000, 1024>}]} {
    %get3A = arith.constant 0 : index
    %get3A_0 = arith.constant 0 : index
    %get3A_1 = arith.constant 0 : index
    %get3A_2 = vector.load %arg1[%get3A, %get3A_0, %get3A_1] : memref<1x1024x128xf32, #tpu.memory_space<vmem>>, vector<1x1024x128xf32>
    %get3A_3 = vector.shape_cast %get3A_2 : vector<1x1024x128xf32> to vector<1024x128xf32>
    %transpose3A = tpu.transpose %get3A_3, [1, 0] : vector<1024x128xf32> -> vector<128x1024xf32>
    %convert_element_type3A = arith.truncf %transpose3A : vector<128x1024xf32> to vector<128x1024xbf16>
    %get3A_4 = arith.constant 0 : index
    %get3A_5 = arith.constant 0 : index
    %get3A_6 = vector.load %arg2[%get3A_4, %get3A_5] : memref<256x128xf32, #tpu.memory_space<vmem>>, vector<256x128xf32>
    %convert_element_type3A_7 = arith.truncf %get3A_6 : vector<256x128xf32> to vector<256x128xbf16>
    %dot_general3A = arith.constant dense<0.000000e+00> : vector<256x1024xf32>
    %dot_general3A_8 = tpu.matmul %convert_element_type3A_7, %convert_element_type3A, %dot_general3A {dimension_numbers = #tpu.dot_dimension_numbers<[1], [0], [0], [1], [0, 0, 1, 1], [], []>, transpose_lhs_hint = false} : vector<256x128xbf16>, vector<128x1024xbf16>, vector<256x1024xf32> -> vector<256x1024xf32>
    %get3A_9 = arith.constant 0 : index
    %get3A_10 = arith.constant 0 : index
    %get3A_11 = vector.load %arg3[%get3A_9, %get3A_10] : memref<256x1xf32, #tpu.memory_space<vmem>>, vector<256x1xf32>
    %add3A = vector.broadcast %get3A_11 : vector<256x1xf32> to vector<256x1024xf32>
    %add3A_12 = arith.addf %dot_general3A_8, %add3A : vector<256x1024xf32>
    %max3A = arith.constant 0.000000e+00 : f32
    %max3A_13 = vector.broadcast %max3A : f32 to vector<256x1024xf32>
    %max3A_14 = arith.maximumf %add3A_12, %max3A_13 : vector<256x1024xf32>
    %get3A_15 = arith.constant 0 : index
    %get3A_16 = arith.constant 0 : index
    %get3A_17 = vector.load %arg4[%get3A_15, %get3A_16] : memref<1000x256xf32, #tpu.memory_space<vmem>>, vector<1000x256xf32>
    %convert_element_type3A_18 = arith.truncf %get3A_17 : vector<1000x256xf32> to vector<1000x256xbf16>
    %convert_element_type3A_19 = arith.truncf %max3A_14 : vector<256x1024xf32> to vector<256x1024xbf16>
    %dot_general3A_20 = arith.constant dense<0.000000e+00> : vector<1000x1024xf32>
    %dot_general3A_21 = tpu.matmul %convert_element_type3A_18, %convert_element_type3A_19, %dot_general3A_20 {dimension_numbers = #tpu.dot_dimension_numbers<[1], [0], [0], [1], [0, 0, 1, 1], [], []>, transpose_lhs_hint = false} : vector<1000x256xbf16>, vector<256x1024xbf16>, vector<1000x1024xf32> -> vector<1000x1024xf32>
    %get3A_22 = arith.constant 0 : index
    %get3A_23 = arith.constant 0 : index
    %get3A_24 = vector.load %arg5[%get3A_22, %get3A_23] : memref<1000x1xf32, #tpu.memory_space<vmem>>, vector<1000x1xf32>
    %add3A_25 = vector.broadcast %get3A_24 : vector<1000x1xf32> to vector<1000x1024xf32>
    %add3A_26 = arith.addf %dot_general3A_21, %add3A_25 : vector<1000x1024xf32>
    %swap3A = arith.constant 0 : index
    %swap3A_27 = arith.constant 0 : index
    %swap3A_28 = arith.constant 0 : index
    %swap3A_29 = vector.load %arg6[%swap3A, %swap3A_27, %swap3A_28] : memref<1x1000x1024xf32, #tpu.memory_space<vmem>>, vector<1x1000x1024xf32>
    %swap3A_30 = vector.shape_cast %swap3A_29 : vector<1x1000x1024xf32> to vector<1000x1024xf32>
    %swap3A_31 = vector.shape_cast %add3A_26 : vector<1000x1024xf32> to vector<1x1000x1024xf32>
    tpu.vector_store %arg6[%swap3A, %swap3A_27, %swap3A_28], %swap3A_31 {strides = array<i32>} : memref<1x1000x1024xf32, #tpu.memory_space<vmem>>, vector<1x1000x1024xf32>,
    return
  }
  func.func @transform_0(%arg0: i32) -> (i32, i32, i32) {
    %c0_i32 = arith.constant 0 : i32
    %c0_i32_0 = arith.constant 0 : i32
    %c0_i32_1 = arith.constant 0 : i32
    return %arg0, %c0_i32, %c0_i32_0 : i32, i32, i32
  }
  func.func @transform_1(%arg0: i32) -> (i32, i32) {
    %c0_i32 = arith.constant 0 : i32
    %c0_i32_0 = arith.constant 0 : i32
    %c0_i32_1 = arith.constant 0 : i32
    return %c0_i32, %c0_i32_0 : i32, i32
  }
  func.func @transform_2(%arg0: i32) -> (i32, i32) {
    %c0_i32 = arith.constant 0 : i32
    %c0_i32_0 = arith.constant 0 : i32
    %c0_i32_1 = arith.constant 0 : i32
    return %c0_i32, %c0_i32_0 : i32, i32
  }
  func.func @transform_3(%arg0: i32) -> (i32, i32) {
    %c0_i32 = arith.constant 0 : i32
    %c0_i32_0 = arith.constant 0 : i32
    %c0_i32_1 = arith.constant 0 : i32
    return %c0_i32, %c0_i32_0 : i32, i32
  }
  func.func @transform_4(%arg0: i32) -> (i32, i32) {
    %c0_i32 = arith.constant 0 : i32
    %c0_i32_0 = arith.constant 0 : i32
    %c0_i32_1 = arith.constant 0 : i32
    return %c0_i32, %c0_i32_0 : i32, i32
  }
  func.func @transform_5(%arg0: i32) -> (i32, i32, i32) {
    %add3A = arith.constant 0 : i32
    %add3A_0 = arith.addi %arg0, %add3A : i32
    %c0_i32 = arith.constant 0 : i32
    %c0_i32_1 = arith.constant 0 : i32
    %c0_i32_2 = arith.constant 0 : i32
    return %add3A_0, %c0_i32, %c0_i32_1 : i32, i32, i32
  }
}

module attributes {stable_mosaic.version = 14 : i64} {
  func.func @body(%arg0: i32, %arg1: memref<50x1000x1024xf32, #tpu.memory_space<any>>, %arg2: memref<1x1024x128xf32, #tpu.memory_space<vmem>>, %arg3: memref<256x128xf32, #tpu.memory_space<vmem>>, %arg4: memref<256x1xf32, #tpu.memory_space<vmem>>, %arg5: memref<1000x256xf32, #tpu.memory_space<vmem>>, %arg6: memref<1000x1xf32, #tpu.memory_space<vmem>>, %arg7: memref<1x1000x1024xf32, #tpu.memory_space<vmem>>) attributes {dimension_semantics = [#tpu.dimension_semantics<parallel>], iteration_bounds = array<i64: 38>, scalar_prefetch = 0 : i64, scratch_operands = 0 : i64, tpu.core_type = #tpu.core_type<tc>, window_params = [{}, {transform_indices = @transform_1, window_bounds = array<i64: 1, 1024, 128>}, {pipeline_mode = #tpu.pipeline_mode<synchronous>, transform_indices = @transform_2, window_bounds = array<i64: 256, 128>}, {pipeline_mode = #tpu.pipeline_mode<synchronous>, transform_indices = @transform_3, window_bounds = array<i64: 256, 1>}, {pipeline_mode = #tpu.pipeline_mode<synchronous>, transform_indices = @transform_4, window_bounds = array<i64: 1000, 256>}, {pipeline_mode = #tpu.pipeline_mode<synchronous>, transform_indices = @transform_5, window_bounds = array<i64: 1000, 1>}, {transform_indices = @transform_6, window_bounds = array<i64: 1, 1000, 1024>}]} {
    %get3A = arith.constant 0 : index
    %get3A_0 = arith.constant 0 : index
    %get3A_1 = arith.constant 0 : index
    %get3A_2 = vector.load %arg2[%get3A, %get3A_0, %get3A_1] : memref<1x1024x128xf32, #tpu.memory_space<vmem>>, vector<1x1024x128xf32>
    %get3A_3 = vector.shape_cast %get3A_2 : vector<1x1024x128xf32> to vector<1024x128xf32>
    %transpose3A = tpu.transpose %get3A_3, [1, 0] : vector<1024x128xf32> -> vector<128x1024xf32>
    %convert_element_type3A = arith.truncf %transpose3A : vector<128x1024xf32> to vector<128x1024xbf16>
    %get3A_4 = arith.constant 0 : index
    %get3A_5 = arith.constant 0 : index
    %get3A_6 = vector.load %arg3[%get3A_4, %get3A_5] : memref<256x128xf32, #tpu.memory_space<vmem>>, vector<256x128xf32>
    %convert_element_type3A_7 = arith.truncf %get3A_6 : vector<256x128xf32> to vector<256x128xbf16>
    %dot_general3A = arith.constant dense<0.000000e+00> : vector<256x1024xf32>
    %dot_general3A_8 = tpu.matmul %convert_element_type3A_7, %convert_element_type3A, %dot_general3A {dimension_numbers = #tpu.dot_dimension_numbers<[1], [0], [0], [1], [0, 0, 1, 1], [], []>, transpose_lhs_hint = false} : vector<256x128xbf16>, vector<128x1024xbf16>, vector<256x1024xf32> -> vector<256x1024xf32>
    %get3A_9 = arith.constant 0 : index
    %get3A_10 = arith.constant 0 : index
    %get3A_11 = vector.load %arg4[%get3A_9, %get3A_10] : memref<256x1xf32, #tpu.memory_space<vmem>>, vector<256x1xf32>
    %add3A = vector.broadcast %get3A_11 : vector<256x1xf32> to vector<256x1024xf32>
    %add3A_12 = arith.addf %dot_general3A_8, %add3A : vector<256x1024xf32>
    %max3A = arith.constant 0.000000e+00 : f32
    %max3A_13 = vector.broadcast %max3A : f32 to vector<256x1024xf32>
    %max3A_14 = arith.maximumf %add3A_12, %max3A_13 : vector<256x1024xf32>
    %get3A_15 = arith.constant 0 : index
    %get3A_16 = arith.constant 0 : index
    %get3A_17 = vector.load %arg5[%get3A_15, %get3A_16] : memref<1000x256xf32, #tpu.memory_space<vmem>>, vector<1000x256xf32>
    %convert_element_type3A_18 = arith.truncf %get3A_17 : vector<1000x256xf32> to vector<1000x256xbf16>
    %convert_element_type3A_19 = arith.truncf %max3A_14 : vector<256x1024xf32> to vector<256x1024xbf16>
    %dot_general3A_20 = arith.constant dense<0.000000e+00> : vector<1000x1024xf32>
    %dot_general3A_21 = tpu.matmul %convert_element_type3A_18, %convert_element_type3A_19, %dot_general3A_20 {dimension_numbers = #tpu.dot_dimension_numbers<[1], [0], [0], [1], [0, 0, 1, 1], [], []>, transpose_lhs_hint = false} : vector<1000x256xbf16>, vector<256x1024xbf16>, vector<1000x1024xf32> -> vector<1000x1024xf32>
    %get3A_22 = arith.constant 0 : index
    %get3A_23 = arith.constant 0 : index
    %get3A_24 = vector.load %arg6[%get3A_22, %get3A_23] : memref<1000x1xf32, #tpu.memory_space<vmem>>, vector<1000x1xf32>
    %add3A_25 = vector.broadcast %get3A_24 : vector<1000x1xf32> to vector<1000x1024xf32>
    %add3A_26 = arith.addf %dot_general3A_21, %add3A_25 : vector<1000x1024xf32>
    %swap3A = arith.constant 0 : index
    %swap3A_27 = arith.constant 0 : index
    %swap3A_28 = arith.constant 0 : index
    %swap3A_29 = vector.load %arg7[%swap3A, %swap3A_27, %swap3A_28] : memref<1x1000x1024xf32, #tpu.memory_space<vmem>>, vector<1x1000x1024xf32>
    %swap3A_30 = vector.shape_cast %swap3A_29 : vector<1x1000x1024xf32> to vector<1000x1024xf32>
    %swap3A_31 = vector.shape_cast %add3A_26 : vector<1000x1024xf32> to vector<1x1000x1024xf32>
    tpu.vector_store %arg7[%swap3A, %swap3A_27, %swap3A_28], %swap3A_31 {strides = array<i32>} : memref<1x1000x1024xf32, #tpu.memory_space<vmem>>, vector<1x1000x1024xf32>,
    return
  }
  func.func @transform_1(%arg0: i32) -> (i32, i32, i32) {
    %c0_i32 = arith.constant 0 : i32
    %c0_i32_0 = arith.constant 0 : i32
    %c0_i32_1 = arith.constant 0 : i32
    return %arg0, %c0_i32, %c0_i32_0 : i32, i32, i32
  }
  func.func @transform_2(%arg0: i32) -> (i32, i32) {
    %c0_i32 = arith.constant 0 : i32
    %c0_i32_0 = arith.constant 0 : i32
    %c0_i32_1 = arith.constant 0 : i32
    return %c0_i32, %c0_i32_0 : i32, i32
  }
  func.func @transform_3(%arg0: i32) -> (i32, i32) {
    %c0_i32 = arith.constant 0 : i32
    %c0_i32_0 = arith.constant 0 : i32
    %c0_i32_1 = arith.constant 0 : i32
    return %c0_i32, %c0_i32_0 : i32, i32
  }
  func.func @transform_4(%arg0: i32) -> (i32, i32) {
    %c0_i32 = arith.constant 0 : i32
    %c0_i32_0 = arith.constant 0 : i32
    %c0_i32_1 = arith.constant 0 : i32
    return %c0_i32, %c0_i32_0 : i32, i32
  }
  func.func @transform_5(%arg0: i32) -> (i32, i32) {
    %c0_i32 = arith.constant 0 : i32
    %c0_i32_0 = arith.constant 0 : i32
    %c0_i32_1 = arith.constant 0 : i32
    return %c0_i32, %c0_i32_0 : i32, i32
  }
  func.func @transform_6(%arg0: i32) -> (i32, i32, i32) {
    %add3A = arith.constant 12 : i32
    %add3A_0 = arith.addi %arg0, %add3A : i32
    %c0_i32 = arith.constant 0 : i32
    %c0_i32_1 = arith.constant 0 : i32
    %c0_i32_2 = arith.constant 0 : i32
    return %add3A_0, %c0_i32, %c0_i32_1 : i32, i32, i32
  }
}

</mosaic_0001>

<sc_bundles>
// kernel: kernel.6.cloned.1.call-start
scs
__scs_entry_jumppad:
0x0: {  	(pc) =	sbr.rel $0x88, $3  }
0x1: {  	(tag) =	ssettag $0x0;
	lr =	simm.s32 $0x1  }
0x2: {  	[smem:$0x3F9B] =	sst lr;
	_ =	strace $0xD0000000  }
0x3: {  	_ = 	snop  }
0x4: {  	_ = 	snop  }
0x5: {  	_ = 	snop  }
0x6: {  	_ = 	snop  }
0x7: {  	_ = 	snop  }
__scs_overlays_trampoline_lowered:
0x8: {  	[smem:$0x3FAA] =	sst s0  }
0x9: {  	[smem:$0x3FAB] =	sst s1  }
0xa: {  	[smem:$0x3FAC] =	sst s2  }
0xb: {  	[smem:$0x3FAD] =	sst s3  }
0xc: {  	[smem:$0x3FAE] =	sst s4  }
0xd: {  	[smem:$0x3FAF] =	sst s5  }
0xe: {  	[smem:$0x3FB0] =	sst s6  }
0xf: {  	[smem:$0x3FB1] =	sst s7  }
0x10: {  	[smem:$0x3FB2] =	sst s8  }
0x11: {  	[smem:$0x3FB3] =	sst s9;
	s0 =	simm.s32 @!p0 $0x0  }
0x12: {  	s1 =	sld [smem:$0x3F99];
	s0 =	simm.s32 @p0 $0x1  }
0x13: {  	[smem:$0x3FB4] =	sst s0;
	s0 =	simm.s32 @!p1 $0x0  }
0x14: {  	s2 =	sld [smem:$0x3F98];
	s0 =	simm.s32 @p1 $0x1  }
0x15: {  	[smem:$0x3FB5] =	sst s0;
	s0 =	simm.s32 @!p2 $0x0  }
0x16: {  	s3 =	sld [smem:$0x3FDB];
	s0 =	simm.s32 @p2 $0x1  }
0x17: {  	s4 =	simm.s32 $0x1BF5;
	[smem:$0x3FB7] =	sst s0  }
0x18: {  	s0 =	sld [smem:$0x3F9A];
	_ =	swait.ge [sflag:s4], $0x0  }
0x19: {  	s7 =	sld [smem:$0x3F9B]  }
0x1a: {  	s8 =	sadd.s32 $0xFFFFE003, lr  }
0x1b: {  	s9 =	sadd.s32 $0xFFFFFEF7, lr;
	s5 =	simm.s32 $0xFFFFFFFF;
	p2 =	slt.u32 s8, $0xFFFFF086  }
0x1c: {  	p1 =	slt.u32 s9, $0xF7A;
	s5 =	simm.s32 @!p2 $0x0  }
0x1d: {  	s5 =	simm.s32 @p1 $0x1;
	p0 =	seq.s32 s7, s2  }
0x1e: {  	s7 =	smul.u32 @!p0 $0xF7A, s2;
	p2 =	seq.s32 @!p0 s5, $0x0  }
0x1f: {  	s9 =	smul.u32 $0xF7A, s1;
	s8 =	simm.s32 @!p0 $0x1BF5;
	p2 =	por !p2, p0  }
0x20: {  	[sflag:s8] =	ssyncset.s32 @!p0 $0xFFFFF086;
	s6 =	sadd.s32 @!p0 s3, s7;
	s7 =	simm.s32 @!p0 $0x108  }
0x21: {  	s3 =	sadd.s32 s3, s9;
	s6 =	sadd.s32 @!p0 $0x88, s6;
	s7 =	simm.s32 @p2 $0x1082  }
0x22: {  	[simem:s7], [sflag:s8] =	dma.local @!p0 [hbm:s6], $0xF7A  }
0x23: {  	s9 =	sor.u32 $0xD0000000, s2;
	s6 =	simm.s32 $0x108;
	_ =	swait.ge @!p0 [sflag:s8], $0x0  }
0x24: {  	s3 =	sadd.s32 $0x88, s3;
	s6 =	simm.s32 @!p1 $0x1082;
	[sflag:s4] =	ssyncset.s32 $0xFFFFF086  }
0x25: {  	[simem:s6], [sflag:s4] =	dma.local [hbm:s3], $0xF7A  }
0x26: {  	[smem:$0x3F9B] =	sst s1;
	(tag) =	ssettag s2;
	_ =	strace s9  }
0x27: {  	s1 =	sld [smem:$0x3FAB]  }
0x28: {  	s2 =	sld [smem:$0x3FAC]  }
0x29: {  	s4 =	sld [smem:$0x3FAE]  }
0x2a: {  	p0 =	seq.s32 s5, $0x0;
	s5 =	sld [smem:$0x3FAF]  }
0x2b: {  	s6 =	sld [smem:$0x3FB0]  }
0x2c: {  	s7 =	sld [smem:$0x3FB1]  }
0x2d: {  	s3 =	simm.s32 $0x108;
	s8 =	sld [smem:$0x3FB2]  }
0x2e: {  	s3 =	simm.s32 @!p0 $0x1082;
	s9 =	sld [smem:$0x3FB3]  }
0x2f: {  	lr =	sadd.s32 s0, s3;
	s0 =	sld [smem:$0x3FAA]  }
0x30: {  	s3 =	sld [smem:$0x3FAD]  }
0x31: {  	[smem:$0x3FB6] =	sst s10  }
0x32: {  	s10 =	sld [smem:$0x3FB4];
	_ =	sdelay $0x3  }
0x33: {  	p0 =	seq.s32 s10, $0x1;
	s10 =	sld [smem:$0x3FB6];
	_ =	sdelay $0x3  }
0x34: {  	[smem:$0x3FB6] =	sst s10  }
0x35: {  	s10 =	sld [smem:$0x3FB5];
	_ =	sdelay $0x3  }
0x36: {  	p1 =	seq.s32 s10, $0x1;
	s10 =	sld [smem:$0x3FB6];
	_ =	sdelay $0x3  }
0x37: {  	[smem:$0x3FB6] =	sst s10  }
0x38: {  	s10 =	sld [smem:$0x3FB7]  }
0x39: {  	_ = 	snop;
	(pc) =	sbr.ind lr, $3  }
0x3a: {  	_ = 	snop  }
0x3b: {  	_ = 	snop  }
0x3c: {  	p2 =	seq.s32 s10, $0x1;
	s10 =	sld [smem:$0x3FB6]  }
0x3d: {  	_ =	shalt  }
0x3e: {  	_ =	shalt  }
0x3f: {  	_ =	shalt  }
0x40: {  	_ =	shalt  }
0x41: {  	_ =	shalt  }
0x42: {  	_ =	shalt  }
0x43: {  	_ =	shalt  }
0x44: {  	_ =	shalt  }
0x45: {  	_ =	shalt  }
0x46: {  	_ =	shalt  }
0x47: {  	_ =	shalt  }
0x48: {  	_ =	shalt  }
0x49: {  	_ =	shalt  }
0x4a: {  	_ =	shalt  }
0x4b: {  	_ =	shalt  }
0x4c: {  	_ =	shalt  }
0x4d: {  	_ =	shalt  }
0x4e: {  	_ =	shalt  }
0x4f: {  	_ =	shalt  }
0x50: {  	_ =	shalt  }
0x51: {  	_ =	shalt  }
0x52: {  	_ =	shalt  }
0x53: {  	_ =	shalt  }
0x54: {  	_ =	shalt  }
0x55: {  	_ =	shalt  }
0x56: {  	_ =	shalt  }
0x57: {  	_ =	shalt  }
0x58: {  	_ =	shalt  }
0x59: {  	_ =	shalt  }
0x5a: {  	_ =	shalt  }
0x5b: {  	_ =	shalt  }
0x5c: {  	_ =	shalt  }
0x5d: {  	_ =	shalt  }
0x5e: {  	_ =	shalt  }
0x5f: {  	_ =	shalt  }
0x60: {  	_ =	shalt  }
0x61: {  	_ =	shalt  }
0x62: {  	_ =	shalt  }
0x63: {  	_ =	shalt  }
0x64: {  	_ =	shalt  }
0x65: {  	_ =	shalt  }
0x66: {  	_ =	shalt  }
0x67: {  	_ =	shalt  }
0x68: {  	_ =	shalt  }
0x69: {  	_ =	shalt  }
0x6a: {  	_ =	shalt  }
0x6b: {  	_ =	shalt  }
0x6c: {  	_ =	shalt  }
0x6d: {  	_ =	shalt  }
0x6e: {  	_ =	shalt  }
0x6f: {  	_ =	shalt  }
0x70: {  	_ =	shalt  }
0x71: {  	_ =	shalt  }
0x72: {  	_ =	shalt  }
0x73: {  	_ =	shalt  }
0x74: {  	_ =	shalt  }
0x75: {  	_ =	shalt  }
0x76: {  	_ =	shalt  }
0x77: {  	_ =	shalt  }
0x78: {  	_ =	shalt  }
0x79: {  	_ =	shalt  }
0x7a: {  	_ =	shalt  }
0x7b: {  	_ =	shalt  }
0x7c: {  	_ =	shalt  }
0x7d: {  	_ =	shalt  }
0x7e: {  	_ =	shalt  }
0x7f: {  	_ =	shalt  }
0x80: {  	_ =	shalt  }
0x81: {  	_ =	shalt  }
0x82: {  	_ =	shalt  }
0x83: {  	_ =	shalt  }
0x84: {  	_ =	shalt  }
0x85: {  	_ =	shalt  }
0x86: {  	_ =	shalt  }
0x87: {  	_ =	shalt  }
.Lfunc_end0:
.L_simem_size_0:
called_computation_lowered:
.L_overlay_start_0:
0x88: {  	s2 =	sld [smem:$0x3FD9]  }
0x89: {  	s3 =	sld [smem:$0x3FFE];
	_ =	sdelay $0x1  }
0x8a: {  	s1 =	srdreg.scid  }
0x8b: {  	s0 =	sand.u32 $0x1, s1  }
0x8c: {  	s17 =	sshll.u32 s0, $0xA;
	s2 =	sadd.s32 s3, s2  }
0x8d: {  	s2 =	sadd.s32 s2, s17  }
0x8e: {  	[smem:$0x3FC2] =	sst s2  }
0x8f: {  	_ = 	snop  }
0x90: {  	s2 =	sld [smem:$0x3FC8]  }
0x91: {  	s18 =	sld [smem:$0x3FD0];
	(tm) =	ssettm $0x1  }
0x92: {  	s4 =	sld [smem:$0x3FFB];
	_ =	sdelay $0x3  }
0x93: {  	_ =	strace s4  }
0x94: {  	s4 =	sld [smem:$0x3FFC];
	_ =	sdelay $0x3  }
0x95: {  	_ =	strace s4  }
0x96: {  	s4 =	sld [smem:$0x3FFD];
	_ =	sdelay $0x3  }
0x97: {  	_ =	strace s4  }
0x98: {  	_ =	strace $0x8FFFFFFF  }
0x99: {  	s19 =	sld [smem:$0x3FDB];
	_ =	sdelay $0x1  }
0x9a: {  	s5 =	simm.s32 $_scs_section_size  }
0x9b: {  	s6 =	simm.s32 $_size__tile_overlayer_lowered;
	s7 =	simm.s32 $_tile_overlayer_lowered  }
0x9c: {  	s22 =	simm.s32 $0x1BFF;
	s21 =	sshll.u32 s7, $0x1;
	s4 =	sadd.s32 s5, s19  }
0x9d: {  	s8 =	simm.s32 $0x0;
	s20 =	sshll.u32 s6, $0x1;
	s6 =	sadd.s32 s21, s4  }
0x9e: {  	[timem:s8], [sflag:s22] =	dma.local [hbm:s6], s20  }
0x9f: {  	_ =	swait.ge [sflag:s22], s20  }
0xa0: {  	s5 =	ssub.s32 $0x0, s20;
	[sflag:s22] =	ssyncset.done $0x0  }
0xa1: {  	[sflag:s22] =	ssyncadd.s32 s5;
	_ =	sdelay $0x1  }
0xa2: {  	s23 =	simm.s32 $0x1B8B  }
0xa3: {  	_ =	swait.ge [sflag:s23], $0x1  }
0xa4: {  	[sflag:s23] =	ssyncset.done $0x0  }
0xa5: {  	s25 =	simm.s32 $0x1B8E;
	s24 =	sld [smem:$0x3FFE];
	[sflag:s23] =	ssyncadd.s32 $0xFFFFFFFF  }
0xa6: {  	s26 =	simm.s32 $execute0_lowered;
	[smem:$0x3FD2] =	sst s25  }
0xa7: {  	s6 =	sshll.u32 s26, $0x1;
	_ =	strace $0x80000046;
	[dreg:$0x1] =	wrdreg $0xFFFFFFFF  }
0xa8: {  	s28 =	simm.s32 $_size_execute0_lowered;
	s4 =	sadd.s32 s4, s6;
	[dreg:$0x0] =	wrdreg $0x0  }
0xa9: {  	s6 =	sshll.u32 s28, $0x1;
	[dreg:$0x2] =	wrdreg s4  }
0xaa: {  	[dreg:$0x3] =	wrdreg s6  }
0xab: {  	[dreg:$0x4] =	wrdreg $0xC0  }
0xac: {  	_ =	task [dreg:s8], $0x5FFFF  }
0xad: {  	[dreg:$0x1] =	wrdreg $0xFFFFFFFF  }
0xae: {  	[dreg:$0x0] =	wrdreg $0x60  }
0xaf: {  	[dreg:$0x2] =	wrdreg s2  }
0xb0: {  	[dreg:$0x3] =	wrdreg s24  }
0xb1: {  	[dreg:$0x4] =	wrdreg s18  }
0xb2: {  	[dreg:$0x5] =	wrdreg $0x9  }
0xb3: {  	_ =	task.clear_ibuf [dreg:s8], $0x6FFFF;
	_ =	strace $0x90000046  }
0xb4: {  	s29 =	simm.s32 $0x9;
	_ =	strace $0x80000048  }
0xb5: {  	_ =	swait.ge [sflag:s29], $0x1  }
0xb6: {  	[sflag:s29] =	ssyncadd.s32 $0xFFFFFFFF  }
0xb7: {  	_ =	strace $0x90000048  }
0xb8: {  	_ =	sfence  }
0xb9: {  	s30 =	sld [smem:$0x0];
	_ =	sdelay $0x2  }
0xba: {  	s31 =	sshll.u32 s1, $0xD;
	s1 =	sshrl.u32 s1, $0x2  }
0xbb: {  	s3 =	sand.u32 $0x4000, s31;
	s1 =	sadd.s32 s1, s30  }
0xbc: {  	s0 =	sor.u32 s3, s0;
	s1 =	sshll.u32 s1, $0x11  }
0xbd: {  	s0 =	sor.u32 s1, s0  }
0xbe: {  	s0 =	sadd.s32 $0x8F2B, s0  }
0xbf: {  	[sflag:s0] =	ssyncadd.remote.s32 $0x1  }
0xc0: {  	_ =	sfence.sel $0xFFFF  }
0xc1: {  	[dreg:$0x0] =	wrdreg $0xFFFFFFFF;
	(pc) =	sbr.abs _section_cstart, $3  }
0xc2: {  	[dreg:$0x1] =	wrdreg $0xFFFFFFFF  }
0xc3: {  	_ =	task.clear_ibuf [dreg:s8], $0x2FFFF;
	_ =	strace $0x9FFFFFFF  }
0xc4: {  	(tm) =	ssettm $0x7FFFFFFF  }
0xc5: {  	_ =	shalt  }
tec
execute0_lowered:
.L_overlay_start_1:
0x0: {  	(tag) =	ssettag $0x1  }
0x1: {  	s1 =	srdreg.scid;
	s0 =	stileid.u32  }
0x2: {  	s2 =	rddreg [dreg:$0x0];
	s20 =	sand.u32 $0x1, s1;
	s21 =	sshll.u32 s0, $0x1  }
0x3: {  	s4 =	rddreg [dreg:$0x1];
	s5 =	sor.u32 s20, s21  }
0x4: {  	s18 =	rddreg [dreg:$0x2];
	s3 =	simm.s32 $0x0;
	s11 =	smul.u32 $0x3, s5  }
0x5: {  	[smem:$0x7FF] =	sst s3;
	s5 =	smul.u32 $0x180, s5  }
0x6: {  	s13 =	simm.s32 $0x1;
	s1 =	rddreg [dreg:$0x3];
	_ =	strace $0x80000047  }
0x7: {  	s6 =	sshrl.u32 s11, $0x3;
	s14 =	sadd.s32 $0x1, s11;
	s15 =	sand.u32 $0x380, s5  }
0x8: {  	s16 =	sadd.s32 $0x2, s11;
	s7 =	smin.u32 s6, $0xA;
	s22 =	sshrl.u32 s14, $0x3  }
0x9: {  	s24 =	sshll.u32 s14, $0x7;
	s25 =	sshrl.u32 s16, $0x3;
	s9 =	sshll.u32 s16, $0x7  }
0xa: {  	s8 =	sshll.u32 s7, $0x7;
	s6 =	ssub.s32 s6, s7;
	s23 =	ssub.s32 s22, s7  }
0xb: {  	s17 =	sand.u32 $0x380, s24;
	s19 =	sand.u32 $0x380, s9;
	s9 =	simm.s32 $0x800  }
0xc: {  	s4 =	sadd.s32 s8, s4;
	s6 =	sshll.u32 s6, $0xC;
	s8 =	ssub.s32 s25, s7  }
0xd: {  	s7 =	simm.s32 $0x7;
	s6 =	sshra.s32 s6, $0x2;
	s4 =	sadd.s32 $0x1200, s4  }
0xe: {  	[tilespmem:s3], [sflag:$0x7] =	stream.linear.gather [hbm4b:s4+s3], $0x800, $0x38;
	[tilespmem:$0xC800] =	vst v63  }
0xf: {  	s8 =	sshll.u32 s8, $0xC;
	s5 =	sor.u32 s15, s6;
	_ =	swait.ge [sflag:s7], $0x800  }
0x10: {  	s6 =	sshll.u32 s23, $0xC;
	s10 =	sshra.s32 s8, $0x2;
	[sflag:s7] =	ssyncset.done $0x0  }
0x11: {  	s8 =	simm.s32 $0x80;
	s6 =	sshra.s32 s6, $0x2;
	[sflag:s7] =	ssyncadd.s32 $0xFFFFF800  }
0x12: {  	[tilespmem:s9], [sflag:$0x1] =	stream.indirect.gather [hbm4b:s2+s8], $0x80, s5, s8, $0xb8;
	[tilespmem:$0xC800] =	vst v63  }
0x13: {  	s12 =	sshll.u32 s11, $0xB;
	s11 =	simm.s32 $0x4800;
	s6 =	sor.u32 s17, s6  }
0x14: {  	[tilespmem:s11], [sflag:$0x2] =	stream.indirect.gather [hbm4b:s2+s8], $0x80, s6, s8, $0xb8;
	[tilespmem:$0xC800] =	vst v63  }
0x15: {  	s21 =	sand.u32 $0x3C000, s12;
	s12 =	simm.s32 $0x8800;
	s10 =	sor.u32 s19, s10  }
0x16: {  	[tilespmem:s12], [sflag:$0x3] =	stream.indirect.gather [hbm4b:s2+s8], $0x80, s10, s8, $0xb8;
	[tilespmem:$0xC800] =	vst v63  }
0x17: {  	s14 =	sshll.u32 s14, $0xB;
	s21 =	sadd.s32 s18, s21;
	_ =	swait.ge [sflag:s13], $0x4000  }
0x18: {  	s22 =	sand.u32 $0x7C000, s14;
	s15 =	sshll.u32 s15, $0x4;
	[sflag:s13] =	ssyncset.done $0x0  }
0x19: {  	s14 =	sadd.s32 s15, s21;
	s15 =	simm.s32 $0x2;
	[sflag:s13] =	ssyncadd.s32 $0xFFFFC000  }
0x1a: {  	[hbm4b:s14+s3] =	stream.linear.scatter [tilespmem:s9], [sflag:$0x4], $0x4000, $0x38;
	[tilespmem:$0xC800] =	vst v63  }
0x1b: {  	s30 =	ssub.s32 $0x2, s20;
	s28 =	sshll.u32 s16, $0xB;
	_ =	swait.ge [sflag:s15], $0x4000  }
0x1c: {  	s26 =	sadd.s32 s18, s22;
	s17 =	sshll.u32 s17, $0x4;
	[sflag:s15] =	ssyncset.done $0x0  }
0x1d: {  	s16 =	sadd.s32 s17, s26;
	s17 =	simm.s32 $0x3;
	[sflag:s15] =	ssyncadd.s32 $0xFFFFC000  }
0x1e: {  	[hbm4b:s16+s3] =	stream.linear.scatter [tilespmem:s11], [sflag:$0x5], $0x4000, $0x38;
	[tilespmem:$0xC800] =	vst v63  }
0x1f: {  	s31 =	sshrl.u32 s30, $0x1;
	s29 =	sand.u32 $0x7C000, s28;
	_ =	swait.ge [sflag:s17], $0x4000  }
0x20: {  	s18 =	sadd.s32 s18, s29;
	s19 =	sshll.u32 s19, $0x4;
	[sflag:s17] =	ssyncset.done $0x0  }
0x21: {  	s18 =	sadd.s32 s19, s18;
	s19 =	simm.s32 $0x4;
	[sflag:s17] =	ssyncadd.s32 $0xFFFFC000  }
0x22: {  	[hbm4b:s18+s3] =	stream.linear.scatter [tilespmem:s12], [sflag:$0x6], $0x4000, $0x38;
	[tilespmem:$0xC800] =	vst v63  }
0x23: {  	s21 =	ssub.s32 s30, s31;
	_ =	swait.ge [sflag:s19], $0x4000  }
0x24: {  	s22 =	smax.u32 s21, $0x1;
	[sflag:s19] =	ssyncset.done $0x0  }
0x25: {  	s20 =	simm.s32 $0x5;
	p0 =	sne.s32 s22, $0x1;
	[sflag:s19] =	ssyncadd.s32 $0xFFFFC000  }
.Ltmp0:
0x26: {  	_ =	swait.ge [sflag:s20], $0x4000;
	(pc) =	sbr.rel @!p0 .LBB2_2-.Ltmp0, $4  }
0x27: {  	[sflag:s20] =	ssyncset.done $0x0  }
0x28: {  	s21 =	simm.s32 $0x6;
	[sflag:s20] =	ssyncadd.s32 $0xFFFFC000  }
0x29: {  	_ =	swait.ge [sflag:s21], $0x4000  }
0x2a: {  	s22 =	sadd.s32 $0xFFFFFFFF, s22;
	[sflag:s21] =	ssyncset.done $0x0  }
.LBB2_1:
0x2b: {  	p0 =	sne.s32 s22, $0x1;
	s22 =	sadd.s32 $0xFFFFFFFF, s22;
	[sflag:s21] =	ssyncadd.s32 $0xFFFFC000  }
0x2c: {  	[tilespmem:s3], [sflag:$0x7] =	stream.linear.gather [hbm4b:s4+s3], $0x800, $0x38;
	[tilespmem:$0xC800] =	vst v63  }
0x2d: {  	_ =	swait.ge [sflag:s7], $0x800  }
0x2e: {  	[sflag:s7] =	ssyncset.done $0x0  }
0x2f: {  	[sflag:s7] =	ssyncadd.s32 $0xFFFFF800  }
0x30: {  	[tilespmem:s9], [sflag:$0x1] =	stream.indirect.gather [hbm4b:s2+s8], $0x80, s5, s8, $0xb8;
	[tilespmem:$0xC800] =	vst v63  }
0x31: {  	_ = 	snop  }
0x32: {  	[tilespmem:s11], [sflag:$0x2] =	stream.indirect.gather [hbm4b:s2+s8], $0x80, s6, s8, $0xb8;
	[tilespmem:$0xC800] =	vst v63  }
0x33: {  	_ = 	snop  }
0x34: {  	[tilespmem:s12], [sflag:$0x3] =	stream.indirect.gather [hbm4b:s2+s8], $0x80, s10, s8, $0xb8;
	[tilespmem:$0xC800] =	vst v63  }
0x35: {  	_ =	swait.ge [sflag:s13], $0x4000  }
0x36: {  	[sflag:s13] =	ssyncset.done $0x0  }
0x37: {  	[sflag:s13] =	ssyncadd.s32 $0xFFFFC000  }
0x38: {  	[hbm4b:s14+s3] =	stream.linear.scatter [tilespmem:s9], [sflag:$0x4], $0x4000, $0x38;
	[tilespmem:$0xC800] =	vst v63  }
0x39: {  	_ =	swait.ge [sflag:s15], $0x4000  }
0x3a: {  	[sflag:s15] =	ssyncset.done $0x0  }
0x3b: {  	[sflag:s15] =	ssyncadd.s32 $0xFFFFC000  }
0x3c: {  	[hbm4b:s16+s3] =	stream.linear.scatter [tilespmem:s11], [sflag:$0x5], $0x4000, $0x38;
	[tilespmem:$0xC800] =	vst v63  }
0x3d: {  	_ =	swait.ge [sflag:s17], $0x4000  }
0x3e: {  	[sflag:s17] =	ssyncset.done $0x0  }
0x3f: {  	[sflag:s17] =	ssyncadd.s32 $0xFFFFC000  }
0x40: {  	[hbm4b:s18+s3] =	stream.linear.scatter [tilespmem:s12], [sflag:$0x6], $0x4000, $0x38;
	[tilespmem:$0xC800] =	vst v63  }
0x41: {  	_ =	swait.ge [sflag:s19], $0x4000  }
0x42: {  	[sflag:s19] =	ssyncset.done $0x0  }
0x43: {  	[sflag:s19] =	ssyncadd.s32 $0xFFFFC000  }
.Ltmp1:
0x44: {  	_ =	swait.ge [sflag:s20], $0x4000;
	(pc) =	sbr.rel @p0 .LBB2_1-.Ltmp1, $4  }
0x45: {  	[sflag:s20] =	ssyncset.done $0x0  }
0x46: {  	[sflag:s20] =	ssyncadd.s32 $0xFFFFC000  }
0x47: {  	_ =	swait.ge [sflag:s21], $0x4000  }
0x48: {  	[sflag:s21] =	ssyncset.done $0x0  }
.LBB2_2:
0x49: {  	[sflag:s21] =	ssyncadd.s32 $0xFFFFC000  }
0x4a: {  	_ =	sfence.sel $0x180000  }
0x4b: {  	[bflag:$0x0] =	sbarrier.arrive $0xFFFF  }
0x4c: {  	p0 =	sne.s32 s0, $0x0;
	_ =	strace $0x90000047  }
0x4d: {  	s0 =	sadd.s32 @!p0 $0x100000, s1;
	[bflag:$0x2] =	sbarrier.arrive $0xFFFF  }
0x4e: {  	[sflag:s0] =	ssyncadd.tile.s32 @!p0 $0x1;
	_ =	shalt  }
.Lfunc_end2:
_tile_overlayer_lowered:
.L_overlay_start_2:
0x4f: {  	(tag) =	ssettag $0x2  }
0x50: {  	s0 =	rddreg [dreg:$0x0];
	s2 =	stileid.u32  }
0x51: {  	s1 =	rddreg [dreg:$0x1];
	p0 =	sne.s32 s2, $0x0  }
0x52: {  	s3 =	rddreg [dreg:$0x2];
	[bflag:$0x3] =	sbarrier.arrive $0xFFFF;
	s2 =	simm.s32 @!p0 $0x1C07  }
0x53: {  	[timem:s3], [sflag:s2] =	dma.local @!p0 [hbm:s0], s1  }
0x54: {  	s0 =	simm.s32 @!p0 $0x7  }
0x55: {  	_ =	swait.ge @!p0 [sflag:s0], s1  }
0x56: {  	s1 =	ssub.s32 @!p0 $0x0, s1;
	[sflag:s0] =	ssyncset.done @!p0 $0x0  }
0x57: {  	[sflag:s0] =	ssyncadd.s32 @!p0 s1  }
0x58: {  	[bflag:$0x3] =	sbarrier.arrive $0xFFFF  }
0x59: {  	_ =	shalt  }

// kernel: kernel.9.cloned.1.call-start
scs
__scs_entry_jumppad:
0x0: {  	(pc) =	sbr.rel $0x88, $3  }
0x1: {  	(tag) =	ssettag $0x0;
	lr =	simm.s32 $0x1  }
0x2: {  	[smem:$0x3F9B] =	sst lr;
	_ =	strace $0xD0000000  }
0x3: {  	_ = 	snop  }
0x4: {  	_ = 	snop  }
0x5: {  	_ = 	snop  }
0x6: {  	_ = 	snop  }
0x7: {  	_ = 	snop  }
__scs_overlays_trampoline_lowered:
0x8: {  	[smem:$0x3FAA] =	sst s0  }
0x9: {  	[smem:$0x3FAB] =	sst s1  }
0xa: {  	[smem:$0x3FAC] =	sst s2  }
0xb: {  	[smem:$0x3FAD] =	sst s3  }
0xc: {  	[smem:$0x3FAE] =	sst s4  }
0xd: {  	[smem:$0x3FAF] =	sst s5  }
0xe: {  	[smem:$0x3FB0] =	sst s6  }
0xf: {  	[smem:$0x3FB1] =	sst s7  }
0x10: {  	[smem:$0x3FB2] =	sst s8  }
0x11: {  	[smem:$0x3FB3] =	sst s9;
	s0 =	simm.s32 @!p0 $0x0  }
0x12: {  	s1 =	sld [smem:$0x3F99];
	s0 =	simm.s32 @p0 $0x1  }
0x13: {  	[smem:$0x3FB4] =	sst s0;
	s0 =	simm.s32 @!p1 $0x0  }
0x14: {  	s2 =	sld [smem:$0x3F98];
	s0 =	simm.s32 @p1 $0x1  }
0x15: {  	[smem:$0x3FB5] =	sst s0;
	s0 =	simm.s32 @!p2 $0x0  }
0x16: {  	s3 =	sld [smem:$0x3FDB];
	s0 =	simm.s32 @p2 $0x1  }
0x17: {  	s4 =	simm.s32 $0x1BF5;
	[smem:$0x3FB7] =	sst s0  }
0x18: {  	s0 =	sld [smem:$0x3F9A];
	_ =	swait.ge [sflag:s4], $0x0  }
0x19: {  	s7 =	sld [smem:$0x3F9B]  }
0x1a: {  	s8 =	sadd.s32 $0xFFFFE003, lr  }
0x1b: {  	s9 =	sadd.s32 $0xFFFFFEF7, lr;
	s5 =	simm.s32 $0xFFFFFFFF;
	p2 =	slt.u32 s8, $0xFFFFF086  }
0x1c: {  	p1 =	slt.u32 s9, $0xF7A;
	s5 =	simm.s32 @!p2 $0x0  }
0x1d: {  	s5 =	simm.s32 @p1 $0x1;
	p0 =	seq.s32 s7, s2  }
0x1e: {  	s7 =	smul.u32 @!p0 $0xF7A, s2;
	p2 =	seq.s32 @!p0 s5, $0x0  }
0x1f: {  	s9 =	smul.u32 $0xF7A, s1;
	s8 =	simm.s32 @!p0 $0x1BF5;
	p2 =	por !p2, p0  }
0x20: {  	[sflag:s8] =	ssyncset.s32 @!p0 $0xFFFFF086;
	s6 =	sadd.s32 @!p0 s3, s7;
	s7 =	simm.s32 @!p0 $0x108  }
0x21: {  	s3 =	sadd.s32 s3, s9;
	s6 =	sadd.s32 @!p0 $0x88, s6;
	s7 =	simm.s32 @p2 $0x1082  }
0x22: {  	[simem:s7], [sflag:s8] =	dma.local @!p0 [hbm:s6], $0xF7A  }
0x23: {  	s9 =	sor.u32 $0xD0000000, s2;
	s6 =	simm.s32 $0x108;
	_ =	swait.ge @!p0 [sflag:s8], $0x0  }
0x24: {  	s3 =	sadd.s32 $0x88, s3;
	s6 =	simm.s32 @!p1 $0x1082;
	[sflag:s4] =	ssyncset.s32 $0xFFFFF086  }
0x25: {  	[simem:s6], [sflag:s4] =	dma.local [hbm:s3], $0xF7A  }
0x26: {  	[smem:$0x3F9B] =	sst s1;
	(tag) =	ssettag s2;
	_ =	strace s9  }
0x27: {  	s1 =	sld [smem:$0x3FAB]  }
0x28: {  	s2 =	sld [smem:$0x3FAC]  }
0x29: {  	s4 =	sld [smem:$0x3FAE]  }
0x2a: {  	p0 =	seq.s32 s5, $0x0;
	s5 =	sld [smem:$0x3FAF]  }
0x2b: {  	s6 =	sld [smem:$0x3FB0]  }
0x2c: {  	s7 =	sld [smem:$0x3FB1]  }
0x2d: {  	s3 =	simm.s32 $0x108;
	s8 =	sld [smem:$0x3FB2]  }
0x2e: {  	s3 =	simm.s32 @!p0 $0x1082;
	s9 =	sld [smem:$0x3FB3]  }
0x2f: {  	lr =	sadd.s32 s0, s3;
	s0 =	sld [smem:$0x3FAA]  }
0x30: {  	s3 =	sld [smem:$0x3FAD]  }
0x31: {  	[smem:$0x3FB6] =	sst s10  }
0x32: {  	s10 =	sld [smem:$0x3FB4];
	_ =	sdelay $0x3  }
0x33: {  	p0 =	seq.s32 s10, $0x1;
	s10 =	sld [smem:$0x3FB6];
	_ =	sdelay $0x3  }
0x34: {  	[smem:$0x3FB6] =	sst s10  }
0x35: {  	s10 =	sld [smem:$0x3FB5];
	_ =	sdelay $0x3  }
0x36: {  	p1 =	seq.s32 s10, $0x1;
	s10 =	sld [smem:$0x3FB6];
	_ =	sdelay $0x3  }
0x37: {  	[smem:$0x3FB6] =	sst s10  }
0x38: {  	s10 =	sld [smem:$0x3FB7]  }
0x39: {  	_ = 	snop;
	(pc) =	sbr.ind lr, $3  }
0x3a: {  	_ = 	snop  }
0x3b: {  	_ = 	snop  }
0x3c: {  	p2 =	seq.s32 s10, $0x1;
	s10 =	sld [smem:$0x3FB6]  }
0x3d: {  	_ =	shalt  }
0x3e: {  	_ =	shalt  }
0x3f: {  	_ =	shalt  }
0x40: {  	_ =	shalt  }
0x41: {  	_ =	shalt  }
0x42: {  	_ =	shalt  }
0x43: {  	_ =	shalt  }
0x44: {  	_ =	shalt  }
0x45: {  	_ =	shalt  }
0x46: {  	_ =	shalt  }
0x47: {  	_ =	shalt  }
0x48: {  	_ =	shalt  }
0x49: {  	_ =	shalt  }
0x4a: {  	_ =	shalt  }
0x4b: {  	_ =	shalt  }
0x4c: {  	_ =	shalt  }
0x4d: {  	_ =	shalt  }
0x4e: {  	_ =	shalt  }
0x4f: {  	_ =	shalt  }
0x50: {  	_ =	shalt  }
0x51: {  	_ =	shalt  }
0x52: {  	_ =	shalt  }
0x53: {  	_ =	shalt  }
0x54: {  	_ =	shalt  }
0x55: {  	_ =	shalt  }
0x56: {  	_ =	shalt  }
0x57: {  	_ =	shalt  }
0x58: {  	_ =	shalt  }
0x59: {  	_ =	shalt  }
0x5a: {  	_ =	shalt  }
0x5b: {  	_ =	shalt  }
0x5c: {  	_ =	shalt  }
0x5d: {  	_ =	shalt  }
0x5e: {  	_ =	shalt  }
0x5f: {  	_ =	shalt  }
0x60: {  	_ =	shalt  }
0x61: {  	_ =	shalt  }
0x62: {  	_ =	shalt  }
0x63: {  	_ =	shalt  }
0x64: {  	_ =	shalt  }
0x65: {  	_ =	shalt  }
0x66: {  	_ =	shalt  }
0x67: {  	_ =	shalt  }
0x68: {  	_ =	shalt  }
0x69: {  	_ =	shalt  }
0x6a: {  	_ =	shalt  }
0x6b: {  	_ =	shalt  }
0x6c: {  	_ =	shalt  }
0x6d: {  	_ =	shalt  }
0x6e: {  	_ =	shalt  }
0x6f: {  	_ =	shalt  }
0x70: {  	_ =	shalt  }
0x71: {  	_ =	shalt  }
0x72: {  	_ =	shalt  }
0x73: {  	_ =	shalt  }
0x74: {  	_ =	shalt  }
0x75: {  	_ =	shalt  }
0x76: {  	_ =	shalt  }
0x77: {  	_ =	shalt  }
0x78: {  	_ =	shalt  }
0x79: {  	_ =	shalt  }
0x7a: {  	_ =	shalt  }
0x7b: {  	_ =	shalt  }
0x7c: {  	_ =	shalt  }
0x7d: {  	_ =	shalt  }
0x7e: {  	_ =	shalt  }
0x7f: {  	_ =	shalt  }
0x80: {  	_ =	shalt  }
0x81: {  	_ =	shalt  }
0x82: {  	_ =	shalt  }
0x83: {  	_ =	shalt  }
0x84: {  	_ =	shalt  }
0x85: {  	_ =	shalt  }
0x86: {  	_ =	shalt  }
0x87: {  	_ =	shalt  }
.Lfunc_end0:
.L_simem_size_0:
called_computation.1_lowered:
.L_overlay_start_0:
0x88: {  	s2 =	sld [smem:$0x3FD9]  }
0x89: {  	s3 =	sld [smem:$0x3FFE];
	_ =	sdelay $0x1  }
0x8a: {  	s1 =	srdreg.scid  }
0x8b: {  	s0 =	sand.u32 $0x1, s1  }
0x8c: {  	s17 =	sshll.u32 s0, $0xA;
	s2 =	sadd.s32 s3, s2  }
0x8d: {  	s2 =	sadd.s32 s2, s17  }
0x8e: {  	[smem:$0x3FC2] =	sst s2  }
0x8f: {  	_ = 	snop  }
0x90: {  	s18 =	sld [smem:$0x3FC8];
	(tm) =	ssettm $0x1  }
0x91: {  	s19 =	sld [smem:$0x3FFB];
	_ =	sdelay $0x3  }
0x92: {  	_ =	strace s19  }
0x93: {  	s2 =	sld [smem:$0x3FFC];
	_ =	sdelay $0x3  }
0x94: {  	_ =	strace s2  }
0x95: {  	s2 =	sld [smem:$0x3FFD];
	_ =	sdelay $0x3  }
0x96: {  	_ =	strace s2  }
0x97: {  	_ =	strace $0x8FFFFFFF  }
0x98: {  	s20 =	sld [smem:$0x3FDB];
	_ =	sdelay $0x1  }
0x99: {  	s4 =	simm.s32 $_scs_section_size  }
0x9a: {  	s5 =	simm.s32 $_size__tile_overlayer_lowered;
	s6 =	simm.s32 $_tile_overlayer_lowered  }
0x9b: {  	s7 =	simm.s32 $0x1BFF;
	s21 =	sshll.u32 s6, $0x1;
	s4 =	sadd.s32 s4, s20  }
0x9c: {  	s22 =	simm.s32 $0x0;
	s5 =	sshll.u32 s5, $0x1;
	s6 =	sadd.s32 s21, s4  }
0x9d: {  	[timem:s22], [sflag:s7] =	dma.local [hbm:s6], s5  }
0x9e: {  	_ =	swait.ge [sflag:s7], s5  }
0x9f: {  	s5 =	ssub.s32 $0x0, s5;
	[sflag:s7] =	ssyncset.done $0x0  }
0xa0: {  	[sflag:s7] =	ssyncadd.s32 s5;
	_ =	sdelay $0x1  }
0xa1: {  	s23 =	simm.s32 $0x1B8B  }
0xa2: {  	_ =	swait.ge [sflag:s23], $0x1  }
0xa3: {  	[sflag:s23] =	ssyncset.done $0x0  }
0xa4: {  	[sflag:s23] =	ssyncadd.s32 $0xFFFFFFFF  }
0xa5: {  	s5 =	sld [smem:$0x0]  }
0xa6: {  	s6 =	sand.u32 $0xFFFFFFFE, s1  }
0xa7: {  	p0 =	sne.s32 s1, s6  }
0xa8: {  	s6 =	sshll.u32 @p0 s6, $0xE  }
0xa9: {  	s6 =	sadd.s32 @p0 $0x11B8D, s6;
	s7 =	sshll.u32 @p0 s5, $0x11  }
0xaa: {  	s6 =	sor.u32 @p0 s7, s6  }
0xab: {  	[sflag:s6] =	ssyncadd.remote.s32 @p0 $0x1;
	_ =	sdelay $0x1  }
0xac: {  	s6 =	simm.s32 @p0 $0x1B8D  }
0xad: {  	_ =	swait.eq @p0 [sflag:s6], $0x1  }
0xae: {  	[sflag:s6] =	ssyncadd.s32 @p0 $0xFFFFFFFF  }
0xaf: {  	s7 =	sshll.u32 @!p0 s1, $0xE  }
0xb0: {  	s7 =	sor.u32 @!p0 $0x4000, s7;
	s6 =	simm.s32 @!p0 $0x1B8D  }
0xb1: {  	s5 =	sshll.u32 @!p0 s5, $0x11;
	s7 =	sadd.s32 @!p0 $0x11B8D, s7;
	_ =	swait.eq @!p0 [sflag:s6], $0x1  }
0xb2: {  	s5 =	sor.u32 @!p0 s5, s7;
	[sflag:s6] =	ssyncadd.s32 @!p0 $0xFFFFFFFF  }
0xb3: {  	s25 =	simm.s32 $0x1B8E;
	s24 =	sld [smem:$0x3FFE];
	[sflag:s5] =	ssyncadd.remote.s32 @!p0 $0x1  }
0xb4: {  	s26 =	simm.s32 $execute0_lowered;
	[smem:$0x3FD2] =	sst s25  }
0xb5: {  	s6 =	sshll.u32 s26, $0x1;
	_ =	strace $0x80000049;
	[dreg:$0x1] =	wrdreg $0xFFFFFFFF  }
0xb6: {  	s28 =	simm.s32 $_size_execute0_lowered;
	s4 =	sadd.s32 s4, s6;
	[dreg:$0x0] =	wrdreg $0x0  }
0xb7: {  	s6 =	sshll.u32 s28, $0x1;
	[dreg:$0x2] =	wrdreg s4  }
0xb8: {  	[dreg:$0x3] =	wrdreg s6  }
0xb9: {  	[dreg:$0x4] =	wrdreg $0xC0  }
0xba: {  	_ =	task [dreg:s22], $0x5FFFF  }
0xbb: {  	[dreg:$0x1] =	wrdreg $0xFFFFFFFF  }
0xbc: {  	[dreg:$0x0] =	wrdreg $0x60  }
0xbd: {  	[dreg:$0x2] =	wrdreg s18  }
0xbe: {  	[dreg:$0x3] =	wrdreg s24  }
0xbf: {  	[dreg:$0x4] =	wrdreg $0xA  }
0xc0: {  	_ =	task.clear_ibuf [dreg:s22], $0x5FFFF;
	_ =	strace $0x90000049  }
0xc1: {  	s29 =	simm.s32 $0xA;
	_ =	strace $0x8000004B  }
0xc2: {  	_ =	swait.ge [sflag:s29], $0x1  }
0xc3: {  	[sflag:s29] =	ssyncadd.s32 $0xFFFFFFFF  }
0xc4: {  	_ =	strace $0x9000004B  }
0xc5: {  	_ =	sfence  }
0xc6: {  	s30 =	sld [smem:$0x0];
	_ =	sdelay $0x2  }
0xc7: {  	s31 =	sshll.u32 s1, $0xD;
	s1 =	sshrl.u32 s1, $0x2  }
0xc8: {  	s4 =	sand.u32 $0x4000, s31;
	s1 =	sadd.s32 s1, s30  }
0xc9: {  	s0 =	sor.u32 s4, s0;
	s1 =	sshll.u32 s1, $0x11  }
0xca: {  	s0 =	sor.u32 s1, s0  }
0xcb: {  	s0 =	sadd.s32 $0x8F2B, s0  }
0xcc: {  	[sflag:s0] =	ssyncadd.remote.s32 $0x1  }
0xcd: {  	_ =	sfence.sel $0xFFFF  }
0xce: {  	[dreg:$0x0] =	wrdreg $0xFFFFFFFF;
	(pc) =	sbr.abs _section_cstart, $3  }
0xcf: {  	[dreg:$0x1] =	wrdreg $0xFFFFFFFF  }
0xd0: {  	_ =	task.clear_ibuf [dreg:s22], $0x2FFFF;
	_ =	strace $0x9FFFFFFF  }
0xd1: {  	(tm) =	ssettm $0x7FFFFFFF  }
tec
execute0_lowered:
.L_overlay_start_1:
0x0: {  	(tag) =	ssettag $0x1  }
0x1: {  	s1 =	srdreg.scid;
	s0 =	stileid.u32  }
0x2: {  	s3 =	rddreg [dreg:$0x0];
	s1 =	sand.u32 $0x1, s1;
	s2 =	sshll.u32 s0, $0x1  }
0x3: {  	s8 =	rddreg [dreg:$0x1];
	s2 =	sor.u32 s1, s2  }
0x4: {  	p1 =	por $0x0, $0x0;
	s1 =	ssub.s32 $0x2, s1;
	s4 =	smul.u32 $0x9, s2  }
0x5: {  	p0 =	sgt.u32 s0, $0x7;
	s2 =	smin.u32 s2, $0x10;
	s6 =	sshrl.u32 s1, $0x1  }
0x6: {  	s9 =	sadd.s32 s2, s4;
	s2 =	simm.s32 $0x0;
	s4 =	ssub.s32 s1, s6  }
0x7: {  	s5 =	sshrl.u32 s9, $0x3;
	[smem:$0x7FF] =	sst s2;
	s12 =	sadd.s32 $0x1, s9  }
0x8: {  	s14 =	sadd.s32 $0x2, s9;
	s16 =	sadd.s32 $0x3, s9;
	s17 =	sadd.s32 $0x4, s9  }
0x9: {  	s31 =	smax.u32 s4, $0x1;
	s4 =	simm.s32 $0x8C00;
	s10 =	smin.u32 s5, $0x23  }
0xa: {  	_ =	strace $0x8000004A;
	s26 =	sshrl.u32 s12, $0x3;
	s29 =	sshll.u32 s12, $0x7  }
0xb: {  	s30 =	sshrl.u32 s14, $0x3;
	s11 =	sshll.u32 s14, $0x7;
	s18 =	sshll.u32 s16, $0x7  }
0xc: {  	s19 =	sshrl.u32 s17, $0x3;
	s12 =	sshll.u32 s12, $0xB;
	s14 =	sshll.u32 s14, $0xB  }
0xd: {  	s31 =	sadd.s32 $0xFFFFFFFF, s31;
	s22 =	sshll.u32 s10, $0x7;
	s23 =	ssub.s32 s5, s10  }
0xe: {  	s5 =	sand.u32 $0x7, s9;
	s28 =	ssub.s32 s26, s10;
	s6 =	sand.u32 $0x380, s29  }
0xf: {  	s12 =	sand.u32 $0x1FFFC000, s12;
	s14 =	sand.u32 $0x1FFFC000, s14;
	p2 =	sne.s32 s31, $0x0  }
0x10: {  	s7 =	sadd.s32 s22, s8;
	s1 =	sshll.u32 s23, $0xC;
	s25 =	sshll.u32 s5, $0x7  }
0x11: {  	s8 =	sadd.s32 $0x2C00, s8;
	s5 =	sshll.u32 s5, $0xB;
	s24 =	sadd.s32 $0x1800, s7  }
0x12: {  	s1 =	sshra.s32 s1, $0x2;
	s7 =	ssub.s32 s30, s10;
	s12 =	sadd.s32 s8, s12  }
0x13: {  	s14 =	sadd.s32 s8, s14;
	[dreg:$0x3] =	wrdreg s24;
	s1 =	sor.u32 s25, s1  }
0x14: {  	s7 =	sshll.u32 s7, $0xC;
	[dreg:$0x4] =	wrdreg s1;
	s1 =	sshll.u32 s28, $0xC  }
0x15: {  	s13 =	sshra.s32 s7, $0x2;
	s7 =	sand.u32 $0x380, s11;
	s1 =	sshra.s32 s1, $0x2  }
0x16: {  	s11 =	sor.u32 s7, s13;
	s13 =	sshrl.u32 s16, $0x3;
	s16 =	sshll.u32 s16, $0xB  }
0x17: {  	s1 =	sor.u32 s6, s1;
	[dreg:$0x6] =	wrdreg s11;
	s15 =	ssub.s32 s13, s10  }
0x18: {  	s11 =	sand.u32 $0x380, s18;
	s13 =	ssub.s32 s19, s10;
	s19 =	sadd.s32 $0x5, s9  }
0x19: {  	s16 =	sand.u32 $0x1FFFC000, s16;
	s6 =	sshll.u32 s6, $0x4;
	[dreg:$0x5] =	wrdreg s1  }
0x1a: {  	s1 =	sshll.u32 s15, $0xC;
	s13 =	sshll.u32 s13, $0xC;
	s15 =	sshll.u32 s17, $0x7  }
0x1b: {  	s21 =	sshrl.u32 s19, $0x3;
	s23 =	sshll.u32 s19, $0x7;
	s16 =	sadd.s32 s8, s16  }
0x1c: {  	s17 =	sshll.u32 s17, $0xB;
	s19 =	sshll.u32 s19, $0xB;
	s1 =	sshra.s32 s1, $0x2  }
0x1d: {  	s18 =	sshra.s32 s13, $0x2;
	s13 =	sand.u32 $0x380, s15;
	s22 =	ssub.s32 s21, s10  }
0x1e: {  	s15 =	sand.u32 $0x380, s23;
	s17 =	sand.u32 $0x1FFFC000, s17;
	s19 =	sand.u32 $0x1FFFC000, s19  }
0x1f: {  	s1 =	sor.u32 s11, s1;
	s20 =	sor.u32 s13, s18;
	s17 =	sadd.s32 s8, s17  }
0x20: {  	s19 =	sadd.s32 s8, s19;
	s13 =	sshll.u32 s13, $0x4;
	[dreg:$0x7] =	wrdreg s1  }
0x21: {  	[dreg:$0x8] =	wrdreg s20;
	s20 =	sadd.s32 $0x6, s9;
	s1 =	sshll.u32 s22, $0xC  }
0x22: {  	s24 =	sshrl.u32 s20, $0x3;
	s1 =	sshra.s32 s1, $0x2;
	s21 =	sshll.u32 s20, $0x7  }
0x23: {  	s20 =	sshll.u32 s20, $0xB;
	s18 =	ssub.s32 s24, s10;
	s1 =	sor.u32 s15, s1  }
0x24: {  	s20 =	sand.u32 $0x1FFFC000, s20;
	s15 =	sshll.u32 s15, $0x4;
	s18 =	sshll.u32 s18, $0xC  }
0x25: {  	s22 =	sshra.s32 s18, $0x2;
	s18 =	sand.u32 $0x380, s21;
	s21 =	sadd.s32 $0x7, s9  }
0x26: {  	[dreg:$0x9] =	wrdreg s1;
	s25 =	sor.u32 s18, s22;
	s26 =	sshrl.u32 s21, $0x3  }
0x27: {  	s22 =	sadd.s32 $0x8, s9;
	s23 =	sshll.u32 s21, $0x7;
	[dreg:$0xa] =	wrdreg s25  }
0x28: {  	s28 =	ssub.s32 s26, s10;
	s24 =	sshrl.u32 s22, $0x3;
	s23 =	sand.u32 $0x380, s23  }
0x29: {  	s25 =	sshll.u32 s9, $0x7;
	s26 =	sadd.s32 $0x9, s9;
	s9 =	sshll.u32 s9, $0xB  }
0x2a: {  	s1 =	sshll.u32 s28, $0xC;
	s24 =	ssub.s32 s24, s10;
	s25 =	sand.u32 $0x380, s25  }
0x2b: {  	s30 =	sshrl.u32 s26, $0x3;
	s28 =	sshll.u32 s21, $0xB;
	s21 =	sadd.s32 s6, s12  }
0x2c: {  	s1 =	sshra.s32 s1, $0x2;
	s24 =	sshll.u32 s24, $0xC;
	s10 =	ssub.s32 s30, s10  }
0x2d: {  	[dreg:$0xf] =	wrdreg s21;
	s1 =	sor.u32 s23, s1;
	s24 =	sshra.s32 s24, $0x2  }
0x2e: {  	s23 =	sshll.u32 s23, $0x4;
	[dreg:$0xb] =	wrdreg s1;
	s29 =	sor.u32 s25, s24  }
0x2f: {  	s1 =	sshll.u32 s10, $0xC;
	s24 =	sshll.u32 s26, $0x7;
	s26 =	sand.u32 $0x1FC000, s9  }
0x30: {  	s9 =	sadd.s32 $0x4800, s9;
	s25 =	sshll.u32 s25, $0x4;
	[dreg:$0xc] =	wrdreg s29  }
0x31: {  	s1 =	sshra.s32 s1, $0x2;
	s10 =	sand.u32 $0x380, s24;
	s24 =	sadd.s32 s8, s20  }
0x32: {  	s29 =	sshll.u32 s22, $0xB;
	s30 =	sand.u32 $0x1FFFC000, s9;
	s22 =	simm.s32 $0x7  }
0x33: {  	s1 =	sor.u32 s10, s1;
	s10 =	sadd.s32 s8, s26;
	s20 =	sand.u32 $0x1FFFC000, s29  }
0x34: {  	s29 =	sshll.u32 s18, $0x4;
	[dreg:$0xd] =	wrdreg s1;
	s1 =	sand.u32 $0x1FFFC000, s28  }
0x35: {  	s26 =	sadd.s32 s8, s20;
	s28 =	sadd.s32 s8, s30;
	s20 =	sshll.u32 s11, $0x4  }
0x36: {  	s30 =	sand.u32 $0x3800, s9;
	s18 =	sadd.s32 s5, s10;
	s11 =	simm.s32 $0x80  }
0x37: {  	s5 =	simm.s32 $0x4C00;
	s9 =	simm.s32 $0x3;
	s1 =	sadd.s32 s8, s1  }
0x38: {  	s8 =	sshll.u32 s7, $0x4;
	[dreg:$0xe] =	wrdreg s18;
	s7 =	simm.s32 $0xC00  }
.Ltmp0:
0x39: {  	s20 =	sadd.s32 s20, s16;
	s18 =	sadd.s32 s13, s17;
	(pc) =	sbr.rel @!p2 .LBB2_1-.Ltmp0, $4  }
0x3a: {  	s13 =	simm.s32 $0x4;
	s16 =	sadd.s32 s15, s19;
	s15 =	sadd.s32 s29, s24  }
0x3b: {  	s19 =	simm.s32 $0x5;
	s10 =	sadd.s32 s25, s26;
	s17 =	simm.s32 $0x6  }
0x3c: {  	s6 =	sadd.s32 @!p0 s30, s28;
	s21 =	sadd.s32 s8, s14;
	s14 =	simm.s32 $0x1  }
0x3d: {  	s8 =	simm.s32 $0x2;
	s12 =	sadd.s32 s23, s1;
	s1 =	rddreg [dreg:$0x3]  }
0x3e: {  	[tilespmem:s2], [sflag:$0x7] =	stream.linear.gather [hbm4b:s1+s2], $0xC00, $0x38;
	[tilespmem:$0xCC00] =	vst v63  }
0x3f: {  	_ =	swait.ge [sflag:s22], $0xC00  }
0x40: {  	[sflag:s22] =	ssyncset.done $0x0  }
0x41: {  	s26 =	rddreg [dreg:$0x4];
	[sflag:s22] =	ssyncadd.s32 $0xFFFFF400  }
0x42: {  	[tilespmem:s7], [sflag:$0x1] =	stream.indirect.gather [hbm4b:s3+s11], $0x80, s26, s11, $0xb8;
	[tilespmem:$0xCC00] =	vst v63  }
0x43: {  	s23 =	rddreg [dreg:$0x5]  }
0x44: {  	[tilespmem:s5], [sflag:$0x2] =	stream.indirect.gather [hbm4b:s3+s11], $0x80, s23, s11, $0xb8;
	[tilespmem:$0xCC00] =	vst v63  }
0x45: {  	s0 =	rddreg [dreg:$0x6]  }
0x46: {  	[tilespmem:s4], [sflag:$0x3] =	stream.indirect.gather [hbm4b:s3+s11], $0x80, s0, s11, $0xb8;
	[tilespmem:$0xCC00] =	vst v63  }
0x47: {  	_ =	swait.ge [sflag:s14], $0x4000  }
0x48: {  	[sflag:s14] =	ssyncset.done $0x0  }
0x49: {  	s24 =	rddreg [dreg:$0xe];
	[sflag:s14] =	ssyncadd.s32 $0xFFFFC000  }
0x4a: {  	[hbm4b:s24+s2] =	stream.linear.scatter [tilespmem:s7], [sflag:$0x4], $0x4000, $0x38;
	[tilespmem:$0xCC00] =	vst v63  }
0x4b: {  	_ =	swait.ge [sflag:s13], $0x4000  }
0x4c: {  	[sflag:s13] =	ssyncset.done $0x0  }
0x4d: {  	s25 =	rddreg [dreg:$0x7];
	[sflag:s13] =	ssyncadd.s32 $0xFFFFC000  }
0x4e: {  	[tilespmem:s7], [sflag:$0x1] =	stream.indirect.gather [hbm4b:s3+s11], $0x80, s25, s11, $0xb8;
	[tilespmem:$0xCC00] =	vst v63  }
0x4f: {  	_ =	swait.ge [sflag:s8], $0x4000  }
0x50: {  	[sflag:s8] =	ssyncset.done $0x0  }
0x51: {  	s26 =	rddreg [dreg:$0xf];
	[sflag:s8] =	ssyncadd.s32 $0xFFFFC000  }
0x52: {  	[hbm4b:s26+s2] =	stream.linear.scatter [tilespmem:s5], [sflag:$0x5], $0x4000, $0x38;
	[tilespmem:$0xCC00] =	vst v63  }
0x53: {  	_ =	swait.ge [sflag:s19], $0x4000  }
0x54: {  	[sflag:s19] =	ssyncset.done $0x0  }
0x55: {  	s0 =	rddreg [dreg:$0x8];
	[sflag:s19] =	ssyncadd.s32 $0xFFFFC000  }
0x56: {  	[tilespmem:s5], [sflag:$0x2] =	stream.indirect.gather [hbm4b:s3+s11], $0x80, s0, s11, $0xb8;
	[tilespmem:$0xCC00] =	vst v63  }
0x57: {  	_ =	swait.ge [sflag:s9], $0x4000  }
0x58: {  	[sflag:s9] =	ssyncset.done $0x0  }
0x59: {  	[sflag:s9] =	ssyncadd.s32 $0xFFFFC000  }
0x5a: {  	[hbm4b:s21+s2] =	stream.linear.scatter [tilespmem:s4], [sflag:$0x6], $0x4000, $0x38;
	[tilespmem:$0xCC00] =	vst v63  }
0x5b: {  	_ =	swait.ge [sflag:s17], $0x4000  }
0x5c: {  	[sflag:s17] =	ssyncset.done $0x0  }
0x5d: {  	s23 =	rddreg [dreg:$0x9];
	[sflag:s17] =	ssyncadd.s32 $0xFFFFC000  }
0x5e: {  	[tilespmem:s4], [sflag:$0x3] =	stream.indirect.gather [hbm4b:s3+s11], $0x80, s23, s11, $0xb8;
	[tilespmem:$0xCC00] =	vst v63  }
0x5f: {  	_ =	swait.ge [sflag:s14], $0x4000  }
0x60: {  	[sflag:s14] =	ssyncset.done $0x0  }
0x61: {  	[sflag:s14] =	ssyncadd.s32 $0xFFFFC000  }
0x62: {  	[hbm4b:s20+s2] =	stream.linear.scatter [tilespmem:s7], [sflag:$0x4], $0x4000, $0x38;
	[tilespmem:$0xCC00] =	vst v63  }
0x63: {  	_ =	swait.ge [sflag:s13], $0x4000  }
0x64: {  	[sflag:s13] =	ssyncset.done $0x0  }
0x65: {  	s24 =	rddreg [dreg:$0xa];
	[sflag:s13] =	ssyncadd.s32 $0xFFFFC000  }
0x66: {  	[tilespmem:s7], [sflag:$0x1] =	stream.indirect.gather [hbm4b:s3+s11], $0x80, s24, s11, $0xb8;
	[tilespmem:$0xCC00] =	vst v63  }
0x67: {  	_ =	swait.ge [sflag:s8], $0x4000  }
0x68: {  	[sflag:s8] =	ssyncset.done $0x0  }
0x69: {  	[sflag:s8] =	ssyncadd.s32 $0xFFFFC000  }
0x6a: {  	[hbm4b:s18+s2] =	stream.linear.scatter [tilespmem:s5], [sflag:$0x5], $0x4000, $0x38;
	[tilespmem:$0xCC00] =	vst v63  }
0x6b: {  	_ =	swait.ge [sflag:s19], $0x4000  }
0x6c: {  	[sflag:s19] =	ssyncset.done $0x0  }
0x6d: {  	s25 =	rddreg [dreg:$0xb];
	[sflag:s19] =	ssyncadd.s32 $0xFFFFC000  }
0x6e: {  	[tilespmem:s5], [sflag:$0x2] =	stream.indirect.gather [hbm4b:s3+s11], $0x80, s25, s11, $0xb8;
	[tilespmem:$0xCC00] =	vst v63  }
0x6f: {  	_ =	swait.ge [sflag:s9], $0x4000  }
0x70: {  	[sflag:s9] =	ssyncset.done $0x0  }
0x71: {  	[sflag:s9] =	ssyncadd.s32 $0xFFFFC000  }
0x72: {  	[hbm4b:s16+s2] =	stream.linear.scatter [tilespmem:s4], [sflag:$0x6], $0x4000, $0x38;
	[tilespmem:$0xCC00] =	vst v63  }
0x73: {  	_ =	swait.ge [sflag:s17], $0x4000  }
0x74: {  	[sflag:s17] =	ssyncset.done $0x0  }
0x75: {  	s26 =	rddreg [dreg:$0xc];
	[sflag:s17] =	ssyncadd.s32 $0xFFFFC000  }
0x76: {  	[tilespmem:s4], [sflag:$0x3] =	stream.indirect.gather [hbm4b:s3+s11], $0x80, s26, s11, $0xb8;
	[tilespmem:$0xCC00] =	vst v63  }
0x77: {  	_ =	swait.ge [sflag:s14], $0x4000  }
0x78: {  	[sflag:s14] =	ssyncset.done $0x0  }
0x79: {  	[sflag:s14] =	ssyncadd.s32 $0xFFFFC000  }
0x7a: {  	[hbm4b:s15+s2] =	stream.linear.scatter [tilespmem:s7], [sflag:$0x4], $0x4000, $0x38;
	[tilespmem:$0xCC00] =	vst v63  }
0x7b: {  	_ =	swait.ge [sflag:s13], $0x4000  }
0x7c: {  	s23 =	simm.s32 @!p0 $0x80;
	[sflag:s13] =	ssyncset.done $0x0  }
0x7d: {  	s24 =	simm.s32 @!p0 $0xC00;
	s1 =	rddreg [dreg:$0xd];
	[sflag:s13] =	ssyncadd.s32 $0xFFFFC000  }
0x7e: {  	[tilespmem:s24], [sflag:$0x1] =	stream.indirect.gather @!p0 [hbm4b:s3+s23], $0x80, s1, s23, $0xb8;
	[tilespmem:$0xCC00] =	vst v63  }
0x7f: {  	_ =	swait.ge [sflag:s8], $0x4000  }
0x80: {  	[sflag:s8] =	ssyncset.done $0x0  }
0x81: {  	[sflag:s8] =	ssyncadd.s32 $0xFFFFC000  }
0x82: {  	[hbm4b:s12+s2] =	stream.linear.scatter [tilespmem:s5], [sflag:$0x5], $0x4000, $0x38;
	[tilespmem:$0xCC00] =	vst v63  }
0x83: {  	_ =	swait.ge [sflag:s9], $0x4000  }
0x84: {  	[sflag:s9] =	ssyncset.done $0x0  }
0x85: {  	s25 =	simm.s32 @!p0 $0x1;
	[sflag:s9] =	ssyncadd.s32 $0xFFFFC000  }
0x86: {  	[hbm4b:s10+s2] =	stream.linear.scatter [tilespmem:s4], [sflag:$0x6], $0x4000, $0x38;
	[tilespmem:$0xCC00] =	vst v63  }
0x87: {  	_ =	swait.ge @!p0 [sflag:s25], $0x4000  }
0x88: {  	[sflag:s25] =	ssyncset.done @!p0 $0x0  }
0x89: {  	s28 =	simm.s32 @!p0 $0x5;
	s26 =	simm.s32 @!p0 $0x0;
	[sflag:s25] =	ssyncadd.s32 @!p0 $0xFFFFC000  }
0x8a: {  	[hbm4b:s6+s26] =	stream.linear.scatter @!p0 [tilespmem:s24], [sflag:$0x4], $0x4000, $0x38;
	[tilespmem:$0xCC00] =	vst v63  }
0x8b: {  	_ =	swait.ge @!p0 [sflag:s28], $0x4000  }
0x8c: {  	s30 =	simm.s32 @!p0 $0x6;
	s31 =	sadd.s32 $0xFFFFFFFF, s31;
	[sflag:s28] =	ssyncset.done @!p0 $0x0  }
0x8d: {  	s30 =	simm.s32 @p0 $0x5;
	p2 =	sne.s32 s31, $0x0;
	[sflag:s28] =	ssyncadd.s32 @!p0 $0xFFFFC000  }
.Ltmp1:
0x8e: {  	_ =	swait.ge [sflag:s30], $0x4000;
	(pc) =	sbr.rel @!p2 .LBB2_4-.Ltmp1, $4  }
0x8f: {  	s29 =	simm.s32 @!p0 $0x4;
	[sflag:s30] =	ssyncset.done $0x0  }
0x90: {  	s29 =	simm.s32 @p0 $0x6;
	[sflag:s30] =	ssyncadd.s32 $0xFFFFC000  }
0x91: {  	_ =	swait.ge [sflag:s29], $0x4000  }
0x92: {  	p1 =	por $0x1, $0x1;
	s1 =	rddreg [dreg:$0x3];
	[sflag:s29] =	ssyncset.done $0x0  }
.LBB2_3:
0x93: {  	[sflag:s29] =	ssyncadd.s32 $0xFFFFC000  }
0x94: {  	[tilespmem:s2], [sflag:$0x7] =	stream.linear.gather [hbm4b:s1+s2], $0xC00, $0x38;
	[tilespmem:$0xCC00] =	vst v63  }
0x95: {  	_ =	swait.ge [sflag:s22], $0xC00  }
0x96: {  	[sflag:s22] =	ssyncset.done $0x0  }
0x97: {  	s1 =	rddreg [dreg:$0x4];
	[sflag:s22] =	ssyncadd.s32 $0xFFFFF400  }
0x98: {  	[tilespmem:s7], [sflag:$0x1] =	stream.indirect.gather [hbm4b:s3+s11], $0x80, s1, s11, $0xb8;
	[tilespmem:$0xCC00] =	vst v63  }
0x99: {  	s0 =	rddreg [dreg:$0x5]  }
0x9a: {  	[tilespmem:s5], [sflag:$0x2] =	stream.indirect.gather [hbm4b:s3+s11], $0x80, s0, s11, $0xb8;
	[tilespmem:$0xCC00] =	vst v63  }
0x9b: {  	s1 =	rddreg [dreg:$0x6]  }
0x9c: {  	[tilespmem:s4], [sflag:$0x3] =	stream.indirect.gather [hbm4b:s3+s11], $0x80, s1, s11, $0xb8;
	[tilespmem:$0xCC00] =	vst v63  }
0x9d: {  	_ =	swait.ge [sflag:s14], $0x4000  }
0x9e: {  	[sflag:s14] =	ssyncset.done $0x0  }
0x9f: {  	s1 =	rddreg [dreg:$0xe];
	[sflag:s14] =	ssyncadd.s32 $0xFFFFC000  }
0xa0: {  	[hbm4b:s1+s2] =	stream.linear.scatter [tilespmem:s7], [sflag:$0x4], $0x4000, $0x38;
	[tilespmem:$0xCC00] =	vst v63  }
0xa1: {  	_ =	swait.ge [sflag:s13], $0x4000  }
0xa2: {  	[sflag:s13] =	ssyncset.done $0x0  }
0xa3: {  	s1 =	rddreg [dreg:$0x7];
	[sflag:s13] =	ssyncadd.s32 $0xFFFFC000  }
0xa4: {  	[tilespmem:s7], [sflag:$0x1] =	stream.indirect.gather [hbm4b:s3+s11], $0x80, s1, s11, $0xb8;
	[tilespmem:$0xCC00] =	vst v63  }
0xa5: {  	_ =	swait.ge [sflag:s8], $0x4000  }
0xa6: {  	[sflag:s8] =	ssyncset.done $0x0  }
0xa7: {  	s1 =	rddreg [dreg:$0xf];
	[sflag:s8] =	ssyncadd.s32 $0xFFFFC000  }
0xa8: {  	[hbm4b:s1+s2] =	stream.linear.scatter [tilespmem:s5], [sflag:$0x5], $0x4000, $0x38;
	[tilespmem:$0xCC00] =	vst v63  }
0xa9: {  	_ =	swait.ge [sflag:s19], $0x4000  }
0xaa: {  	[sflag:s19] =	ssyncset.done $0x0  }
0xab: {  	s1 =	rddreg [dreg:$0x8];
	[sflag:s19] =	ssyncadd.s32 $0xFFFFC000  }
0xac: {  	[tilespmem:s5], [sflag:$0x2] =	stream.indirect.gather [hbm4b:s3+s11], $0x80, s1, s11, $0xb8;
	[tilespmem:$0xCC00] =	vst v63  }
0xad: {  	_ =	swait.ge [sflag:s9], $0x4000  }
0xae: {  	[sflag:s9] =	ssyncset.done $0x0  }
0xaf: {  	[sflag:s9] =	ssyncadd.s32 $0xFFFFC000  }
0xb0: {  	[hbm4b:s21+s2] =	stream.linear.scatter [tilespmem:s4], [sflag:$0x6], $0x4000, $0x38;
	[tilespmem:$0xCC00] =	vst v63  }
0xb1: {  	_ =	swait.ge [sflag:s17], $0x4000  }
0xb2: {  	[sflag:s17] =	ssyncset.done $0x0  }
0xb3: {  	s1 =	rddreg [dreg:$0x9];
	[sflag:s17] =	ssyncadd.s32 $0xFFFFC000  }
0xb4: {  	[tilespmem:s4], [sflag:$0x3] =	stream.indirect.gather [hbm4b:s3+s11], $0x80, s1, s11, $0xb8;
	[tilespmem:$0xCC00] =	vst v63  }
0xb5: {  	_ =	swait.ge [sflag:s14], $0x4000  }
0xb6: {  	[sflag:s14] =	ssyncset.done $0x0  }
0xb7: {  	[sflag:s14] =	ssyncadd.s32 $0xFFFFC000  }
0xb8: {  	[hbm4b:s20+s2] =	stream.linear.scatter [tilespmem:s7], [sflag:$0x4], $0x4000, $0x38;
	[tilespmem:$0xCC00] =	vst v63  }
0xb9: {  	_ =	swait.ge [sflag:s13], $0x4000  }
0xba: {  	[sflag:s13] =	ssyncset.done $0x0  }
0xbb: {  	s1 =	rddreg [dreg:$0xa];
	[sflag:s13] =	ssyncadd.s32 $0xFFFFC000  }
0xbc: {  	[tilespmem:s7], [sflag:$0x1] =	stream.indirect.gather [hbm4b:s3+s11], $0x80, s1, s11, $0xb8;
	[tilespmem:$0xCC00] =	vst v63  }
0xbd: {  	_ =	swait.ge [sflag:s8], $0x4000  }
0xbe: {  	[sflag:s8] =	ssyncset.done $0x0  }
0xbf: {  	[sflag:s8] =	ssyncadd.s32 $0xFFFFC000  }
0xc0: {  	[hbm4b:s18+s2] =	stream.linear.scatter [tilespmem:s5], [sflag:$0x5], $0x4000, $0x38;
	[tilespmem:$0xCC00] =	vst v63  }
0xc1: {  	_ =	swait.ge [sflag:s19], $0x4000  }
0xc2: {  	[sflag:s19] =	ssyncset.done $0x0  }
0xc3: {  	s1 =	rddreg [dreg:$0xb];
	[sflag:s19] =	ssyncadd.s32 $0xFFFFC000  }
0xc4: {  	[tilespmem:s5], [sflag:$0x2] =	stream.indirect.gather [hbm4b:s3+s11], $0x80, s1, s11, $0xb8;
	[tilespmem:$0xCC00] =	vst v63  }
0xc5: {  	_ =	swait.ge [sflag:s9], $0x4000  }
0xc6: {  	[sflag:s9] =	ssyncset.done $0x0  }
0xc7: {  	[sflag:s9] =	ssyncadd.s32 $0xFFFFC000  }
0xc8: {  	[hbm4b:s16+s2] =	stream.linear.scatter [tilespmem:s4], [sflag:$0x6], $0x4000, $0x38;
	[tilespmem:$0xCC00] =	vst v63  }
0xc9: {  	_ =	swait.ge [sflag:s17], $0x4000  }
0xca: {  	[sflag:s17] =	ssyncset.done $0x0  }
0xcb: {  	s1 =	rddreg [dreg:$0xc];
	[sflag:s17] =	ssyncadd.s32 $0xFFFFC000  }
0xcc: {  	[tilespmem:s4], [sflag:$0x3] =	stream.indirect.gather [hbm4b:s3+s11], $0x80, s1, s11, $0xb8;
	[tilespmem:$0xCC00] =	vst v63  }
0xcd: {  	_ =	swait.ge [sflag:s14], $0x4000  }
0xce: {  	[sflag:s14] =	ssyncset.done $0x0  }
0xcf: {  	[sflag:s14] =	ssyncadd.s32 $0xFFFFC000  }
0xd0: {  	[hbm4b:s15+s2] =	stream.linear.scatter [tilespmem:s7], [sflag:$0x4], $0x4000, $0x38;
	[tilespmem:$0xCC00] =	vst v63  }
0xd1: {  	_ =	swait.ge [sflag:s13], $0x4000  }
0xd2: {  	[sflag:s13] =	ssyncset.done $0x0  }
0xd3: {  	s0 =	rddreg [dreg:$0xd];
	[sflag:s13] =	ssyncadd.s32 $0xFFFFC000  }
0xd4: {  	[tilespmem:s24], [sflag:$0x1] =	stream.indirect.gather @!p0 [hbm4b:s3+s23], $0x80, s0, s23, $0xb8;
	[tilespmem:$0xCC00] =	vst v63  }
0xd5: {  	_ =	swait.ge [sflag:s8], $0x4000  }
0xd6: {  	[sflag:s8] =	ssyncset.done $0x0  }
0xd7: {  	[sflag:s8] =	ssyncadd.s32 $0xFFFFC000  }
0xd8: {  	[hbm4b:s12+s2] =	stream.linear.scatter [tilespmem:s5], [sflag:$0x5], $0x4000, $0x38;
	[tilespmem:$0xCC00] =	vst v63  }
0xd9: {  	_ =	swait.ge [sflag:s9], $0x4000  }
0xda: {  	[sflag:s9] =	ssyncset.done $0x0  }
0xdb: {  	[sflag:s9] =	ssyncadd.s32 $0xFFFFC000  }
0xdc: {  	[hbm4b:s10+s2] =	stream.linear.scatter [tilespmem:s4], [sflag:$0x6], $0x4000, $0x38;
	[tilespmem:$0xCC00] =	vst v63  }
0xdd: {  	_ =	swait.ge @!p0 [sflag:s25], $0x4000  }
0xde: {  	[sflag:s25] =	ssyncset.done @!p0 $0x0  }
0xdf: {  	[sflag:s25] =	ssyncadd.s32 @!p0 $0xFFFFC000  }
0xe0: {  	[hbm4b:s6+s26] =	stream.linear.scatter @!p0 [tilespmem:s24], [sflag:$0x4], $0x4000, $0x38;
	[tilespmem:$0xCC00] =	vst v63  }
0xe1: {  	_ =	swait.ge @!p0 [sflag:s28], $0x4000  }
0xe2: {  	s31 =	sadd.s32 $0xFFFFFFFF, s31;
	[sflag:s28] =	ssyncset.done @!p0 $0x0  }
0xe3: {  	p2 =	sne.s32 s31, $0x0;
	[sflag:s28] =	ssyncadd.s32 @!p0 $0xFFFFC000  }
.Ltmp2:
0xe4: {  	_ =	swait.ge [sflag:s30], $0x4000;
	(pc) =	sbr.rel @p2 .LBB2_3-.Ltmp2, $4  }
0xe5: {  	[sflag:s30] =	ssyncset.done $0x0  }
0xe6: {  	[sflag:s30] =	ssyncadd.s32 $0xFFFFC000  }
0xe7: {  	_ =	swait.ge [sflag:s29], $0x4000  }
0xe8: {  	s1 =	rddreg [dreg:$0x3];
	[sflag:s29] =	ssyncset.done $0x0  }
.LBB2_4:
0xe9: {  	[sflag:s29] =	ssyncadd.s32 @p1 $0xFFFFC000  }
0xea: {  	[tilespmem:s2], [sflag:$0x7] =	stream.linear.gather [hbm4b:s1+s2], $0xC00, $0x38;
	[tilespmem:$0xCC00] =	vst v63  }
0xeb: {  	_ =	swait.ge [sflag:s22], $0xC00  }
0xec: {  	[sflag:s22] =	ssyncset.done $0x0  }
0xed: {  	s0 =	rddreg [dreg:$0x4];
	[sflag:s22] =	ssyncadd.s32 $0xFFFFF400  }
0xee: {  	[tilespmem:s7], [sflag:$0x1] =	stream.indirect.gather [hbm4b:s3+s11], $0x80, s0, s11, $0xb8;
	[tilespmem:$0xCC00] =	vst v63  }
0xef: {  	s30 =	rddreg [dreg:$0x5]  }
0xf0: {  	[tilespmem:s5], [sflag:$0x2] =	stream.indirect.gather [hbm4b:s3+s11], $0x80, s30, s11, $0xb8;
	[tilespmem:$0xCC00] =	vst v63  }
0xf1: {  	s31 =	rddreg [dreg:$0x6]  }
0xf2: {  	[tilespmem:s4], [sflag:$0x3] =	stream.indirect.gather [hbm4b:s3+s11], $0x80, s31, s11, $0xb8;
	[tilespmem:$0xCC00] =	vst v63  }
0xf3: {  	_ =	swait.ge [sflag:s14], $0x4000  }
0xf4: {  	[sflag:s14] =	ssyncset.done $0x0  }
0xf5: {  	s22 =	rddreg [dreg:$0xe];
	[sflag:s14] =	ssyncadd.s32 $0xFFFFC000  }
0xf6: {  	[hbm4b:s22+s2] =	stream.linear.scatter [tilespmem:s7], [sflag:$0x4], $0x4000, $0x38;
	[tilespmem:$0xCC00] =	vst v63  }
0xf7: {  	_ =	swait.ge [sflag:s13], $0x4000  }
0xf8: {  	[sflag:s13] =	ssyncset.done $0x0  }
0xf9: {  	s23 =	rddreg [dreg:$0x7];
	[sflag:s13] =	ssyncadd.s32 $0xFFFFC000  }
0xfa: {  	[tilespmem:s7], [sflag:$0x1] =	stream.indirect.gather [hbm4b:s3+s11], $0x80, s23, s11, $0xb8;
	[tilespmem:$0xCC00] =	vst v63  }
0xfb: {  	_ =	swait.ge [sflag:s8], $0x4000  }
0xfc: {  	[sflag:s8] =	ssyncset.done $0x0  }
0xfd: {  	s24 =	rddreg [dreg:$0xf];
	[sflag:s8] =	ssyncadd.s32 $0xFFFFC000  }
0xfe: {  	[hbm4b:s24+s2] =	stream.linear.scatter [tilespmem:s5], [sflag:$0x5], $0x4000, $0x38;
	[tilespmem:$0xCC00] =	vst v63  }
0xff: {  	_ =	swait.ge [sflag:s19], $0x4000  }
0x100: {  	[sflag:s19] =	ssyncset.done $0x0  }
0x101: {  	s25 =	rddreg [dreg:$0x8];
	[sflag:s19] =	ssyncadd.s32 $0xFFFFC000  }
0x102: {  	[tilespmem:s5], [sflag:$0x2] =	stream.indirect.gather [hbm4b:s3+s11], $0x80, s25, s11, $0xb8;
	[tilespmem:$0xCC00] =	vst v63  }
0x103: {  	_ =	swait.ge [sflag:s9], $0x4000  }
0x104: {  	[sflag:s9] =	ssyncset.done $0x0  }
0x105: {  	[sflag:s9] =	ssyncadd.s32 $0xFFFFC000  }
0x106: {  	[hbm4b:s21+s2] =	stream.linear.scatter [tilespmem:s4], [sflag:$0x6], $0x4000, $0x38;
	[tilespmem:$0xCC00] =	vst v63  }
0x107: {  	_ =	swait.ge [sflag:s17], $0x4000  }
0x108: {  	[sflag:s17] =	ssyncset.done $0x0  }
0x109: {  	s26 =	rddreg [dreg:$0x9];
	[sflag:s17] =	ssyncadd.s32 $0xFFFFC000  }
0x10a: {  	[tilespmem:s4], [sflag:$0x3] =	stream.indirect.gather [hbm4b:s3+s11], $0x80, s26, s11, $0xb8;
	[tilespmem:$0xCC00] =	vst v63  }
0x10b: {  	_ =	swait.ge [sflag:s14], $0x4000  }
0x10c: {  	[sflag:s14] =	ssyncset.done $0x0  }
0x10d: {  	[sflag:s14] =	ssyncadd.s32 $0xFFFFC000  }
0x10e: {  	[hbm4b:s20+s2] =	stream.linear.scatter [tilespmem:s7], [sflag:$0x4], $0x4000, $0x38;
	[tilespmem:$0xCC00] =	vst v63  }
0x10f: {  	_ =	swait.ge [sflag:s13], $0x4000  }
0x110: {  	[sflag:s13] =	ssyncset.done $0x0  }
0x111: {  	s28 =	rddreg [dreg:$0xa];
	[sflag:s13] =	ssyncadd.s32 $0xFFFFC000  }
0x112: {  	[tilespmem:s7], [sflag:$0x1] =	stream.indirect.gather [hbm4b:s3+s11], $0x80, s28, s11, $0xb8;
	[tilespmem:$0xCC00] =	vst v63  }
0x113: {  	_ =	swait.ge [sflag:s8], $0x4000  }
0x114: {  	[sflag:s8] =	ssyncset.done $0x0  }
0x115: {  	[sflag:s8] =	ssyncadd.s32 $0xFFFFC000  }
0x116: {  	[hbm4b:s18+s2] =	stream.linear.scatter [tilespmem:s5], [sflag:$0x5], $0x4000, $0x38;
	[tilespmem:$0xCC00] =	vst v63  }
0x117: {  	_ =	swait.ge [sflag:s19], $0x4000  }
0x118: {  	[sflag:s19] =	ssyncset.done $0x0  }
0x119: {  	s29 =	rddreg [dreg:$0xb];
	[sflag:s19] =	ssyncadd.s32 $0xFFFFC000  }
0x11a: {  	[tilespmem:s5], [sflag:$0x2] =	stream.indirect.gather [hbm4b:s3+s11], $0x80, s29, s11, $0xb8;
	[tilespmem:$0xCC00] =	vst v63  }
0x11b: {  	_ =	swait.ge [sflag:s9], $0x4000  }
0x11c: {  	[sflag:s9] =	ssyncset.done $0x0  }
0x11d: {  	[sflag:s9] =	ssyncadd.s32 $0xFFFFC000  }
0x11e: {  	[hbm4b:s16+s2] =	stream.linear.scatter [tilespmem:s4], [sflag:$0x6], $0x4000, $0x38;
	[tilespmem:$0xCC00] =	vst v63  }
0x11f: {  	_ =	swait.ge [sflag:s17], $0x4000  }
0x120: {  	[sflag:s17] =	ssyncset.done $0x0  }
0x121: {  	s30 =	rddreg [dreg:$0xc];
	[sflag:s17] =	ssyncadd.s32 $0xFFFFC000  }
0x122: {  	[tilespmem:s4], [sflag:$0x3] =	stream.indirect.gather [hbm4b:s3+s11], $0x80, s30, s11, $0xb8;
	[tilespmem:$0xCC00] =	vst v63  }
0x123: {  	_ =	swait.ge [sflag:s14], $0x4000  }
0x124: {  	[sflag:s14] =	ssyncset.done $0x0  }
0x125: {  	[sflag:s14] =	ssyncadd.s32 $0xFFFFC000  }
0x126: {  	[hbm4b:s15+s2] =	stream.linear.scatter [tilespmem:s7], [sflag:$0x4], $0x4000, $0x38;
	[tilespmem:$0xCC00] =	vst v63  }
0x127: {  	_ =	swait.ge [sflag:s13], $0x4000  }
0x128: {  	s1 =	simm.s32 @!p0 $0x80;
	[sflag:s13] =	ssyncset.done $0x0  }
0x129: {  	s7 =	simm.s32 @!p0 $0xC00;
	s0 =	rddreg [dreg:$0xd];
	[sflag:s13] =	ssyncadd.s32 $0xFFFFC000  }
0x12a: {  	[tilespmem:s7], [sflag:$0x1] =	stream.indirect.gather @!p0 [hbm4b:s3+s1], $0x80, s0, s1, $0xb8;
	[tilespmem:$0xCC00] =	vst v63  }
0x12b: {  	_ =	swait.ge [sflag:s8], $0x4000  }
0x12c: {  	[sflag:s8] =	ssyncset.done $0x0  }
0x12d: {  	[sflag:s8] =	ssyncadd.s32 $0xFFFFC000  }
0x12e: {  	[hbm4b:s12+s2] =	stream.linear.scatter [tilespmem:s5], [sflag:$0x5], $0x4000, $0x38;
	[tilespmem:$0xCC00] =	vst v63  }
0x12f: {  	_ =	swait.ge [sflag:s9], $0x4000  }
0x130: {  	[sflag:s9] =	ssyncset.done $0x0  }
0x131: {  	s0 =	simm.s32 @!p0 $0x1;
	[sflag:s9] =	ssyncadd.s32 $0xFFFFC000  }
0x132: {  	[hbm4b:s10+s2] =	stream.linear.scatter [tilespmem:s4], [sflag:$0x6], $0x4000, $0x38;
	[tilespmem:$0xCC00] =	vst v63  }
0x133: {  	_ =	swait.ge @!p0 [sflag:s0], $0x4000  }
0x134: {  	[sflag:s0] =	ssyncset.done @!p0 $0x0  }
0x135: {  	s1 =	simm.s32 @!p0 $0x5;
	[sflag:s0] =	ssyncadd.s32 @!p0 $0xFFFFC000;
	s0 =	simm.s32 @!p0 $0x0  }
0x136: {  	[hbm4b:s6+s0] =	stream.linear.scatter @!p0 [tilespmem:s7], [sflag:$0x4], $0x4000, $0x38;
	[tilespmem:$0xCC00] =	vst v63  }
0x137: {  	_ =	swait.ge @!p0 [sflag:s1], $0x4000  }
0x138: {  	s0 =	simm.s32 @!p0 $0x6;
	[sflag:s1] =	ssyncset.done @!p0 $0x0  }
0x139: {  	s0 =	simm.s32 @p0 $0x5;
	[sflag:s1] =	ssyncadd.s32 @!p0 $0xFFFFC000  }
0x13a: {  	_ =	swait.ge [sflag:s0], $0x4000  }
0x13b: {  	s1 =	simm.s32 @!p0 $0x4;
	[sflag:s0] =	ssyncset.done $0x0  }
0x13c: {  	s1 =	simm.s32 @p0 $0x6;
	[sflag:s0] =	ssyncadd.s32 $0xFFFFC000  }
0x13d: {  	_ =	swait.ge [sflag:s1], $0x4000  }
0x13e: {  	[sflag:s1] =	ssyncset.done $0x0  }
0x13f: {  	[sflag:s1] =	ssyncadd.s32 $0xFFFFC000  }
0x140: {  	_ =	sfence.sel $0x180000  }
0x141: {  	[bflag:$0x0] =	sbarrier.arrive $0xFFFF  }
0x142: {  	_ =	strace $0x9000004A  }
0x143: {  	s31 =	stileid.u32;
	[bflag:$0x2] =	sbarrier.arrive $0xFFFF  }
0x144: {  	p0 =	sne.s32 s31, $0x0;
	s0 =	rddreg [dreg:$0x2]  }
0x145: {  	s0 =	sadd.s32 @!p0 $0x100000, s0  }
0x146: {  	[sflag:s0] =	ssyncadd.tile.s32 @!p0 $0x1;
	_ =	shalt  }
.LBB2_1:
.Ltmp3:
0x147: {  	(pc) =	sbr.rel .LBB2_4-.Ltmp3, $2  }
0x148: {  	_ =	sdelay $0x2  }
0x149: {  	_ = 	snop  }
.Lfunc_end2:
_tile_overlayer_lowered:
.L_overlay_start_2:
0x14a: {  	(tag) =	ssettag $0x2  }
0x14b: {  	s0 =	rddreg [dreg:$0x0];
	s2 =	stileid.u32  }
0x14c: {  	s1 =	rddreg [dreg:$0x1];
	p0 =	sne.s32 s2, $0x0  }
0x14d: {  	s3 =	rddreg [dreg:$0x2];
	[bflag:$0x3] =	sbarrier.arrive $0xFFFF;
	s2 =	simm.s32 @!p0 $0x1C07  }
0x14e: {  	[timem:s3], [sflag:s2] =	dma.local @!p0 [hbm:s0], s1  }
0x14f: {  	s0 =	simm.s32 @!p0 $0x7  }
0x150: {  	_ =	swait.ge @!p0 [sflag:s0], s1  }
0x151: {  	s1 =	ssub.s32 @!p0 $0x0, s1;
	[sflag:s0] =	ssyncset.done @!p0 $0x0  }
0x152: {  	[sflag:s0] =	ssyncadd.s32 @!p0 s1  }
0x153: {  	[bflag:$0x3] =	sbarrier.arrive $0xFFFF  }
0x154: {  	_ =	shalt  }

</sc_bundles>
